<compile_context>
chip_gen: v7x
topology: tpu7x:2x2x1
jax: 0.10.2.dev20260603
libtpu: 0.0.44.dev20260713+nightly
codegen_flags: <defaults>
</compile_context>

<pallas_src>
import functools

import jax
import jax.numpy as jnp
from jax import lax
from jax.experimental import pallas as pl
from jax.experimental.pallas import tpu as pltpu
from jax.experimental.pallas import tpu_sc as plsc

N = 10000
E = 320000
D = 128
DO = 64
NP = 10240
NC = 2
NS = 16
NW = NC * NS
EPT = E // NW
CA = 50
NCA = EPT // CA
NBUF = 4
G = 20
NG = NCA // G
ZPT = NP // NS

_mesh = plsc.VectorSubcoreMesh(core_axis_name="c", subcore_axis_name="s")


@functools.partial(
    pl.kernel,
    out_type=jax.ShapeDtypeStruct((NC, NP), jnp.float32),
    mesh=_mesh,
    scratch_types=[
        pltpu.VMEM((NG, G, CA), jnp.int32),
        pltpu.VMEM((112,), jnp.float32),
        pltpu.VMEM_SHARED((NP,), jnp.float32),
        pltpu.SemaphoreType.DMA,
    ],
)
def _deg_kernel(er_hbm, zn_hbm, out_hbm, idx_v, ones_v, acc, dsem):
    c = lax.axis_index("c")
    s = lax.axis_index("s")
    wid = s * NC + c
    pltpu.sync_copy(zn_hbm.at[pl.ds(s * ZPT, ZPT)], acc.at[pl.ds(s * ZPT, ZPT)])
    pltpu.sync_copy(er_hbm.at[1, wid], idx_v)
    for i in range(7):
        ones_v[pl.ds(i * 16, 16)] = jnp.ones((16,), jnp.float32)
    plsc.subcore_barrier()

    def fire(j, carry):
        pltpu.async_copy(ones_v.at[pl.ds(0, CA)],
                         acc.at[idx_v.at[j // G, j % G]], dsem, add=True)
        return carry

    lax.fori_loop(0, NCA, fire, 0)

    def drain(j, carry):
        pltpu.make_async_copy(ones_v.at[pl.ds(0, CA)],
                              acc.at[idx_v.at[0, 0]], dsem).wait()
        return carry

    lax.fori_loop(0, NCA, drain, 0)
    plsc.subcore_barrier()
    pltpu.sync_copy(acc.at[pl.ds(s * ZPT, ZPT)], out_hbm.at[c, pl.ds(s * ZPT, ZPT)])


@functools.partial(
    pl.kernel,
    out_type=jax.ShapeDtypeStruct((NC, NP, D), jnp.float32),
    mesh=_mesh,
    scratch_types=(
        [pltpu.VMEM((G, CA), jnp.int32) for _ in range(4)]
        + [pltpu.VMEM((CA, D), jnp.float32) for _ in range(NBUF)]
        + [pltpu.VMEM_SHARED((NP, D), jnp.float32)]
        + [pltpu.SemaphoreType.DMA for _ in range(2 * NBUF + 1)]
    ),
)
def _agg_kernel(h2_hbm, er_hbm, z_hbm, out_hbm, *scr):
    sg0, sg1, dg0, dg1 = scr[0:4]
    sgb = (sg0, sg1)
    dgb = (dg0, dg1)
    rows = scr[4:4 + NBUF]
    acc = scr[4 + NBUF]
    gsems = scr[5 + NBUF:5 + 2 * NBUF]
    ssems = scr[5 + 2 * NBUF:5 + 3 * NBUF]
    isem = scr[5 + 3 * NBUF]
    c = lax.axis_index("c")
    s = lax.axis_index("s")
    wid = s * NC + c

    @pl.when(jnp.logical_and(c == 0, s < NS - 1))
    def _():
        pltpu.sync_copy(h2_hbm.at[pl.ds(s * ZPT, ZPT)], acc.at[pl.ds(s * ZPT, ZPT)])

    @pl.when(jnp.logical_and(c == 0, s == NS - 1))
    def _():
        pltpu.sync_copy(h2_hbm.at[pl.ds((NS - 1) * ZPT, N - (NS - 1) * ZPT)],
                        acc.at[pl.ds((NS - 1) * ZPT, N - (NS - 1) * ZPT)])

    @pl.when(c != 0)
    def _():
        pltpu.sync_copy(z_hbm.at[pl.ds(s * ZPT, ZPT)], acc.at[pl.ds(s * ZPT, ZPT)])

    def prefetch_group(g_idx, p):
        pltpu.async_copy(er_hbm.at[0, wid, g_idx], sgb[p], isem)
        pltpu.async_copy(er_hbm.at[1, wid, g_idx], dgb[p], isem)

    def wait_group(p):
        pltpu.make_async_copy(er_hbm.at[0, wid, 0], sgb[p], isem).wait()
        pltpu.make_async_copy(er_hbm.at[1, wid, 0], dgb[p], isem).wait()

    def start_gather(p, b_local, rb):
        pltpu.async_copy(h2_hbm.at[sgb[p].at[b_local]], rows[rb], gsems[rb])

    def wait_gather(rb):
        pltpu.make_async_copy(h2_hbm.at[sg0.at[0]], rows[rb], gsems[rb]).wait()

    def start_scatter(p, b_local, rb):
        pltpu.async_copy(rows[rb], acc.at[dgb[p].at[b_local]], ssems[rb],
                         add=True)

    def wait_scatter(rb):
        pltpu.make_async_copy(rows[rb], acc.at[dg0.at[0]], ssems[rb]).wait()

    pltpu.sync_copy(er_hbm.at[0, wid, 0], sg0)
    pltpu.sync_copy(er_hbm.at[1, wid, 0], dg0)
    prefetch_group(1, 1)
    plsc.subcore_barrier()

    for b in range(NBUF):
        start_gather(0, b, b)

    def pair(q, carry):
        for p in range(2):
            g = q * 2 + p

            @pl.when(jnp.logical_and(g >= 1, g + 1 < NG))
            def _():
                prefetch_group(g + 1, (p + 1) % 2)

            for b_local in range(G):
                rb = b_local % NBUF
                if b_local == G - NBUF + 1:
                    @pl.when(g + 1 < NG)
                    def _():
                        wait_group((p + 1) % 2)
                wait_gather(rb)
                start_scatter(p, b_local, rb)

                pb = (b_local - 1) % NBUF
                nxt = b_local + NBUF - 1

                def _regather():
                    wait_scatter(pb)
                    if nxt < G:
                        start_gather(p, nxt, pb)
                    else:
                        start_gather((p + 1) % 2, nxt - G, pb)

                if b_local == 0:
                    if nxt < G:
                        @pl.when(g > 0)
                        def _():
                            _regather()
                elif nxt + G * (NG - 1) >= NCA:
                    @pl.when(g < NG - 1)
                    def _():
                        _regather()
                else:
                    _regather()
        return carry

    lax.fori_loop(0, NG // 2, pair, 0)
    for b in range(NBUF):
        wait_scatter((NCA - NBUF + b) % NBUF)
    plsc.subcore_barrier()
    pltpu.sync_copy(acc.at[pl.ds(s * ZPT, ZPT)], out_hbm.at[c, pl.ds(s * ZPT, ZPT)])


def _mm_scale(x_ref, w_ref, deg_ref, h2_ref, dinv_ref):
    h = jnp.dot(x_ref[...], w_ref[...], preferred_element_type=jnp.float32)
    dsum = deg_ref[0] + deg_ref[1] + 1.0
    dinv = lax.rsqrt(dsum).reshape(NP, 1)[:N]
    dinv_ref[...] = dinv
    h2_ref[...] = h * dinv


def _final(parts_ref, dinv_ref, b1_ref, g1_ref, be1_ref,
           wr1_ref, br1_ref, wr2_ref, br2_ref, o_ref):
    inner = parts_ref[0] + parts_ref[1]
    g = inner[:N] * dinv_ref[...] + b1_ref[...]
    mean = jnp.mean(g, axis=0)
    var = jnp.mean((g - mean) ** 2, axis=0)
    xn = (g - mean) * lax.rsqrt(var + 1e-5)
    h = jnp.tanh(xn * g1_ref[...] + be1_ref[...])
    r = jnp.tanh(jnp.dot(h, wr1_ref[...], preferred_element_type=jnp.float32)
                 + br1_ref[...])
    o_ref[...] = (jnp.dot(r, wr2_ref[...], preferred_element_type=jnp.float32)
                  + br2_ref[...])


def kernel(x, edge_index, W1, b1, gamma1, beta1, Wr1, br1, Wr2, br2):
    er = edge_index.reshape(2, NW, NG, G, CA)
    zn = jnp.zeros((NP,), jnp.float32)
    znd = jnp.zeros((NP, D), jnp.float32)

    deg2 = _deg_kernel(er, zn)
    h2, dinv = pl.pallas_call(
        _mm_scale,
        out_shape=(jax.ShapeDtypeStruct((N, D), jnp.float32),
                   jax.ShapeDtypeStruct((N, 1), jnp.float32)))(x, W1, deg2)
    parts = _agg_kernel(h2, er, znd)
    out = pl.pallas_call(
        _final, out_shape=jax.ShapeDtypeStruct((N, DO), jnp.float32))(
            parts, dinv, b1, gamma1, beta1, Wr1, br1, Wr2, br2)
    return out

# --- scband reference (transcript-rebuilt; emitter-appended) ---
"""Pipeline reference for scband-net-gcn-6777458393521 (READ-ONLY COPY).

The authoritative reference and input builder live on the scoring server;
editing this copy changes nothing except your own understanding.
"""

import jax, jax.numpy as jnp
import numpy as np

N = 10000
E = 320000
D_IN = 128
D_HID = 128
D_OUT = 64
EPS = 1e-5


def setup_inputs(seed: int = 0) -> dict:
    key = jax.random.key(seed)
    ks = jax.random.split(key, 12)
    x = jax.random.normal(ks[0], (N, D_IN), dtype=jnp.float32)
    edge_index = jax.random.randint(ks[1], (2, E), 0, N, dtype=jnp.int32)
    W1 = jax.random.normal(ks[2], (D_IN, D_HID), dtype=jnp.float32) * (1.0 / np.sqrt(D_IN))
    b1 = jnp.zeros((D_HID,), dtype=jnp.float32)
    gamma1 = jnp.ones((D_HID,), dtype=jnp.float32)
    beta1 = jnp.zeros((D_HID,), dtype=jnp.float32)
    Wr1 = jax.random.normal(ks[3], (D_HID, 32), dtype=jnp.float32) * (1.0 / np.sqrt(D_HID))
    br1 = jnp.zeros((32,), dtype=jnp.float32)
    Wr2 = jax.random.normal(ks[4], (32, D_OUT), dtype=jnp.float32) * (1.0 / np.sqrt(32))
    br2 = jnp.zeros((D_OUT,), dtype=jnp.float32)
    return {"x": x, "edge_index": edge_index, "W1": W1, "b1": b1,
            "gamma1": gamma1, "beta1": beta1, "Wr1": Wr1, "br1": br1,
            "Wr2": Wr2, "br2": br2}


def _gcn_conv(x, edge_index, W, b, num_nodes):
    # GCNConv with add_self_loops=True: D^{-1/2} (A + I) D^{-1/2} X W + b
    loop = jnp.arange(num_nodes, dtype=edge_index.dtype)
    src = jnp.concatenate([edge_index[0], loop])
    dst = jnp.concatenate([edge_index[1], loop])
    deg = jnp.zeros((num_nodes,), dtype=jnp.float32).at[dst].add(1.0)
    dinv = jnp.where(deg > 0, 1.0 / jnp.sqrt(deg), 0.0)
    norm = dinv[src] * dinv[dst]
    h = x @ W
    msg = jnp.take(h, src, axis=0) * norm[:, None]
    out = jnp.zeros((num_nodes, W.shape[1]), dtype=jnp.float32).at[dst].add(msg)
    return out + b


def _batchnorm(x, gamma, beta):
    mean = jnp.mean(x, axis=0)
    var = jnp.var(x, axis=0)
    xn = (x - mean) / jnp.sqrt(var + EPS)
    return xn * gamma + beta


def reference(x, edge_index, W1, b1, gamma1, beta1, Wr1, br1, Wr2, br2):
    h = _gcn_conv(x, edge_index, W1, b1, N)
    h = _batchnorm(h, gamma1, beta1)
    h = jnp.tanh(h)
    # readout: Linear -> Dropout(eval, identity) -> Tanh -> Linear
    r = h @ Wr1 + br1
    r = jnp.tanh(r)
    out = r @ Wr2 + br2
    return out

if __name__ == "__main__":
    import jax
    _d = setup_inputs()
    print(jax.jit(kernel)(*tuple(_d.values())))

</pallas_src>

<mosaic_0001>
#map = affine_map<(d0, d1) -> (0, 0)>
#map1 = affine_map<(d0, d1) -> (0, 0, 0, 0, 0)>
#map2 = affine_map<(d0, d1) -> (0, 0, 0)>
module attributes {stable_mosaic.version = 14 : i64} {
  func.func @_agg_kernel(%arg0: i32, %arg1: i32, %arg2: memref<10000x128xf32, #tpu.memory_space<hbm>>, %arg3: memref<2x32x10x20x50xi32, #tpu.memory_space<hbm>>, %arg4: memref<10240x128xf32, #tpu.memory_space<hbm>>, %arg5: memref<2x10240x128xf32, #tpu.memory_space<hbm>>, %arg6: memref<20x50xi32, #tpu.memory_space<vmem>>, %arg7: memref<20x50xi32, #tpu.memory_space<vmem>>, %arg8: memref<20x50xi32, #tpu.memory_space<vmem>>, %arg9: memref<20x50xi32, #tpu.memory_space<vmem>>, %arg10: memref<50x128xf32, #tpu.memory_space<vmem>>, %arg11: memref<50x128xf32, #tpu.memory_space<vmem>>, %arg12: memref<50x128xf32, #tpu.memory_space<vmem>>, %arg13: memref<50x128xf32, #tpu.memory_space<vmem>>, %arg14: memref<10240x128xf32, #tpu.memory_space<vmem_shared>>, %arg15: memref<!tpu.dma_semaphore, #tpu.memory_space<semaphore_mem>>, %arg16: memref<!tpu.dma_semaphore, #tpu.memory_space<semaphore_mem>>, %arg17: memref<!tpu.dma_semaphore, #tpu.memory_space<semaphore_mem>>, %arg18: memref<!tpu.dma_semaphore, #tpu.memory_space<semaphore_mem>>, %arg19: memref<!tpu.dma_semaphore, #tpu.memory_space<semaphore_mem>>, %arg20: memref<!tpu.dma_semaphore, #tpu.memory_space<semaphore_mem>>, %arg21: memref<!tpu.dma_semaphore, #tpu.memory_space<semaphore_mem>>, %arg22: memref<!tpu.dma_semaphore, #tpu.memory_space<semaphore_mem>>, %arg23: memref<!tpu.dma_semaphore, #tpu.memory_space<semaphore_mem>>) attributes {dimension_semantics = [#tpu.dimension_semantics<core_parallel>, #tpu.dimension_semantics<subcore_parallel>], iteration_bounds = array<i64: 2, 16>, scalar_prefetch = 0 : i64, scratch_operands = 18 : i64, tpu.core_type = #tpu.core_type<sc_vector_subcore>, window_params = [{transform_indices = #map}, {transform_indices = #map1}, {transform_indices = #map}, {transform_indices = #map2}]} {
    %mul3A = arith.constant 2 : i32
    %mul3A_0 = arith.muli %arg1, %mul3A : i32
    %add3A = arith.addi %mul3A_0, %arg0 : i32
    %eq3A = arith.constant 0 : i32
    %eq3A_1 = arith.cmpi eq, %arg0, %eq3A : i32
    %lt3A = arith.constant 15 : i32
    %lt3A_2 = arith.cmpi slt, %arg1, %lt3A : i32
    %and3A = arith.andi %eq3A_1, %lt3A_2 : i1
    %convert_element_type3A = arith.extui %and3A : i1 to i32
    %cond3A = arith.constant 0 : i32
    %cond3A_3 = arith.cmpi ne, %convert_element_type3A, %cond3A : i32
    scf.if %cond3A_3 {
      %mul3A_103 = arith.constant 640 : i32
      %mul3A_104 = arith.muli %arg1, %mul3A_103 : i32
      %mul3A_105 = arith.constant 640 : i32
      %mul3A_106 = arith.muli %arg1, %mul3A_105 : i32
      "tpu.region"() ({
        %run_scoped3A_107 = tpu.sem_alloc : memref<!tpu.dma_semaphore, #tpu.memory_space<semaphore_mem>>
        %dma_start3A_108 = arith.constant 0 : i32
        %dma_start3A_109 = tpu.memref_slice %arg14[%mul3A_106, %dma_start3A_108] : memref<10240x128xf32, #tpu.memory_space<vmem_shared>> -> memref<640x128xf32, #tpu.memory_space<vmem_shared>>
        %dma_start3A_110 = arith.constant 0 : i32
        %dma_start3A_111 = tpu.memref_slice %arg2[%mul3A_104, %dma_start3A_110] : memref<10000x128xf32, #tpu.memory_space<hbm>> -> memref<640x128xf32, #tpu.memory_space<hbm>>
        tpu.enqueue_dma source(%dma_start3A_111 : memref<640x128xf32, #tpu.memory_space<hbm>>) target(%dma_start3A_109 : memref<640x128xf32, #tpu.memory_space<vmem_shared>>) target_semaphore(%run_scoped3A_107 : memref<!tpu.dma_semaphore, #tpu.memory_space<semaphore_mem>>)
        %dma_wait3A_112 = arith.constant 0 : i32
        %dma_wait3A_113 = tpu.memref_slice %arg14[%mul3A_106, %dma_wait3A_112] : memref<10240x128xf32, #tpu.memory_space<vmem_shared>> -> memref<640x128xf32, #tpu.memory_space<vmem_shared>>
        %dma_wait3A_114 = arith.constant 0 : i32
        %dma_wait3A_115 = tpu.memref_slice %arg2[%mul3A_104, %dma_wait3A_114] : memref<10000x128xf32, #tpu.memory_space<hbm>> -> memref<640x128xf32, #tpu.memory_space<hbm>>
        tpu.wait_dma2 semaphore(%run_scoped3A_107 : memref<!tpu.dma_semaphore, #tpu.memory_space<semaphore_mem>>) src(%dma_wait3A_115 : memref<640x128xf32, #tpu.memory_space<hbm>>) dst(%dma_wait3A_113 : memref<640x128xf32, #tpu.memory_space<vmem_shared>>)
        tpu.yield
      }) : () -> ()
    } else {
    }
    %eq3A_4 = arith.constant 0 : i32
    %eq3A_5 = arith.cmpi eq, %arg0, %eq3A_4 : i32
    %eq3A_6 = arith.constant 15 : i32
    %eq3A_7 = arith.cmpi eq, %arg1, %eq3A_6 : i32
    %and3A_8 = arith.andi %eq3A_5, %eq3A_7 : i1
    %convert_element_type3A_9 = arith.extui %and3A_8 : i1 to i32
    %cond3A_10 = arith.constant 0 : i32
    %cond3A_11 = arith.cmpi ne, %convert_element_type3A_9, %cond3A_10 : i32
    scf.if %cond3A_11 {
      "tpu.region"() ({
        %run_scoped3A_103 = tpu.sem_alloc : memref<!tpu.dma_semaphore, #tpu.memory_space<semaphore_mem>>
        %dma_start3A_104 = arith.constant 9600 : i32
        %dma_start3A_105 = arith.constant 0 : i32
        %dma_start3A_106 = tpu.memref_slice %arg14[%dma_start3A_104, %dma_start3A_105] : memref<10240x128xf32, #tpu.memory_space<vmem_shared>> -> memref<400x128xf32, #tpu.memory_space<vmem_shared>>
        %dma_start3A_107 = arith.constant 9600 : i32
        %dma_start3A_108 = arith.constant 0 : i32
        %dma_start3A_109 = tpu.memref_slice %arg2[%dma_start3A_107, %dma_start3A_108] : memref<10000x128xf32, #tpu.memory_space<hbm>> -> memref<400x128xf32, #tpu.memory_space<hbm>>
        tpu.enqueue_dma source(%dma_start3A_109 : memref<400x128xf32, #tpu.memory_space<hbm>>) target(%dma_start3A_106 : memref<400x128xf32, #tpu.memory_space<vmem_shared>>) target_semaphore(%run_scoped3A_103 : memref<!tpu.dma_semaphore, #tpu.memory_space<semaphore_mem>>)
        %dma_wait3A_110 = arith.constant 9600 : i32
        %dma_wait3A_111 = arith.constant 0 : i32
        %dma_wait3A_112 = tpu.memref_slice %arg14[%dma_wait3A_110, %dma_wait3A_111] : memref<10240x128xf32, #tpu.memory_space<vmem_shared>> -> memref<400x128xf32, #tpu.memory_space<vmem_shared>>
        %dma_wait3A_113 = arith.constant 9600 : i32
        %dma_wait3A_114 = arith.constant 0 : i32
        %dma_wait3A_115 = tpu.memref_slice %arg2[%dma_wait3A_113, %dma_wait3A_114] : memref<10000x128xf32, #tpu.memory_space<hbm>> -> memref<400x128xf32, #tpu.memory_space<hbm>>
        tpu.wait_dma2 semaphore(%run_scoped3A_103 : memref<!tpu.dma_semaphore, #tpu.memory_space<semaphore_mem>>) src(%dma_wait3A_115 : memref<400x128xf32, #tpu.memory_space<hbm>>) dst(%dma_wait3A_112 : memref<400x128xf32, #tpu.memory_space<vmem_shared>>)
        tpu.yield
      }) : () -> ()
    } else {
    }
    %ne3A = arith.constant 0 : i32
    %ne3A_12 = arith.cmpi ne, %arg0, %ne3A : i32
    %convert_element_type3A_13 = arith.extui %ne3A_12 : i1 to i32
    %cond3A_14 = arith.constant 0 : i32
    %cond3A_15 = arith.cmpi ne, %convert_element_type3A_13, %cond3A_14 : i32
    scf.if %cond3A_15 {
      %mul3A_103 = arith.constant 640 : i32
      %mul3A_104 = arith.muli %arg1, %mul3A_103 : i32
      %mul3A_105 = arith.constant 640 : i32
      %mul3A_106 = arith.muli %arg1, %mul3A_105 : i32
      "tpu.region"() ({
        %run_scoped3A_107 = tpu.sem_alloc : memref<!tpu.dma_semaphore, #tpu.memory_space<semaphore_mem>>
        %dma_start3A_108 = arith.constant 0 : i32
        %dma_start3A_109 = tpu.memref_slice %arg14[%mul3A_106, %dma_start3A_108] : memref<10240x128xf32, #tpu.memory_space<vmem_shared>> -> memref<640x128xf32, #tpu.memory_space<vmem_shared>>
        %dma_start3A_110 = arith.constant 0 : i32
        %dma_start3A_111 = tpu.memref_slice %arg4[%mul3A_104, %dma_start3A_110] : memref<10240x128xf32, #tpu.memory_space<hbm>> -> memref<640x128xf32, #tpu.memory_space<hbm>>
        tpu.enqueue_dma source(%dma_start3A_111 : memref<640x128xf32, #tpu.memory_space<hbm>>) target(%dma_start3A_109 : memref<640x128xf32, #tpu.memory_space<vmem_shared>>) target_semaphore(%run_scoped3A_107 : memref<!tpu.dma_semaphore, #tpu.memory_space<semaphore_mem>>)
        %dma_wait3A_112 = arith.constant 0 : i32
        %dma_wait3A_113 = tpu.memref_slice %arg14[%mul3A_106, %dma_wait3A_112] : memref<10240x128xf32, #tpu.memory_space<vmem_shared>> -> memref<640x128xf32, #tpu.memory_space<vmem_shared>>
        %dma_wait3A_114 = arith.constant 0 : i32
        %dma_wait3A_115 = tpu.memref_slice %arg4[%mul3A_104, %dma_wait3A_114] : memref<10240x128xf32, #tpu.memory_space<hbm>> -> memref<640x128xf32, #tpu.memory_space<hbm>>
        tpu.wait_dma2 semaphore(%run_scoped3A_107 : memref<!tpu.dma_semaphore, #tpu.memory_space<semaphore_mem>>) src(%dma_wait3A_115 : memref<640x128xf32, #tpu.memory_space<hbm>>) dst(%dma_wait3A_113 : memref<640x128xf32, #tpu.memory_space<vmem_shared>>)
        tpu.yield
      }) : () -> ()
    } else {
    }
    %run_scoped3A = arith.constant 0 : i32
    %run_scoped3A_16 = arith.constant 0 : i32
    "tpu.region"() ({
      %run_scoped3A_103 = tpu.sem_alloc : memref<!tpu.dma_semaphore, #tpu.memory_space<semaphore_mem>>
      %dma_start3A_104 = arith.constant 0 : i32
      %dma_start3A_105 = arith.constant 0 : i32
      %dma_start3A_106 = tpu.memref_slice %arg3[%run_scoped3A, %add3A, %run_scoped3A_16, %dma_start3A_104, %dma_start3A_105] : memref<2x32x10x20x50xi32, #tpu.memory_space<hbm>> -> memref<1x1x1x20x50xi32, #tpu.memory_space<hbm>>
      %dma_start3A_107 = tpu.memref_squeeze %dma_start3A_106 : memref<1x1x1x20x50xi32, #tpu.memory_space<hbm>> -> memref<20x50xi32, #tpu.memory_space<hbm>>
      %dma_start3A_108 = arith.constant 0 : i32
      %dma_start3A_109 = arith.constant 0 : i32
      %dma_start3A_110 = tpu.memref_slice %arg3[%run_scoped3A, %add3A, %run_scoped3A_16, %dma_start3A_108, %dma_start3A_109] : memref<2x32x10x20x50xi32, #tpu.memory_space<hbm>> -> memref<1x1x1x20x50xi32, #tpu.memory_space<hbm>>
      %dma_start3A_111 = tpu.memref_squeeze %dma_start3A_110 : memref<1x1x1x20x50xi32, #tpu.memory_space<hbm>> -> memref<20x50xi32, #tpu.memory_space<hbm>>
      tpu.enqueue_dma source(%dma_start3A_111 : memref<20x50xi32, #tpu.memory_space<hbm>>) target(%arg6 : memref<20x50xi32, #tpu.memory_space<vmem>>) target_semaphore(%run_scoped3A_103 : memref<!tpu.dma_semaphore, #tpu.memory_space<semaphore_mem>>)
      %dma_wait3A_112 = arith.constant 0 : i32
      %dma_wait3A_113 = arith.constant 0 : i32
      %dma_wait3A_114 = tpu.memref_slice %arg3[%run_scoped3A, %add3A, %run_scoped3A_16, %dma_wait3A_112, %dma_wait3A_113] : memref<2x32x10x20x50xi32, #tpu.memory_space<hbm>> -> memref<1x1x1x20x50xi32, #tpu.memory_space<hbm>>
      %dma_wait3A_115 = tpu.memref_squeeze %dma_wait3A_114 : memref<1x1x1x20x50xi32, #tpu.memory_space<hbm>> -> memref<20x50xi32, #tpu.memory_space<hbm>>
      %dma_wait3A_116 = arith.constant 0 : i32
      %dma_wait3A_117 = arith.constant 0 : i32
      %dma_wait3A_118 = tpu.memref_slice %arg3[%run_scoped3A, %add3A, %run_scoped3A_16, %dma_wait3A_116, %dma_wait3A_117] : memref<2x32x10x20x50xi32, #tpu.memory_space<hbm>> -> memref<1x1x1x20x50xi32, #tpu.memory_space<hbm>>
      %dma_wait3A_119 = tpu.memref_squeeze %dma_wait3A_118 : memref<1x1x1x20x50xi32, #tpu.memory_space<hbm>> -> memref<20x50xi32, #tpu.memory_space<hbm>>
      tpu.wait_dma2 semaphore(%run_scoped3A_103 : memref<!tpu.dma_semaphore, #tpu.memory_space<semaphore_mem>>) src(%dma_wait3A_119 : memref<20x50xi32, #tpu.memory_space<hbm>>) dst(%arg6 : memref<20x50xi32, #tpu.memory_space<vmem>>)
      tpu.yield
    }) : () -> ()
    %run_scoped3A_17 = arith.constant 1 : i32
    %run_scoped3A_18 = arith.constant 0 : i32
    "tpu.region"() ({
      %run_scoped3A_103 = tpu.sem_alloc : memref<!tpu.dma_semaphore, #tpu.memory_space<semaphore_mem>>
      %dma_start3A_104 = arith.constant 0 : i32
      %dma_start3A_105 = arith.constant 0 : i32
      %dma_start3A_106 = tpu.memref_slice %arg3[%run_scoped3A_17, %add3A, %run_scoped3A_18, %dma_start3A_104, %dma_start3A_105] : memref<2x32x10x20x50xi32, #tpu.memory_space<hbm>> -> memref<1x1x1x20x50xi32, #tpu.memory_space<hbm>>
      %dma_start3A_107 = tpu.memref_squeeze %dma_start3A_106 : memref<1x1x1x20x50xi32, #tpu.memory_space<hbm>> -> memref<20x50xi32, #tpu.memory_space<hbm>>
      %dma_start3A_108 = arith.constant 0 : i32
      %dma_start3A_109 = arith.constant 0 : i32
      %dma_start3A_110 = tpu.memref_slice %arg3[%run_scoped3A_17, %add3A, %run_scoped3A_18, %dma_start3A_108, %dma_start3A_109] : memref<2x32x10x20x50xi32, #tpu.memory_space<hbm>> -> memref<1x1x1x20x50xi32, #tpu.memory_space<hbm>>
      %dma_start3A_111 = tpu.memref_squeeze %dma_start3A_110 : memref<1x1x1x20x50xi32, #tpu.memory_space<hbm>> -> memref<20x50xi32, #tpu.memory_space<hbm>>
      tpu.enqueue_dma source(%dma_start3A_111 : memref<20x50xi32, #tpu.memory_space<hbm>>) target(%arg8 : memref<20x50xi32, #tpu.memory_space<vmem>>) target_semaphore(%run_scoped3A_103 : memref<!tpu.dma_semaphore, #tpu.memory_space<semaphore_mem>>)
      %dma_wait3A_112 = arith.constant 0 : i32
      %dma_wait3A_113 = arith.constant 0 : i32
      %dma_wait3A_114 = tpu.memref_slice %arg3[%run_scoped3A_17, %add3A, %run_scoped3A_18, %dma_wait3A_112, %dma_wait3A_113] : memref<2x32x10x20x50xi32, #tpu.memory_space<hbm>> -> memref<1x1x1x20x50xi32, #tpu.memory_space<hbm>>
      %dma_wait3A_115 = tpu.memref_squeeze %dma_wait3A_114 : memref<1x1x1x20x50xi32, #tpu.memory_space<hbm>> -> memref<20x50xi32, #tpu.memory_space<hbm>>
      %dma_wait3A_116 = arith.constant 0 : i32
      %dma_wait3A_117 = arith.constant 0 : i32
      %dma_wait3A_118 = tpu.memref_slice %arg3[%run_scoped3A_17, %add3A, %run_scoped3A_18, %dma_wait3A_116, %dma_wait3A_117] : memref<2x32x10x20x50xi32, #tpu.memory_space<hbm>> -> memref<1x1x1x20x50xi32, #tpu.memory_space<hbm>>
      %dma_wait3A_119 = tpu.memref_squeeze %dma_wait3A_118 : memref<1x1x1x20x50xi32, #tpu.memory_space<hbm>> -> memref<20x50xi32, #tpu.memory_space<hbm>>
      tpu.wait_dma2 semaphore(%run_scoped3A_103 : memref<!tpu.dma_semaphore, #tpu.memory_space<semaphore_mem>>) src(%dma_wait3A_119 : memref<20x50xi32, #tpu.memory_space<hbm>>) dst(%arg8 : memref<20x50xi32, #tpu.memory_space<vmem>>)
      tpu.yield
    }) : () -> ()
    %dma_start3A = arith.constant 0 : i32
    %dma_start3A_19 = arith.constant 1 : i32
    %dma_start3A_20 = arith.constant 0 : i32
    %dma_start3A_21 = arith.constant 0 : i32
    %dma_start3A_22 = tpu.memref_slice %arg3[%dma_start3A, %add3A, %dma_start3A_19, %dma_start3A_20, %dma_start3A_21] : memref<2x32x10x20x50xi32, #tpu.memory_space<hbm>> -> memref<1x1x1x20x50xi32, #tpu.memory_space<hbm>>
    %dma_start3A_23 = tpu.memref_squeeze %dma_start3A_22 : memref<1x1x1x20x50xi32, #tpu.memory_space<hbm>> -> memref<20x50xi32, #tpu.memory_space<hbm>>
    %dma_start3A_24 = arith.constant 0 : i32
    %dma_start3A_25 = arith.constant 0 : i32
    %dma_start3A_26 = tpu.memref_slice %arg3[%dma_start3A, %add3A, %dma_start3A_19, %dma_start3A_24, %dma_start3A_25] : memref<2x32x10x20x50xi32, #tpu.memory_space<hbm>> -> memref<1x1x1x20x50xi32, #tpu.memory_space<hbm>>
    %dma_start3A_27 = tpu.memref_squeeze %dma_start3A_26 : memref<1x1x1x20x50xi32, #tpu.memory_space<hbm>> -> memref<20x50xi32, #tpu.memory_space<hbm>>
    tpu.enqueue_dma source(%dma_start3A_27 : memref<20x50xi32, #tpu.memory_space<hbm>>) target(%arg7 : memref<20x50xi32, #tpu.memory_space<vmem>>) target_semaphore(%arg23 : memref<!tpu.dma_semaphore, #tpu.memory_space<semaphore_mem>>)
    %dma_start3A_28 = arith.constant 1 : i32
    %dma_start3A_29 = arith.constant 1 : i32
    %dma_start3A_30 = arith.constant 0 : i32
    %dma_start3A_31 = arith.constant 0 : i32
    %dma_start3A_32 = tpu.memref_slice %arg3[%dma_start3A_28, %add3A, %dma_start3A_29, %dma_start3A_30, %dma_start3A_31] : memref<2x32x10x20x50xi32, #tpu.memory_space<hbm>> -> memref<1x1x1x20x50xi32, #tpu.memory_space<hbm>>
    %dma_start3A_33 = tpu.memref_squeeze %dma_start3A_32 : memref<1x1x1x20x50xi32, #tpu.memory_space<hbm>> -> memref<20x50xi32, #tpu.memory_space<hbm>>
    %dma_start3A_34 = arith.constant 0 : i32
    %dma_start3A_35 = arith.constant 0 : i32
    %dma_start3A_36 = tpu.memref_slice %arg3[%dma_start3A_28, %add3A, %dma_start3A_29, %dma_start3A_34, %dma_start3A_35] : memref<2x32x10x20x50xi32, #tpu.memory_space<hbm>> -> memref<1x1x1x20x50xi32, #tpu.memory_space<hbm>>
    %dma_start3A_37 = tpu.memref_squeeze %dma_start3A_36 : memref<1x1x1x20x50xi32, #tpu.memory_space<hbm>> -> memref<20x50xi32, #tpu.memory_space<hbm>>
    tpu.enqueue_dma source(%dma_start3A_37 : memref<20x50xi32, #tpu.memory_space<hbm>>) target(%arg9 : memref<20x50xi32, #tpu.memory_space<vmem>>) target_semaphore(%arg23 : memref<!tpu.dma_semaphore, #tpu.memory_space<semaphore_mem>>)
    %barrier3A = arith.constant 0 : index
    tpu.barrier barrier_id(%barrier3A)
    %dma_start3A_38 = arith.constant 0 : i32
    %dma_start3A_39 = arith.constant 0 : i32
    %dma_start3A_40 = tpu.memref_slice %arg6[%dma_start3A_38, %dma_start3A_39] : memref<20x50xi32, #tpu.memory_space<vmem>> -> memref<1x50xi32, #tpu.memory_space<vmem>>
    %dma_start3A_41 = tpu.memref_squeeze %dma_start3A_40 : memref<1x50xi32, #tpu.memory_space<vmem>> -> memref<50xi32, #tpu.memory_space<vmem>>
    %dma_start3A_42 = arith.constant 0 : i32
    %dma_start3A_43 = arith.constant 0 : i32
    %dma_start3A_44 = tpu.memref_slice %arg2[%dma_start3A_42, %dma_start3A_43] : memref<10000x128xf32, #tpu.memory_space<hbm>> -> memref<10000x128xf32, #tpu.memory_space<hbm>>
    tpu.enqueue_indirect_dma source(%dma_start3A_44 : memref<10000x128xf32, #tpu.memory_space<hbm>>) target(%arg10 : memref<50x128xf32, #tpu.memory_space<vmem>>) offsets(%dma_start3A_41 : memref<50xi32, #tpu.memory_space<vmem>>) semaphore(%arg15 : memref<!tpu.dma_semaphore, #tpu.memory_space<semaphore_mem>>)
    %dma_start3A_45 = arith.constant 1 : i32
    %dma_start3A_46 = arith.constant 0 : i32
    %dma_start3A_47 = tpu.memref_slice %arg6[%dma_start3A_45, %dma_start3A_46] : memref<20x50xi32, #tpu.memory_space<vmem>> -> memref<1x50xi32, #tpu.memory_space<vmem>>
    %dma_start3A_48 = tpu.memref_squeeze %dma_start3A_47 : memref<1x50xi32, #tpu.memory_space<vmem>> -> memref<50xi32, #tpu.memory_space<vmem>>
    %dma_start3A_49 = arith.constant 0 : i32
    %dma_start3A_50 = arith.constant 0 : i32
    %dma_start3A_51 = tpu.memref_slice %arg2[%dma_start3A_49, %dma_start3A_50] : memref<10000x128xf32, #tpu.memory_space<hbm>> -> memref<10000x128xf32, #tpu.memory_space<hbm>>
    tpu.enqueue_indirect_dma source(%dma_start3A_51 : memref<10000x128xf32, #tpu.memory_space<hbm>>) target(%arg11 : memref<50x128xf32, #tpu.memory_space<vmem>>) offsets(%dma_start3A_48 : memref<50xi32, #tpu.memory_space<vmem>>) semaphore(%arg16 : memref<!tpu.dma_semaphore, #tpu.memory_space<semaphore_mem>>)
    %dma_start3A_52 = arith.constant 2 : i32
    %dma_start3A_53 = arith.constant 0 : i32
    %dma_start3A_54 = tpu.memref_slice %arg6[%dma_start3A_52, %dma_start3A_53] : memref<20x50xi32, #tpu.memory_space<vmem>> -> memref<1x50xi32, #tpu.memory_space<vmem>>
    %dma_start3A_55 = tpu.memref_squeeze %dma_start3A_54 : memref<1x50xi32, #tpu.memory_space<vmem>> -> memref<50xi32, #tpu.memory_space<vmem>>
    %dma_start3A_56 = arith.constant 0 : i32
    %dma_start3A_57 = arith.constant 0 : i32
    %dma_start3A_58 = tpu.memref_slice %arg2[%dma_start3A_56, %dma_start3A_57] : memref<10000x128xf32, #tpu.memory_space<hbm>> -> memref<10000x128xf32, #tpu.memory_space<hbm>>
    tpu.enqueue_indirect_dma source(%dma_start3A_58 : memref<10000x128xf32, #tpu.memory_space<hbm>>) target(%arg12 : memref<50x128xf32, #tpu.memory_space<vmem>>) offsets(%dma_start3A_55 : memref<50xi32, #tpu.memory_space<vmem>>) semaphore(%arg17 : memref<!tpu.dma_semaphore, #tpu.memory_space<semaphore_mem>>)
    %dma_start3A_59 = arith.constant 3 : i32
    %dma_start3A_60 = arith.constant 0 : i32
    %dma_start3A_61 = tpu.memref_slice %arg6[%dma_start3A_59, %dma_start3A_60] : memref<20x50xi32, #tpu.memory_space<vmem>> -> memref<1x50xi32, #tpu.memory_space<vmem>>
    %dma_start3A_62 = tpu.memref_squeeze %dma_start3A_61 : memref<1x50xi32, #tpu.memory_space<vmem>> -> memref<50xi32, #tpu.memory_space<vmem>>
    %dma_start3A_63 = arith.constant 0 : i32
    %dma_start3A_64 = arith.constant 0 : i32
    %dma_start3A_65 = tpu.memref_slice %arg2[%dma_start3A_63, %dma_start3A_64] : memref<10000x128xf32, #tpu.memory_space<hbm>> -> memref<10000x128xf32, #tpu.memory_space<hbm>>
    tpu.enqueue_indirect_dma source(%dma_start3A_65 : memref<10000x128xf32, #tpu.memory_space<hbm>>) target(%arg13 : memref<50x128xf32, #tpu.memory_space<vmem>>) offsets(%dma_start3A_62 : memref<50xi32, #tpu.memory_space<vmem>>) semaphore(%arg18 : memref<!tpu.dma_semaphore, #tpu.memory_space<semaphore_mem>>)
    %scan3A = arith.constant 0 : i32
    %scan3A_66 = arith.constant 0 : i32
    %scan3A_67 = arith.constant 5 : i32
    %scan3A_68 = arith.addi %scan3A_66, %scan3A_67 : i32
    %scan3A_69 = arith.constant 1 : i32
    scf.for %scan3A_103 = %scan3A_66 to %scan3A_68 step %scan3A_69  : i32 {
      %mul3A_104 = arith.constant 2 : i32
      %mul3A_105 = arith.muli %scan3A_103, %mul3A_104 : i32
      %add3A_106 = arith.constant 0 : i32
      %add3A_107 = arith.addi %mul3A_105, %add3A_106 : i32
      %ge3A = arith.constant 1 : i32
      %ge3A_108 = arith.cmpi sge, %add3A_107, %ge3A : i32
      %add3A_109 = arith.constant 1 : i32
      %add3A_110 = arith.addi %add3A_107, %add3A_109 : i32
      %lt3A_111 = arith.constant 10 : i32
      %lt3A_112 = arith.cmpi slt, %add3A_110, %lt3A_111 : i32
      %and3A_113 = arith.andi %ge3A_108, %lt3A_112 : i1
      %convert_element_type3A_114 = arith.extui %and3A_113 : i1 to i32
      %cond3A_115 = arith.constant 0 : i32
      %cond3A_116 = arith.cmpi ne, %convert_element_type3A_114, %cond3A_115 : i32
      scf.if %cond3A_116 {
        %add3A_1192 = arith.constant 1 : i32
        %add3A_1193 = arith.addi %add3A_107, %add3A_1192 : i32
        %dma_start3A_1194 = arith.constant 0 : i32
        %dma_start3A_1195 = arith.constant 0 : i32
        %dma_start3A_1196 = arith.constant 0 : i32
        %dma_start3A_1197 = tpu.memref_slice %arg3[%dma_start3A_1194, %add3A, %add3A_1193, %dma_start3A_1195, %dma_start3A_1196] : memref<2x32x10x20x50xi32, #tpu.memory_space<hbm>> -> memref<1x1x1x20x50xi32, #tpu.memory_space<hbm>>
        %dma_start3A_1198 = tpu.memref_squeeze %dma_start3A_1197 : memref<1x1x1x20x50xi32, #tpu.memory_space<hbm>> -> memref<20x50xi32, #tpu.memory_space<hbm>>
        %dma_start3A_1199 = arith.constant 0 : i32
        %dma_start3A_1200 = arith.constant 0 : i32
        %dma_start3A_1201 = tpu.memref_slice %arg3[%dma_start3A_1194, %add3A, %add3A_1193, %dma_start3A_1199, %dma_start3A_1200] : memref<2x32x10x20x50xi32, #tpu.memory_space<hbm>> -> memref<1x1x1x20x50xi32, #tpu.memory_space<hbm>>
        %dma_start3A_1202 = tpu.memref_squeeze %dma_start3A_1201 : memref<1x1x1x20x50xi32, #tpu.memory_space<hbm>> -> memref<20x50xi32, #tpu.memory_space<hbm>>
        tpu.enqueue_dma source(%dma_start3A_1202 : memref<20x50xi32, #tpu.memory_space<hbm>>) target(%arg7 : memref<20x50xi32, #tpu.memory_space<vmem>>) target_semaphore(%arg23 : memref<!tpu.dma_semaphore, #tpu.memory_space<semaphore_mem>>)
        %dma_start3A_1203 = arith.constant 1 : i32
        %dma_start3A_1204 = arith.constant 0 : i32
        %dma_start3A_1205 = arith.constant 0 : i32
        %dma_start3A_1206 = tpu.memref_slice %arg3[%dma_start3A_1203, %add3A, %add3A_1193, %dma_start3A_1204, %dma_start3A_1205] : memref<2x32x10x20x50xi32, #tpu.memory_space<hbm>> -> memref<1x1x1x20x50xi32, #tpu.memory_space<hbm>>
        %dma_start3A_1207 = tpu.memref_squeeze %dma_start3A_1206 : memref<1x1x1x20x50xi32, #tpu.memory_space<hbm>> -> memref<20x50xi32, #tpu.memory_space<hbm>>
        %dma_start3A_1208 = arith.constant 0 : i32
        %dma_start3A_1209 = arith.constant 0 : i32
        %dma_start3A_1210 = tpu.memref_slice %arg3[%dma_start3A_1203, %add3A, %add3A_1193, %dma_start3A_1208, %dma_start3A_1209] : memref<2x32x10x20x50xi32, #tpu.memory_space<hbm>> -> memref<1x1x1x20x50xi32, #tpu.memory_space<hbm>>
        %dma_start3A_1211 = tpu.memref_squeeze %dma_start3A_1210 : memref<1x1x1x20x50xi32, #tpu.memory_space<hbm>> -> memref<20x50xi32, #tpu.memory_space<hbm>>
        tpu.enqueue_dma source(%dma_start3A_1211 : memref<20x50xi32, #tpu.memory_space<hbm>>) target(%arg9 : memref<20x50xi32, #tpu.memory_space<vmem>>) target_semaphore(%arg23 : memref<!tpu.dma_semaphore, #tpu.memory_space<semaphore_mem>>)
      } else {
      }
      %dma_wait3A_117 = arith.constant 0 : i32
      %dma_wait3A_118 = arith.constant 0 : i32
      %dma_wait3A_119 = tpu.memref_slice %arg6[%dma_wait3A_117, %dma_wait3A_118] : memref<20x50xi32, #tpu.memory_space<vmem>> -> memref<1x50xi32, #tpu.memory_space<vmem>>
      %dma_wait3A_120 = tpu.memref_squeeze %dma_wait3A_119 : memref<1x50xi32, #tpu.memory_space<vmem>> -> memref<50xi32, #tpu.memory_space<vmem>>
      %dma_wait3A_121 = arith.constant 0 : i32
      %dma_wait3A_122 = arith.constant 0 : i32
      %dma_wait3A_123 = tpu.memref_slice %arg2[%dma_wait3A_121, %dma_wait3A_122] : memref<10000x128xf32, #tpu.memory_space<hbm>> -> memref<10000x128xf32, #tpu.memory_space<hbm>>
      tpu.wait_indirect_dma semaphore(%arg15 : memref<!tpu.dma_semaphore, #tpu.memory_space<semaphore_mem>>) src(%dma_wait3A_123 : memref<10000x128xf32, #tpu.memory_space<hbm>>) dst(%arg10 : memref<50x128xf32, #tpu.memory_space<vmem>>)
      %dma_start3A_124 = arith.constant 0 : i32
      %dma_start3A_125 = arith.constant 0 : i32
      %dma_start3A_126 = tpu.memref_slice %arg8[%dma_start3A_124, %dma_start3A_125] : memref<20x50xi32, #tpu.memory_space<vmem>> -> memref<1x50xi32, #tpu.memory_space<vmem>>
      %dma_start3A_127 = tpu.memref_squeeze %dma_start3A_126 : memref<1x50xi32, #tpu.memory_space<vmem>> -> memref<50xi32, #tpu.memory_space<vmem>>
      %dma_start3A_128 = arith.constant 0 : i32
      %dma_start3A_129 = arith.constant 0 : i32
      %dma_start3A_130 = tpu.memref_slice %arg14[%dma_start3A_128, %dma_start3A_129] : memref<10240x128xf32, #tpu.memory_space<vmem_shared>> -> memref<10240x128xf32, #tpu.memory_space<vmem_shared>>
      tpu.enqueue_indirect_dma source(%arg10 : memref<50x128xf32, #tpu.memory_space<vmem>>) target(%dma_start3A_130 : memref<10240x128xf32, #tpu.memory_space<vmem_shared>>) offsets(%dma_start3A_127 : memref<50xi32, #tpu.memory_space<vmem>>) semaphore(%arg19 : memref<!tpu.dma_semaphore, #tpu.memory_space<semaphore_mem>>) {add = true}
      %gt3A = arith.constant 0 : i32
      %gt3A_131 = arith.cmpi sgt, %add3A_107, %gt3A : i32
      %convert_element_type3A_132 = arith.extui %gt3A_131 : i1 to i32
      %cond3A_133 = arith.constant 0 : i32
      %cond3A_134 = arith.cmpi ne, %convert_element_type3A_132, %cond3A_133 : i32
      scf.if %cond3A_134 {
        %dma_wait3A_1192 = arith.constant 0 : i32
        %dma_wait3A_1193 = arith.constant 0 : i32
        %dma_wait3A_1194 = tpu.memref_slice %arg8[%dma_wait3A_1192, %dma_wait3A_1193] : memref<20x50xi32, #tpu.memory_space<vmem>> -> memref<1x50xi32, #tpu.memory_space<vmem>>
        %dma_wait3A_1195 = tpu.memref_squeeze %dma_wait3A_1194 : memref<1x50xi32, #tpu.memory_space<vmem>> -> memref<50xi32, #tpu.memory_space<vmem>>
        %dma_wait3A_1196 = arith.constant 0 : i32
        %dma_wait3A_1197 = arith.constant 0 : i32
        %dma_wait3A_1198 = tpu.memref_slice %arg14[%dma_wait3A_1196, %dma_wait3A_1197] : memref<10240x128xf32, #tpu.memory_space<vmem_shared>> -> memref<10240x128xf32, #tpu.memory_space<vmem_shared>>
        tpu.wait_indirect_dma semaphore(%arg22 : memref<!tpu.dma_semaphore, #tpu.memory_space<semaphore_mem>>) src(%arg13 : memref<50x128xf32, #tpu.memory_space<vmem>>) dst(%dma_wait3A_1198 : memref<10240x128xf32, #tpu.memory_space<vmem_shared>>)
        %dma_start3A_1199 = arith.constant 3 : i32
        %dma_start3A_1200 = arith.constant 0 : i32
        %dma_start3A_1201 = tpu.memref_slice %arg6[%dma_start3A_1199, %dma_start3A_1200] : memref<20x50xi32, #tpu.memory_space<vmem>> -> memref<1x50xi32, #tpu.memory_space<vmem>>
        %dma_start3A_1202 = tpu.memref_squeeze %dma_start3A_1201 : memref<1x50xi32, #tpu.memory_space<vmem>> -> memref<50xi32, #tpu.memory_space<vmem>>
        %dma_start3A_1203 = arith.constant 0 : i32
        %dma_start3A_1204 = arith.constant 0 : i32
        %dma_start3A_1205 = tpu.memref_slice %arg2[%dma_start3A_1203, %dma_start3A_1204] : memref<10000x128xf32, #tpu.memory_space<hbm>> -> memref<10000x128xf32, #tpu.memory_space<hbm>>
        tpu.enqueue_indirect_dma source(%dma_start3A_1205 : memref<10000x128xf32, #tpu.memory_space<hbm>>) target(%arg13 : memref<50x128xf32, #tpu.memory_space<vmem>>) offsets(%dma_start3A_1202 : memref<50xi32, #tpu.memory_space<vmem>>) semaphore(%arg18 : memref<!tpu.dma_semaphore, #tpu.memory_space<semaphore_mem>>)
      } else {
      }
      %dma_wait3A_135 = arith.constant 0 : i32
      %dma_wait3A_136 = arith.constant 0 : i32
      %dma_wait3A_137 = tpu.memref_slice %arg6[%dma_wait3A_135, %dma_wait3A_136] : memref<20x50xi32, #tpu.memory_space<vmem>> -> memref<1x50xi32, #tpu.memory_space<vmem>>
      %dma_wait3A_138 = tpu.memref_squeeze %dma_wait3A_137 : memref<1x50xi32, #tpu.memory_space<vmem>> -> memref<50xi32, #tpu.memory_space<vmem>>
      %dma_wait3A_139 = arith.constant 0 : i32
      %dma_wait3A_140 = arith.constant 0 : i32
      %dma_wait3A_141 = tpu.memref_slice %arg2[%dma_wait3A_139, %dma_wait3A_140] : memref<10000x128xf32, #tpu.memory_space<hbm>> -> memref<10000x128xf32, #tpu.memory_space<hbm>>
      tpu.wait_indirect_dma semaphore(%arg16 : memref<!tpu.dma_semaphore, #tpu.memory_space<semaphore_mem>>) src(%dma_wait3A_141 : memref<10000x128xf32, #tpu.memory_space<hbm>>) dst(%arg11 : memref<50x128xf32, #tpu.memory_space<vmem>>)
      %dma_start3A_142 = arith.constant 1 : i32
      %dma_start3A_143 = arith.constant 0 : i32
      %dma_start3A_144 = tpu.memref_slice %arg8[%dma_start3A_142, %dma_start3A_143] : memref<20x50xi32, #tpu.memory_space<vmem>> -> memref<1x50xi32, #tpu.memory_space<vmem>>
      %dma_start3A_145 = tpu.memref_squeeze %dma_start3A_144 : memref<1x50xi32, #tpu.memory_space<vmem>> -> memref<50xi32, #tpu.memory_space<vmem>>
      %dma_start3A_146 = arith.constant 0 : i32
      %dma_start3A_147 = arith.constant 0 : i32
      %dma_start3A_148 = tpu.memref_slice %arg14[%dma_start3A_146, %dma_start3A_147] : memref<10240x128xf32, #tpu.memory_space<vmem_shared>> -> memref<10240x128xf32, #tpu.memory_space<vmem_shared>>
      tpu.enqueue_indirect_dma source(%arg11 : memref<50x128xf32, #tpu.memory_space<vmem>>) target(%dma_start3A_148 : memref<10240x128xf32, #tpu.memory_space<vmem_shared>>) offsets(%dma_start3A_145 : memref<50xi32, #tpu.memory_space<vmem>>) semaphore(%arg20 : memref<!tpu.dma_semaphore, #tpu.memory_space<semaphore_mem>>) {add = true}
      %dma_wait3A_149 = arith.constant 0 : i32
      %dma_wait3A_150 = arith.constant 0 : i32
      %dma_wait3A_151 = tpu.memref_slice %arg8[%dma_wait3A_149, %dma_wait3A_150] : memref<20x50xi32, #tpu.memory_space<vmem>> -> memref<1x50xi32, #tpu.memory_space<vmem>>
      %dma_wait3A_152 = tpu.memref_squeeze %dma_wait3A_151 : memref<1x50xi32, #tpu.memory_space<vmem>> -> memref<50xi32, #tpu.memory_space<vmem>>
      %dma_wait3A_153 = arith.constant 0 : i32
      %dma_wait3A_154 = arith.constant 0 : i32
      %dma_wait3A_155 = tpu.memref_slice %arg14[%dma_wait3A_153, %dma_wait3A_154] : memref<10240x128xf32, #tpu.memory_space<vmem_shared>> -> memref<10240x128xf32, #tpu.memory_space<vmem_shared>>
      tpu.wait_indirect_dma semaphore(%arg19 : memref<!tpu.dma_semaphore, #tpu.memory_space<semaphore_mem>>) src(%arg10 : memref<50x128xf32, #tpu.memory_space<vmem>>) dst(%dma_wait3A_155 : memref<10240x128xf32, #tpu.memory_space<vmem_shared>>)
      %dma_start3A_156 = arith.constant 4 : i32
      %dma_start3A_157 = arith.constant 0 : i32
      %dma_start3A_158 = tpu.memref_slice %arg6[%dma_start3A_156, %dma_start3A_157] : memref<20x50xi32, #tpu.memory_space<vmem>> -> memref<1x50xi32, #tpu.memory_space<vmem>>
      %dma_start3A_159 = tpu.memref_squeeze %dma_start3A_158 : memref<1x50xi32, #tpu.memory_space<vmem>> -> memref<50xi32, #tpu.memory_space<vmem>>
      %dma_start3A_160 = arith.constant 0 : i32
      %dma_start3A_161 = arith.constant 0 : i32
      %dma_start3A_162 = tpu.memref_slice %arg2[%dma_start3A_160, %dma_start3A_161] : memref<10000x128xf32, #tpu.memory_space<hbm>> -> memref<10000x128xf32, #tpu.memory_space<hbm>>
      tpu.enqueue_indirect_dma source(%dma_start3A_162 : memref<10000x128xf32, #tpu.memory_space<hbm>>) target(%arg10 : memref<50x128xf32, #tpu.memory_space<vmem>>) offsets(%dma_start3A_159 : memref<50xi32, #tpu.memory_space<vmem>>) semaphore(%arg15 : memref<!tpu.dma_semaphore, #tpu.memory_space<semaphore_mem>>)
      %dma_wait3A_163 = arith.constant 0 : i32
      %dma_wait3A_164 = arith.constant 0 : i32
      %dma_wait3A_165 = tpu.memref_slice %arg6[%dma_wait3A_163, %dma_wait3A_164] : memref<20x50xi32, #tpu.memory_space<vmem>> -> memref<1x50xi32, #tpu.memory_space<vmem>>
      %dma_wait3A_166 = tpu.memref_squeeze %dma_wait3A_165 : memref<1x50xi32, #tpu.memory_space<vmem>> -> memref<50xi32, #tpu.memory_space<vmem>>
      %dma_wait3A_167 = arith.constant 0 : i32
      %dma_wait3A_168 = arith.constant 0 : i32
      %dma_wait3A_169 = tpu.memref_slice %arg2[%dma_wait3A_167, %dma_wait3A_168] : memref<10000x128xf32, #tpu.memory_space<hbm>> -> memref<10000x128xf32, #tpu.memory_space<hbm>>
      tpu.wait_indirect_dma semaphore(%arg17 : memref<!tpu.dma_semaphore, #tpu.memory_space<semaphore_mem>>) src(%dma_wait3A_169 : memref<10000x128xf32, #tpu.memory_space<hbm>>) dst(%arg12 : memref<50x128xf32, #tpu.memory_space<vmem>>)
      %dma_start3A_170 = arith.constant 2 : i32
      %dma_start3A_171 = arith.constant 0 : i32
      %dma_start3A_172 = tpu.memref_slice %arg8[%dma_start3A_170, %dma_start3A_171] : memref<20x50xi32, #tpu.memory_space<vmem>> -> memref<1x50xi32, #tpu.memory_space<vmem>>
      %dma_start3A_173 = tpu.memref_squeeze %dma_start3A_172 : memref<1x50xi32, #tpu.memory_space<vmem>> -> memref<50xi32, #tpu.memory_space<vmem>>
      %dma_start3A_174 = arith.constant 0 : i32
      %dma_start3A_175 = arith.constant 0 : i32
      %dma_start3A_176 = tpu.memref_slice %arg14[%dma_start3A_174, %dma_start3A_175] : memref<10240x128xf32, #tpu.memory_space<vmem_shared>> -> memref<10240x128xf32, #tpu.memory_space<vmem_shared>>
      tpu.enqueue_indirect_dma source(%arg12 : memref<50x128xf32, #tpu.memory_space<vmem>>) target(%dma_start3A_176 : memref<10240x128xf32, #tpu.memory_space<vmem_shared>>) offsets(%dma_start3A_173 : memref<50xi32, #tpu.memory_space<vmem>>) semaphore(%arg21 : memref<!tpu.dma_semaphore, #tpu.memory_space<semaphore_mem>>) {add = true}
      %dma_wait3A_177 = arith.constant 0 : i32
      %dma_wait3A_178 = arith.constant 0 : i32
      %dma_wait3A_179 = tpu.memref_slice %arg8[%dma_wait3A_177, %dma_wait3A_178] : memref<20x50xi32, #tpu.memory_space<vmem>> -> memref<1x50xi32, #tpu.memory_space<vmem>>
      %dma_wait3A_180 = tpu.memref_squeeze %dma_wait3A_179 : memref<1x50xi32, #tpu.memory_space<vmem>> -> memref<50xi32, #tpu.memory_space<vmem>>
      %dma_wait3A_181 = arith.constant 0 : i32
      %dma_wait3A_182 = arith.constant 0 : i32
      %dma_wait3A_183 = tpu.memref_slice %arg14[%dma_wait3A_181, %dma_wait3A_182] : memref<10240x128xf32, #tpu.memory_space<vmem_shared>> -> memref<10240x128xf32, #tpu.memory_space<vmem_shared>>
      tpu.wait_indirect_dma semaphore(%arg20 : memref<!tpu.dma_semaphore, #tpu.memory_space<semaphore_mem>>) src(%arg11 : memref<50x128xf32, #tpu.memory_space<vmem>>) dst(%dma_wait3A_183 : memref<10240x128xf32, #tpu.memory_space<vmem_shared>>)
      %dma_start3A_184 = arith.constant 5 : i32
      %dma_start3A_185 = arith.constant 0 : i32
      %dma_start3A_186 = tpu.memref_slice %arg6[%dma_start3A_184, %dma_start3A_185] : memref<20x50xi32, #tpu.memory_space<vmem>> -> memref<1x50xi32, #tpu.memory_space<vmem>>
      %dma_start3A_187 = tpu.memref_squeeze %dma_start3A_186 : memref<1x50xi32, #tpu.memory_space<vmem>> -> memref<50xi32, #tpu.memory_space<vmem>>
      %dma_start3A_188 = arith.constant 0 : i32
      %dma_start3A_189 = arith.constant 0 : i32
      %dma_start3A_190 = tpu.memref_slice %arg2[%dma_start3A_188, %dma_start3A_189] : memref<10000x128xf32, #tpu.memory_space<hbm>> -> memref<10000x128xf32, #tpu.memory_space<hbm>>
      tpu.enqueue_indirect_dma source(%dma_start3A_190 : memref<10000x128xf32, #tpu.memory_space<hbm>>) target(%arg11 : memref<50x128xf32, #tpu.memory_space<vmem>>) offsets(%dma_start3A_187 : memref<50xi32, #tpu.memory_space<vmem>>) semaphore(%arg16 : memref<!tpu.dma_semaphore, #tpu.memory_space<semaphore_mem>>)
      %dma_wait3A_191 = arith.constant 0 : i32
      %dma_wait3A_192 = arith.constant 0 : i32
      %dma_wait3A_193 = tpu.memref_slice %arg6[%dma_wait3A_191, %dma_wait3A_192] : memref<20x50xi32, #tpu.memory_space<vmem>> -> memref<1x50xi32, #tpu.memory_space<vmem>>
      %dma_wait3A_194 = tpu.memref_squeeze %dma_wait3A_193 : memref<1x50xi32, #tpu.memory_space<vmem>> -> memref<50xi32, #tpu.memory_space<vmem>>
      %dma_wait3A_195 = arith.constant 0 : i32
      %dma_wait3A_196 = arith.constant 0 : i32
      %dma_wait3A_197 = tpu.memref_slice %arg2[%dma_wait3A_195, %dma_wait3A_196] : memref<10000x128xf32, #tpu.memory_space<hbm>> -> memref<10000x128xf32, #tpu.memory_space<hbm>>
      tpu.wait_indirect_dma semaphore(%arg18 : memref<!tpu.dma_semaphore, #tpu.memory_space<semaphore_mem>>) src(%dma_wait3A_197 : memref<10000x128xf32, #tpu.memory_space<hbm>>) dst(%arg13 : memref<50x128xf32, #tpu.memory_space<vmem>>)
      %dma_start3A_198 = arith.constant 3 : i32
      %dma_start3A_199 = arith.constant 0 : i32
      %dma_start3A_200 = tpu.memref_slice %arg8[%dma_start3A_198, %dma_start3A_199] : memref<20x50xi32, #tpu.memory_space<vmem>> -> memref<1x50xi32, #tpu.memory_space<vmem>>
      %dma_start3A_201 = tpu.memref_squeeze %dma_start3A_200 : memref<1x50xi32, #tpu.memory_space<vmem>> -> memref<50xi32, #tpu.memory_space<vmem>>
      %dma_start3A_202 = arith.constant 0 : i32
      %dma_start3A_203 = arith.constant 0 : i32
      %dma_start3A_204 = tpu.memref_slice %arg14[%dma_start3A_202, %dma_start3A_203] : memref<10240x128xf32, #tpu.memory_space<vmem_shared>> -> memref<10240x128xf32, #tpu.memory_space<vmem_shared>>
      tpu.enqueue_indirect_dma source(%arg13 : memref<50x128xf32, #tpu.memory_space<vmem>>) target(%dma_start3A_204 : memref<10240x128xf32, #tpu.memory_space<vmem_shared>>) offsets(%dma_start3A_201 : memref<50xi32, #tpu.memory_space<vmem>>) semaphore(%arg22 : memref<!tpu.dma_semaphore, #tpu.memory_space<semaphore_mem>>) {add = true}
      %dma_wait3A_205 = arith.constant 0 : i32
      %dma_wait3A_206 = arith.constant 0 : i32
      %dma_wait3A_207 = tpu.memref_slice %arg8[%dma_wait3A_205, %dma_wait3A_206] : memref<20x50xi32, #tpu.memory_space<vmem>> -> memref<1x50xi32, #tpu.memory_space<vmem>>
      %dma_wait3A_208 = tpu.memref_squeeze %dma_wait3A_207 : memref<1x50xi32, #tpu.memory_space<vmem>> -> memref<50xi32, #tpu.memory_space<vmem>>
      %dma_wait3A_209 = arith.constant 0 : i32
      %dma_wait3A_210 = arith.constant 0 : i32
      %dma_wait3A_211 = tpu.memref_slice %arg14[%dma_wait3A_209, %dma_wait3A_210] : memref<10240x128xf32, #tpu.memory_space<vmem_shared>> -> memref<10240x128xf32, #tpu.memory_space<vmem_shared>>
      tpu.wait_indirect_dma semaphore(%arg21 : memref<!tpu.dma_semaphore, #tpu.memory_space<semaphore_mem>>) src(%arg12 : memref<50x128xf32, #tpu.memory_space<vmem>>) dst(%dma_wait3A_211 : memref<10240x128xf32, #tpu.memory_space<vmem_shared>>)
      %dma_start3A_212 = arith.constant 6 : i32
      %dma_start3A_213 = arith.constant 0 : i32
      %dma_start3A_214 = tpu.memref_slice %arg6[%dma_start3A_212, %dma_start3A_213] : memref<20x50xi32, #tpu.memory_space<vmem>> -> memref<1x50xi32, #tpu.memory_space<vmem>>
      %dma_start3A_215 = tpu.memref_squeeze %dma_start3A_214 : memref<1x50xi32, #tpu.memory_space<vmem>> -> memref<50xi32, #tpu.memory_space<vmem>>
      %dma_start3A_216 = arith.constant 0 : i32
      %dma_start3A_217 = arith.constant 0 : i32
      %dma_start3A_218 = tpu.memref_slice %arg2[%dma_start3A_216, %dma_start3A_217] : memref<10000x128xf32, #tpu.memory_space<hbm>> -> memref<10000x128xf32, #tpu.memory_space<hbm>>
      tpu.enqueue_indirect_dma source(%dma_start3A_218 : memref<10000x128xf32, #tpu.memory_space<hbm>>) target(%arg12 : memref<50x128xf32, #tpu.memory_space<vmem>>) offsets(%dma_start3A_215 : memref<50xi32, #tpu.memory_space<vmem>>) semaphore(%arg17 : memref<!tpu.dma_semaphore, #tpu.memory_space<semaphore_mem>>)
      %dma_wait3A_219 = arith.constant 0 : i32
      %dma_wait3A_220 = arith.constant 0 : i32
      %dma_wait3A_221 = tpu.memref_slice %arg6[%dma_wait3A_219, %dma_wait3A_220] : memref<20x50xi32, #tpu.memory_space<vmem>> -> memref<1x50xi32, #tpu.memory_space<vmem>>
      %dma_wait3A_222 = tpu.memref_squeeze %dma_wait3A_221 : memref<1x50xi32, #tpu.memory_space<vmem>> -> memref<50xi32, #tpu.memory_space<vmem>>
      %dma_wait3A_223 = arith.constant 0 : i32
      %dma_wait3A_224 = arith.constant 0 : i32
      %dma_wait3A_225 = tpu.memref_slice %arg2[%dma_wait3A_223, %dma_wait3A_224] : memref<10000x128xf32, #tpu.memory_space<hbm>> -> memref<10000x128xf32, #tpu.memory_space<hbm>>
      tpu.wait_indirect_dma semaphore(%arg15 : memref<!tpu.dma_semaphore, #tpu.memory_space<semaphore_mem>>) src(%dma_wait3A_225 : memref<10000x128xf32, #tpu.memory_space<hbm>>) dst(%arg10 : memref<50x128xf32, #tpu.memory_space<vmem>>)
      %dma_start3A_226 = arith.constant 4 : i32
      %dma_start3A_227 = arith.constant 0 : i32
      %dma_start3A_228 = tpu.memref_slice %arg8[%dma_start3A_226, %dma_start3A_227] : memref<20x50xi32, #tpu.memory_space<vmem>> -> memref<1x50xi32, #tpu.memory_space<vmem>>
      %dma_start3A_229 = tpu.memref_squeeze %dma_start3A_228 : memref<1x50xi32, #tpu.memory_space<vmem>> -> memref<50xi32, #tpu.memory_space<vmem>>
      %dma_start3A_230 = arith.constant 0 : i32
      %dma_start3A_231 = arith.constant 0 : i32
      %dma_start3A_232 = tpu.memref_slice %arg14[%dma_start3A_230, %dma_start3A_231] : memref<10240x128xf32, #tpu.memory_space<vmem_shared>> -> memref<10240x128xf32, #tpu.memory_space<vmem_shared>>
      tpu.enqueue_indirect_dma source(%arg10 : memref<50x128xf32, #tpu.memory_space<vmem>>) target(%dma_start3A_232 : memref<10240x128xf32, #tpu.memory_space<vmem_shared>>) offsets(%dma_start3A_229 : memref<50xi32, #tpu.memory_space<vmem>>) semaphore(%arg19 : memref<!tpu.dma_semaphore, #tpu.memory_space<semaphore_mem>>) {add = true}
      %dma_wait3A_233 = arith.constant 0 : i32
      %dma_wait3A_234 = arith.constant 0 : i32
      %dma_wait3A_235 = tpu.memref_slice %arg8[%dma_wait3A_233, %dma_wait3A_234] : memref<20x50xi32, #tpu.memory_space<vmem>> -> memref<1x50xi32, #tpu.memory_space<vmem>>
      %dma_wait3A_236 = tpu.memref_squeeze %dma_wait3A_235 : memref<1x50xi32, #tpu.memory_space<vmem>> -> memref<50xi32, #tpu.memory_space<vmem>>
      %dma_wait3A_237 = arith.constant 0 : i32
      %dma_wait3A_238 = arith.constant 0 : i32
      %dma_wait3A_239 = tpu.memref_slice %arg14[%dma_wait3A_237, %dma_wait3A_238] : memref<10240x128xf32, #tpu.memory_space<vmem_shared>> -> memref<10240x128xf32, #tpu.memory_space<vmem_shared>>
      tpu.wait_indirect_dma semaphore(%arg22 : memref<!tpu.dma_semaphore, #tpu.memory_space<semaphore_mem>>) src(%arg13 : memref<50x128xf32, #tpu.memory_space<vmem>>) dst(%dma_wait3A_239 : memref<10240x128xf32, #tpu.memory_space<vmem_shared>>)
      %dma_start3A_240 = arith.constant 7 : i32
      %dma_start3A_241 = arith.constant 0 : i32
      %dma_start3A_242 = tpu.memref_slice %arg6[%dma_start3A_240, %dma_start3A_241] : memref<20x50xi32, #tpu.memory_space<vmem>> -> memref<1x50xi32, #tpu.memory_space<vmem>>
      %dma_start3A_243 = tpu.memref_squeeze %dma_start3A_242 : memref<1x50xi32, #tpu.memory_space<vmem>> -> memref<50xi32, #tpu.memory_space<vmem>>
      %dma_start3A_244 = arith.constant 0 : i32
      %dma_start3A_245 = arith.constant 0 : i32
      %dma_start3A_246 = tpu.memref_slice %arg2[%dma_start3A_244, %dma_start3A_245] : memref<10000x128xf32, #tpu.memory_space<hbm>> -> memref<10000x128xf32, #tpu.memory_space<hbm>>
      tpu.enqueue_indirect_dma source(%dma_start3A_246 : memref<10000x128xf32, #tpu.memory_space<hbm>>) target(%arg13 : memref<50x128xf32, #tpu.memory_space<vmem>>) offsets(%dma_start3A_243 : memref<50xi32, #tpu.memory_space<vmem>>) semaphore(%arg18 : memref<!tpu.dma_semaphore, #tpu.memory_space<semaphore_mem>>)
      %dma_wait3A_247 = arith.constant 0 : i32
      %dma_wait3A_248 = arith.constant 0 : i32
      %dma_wait3A_249 = tpu.memref_slice %arg6[%dma_wait3A_247, %dma_wait3A_248] : memref<20x50xi32, #tpu.memory_space<vmem>> -> memref<1x50xi32, #tpu.memory_space<vmem>>
      %dma_wait3A_250 = tpu.memref_squeeze %dma_wait3A_249 : memref<1x50xi32, #tpu.memory_space<vmem>> -> memref<50xi32, #tpu.memory_space<vmem>>
      %dma_wait3A_251 = arith.constant 0 : i32
      %dma_wait3A_252 = arith.constant 0 : i32
      %dma_wait3A_253 = tpu.memref_slice %arg2[%dma_wait3A_251, %dma_wait3A_252] : memref<10000x128xf32, #tpu.memory_space<hbm>> -> memref<10000x128xf32, #tpu.memory_space<hbm>>
      tpu.wait_indirect_dma semaphore(%arg16 : memref<!tpu.dma_semaphore, #tpu.memory_space<semaphore_mem>>) src(%dma_wait3A_253 : memref<10000x128xf32, #tpu.memory_space<hbm>>) dst(%arg11 : memref<50x128xf32, #tpu.memory_space<vmem>>)
      %dma_start3A_254 = arith.constant 5 : i32
      %dma_start3A_255 = arith.constant 0 : i32
      %dma_start3A_256 = tpu.memref_slice %arg8[%dma_start3A_254, %dma_start3A_255] : memref<20x50xi32, #tpu.memory_space<vmem>> -> memref<1x50xi32, #tpu.memory_space<vmem>>
      %dma_start3A_257 = tpu.memref_squeeze %dma_start3A_256 : memref<1x50xi32, #tpu.memory_space<vmem>> -> memref<50xi32, #tpu.memory_space<vmem>>
      %dma_start3A_258 = arith.constant 0 : i32
      %dma_start3A_259 = arith.constant 0 : i32
      %dma_start3A_260 = tpu.memref_slice %arg14[%dma_start3A_258, %dma_start3A_259] : memref<10240x128xf32, #tpu.memory_space<vmem_shared>> -> memref<10240x128xf32, #tpu.memory_space<vmem_shared>>
      tpu.enqueue_indirect_dma source(%arg11 : memref<50x128xf32, #tpu.memory_space<vmem>>) target(%dma_start3A_260 : memref<10240x128xf32, #tpu.memory_space<vmem_shared>>) offsets(%dma_start3A_257 : memref<50xi32, #tpu.memory_space<vmem>>) semaphore(%arg20 : memref<!tpu.dma_semaphore, #tpu.memory_space<semaphore_mem>>) {add = true}
      %dma_wait3A_261 = arith.constant 0 : i32
      %dma_wait3A_262 = arith.constant 0 : i32
      %dma_wait3A_263 = tpu.memref_slice %arg8[%dma_wait3A_261, %dma_wait3A_262] : memref<20x50xi32, #tpu.memory_space<vmem>> -> memref<1x50xi32, #tpu.memory_space<vmem>>
      %dma_wait3A_264 = tpu.memref_squeeze %dma_wait3A_263 : memref<1x50xi32, #tpu.memory_space<vmem>> -> memref<50xi32, #tpu.memory_space<vmem>>
      %dma_wait3A_265 = arith.constant 0 : i32
      %dma_wait3A_266 = arith.constant 0 : i32
      %dma_wait3A_267 = tpu.memref_slice %arg14[%dma_wait3A_265, %dma_wait3A_266] : memref<10240x128xf32, #tpu.memory_space<vmem_shared>> -> memref<10240x128xf32, #tpu.memory_space<vmem_shared>>
      tpu.wait_indirect_dma semaphore(%arg19 : memref<!tpu.dma_semaphore, #tpu.memory_space<semaphore_mem>>) src(%arg10 : memref<50x128xf32, #tpu.memory_space<vmem>>) dst(%dma_wait3A_267 : memref<10240x128xf32, #tpu.memory_space<vmem_shared>>)
      %dma_start3A_268 = arith.constant 8 : i32
      %dma_start3A_269 = arith.constant 0 : i32
      %dma_start3A_270 = tpu.memref_slice %arg6[%dma_start3A_268, %dma_start3A_269] : memref<20x50xi32, #tpu.memory_space<vmem>> -> memref<1x50xi32, #tpu.memory_space<vmem>>
      %dma_start3A_271 = tpu.memref_squeeze %dma_start3A_270 : memref<1x50xi32, #tpu.memory_space<vmem>> -> memref<50xi32, #tpu.memory_space<vmem>>
      %dma_start3A_272 = arith.constant 0 : i32
      %dma_start3A_273 = arith.constant 0 : i32
      %dma_start3A_274 = tpu.memref_slice %arg2[%dma_start3A_272, %dma_start3A_273] : memref<10000x128xf32, #tpu.memory_space<hbm>> -> memref<10000x128xf32, #tpu.memory_space<hbm>>
      tpu.enqueue_indirect_dma source(%dma_start3A_274 : memref<10000x128xf32, #tpu.memory_space<hbm>>) target(%arg10 : memref<50x128xf32, #tpu.memory_space<vmem>>) offsets(%dma_start3A_271 : memref<50xi32, #tpu.memory_space<vmem>>) semaphore(%arg15 : memref<!tpu.dma_semaphore, #tpu.memory_space<semaphore_mem>>)
      %dma_wait3A_275 = arith.constant 0 : i32
      %dma_wait3A_276 = arith.constant 0 : i32
      %dma_wait3A_277 = tpu.memref_slice %arg6[%dma_wait3A_275, %dma_wait3A_276] : memref<20x50xi32, #tpu.memory_space<vmem>> -> memref<1x50xi32, #tpu.memory_space<vmem>>
      %dma_wait3A_278 = tpu.memref_squeeze %dma_wait3A_277 : memref<1x50xi32, #tpu.memory_space<vmem>> -> memref<50xi32, #tpu.memory_space<vmem>>
      %dma_wait3A_279 = arith.constant 0 : i32
      %dma_wait3A_280 = arith.constant 0 : i32
      %dma_wait3A_281 = tpu.memref_slice %arg2[%dma_wait3A_279, %dma_wait3A_280] : memref<10000x128xf32, #tpu.memory_space<hbm>> -> memref<10000x128xf32, #tpu.memory_space<hbm>>
      tpu.wait_indirect_dma semaphore(%arg17 : memref<!tpu.dma_semaphore, #tpu.memory_space<semaphore_mem>>) src(%dma_wait3A_281 : memref<10000x128xf32, #tpu.memory_space<hbm>>) dst(%arg12 : memref<50x128xf32, #tpu.memory_space<vmem>>)
      %dma_start3A_282 = arith.constant 6 : i32
      %dma_start3A_283 = arith.constant 0 : i32
      %dma_start3A_284 = tpu.memref_slice %arg8[%dma_start3A_282, %dma_start3A_283] : memref<20x50xi32, #tpu.memory_space<vmem>> -> memref<1x50xi32, #tpu.memory_space<vmem>>
      %dma_start3A_285 = tpu.memref_squeeze %dma_start3A_284 : memref<1x50xi32, #tpu.memory_space<vmem>> -> memref<50xi32, #tpu.memory_space<vmem>>
      %dma_start3A_286 = arith.constant 0 : i32
      %dma_start3A_287 = arith.constant 0 : i32
      %dma_start3A_288 = tpu.memref_slice %arg14[%dma_start3A_286, %dma_start3A_287] : memref<10240x128xf32, #tpu.memory_space<vmem_shared>> -> memref<10240x128xf32, #tpu.memory_space<vmem_shared>>
      tpu.enqueue_indirect_dma source(%arg12 : memref<50x128xf32, #tpu.memory_space<vmem>>) target(%dma_start3A_288 : memref<10240x128xf32, #tpu.memory_space<vmem_shared>>) offsets(%dma_start3A_285 : memref<50xi32, #tpu.memory_space<vmem>>) semaphore(%arg21 : memref<!tpu.dma_semaphore, #tpu.memory_space<semaphore_mem>>) {add = true}
      %dma_wait3A_289 = arith.constant 0 : i32
      %dma_wait3A_290 = arith.constant 0 : i32
      %dma_wait3A_291 = tpu.memref_slice %arg8[%dma_wait3A_289, %dma_wait3A_290] : memref<20x50xi32, #tpu.memory_space<vmem>> -> memref<1x50xi32, #tpu.memory_space<vmem>>
      %dma_wait3A_292 = tpu.memref_squeeze %dma_wait3A_291 : memref<1x50xi32, #tpu.memory_space<vmem>> -> memref<50xi32, #tpu.memory_space<vmem>>
      %dma_wait3A_293 = arith.constant 0 : i32
      %dma_wait3A_294 = arith.constant 0 : i32
      %dma_wait3A_295 = tpu.memref_slice %arg14[%dma_wait3A_293, %dma_wait3A_294] : memref<10240x128xf32, #tpu.memory_space<vmem_shared>> -> memref<10240x128xf32, #tpu.memory_space<vmem_shared>>
      tpu.wait_indirect_dma semaphore(%arg20 : memref<!tpu.dma_semaphore, #tpu.memory_space<semaphore_mem>>) src(%arg11 : memref<50x128xf32, #tpu.memory_space<vmem>>) dst(%dma_wait3A_295 : memref<10240x128xf32, #tpu.memory_space<vmem_shared>>)
      %dma_start3A_296 = arith.constant 9 : i32
      %dma_start3A_297 = arith.constant 0 : i32
      %dma_start3A_298 = tpu.memref_slice %arg6[%dma_start3A_296, %dma_start3A_297] : memref<20x50xi32, #tpu.memory_space<vmem>> -> memref<1x50xi32, #tpu.memory_space<vmem>>
      %dma_start3A_299 = tpu.memref_squeeze %dma_start3A_298 : memref<1x50xi32, #tpu.memory_space<vmem>> -> memref<50xi32, #tpu.memory_space<vmem>>
      %dma_start3A_300 = arith.constant 0 : i32
      %dma_start3A_301 = arith.constant 0 : i32
      %dma_start3A_302 = tpu.memref_slice %arg2[%dma_start3A_300, %dma_start3A_301] : memref<10000x128xf32, #tpu.memory_space<hbm>> -> memref<10000x128xf32, #tpu.memory_space<hbm>>
      tpu.enqueue_indirect_dma source(%dma_start3A_302 : memref<10000x128xf32, #tpu.memory_space<hbm>>) target(%arg11 : memref<50x128xf32, #tpu.memory_space<vmem>>) offsets(%dma_start3A_299 : memref<50xi32, #tpu.memory_space<vmem>>) semaphore(%arg16 : memref<!tpu.dma_semaphore, #tpu.memory_space<semaphore_mem>>)
      %dma_wait3A_303 = arith.constant 0 : i32
      %dma_wait3A_304 = arith.constant 0 : i32
      %dma_wait3A_305 = tpu.memref_slice %arg6[%dma_wait3A_303, %dma_wait3A_304] : memref<20x50xi32, #tpu.memory_space<vmem>> -> memref<1x50xi32, #tpu.memory_space<vmem>>
      %dma_wait3A_306 = tpu.memref_squeeze %dma_wait3A_305 : memref<1x50xi32, #tpu.memory_space<vmem>> -> memref<50xi32, #tpu.memory_space<vmem>>
      %dma_wait3A_307 = arith.constant 0 : i32
      %dma_wait3A_308 = arith.constant 0 : i32
      %dma_wait3A_309 = tpu.memref_slice %arg2[%dma_wait3A_307, %dma_wait3A_308] : memref<10000x128xf32, #tpu.memory_space<hbm>> -> memref<10000x128xf32, #tpu.memory_space<hbm>>
      tpu.wait_indirect_dma semaphore(%arg18 : memref<!tpu.dma_semaphore, #tpu.memory_space<semaphore_mem>>) src(%dma_wait3A_309 : memref<10000x128xf32, #tpu.memory_space<hbm>>) dst(%arg13 : memref<50x128xf32, #tpu.memory_space<vmem>>)
      %dma_start3A_310 = arith.constant 7 : i32
      %dma_start3A_311 = arith.constant 0 : i32
      %dma_start3A_312 = tpu.memref_slice %arg8[%dma_start3A_310, %dma_start3A_311] : memref<20x50xi32, #tpu.memory_space<vmem>> -> memref<1x50xi32, #tpu.memory_space<vmem>>
      %dma_start3A_313 = tpu.memref_squeeze %dma_start3A_312 : memref<1x50xi32, #tpu.memory_space<vmem>> -> memref<50xi32, #tpu.memory_space<vmem>>
      %dma_start3A_314 = arith.constant 0 : i32
      %dma_start3A_315 = arith.constant 0 : i32
      %dma_start3A_316 = tpu.memref_slice %arg14[%dma_start3A_314, %dma_start3A_315] : memref<10240x128xf32, #tpu.memory_space<vmem_shared>> -> memref<10240x128xf32, #tpu.memory_space<vmem_shared>>
      tpu.enqueue_indirect_dma source(%arg13 : memref<50x128xf32, #tpu.memory_space<vmem>>) target(%dma_start3A_316 : memref<10240x128xf32, #tpu.memory_space<vmem_shared>>) offsets(%dma_start3A_313 : memref<50xi32, #tpu.memory_space<vmem>>) semaphore(%arg22 : memref<!tpu.dma_semaphore, #tpu.memory_space<semaphore_mem>>) {add = true}
      %dma_wait3A_317 = arith.constant 0 : i32
      %dma_wait3A_318 = arith.constant 0 : i32
      %dma_wait3A_319 = tpu.memref_slice %arg8[%dma_wait3A_317, %dma_wait3A_318] : memref<20x50xi32, #tpu.memory_space<vmem>> -> memref<1x50xi32, #tpu.memory_space<vmem>>
      %dma_wait3A_320 = tpu.memref_squeeze %dma_wait3A_319 : memref<1x50xi32, #tpu.memory_space<vmem>> -> memref<50xi32, #tpu.memory_space<vmem>>
      %dma_wait3A_321 = arith.constant 0 : i32
      %dma_wait3A_322 = arith.constant 0 : i32
      %dma_wait3A_323 = tpu.memref_slice %arg14[%dma_wait3A_321, %dma_wait3A_322] : memref<10240x128xf32, #tpu.memory_space<vmem_shared>> -> memref<10240x128xf32, #tpu.memory_space<vmem_shared>>
      tpu.wait_indirect_dma semaphore(%arg21 : memref<!tpu.dma_semaphore, #tpu.memory_space<semaphore_mem>>) src(%arg12 : memref<50x128xf32, #tpu.memory_space<vmem>>) dst(%dma_wait3A_323 : memref<10240x128xf32, #tpu.memory_space<vmem_shared>>)
      %dma_start3A_324 = arith.constant 10 : i32
      %dma_start3A_325 = arith.constant 0 : i32
      %dma_start3A_326 = tpu.memref_slice %arg6[%dma_start3A_324, %dma_start3A_325] : memref<20x50xi32, #tpu.memory_space<vmem>> -> memref<1x50xi32, #tpu.memory_space<vmem>>
      %dma_start3A_327 = tpu.memref_squeeze %dma_start3A_326 : memref<1x50xi32, #tpu.memory_space<vmem>> -> memref<50xi32, #tpu.memory_space<vmem>>
      %dma_start3A_328 = arith.constant 0 : i32
      %dma_start3A_329 = arith.constant 0 : i32
      %dma_start3A_330 = tpu.memref_slice %arg2[%dma_start3A_328, %dma_start3A_329] : memref<10000x128xf32, #tpu.memory_space<hbm>> -> memref<10000x128xf32, #tpu.memory_space<hbm>>
      tpu.enqueue_indirect_dma source(%dma_start3A_330 : memref<10000x128xf32, #tpu.memory_space<hbm>>) target(%arg12 : memref<50x128xf32, #tpu.memory_space<vmem>>) offsets(%dma_start3A_327 : memref<50xi32, #tpu.memory_space<vmem>>) semaphore(%arg17 : memref<!tpu.dma_semaphore, #tpu.memory_space<semaphore_mem>>)
      %dma_wait3A_331 = arith.constant 0 : i32
      %dma_wait3A_332 = arith.constant 0 : i32
      %dma_wait3A_333 = tpu.memref_slice %arg6[%dma_wait3A_331, %dma_wait3A_332] : memref<20x50xi32, #tpu.memory_space<vmem>> -> memref<1x50xi32, #tpu.memory_space<vmem>>
      %dma_wait3A_334 = tpu.memref_squeeze %dma_wait3A_333 : memref<1x50xi32, #tpu.memory_space<vmem>> -> memref<50xi32, #tpu.memory_space<vmem>>
      %dma_wait3A_335 = arith.constant 0 : i32
      %dma_wait3A_336 = arith.constant 0 : i32
      %dma_wait3A_337 = tpu.memref_slice %arg2[%dma_wait3A_335, %dma_wait3A_336] : memref<10000x128xf32, #tpu.memory_space<hbm>> -> memref<10000x128xf32, #tpu.memory_space<hbm>>
      tpu.wait_indirect_dma semaphore(%arg15 : memref<!tpu.dma_semaphore, #tpu.memory_space<semaphore_mem>>) src(%dma_wait3A_337 : memref<10000x128xf32, #tpu.memory_space<hbm>>) dst(%arg10 : memref<50x128xf32, #tpu.memory_space<vmem>>)
      %dma_start3A_338 = arith.constant 8 : i32
      %dma_start3A_339 = arith.constant 0 : i32
      %dma_start3A_340 = tpu.memref_slice %arg8[%dma_start3A_338, %dma_start3A_339] : memref<20x50xi32, #tpu.memory_space<vmem>> -> memref<1x50xi32, #tpu.memory_space<vmem>>
      %dma_start3A_341 = tpu.memref_squeeze %dma_start3A_340 : memref<1x50xi32, #tpu.memory_space<vmem>> -> memref<50xi32, #tpu.memory_space<vmem>>
      %dma_start3A_342 = arith.constant 0 : i32
      %dma_start3A_343 = arith.constant 0 : i32
      %dma_start3A_344 = tpu.memref_slice %arg14[%dma_start3A_342, %dma_start3A_343] : memref<10240x128xf32, #tpu.memory_space<vmem_shared>> -> memref<10240x128xf32, #tpu.memory_space<vmem_shared>>
      tpu.enqueue_indirect_dma source(%arg10 : memref<50x128xf32, #tpu.memory_space<vmem>>) target(%dma_start3A_344 : memref<10240x128xf32, #tpu.memory_space<vmem_shared>>) offsets(%dma_start3A_341 : memref<50xi32, #tpu.memory_space<vmem>>) semaphore(%arg19 : memref<!tpu.dma_semaphore, #tpu.memory_space<semaphore_mem>>) {add = true}
      %dma_wait3A_345 = arith.constant 0 : i32
      %dma_wait3A_346 = arith.constant 0 : i32
      %dma_wait3A_347 = tpu.memref_slice %arg8[%dma_wait3A_345, %dma_wait3A_346] : memref<20x50xi32, #tpu.memory_space<vmem>> -> memref<1x50xi32, #tpu.memory_space<vmem>>
      %dma_wait3A_348 = tpu.memref_squeeze %dma_wait3A_347 : memref<1x50xi32, #tpu.memory_space<vmem>> -> memref<50xi32, #tpu.memory_space<vmem>>
      %dma_wait3A_349 = arith.constant 0 : i32
      %dma_wait3A_350 = arith.constant 0 : i32
      %dma_wait3A_351 = tpu.memref_slice %arg14[%dma_wait3A_349, %dma_wait3A_350] : memref<10240x128xf32, #tpu.memory_space<vmem_shared>> -> memref<10240x128xf32, #tpu.memory_space<vmem_shared>>
      tpu.wait_indirect_dma semaphore(%arg22 : memref<!tpu.dma_semaphore, #tpu.memory_space<semaphore_mem>>) src(%arg13 : memref<50x128xf32, #tpu.memory_space<vmem>>) dst(%dma_wait3A_351 : memref<10240x128xf32, #tpu.memory_space<vmem_shared>>)
      %dma_start3A_352 = arith.constant 11 : i32
      %dma_start3A_353 = arith.constant 0 : i32
      %dma_start3A_354 = tpu.memref_slice %arg6[%dma_start3A_352, %dma_start3A_353] : memref<20x50xi32, #tpu.memory_space<vmem>> -> memref<1x50xi32, #tpu.memory_space<vmem>>
      %dma_start3A_355 = tpu.memref_squeeze %dma_start3A_354 : memref<1x50xi32, #tpu.memory_space<vmem>> -> memref<50xi32, #tpu.memory_space<vmem>>
      %dma_start3A_356 = arith.constant 0 : i32
      %dma_start3A_357 = arith.constant 0 : i32
      %dma_start3A_358 = tpu.memref_slice %arg2[%dma_start3A_356, %dma_start3A_357] : memref<10000x128xf32, #tpu.memory_space<hbm>> -> memref<10000x128xf32, #tpu.memory_space<hbm>>
      tpu.enqueue_indirect_dma source(%dma_start3A_358 : memref<10000x128xf32, #tpu.memory_space<hbm>>) target(%arg13 : memref<50x128xf32, #tpu.memory_space<vmem>>) offsets(%dma_start3A_355 : memref<50xi32, #tpu.memory_space<vmem>>) semaphore(%arg18 : memref<!tpu.dma_semaphore, #tpu.memory_space<semaphore_mem>>)
      %dma_wait3A_359 = arith.constant 0 : i32
      %dma_wait3A_360 = arith.constant 0 : i32
      %dma_wait3A_361 = tpu.memref_slice %arg6[%dma_wait3A_359, %dma_wait3A_360] : memref<20x50xi32, #tpu.memory_space<vmem>> -> memref<1x50xi32, #tpu.memory_space<vmem>>
      %dma_wait3A_362 = tpu.memref_squeeze %dma_wait3A_361 : memref<1x50xi32, #tpu.memory_space<vmem>> -> memref<50xi32, #tpu.memory_space<vmem>>
      %dma_wait3A_363 = arith.constant 0 : i32
      %dma_wait3A_364 = arith.constant 0 : i32
      %dma_wait3A_365 = tpu.memref_slice %arg2[%dma_wait3A_363, %dma_wait3A_364] : memref<10000x128xf32, #tpu.memory_space<hbm>> -> memref<10000x128xf32, #tpu.memory_space<hbm>>
      tpu.wait_indirect_dma semaphore(%arg16 : memref<!tpu.dma_semaphore, #tpu.memory_space<semaphore_mem>>) src(%dma_wait3A_365 : memref<10000x128xf32, #tpu.memory_space<hbm>>) dst(%arg11 : memref<50x128xf32, #tpu.memory_space<vmem>>)
      %dma_start3A_366 = arith.constant 9 : i32
      %dma_start3A_367 = arith.constant 0 : i32
      %dma_start3A_368 = tpu.memref_slice %arg8[%dma_start3A_366, %dma_start3A_367] : memref<20x50xi32, #tpu.memory_space<vmem>> -> memref<1x50xi32, #tpu.memory_space<vmem>>
      %dma_start3A_369 = tpu.memref_squeeze %dma_start3A_368 : memref<1x50xi32, #tpu.memory_space<vmem>> -> memref<50xi32, #tpu.memory_space<vmem>>
      %dma_start3A_370 = arith.constant 0 : i32
      %dma_start3A_371 = arith.constant 0 : i32
      %dma_start3A_372 = tpu.memref_slice %arg14[%dma_start3A_370, %dma_start3A_371] : memref<10240x128xf32, #tpu.memory_space<vmem_shared>> -> memref<10240x128xf32, #tpu.memory_space<vmem_shared>>
      tpu.enqueue_indirect_dma source(%arg11 : memref<50x128xf32, #tpu.memory_space<vmem>>) target(%dma_start3A_372 : memref<10240x128xf32, #tpu.memory_space<vmem_shared>>) offsets(%dma_start3A_369 : memref<50xi32, #tpu.memory_space<vmem>>) semaphore(%arg20 : memref<!tpu.dma_semaphore, #tpu.memory_space<semaphore_mem>>) {add = true}
      %dma_wait3A_373 = arith.constant 0 : i32
      %dma_wait3A_374 = arith.constant 0 : i32
      %dma_wait3A_375 = tpu.memref_slice %arg8[%dma_wait3A_373, %dma_wait3A_374] : memref<20x50xi32, #tpu.memory_space<vmem>> -> memref<1x50xi32, #tpu.memory_space<vmem>>
      %dma_wait3A_376 = tpu.memref_squeeze %dma_wait3A_375 : memref<1x50xi32, #tpu.memory_space<vmem>> -> memref<50xi32, #tpu.memory_space<vmem>>
      %dma_wait3A_377 = arith.constant 0 : i32
      %dma_wait3A_378 = arith.constant 0 : i32
      %dma_wait3A_379 = tpu.memref_slice %arg14[%dma_wait3A_377, %dma_wait3A_378] : memref<10240x128xf32, #tpu.memory_space<vmem_shared>> -> memref<10240x128xf32, #tpu.memory_space<vmem_shared>>
      tpu.wait_indirect_dma semaphore(%arg19 : memref<!tpu.dma_semaphore, #tpu.memory_space<semaphore_mem>>) src(%arg10 : memref<50x128xf32, #tpu.memory_space<vmem>>) dst(%dma_wait3A_379 : memref<10240x128xf32, #tpu.memory_space<vmem_shared>>)
      %dma_start3A_380 = arith.constant 12 : i32
      %dma_start3A_381 = arith.constant 0 : i32
      %dma_start3A_382 = tpu.memref_slice %arg6[%dma_start3A_380, %dma_start3A_381] : memref<20x50xi32, #tpu.memory_space<vmem>> -> memref<1x50xi32, #tpu.memory_space<vmem>>
      %dma_start3A_383 = tpu.memref_squeeze %dma_start3A_382 : memref<1x50xi32, #tpu.memory_space<vmem>> -> memref<50xi32, #tpu.memory_space<vmem>>
      %dma_start3A_384 = arith.constant 0 : i32
      %dma_start3A_385 = arith.constant 0 : i32
      %dma_start3A_386 = tpu.memref_slice %arg2[%dma_start3A_384, %dma_start3A_385] : memref<10000x128xf32, #tpu.memory_space<hbm>> -> memref<10000x128xf32, #tpu.memory_space<hbm>>
      tpu.enqueue_indirect_dma source(%dma_start3A_386 : memref<10000x128xf32, #tpu.memory_space<hbm>>) target(%arg10 : memref<50x128xf32, #tpu.memory_space<vmem>>) offsets(%dma_start3A_383 : memref<50xi32, #tpu.memory_space<vmem>>) semaphore(%arg15 : memref<!tpu.dma_semaphore, #tpu.memory_space<semaphore_mem>>)
      %dma_wait3A_387 = arith.constant 0 : i32
      %dma_wait3A_388 = arith.constant 0 : i32
      %dma_wait3A_389 = tpu.memref_slice %arg6[%dma_wait3A_387, %dma_wait3A_388] : memref<20x50xi32, #tpu.memory_space<vmem>> -> memref<1x50xi32, #tpu.memory_space<vmem>>
      %dma_wait3A_390 = tpu.memref_squeeze %dma_wait3A_389 : memref<1x50xi32, #tpu.memory_space<vmem>> -> memref<50xi32, #tpu.memory_space<vmem>>
      %dma_wait3A_391 = arith.constant 0 : i32
      %dma_wait3A_392 = arith.constant 0 : i32
      %dma_wait3A_393 = tpu.memref_slice %arg2[%dma_wait3A_391, %dma_wait3A_392] : memref<10000x128xf32, #tpu.memory_space<hbm>> -> memref<10000x128xf32, #tpu.memory_space<hbm>>
      tpu.wait_indirect_dma semaphore(%arg17 : memref<!tpu.dma_semaphore, #tpu.memory_space<semaphore_mem>>) src(%dma_wait3A_393 : memref<10000x128xf32, #tpu.memory_space<hbm>>) dst(%arg12 : memref<50x128xf32, #tpu.memory_space<vmem>>)
      %dma_start3A_394 = arith.constant 10 : i32
      %dma_start3A_395 = arith.constant 0 : i32
      %dma_start3A_396 = tpu.memref_slice %arg8[%dma_start3A_394, %dma_start3A_395] : memref<20x50xi32, #tpu.memory_space<vmem>> -> memref<1x50xi32, #tpu.memory_space<vmem>>
      %dma_start3A_397 = tpu.memref_squeeze %dma_start3A_396 : memref<1x50xi32, #tpu.memory_space<vmem>> -> memref<50xi32, #tpu.memory_space<vmem>>
      %dma_start3A_398 = arith.constant 0 : i32
      %dma_start3A_399 = arith.constant 0 : i32
      %dma_start3A_400 = tpu.memref_slice %arg14[%dma_start3A_398, %dma_start3A_399] : memref<10240x128xf32, #tpu.memory_space<vmem_shared>> -> memref<10240x128xf32, #tpu.memory_space<vmem_shared>>
      tpu.enqueue_indirect_dma source(%arg12 : memref<50x128xf32, #tpu.memory_space<vmem>>) target(%dma_start3A_400 : memref<10240x128xf32, #tpu.memory_space<vmem_shared>>) offsets(%dma_start3A_397 : memref<50xi32, #tpu.memory_space<vmem>>) semaphore(%arg21 : memref<!tpu.dma_semaphore, #tpu.memory_space<semaphore_mem>>) {add = true}
      %dma_wait3A_401 = arith.constant 0 : i32
      %dma_wait3A_402 = arith.constant 0 : i32
      %dma_wait3A_403 = tpu.memref_slice %arg8[%dma_wait3A_401, %dma_wait3A_402] : memref<20x50xi32, #tpu.memory_space<vmem>> -> memref<1x50xi32, #tpu.memory_space<vmem>>
      %dma_wait3A_404 = tpu.memref_squeeze %dma_wait3A_403 : memref<1x50xi32, #tpu.memory_space<vmem>> -> memref<50xi32, #tpu.memory_space<vmem>>
      %dma_wait3A_405 = arith.constant 0 : i32
      %dma_wait3A_406 = arith.constant 0 : i32
      %dma_wait3A_407 = tpu.memref_slice %arg14[%dma_wait3A_405, %dma_wait3A_406] : memref<10240x128xf32, #tpu.memory_space<vmem_shared>> -> memref<10240x128xf32, #tpu.memory_space<vmem_shared>>
      tpu.wait_indirect_dma semaphore(%arg20 : memref<!tpu.dma_semaphore, #tpu.memory_space<semaphore_mem>>) src(%arg11 : memref<50x128xf32, #tpu.memory_space<vmem>>) dst(%dma_wait3A_407 : memref<10240x128xf32, #tpu.memory_space<vmem_shared>>)
      %dma_start3A_408 = arith.constant 13 : i32
      %dma_start3A_409 = arith.constant 0 : i32
      %dma_start3A_410 = tpu.memref_slice %arg6[%dma_start3A_408, %dma_start3A_409] : memref<20x50xi32, #tpu.memory_space<vmem>> -> memref<1x50xi32, #tpu.memory_space<vmem>>
      %dma_start3A_411 = tpu.memref_squeeze %dma_start3A_410 : memref<1x50xi32, #tpu.memory_space<vmem>> -> memref<50xi32, #tpu.memory_space<vmem>>
      %dma_start3A_412 = arith.constant 0 : i32
      %dma_start3A_413 = arith.constant 0 : i32
      %dma_start3A_414 = tpu.memref_slice %arg2[%dma_start3A_412, %dma_start3A_413] : memref<10000x128xf32, #tpu.memory_space<hbm>> -> memref<10000x128xf32, #tpu.memory_space<hbm>>
      tpu.enqueue_indirect_dma source(%dma_start3A_414 : memref<10000x128xf32, #tpu.memory_space<hbm>>) target(%arg11 : memref<50x128xf32, #tpu.memory_space<vmem>>) offsets(%dma_start3A_411 : memref<50xi32, #tpu.memory_space<vmem>>) semaphore(%arg16 : memref<!tpu.dma_semaphore, #tpu.memory_space<semaphore_mem>>)
      %dma_wait3A_415 = arith.constant 0 : i32
      %dma_wait3A_416 = arith.constant 0 : i32
      %dma_wait3A_417 = tpu.memref_slice %arg6[%dma_wait3A_415, %dma_wait3A_416] : memref<20x50xi32, #tpu.memory_space<vmem>> -> memref<1x50xi32, #tpu.memory_space<vmem>>
      %dma_wait3A_418 = tpu.memref_squeeze %dma_wait3A_417 : memref<1x50xi32, #tpu.memory_space<vmem>> -> memref<50xi32, #tpu.memory_space<vmem>>
      %dma_wait3A_419 = arith.constant 0 : i32
      %dma_wait3A_420 = arith.constant 0 : i32
      %dma_wait3A_421 = tpu.memref_slice %arg2[%dma_wait3A_419, %dma_wait3A_420] : memref<10000x128xf32, #tpu.memory_space<hbm>> -> memref<10000x128xf32, #tpu.memory_space<hbm>>
      tpu.wait_indirect_dma semaphore(%arg18 : memref<!tpu.dma_semaphore, #tpu.memory_space<semaphore_mem>>) src(%dma_wait3A_421 : memref<10000x128xf32, #tpu.memory_space<hbm>>) dst(%arg13 : memref<50x128xf32, #tpu.memory_space<vmem>>)
      %dma_start3A_422 = arith.constant 11 : i32
      %dma_start3A_423 = arith.constant 0 : i32
      %dma_start3A_424 = tpu.memref_slice %arg8[%dma_start3A_422, %dma_start3A_423] : memref<20x50xi32, #tpu.memory_space<vmem>> -> memref<1x50xi32, #tpu.memory_space<vmem>>
      %dma_start3A_425 = tpu.memref_squeeze %dma_start3A_424 : memref<1x50xi32, #tpu.memory_space<vmem>> -> memref<50xi32, #tpu.memory_space<vmem>>
      %dma_start3A_426 = arith.constant 0 : i32
      %dma_start3A_427 = arith.constant 0 : i32
      %dma_start3A_428 = tpu.memref_slice %arg14[%dma_start3A_426, %dma_start3A_427] : memref<10240x128xf32, #tpu.memory_space<vmem_shared>> -> memref<10240x128xf32, #tpu.memory_space<vmem_shared>>
      tpu.enqueue_indirect_dma source(%arg13 : memref<50x128xf32, #tpu.memory_space<vmem>>) target(%dma_start3A_428 : memref<10240x128xf32, #tpu.memory_space<vmem_shared>>) offsets(%dma_start3A_425 : memref<50xi32, #tpu.memory_space<vmem>>) semaphore(%arg22 : memref<!tpu.dma_semaphore, #tpu.memory_space<semaphore_mem>>) {add = true}
      %dma_wait3A_429 = arith.constant 0 : i32
      %dma_wait3A_430 = arith.constant 0 : i32
      %dma_wait3A_431 = tpu.memref_slice %arg8[%dma_wait3A_429, %dma_wait3A_430] : memref<20x50xi32, #tpu.memory_space<vmem>> -> memref<1x50xi32, #tpu.memory_space<vmem>>
      %dma_wait3A_432 = tpu.memref_squeeze %dma_wait3A_431 : memref<1x50xi32, #tpu.memory_space<vmem>> -> memref<50xi32, #tpu.memory_space<vmem>>
      %dma_wait3A_433 = arith.constant 0 : i32
      %dma_wait3A_434 = arith.constant 0 : i32
      %dma_wait3A_435 = tpu.memref_slice %arg14[%dma_wait3A_433, %dma_wait3A_434] : memref<10240x128xf32, #tpu.memory_space<vmem_shared>> -> memref<10240x128xf32, #tpu.memory_space<vmem_shared>>
      tpu.wait_indirect_dma semaphore(%arg21 : memref<!tpu.dma_semaphore, #tpu.memory_space<semaphore_mem>>) src(%arg12 : memref<50x128xf32, #tpu.memory_space<vmem>>) dst(%dma_wait3A_435 : memref<10240x128xf32, #tpu.memory_space<vmem_shared>>)
      %dma_start3A_436 = arith.constant 14 : i32
      %dma_start3A_437 = arith.constant 0 : i32
      %dma_start3A_438 = tpu.memref_slice %arg6[%dma_start3A_436, %dma_start3A_437] : memref<20x50xi32, #tpu.memory_space<vmem>> -> memref<1x50xi32, #tpu.memory_space<vmem>>
      %dma_start3A_439 = tpu.memref_squeeze %dma_start3A_438 : memref<1x50xi32, #tpu.memory_space<vmem>> -> memref<50xi32, #tpu.memory_space<vmem>>
      %dma_start3A_440 = arith.constant 0 : i32
      %dma_start3A_441 = arith.constant 0 : i32
      %dma_start3A_442 = tpu.memref_slice %arg2[%dma_start3A_440, %dma_start3A_441] : memref<10000x128xf32, #tpu.memory_space<hbm>> -> memref<10000x128xf32, #tpu.memory_space<hbm>>
      tpu.enqueue_indirect_dma source(%dma_start3A_442 : memref<10000x128xf32, #tpu.memory_space<hbm>>) target(%arg12 : memref<50x128xf32, #tpu.memory_space<vmem>>) offsets(%dma_start3A_439 : memref<50xi32, #tpu.memory_space<vmem>>) semaphore(%arg17 : memref<!tpu.dma_semaphore, #tpu.memory_space<semaphore_mem>>)
      %dma_wait3A_443 = arith.constant 0 : i32
      %dma_wait3A_444 = arith.constant 0 : i32
      %dma_wait3A_445 = tpu.memref_slice %arg6[%dma_wait3A_443, %dma_wait3A_444] : memref<20x50xi32, #tpu.memory_space<vmem>> -> memref<1x50xi32, #tpu.memory_space<vmem>>
      %dma_wait3A_446 = tpu.memref_squeeze %dma_wait3A_445 : memref<1x50xi32, #tpu.memory_space<vmem>> -> memref<50xi32, #tpu.memory_space<vmem>>
      %dma_wait3A_447 = arith.constant 0 : i32
      %dma_wait3A_448 = arith.constant 0 : i32
      %dma_wait3A_449 = tpu.memref_slice %arg2[%dma_wait3A_447, %dma_wait3A_448] : memref<10000x128xf32, #tpu.memory_space<hbm>> -> memref<10000x128xf32, #tpu.memory_space<hbm>>
      tpu.wait_indirect_dma semaphore(%arg15 : memref<!tpu.dma_semaphore, #tpu.memory_space<semaphore_mem>>) src(%dma_wait3A_449 : memref<10000x128xf32, #tpu.memory_space<hbm>>) dst(%arg10 : memref<50x128xf32, #tpu.memory_space<vmem>>)
      %dma_start3A_450 = arith.constant 12 : i32
      %dma_start3A_451 = arith.constant 0 : i32
      %dma_start3A_452 = tpu.memref_slice %arg8[%dma_start3A_450, %dma_start3A_451] : memref<20x50xi32, #tpu.memory_space<vmem>> -> memref<1x50xi32, #tpu.memory_space<vmem>>
      %dma_start3A_453 = tpu.memref_squeeze %dma_start3A_452 : memref<1x50xi32, #tpu.memory_space<vmem>> -> memref<50xi32, #tpu.memory_space<vmem>>
      %dma_start3A_454 = arith.constant 0 : i32
      %dma_start3A_455 = arith.constant 0 : i32
      %dma_start3A_456 = tpu.memref_slice %arg14[%dma_start3A_454, %dma_start3A_455] : memref<10240x128xf32, #tpu.memory_space<vmem_shared>> -> memref<10240x128xf32, #tpu.memory_space<vmem_shared>>
      tpu.enqueue_indirect_dma source(%arg10 : memref<50x128xf32, #tpu.memory_space<vmem>>) target(%dma_start3A_456 : memref<10240x128xf32, #tpu.memory_space<vmem_shared>>) offsets(%dma_start3A_453 : memref<50xi32, #tpu.memory_space<vmem>>) semaphore(%arg19 : memref<!tpu.dma_semaphore, #tpu.memory_space<semaphore_mem>>) {add = true}
      %dma_wait3A_457 = arith.constant 0 : i32
      %dma_wait3A_458 = arith.constant 0 : i32
      %dma_wait3A_459 = tpu.memref_slice %arg8[%dma_wait3A_457, %dma_wait3A_458] : memref<20x50xi32, #tpu.memory_space<vmem>> -> memref<1x50xi32, #tpu.memory_space<vmem>>
      %dma_wait3A_460 = tpu.memref_squeeze %dma_wait3A_459 : memref<1x50xi32, #tpu.memory_space<vmem>> -> memref<50xi32, #tpu.memory_space<vmem>>
      %dma_wait3A_461 = arith.constant 0 : i32
      %dma_wait3A_462 = arith.constant 0 : i32
      %dma_wait3A_463 = tpu.memref_slice %arg14[%dma_wait3A_461, %dma_wait3A_462] : memref<10240x128xf32, #tpu.memory_space<vmem_shared>> -> memref<10240x128xf32, #tpu.memory_space<vmem_shared>>
      tpu.wait_indirect_dma semaphore(%arg22 : memref<!tpu.dma_semaphore, #tpu.memory_space<semaphore_mem>>) src(%arg13 : memref<50x128xf32, #tpu.memory_space<vmem>>) dst(%dma_wait3A_463 : memref<10240x128xf32, #tpu.memory_space<vmem_shared>>)
      %dma_start3A_464 = arith.constant 15 : i32
      %dma_start3A_465 = arith.constant 0 : i32
      %dma_start3A_466 = tpu.memref_slice %arg6[%dma_start3A_464, %dma_start3A_465] : memref<20x50xi32, #tpu.memory_space<vmem>> -> memref<1x50xi32, #tpu.memory_space<vmem>>
      %dma_start3A_467 = tpu.memref_squeeze %dma_start3A_466 : memref<1x50xi32, #tpu.memory_space<vmem>> -> memref<50xi32, #tpu.memory_space<vmem>>
      %dma_start3A_468 = arith.constant 0 : i32
      %dma_start3A_469 = arith.constant 0 : i32
      %dma_start3A_470 = tpu.memref_slice %arg2[%dma_start3A_468, %dma_start3A_469] : memref<10000x128xf32, #tpu.memory_space<hbm>> -> memref<10000x128xf32, #tpu.memory_space<hbm>>
      tpu.enqueue_indirect_dma source(%dma_start3A_470 : memref<10000x128xf32, #tpu.memory_space<hbm>>) target(%arg13 : memref<50x128xf32, #tpu.memory_space<vmem>>) offsets(%dma_start3A_467 : memref<50xi32, #tpu.memory_space<vmem>>) semaphore(%arg18 : memref<!tpu.dma_semaphore, #tpu.memory_space<semaphore_mem>>)
      %dma_wait3A_471 = arith.constant 0 : i32
      %dma_wait3A_472 = arith.constant 0 : i32
      %dma_wait3A_473 = tpu.memref_slice %arg6[%dma_wait3A_471, %dma_wait3A_472] : memref<20x50xi32, #tpu.memory_space<vmem>> -> memref<1x50xi32, #tpu.memory_space<vmem>>
      %dma_wait3A_474 = tpu.memref_squeeze %dma_wait3A_473 : memref<1x50xi32, #tpu.memory_space<vmem>> -> memref<50xi32, #tpu.memory_space<vmem>>
      %dma_wait3A_475 = arith.constant 0 : i32
      %dma_wait3A_476 = arith.constant 0 : i32
      %dma_wait3A_477 = tpu.memref_slice %arg2[%dma_wait3A_475, %dma_wait3A_476] : memref<10000x128xf32, #tpu.memory_space<hbm>> -> memref<10000x128xf32, #tpu.memory_space<hbm>>
      tpu.wait_indirect_dma semaphore(%arg16 : memref<!tpu.dma_semaphore, #tpu.memory_space<semaphore_mem>>) src(%dma_wait3A_477 : memref<10000x128xf32, #tpu.memory_space<hbm>>) dst(%arg11 : memref<50x128xf32, #tpu.memory_space<vmem>>)
      %dma_start3A_478 = arith.constant 13 : i32
      %dma_start3A_479 = arith.constant 0 : i32
      %dma_start3A_480 = tpu.memref_slice %arg8[%dma_start3A_478, %dma_start3A_479] : memref<20x50xi32, #tpu.memory_space<vmem>> -> memref<1x50xi32, #tpu.memory_space<vmem>>
      %dma_start3A_481 = tpu.memref_squeeze %dma_start3A_480 : memref<1x50xi32, #tpu.memory_space<vmem>> -> memref<50xi32, #tpu.memory_space<vmem>>
      %dma_start3A_482 = arith.constant 0 : i32
      %dma_start3A_483 = arith.constant 0 : i32
      %dma_start3A_484 = tpu.memref_slice %arg14[%dma_start3A_482, %dma_start3A_483] : memref<10240x128xf32, #tpu.memory_space<vmem_shared>> -> memref<10240x128xf32, #tpu.memory_space<vmem_shared>>
      tpu.enqueue_indirect_dma source(%arg11 : memref<50x128xf32, #tpu.memory_space<vmem>>) target(%dma_start3A_484 : memref<10240x128xf32, #tpu.memory_space<vmem_shared>>) offsets(%dma_start3A_481 : memref<50xi32, #tpu.memory_space<vmem>>) semaphore(%arg20 : memref<!tpu.dma_semaphore, #tpu.memory_space<semaphore_mem>>) {add = true}
      %dma_wait3A_485 = arith.constant 0 : i32
      %dma_wait3A_486 = arith.constant 0 : i32
      %dma_wait3A_487 = tpu.memref_slice %arg8[%dma_wait3A_485, %dma_wait3A_486] : memref<20x50xi32, #tpu.memory_space<vmem>> -> memref<1x50xi32, #tpu.memory_space<vmem>>
      %dma_wait3A_488 = tpu.memref_squeeze %dma_wait3A_487 : memref<1x50xi32, #tpu.memory_space<vmem>> -> memref<50xi32, #tpu.memory_space<vmem>>
      %dma_wait3A_489 = arith.constant 0 : i32
      %dma_wait3A_490 = arith.constant 0 : i32
      %dma_wait3A_491 = tpu.memref_slice %arg14[%dma_wait3A_489, %dma_wait3A_490] : memref<10240x128xf32, #tpu.memory_space<vmem_shared>> -> memref<10240x128xf32, #tpu.memory_space<vmem_shared>>
      tpu.wait_indirect_dma semaphore(%arg19 : memref<!tpu.dma_semaphore, #tpu.memory_space<semaphore_mem>>) src(%arg10 : memref<50x128xf32, #tpu.memory_space<vmem>>) dst(%dma_wait3A_491 : memref<10240x128xf32, #tpu.memory_space<vmem_shared>>)
      %dma_start3A_492 = arith.constant 16 : i32
      %dma_start3A_493 = arith.constant 0 : i32
      %dma_start3A_494 = tpu.memref_slice %arg6[%dma_start3A_492, %dma_start3A_493] : memref<20x50xi32, #tpu.memory_space<vmem>> -> memref<1x50xi32, #tpu.memory_space<vmem>>
      %dma_start3A_495 = tpu.memref_squeeze %dma_start3A_494 : memref<1x50xi32, #tpu.memory_space<vmem>> -> memref<50xi32, #tpu.memory_space<vmem>>
      %dma_start3A_496 = arith.constant 0 : i32
      %dma_start3A_497 = arith.constant 0 : i32
      %dma_start3A_498 = tpu.memref_slice %arg2[%dma_start3A_496, %dma_start3A_497] : memref<10000x128xf32, #tpu.memory_space<hbm>> -> memref<10000x128xf32, #tpu.memory_space<hbm>>
      tpu.enqueue_indirect_dma source(%dma_start3A_498 : memref<10000x128xf32, #tpu.memory_space<hbm>>) target(%arg10 : memref<50x128xf32, #tpu.memory_space<vmem>>) offsets(%dma_start3A_495 : memref<50xi32, #tpu.memory_space<vmem>>) semaphore(%arg15 : memref<!tpu.dma_semaphore, #tpu.memory_space<semaphore_mem>>)
      %dma_wait3A_499 = arith.constant 0 : i32
      %dma_wait3A_500 = arith.constant 0 : i32
      %dma_wait3A_501 = tpu.memref_slice %arg6[%dma_wait3A_499, %dma_wait3A_500] : memref<20x50xi32, #tpu.memory_space<vmem>> -> memref<1x50xi32, #tpu.memory_space<vmem>>
      %dma_wait3A_502 = tpu.memref_squeeze %dma_wait3A_501 : memref<1x50xi32, #tpu.memory_space<vmem>> -> memref<50xi32, #tpu.memory_space<vmem>>
      %dma_wait3A_503 = arith.constant 0 : i32
      %dma_wait3A_504 = arith.constant 0 : i32
      %dma_wait3A_505 = tpu.memref_slice %arg2[%dma_wait3A_503, %dma_wait3A_504] : memref<10000x128xf32, #tpu.memory_space<hbm>> -> memref<10000x128xf32, #tpu.memory_space<hbm>>
      tpu.wait_indirect_dma semaphore(%arg17 : memref<!tpu.dma_semaphore, #tpu.memory_space<semaphore_mem>>) src(%dma_wait3A_505 : memref<10000x128xf32, #tpu.memory_space<hbm>>) dst(%arg12 : memref<50x128xf32, #tpu.memory_space<vmem>>)
      %dma_start3A_506 = arith.constant 14 : i32
      %dma_start3A_507 = arith.constant 0 : i32
      %dma_start3A_508 = tpu.memref_slice %arg8[%dma_start3A_506, %dma_start3A_507] : memref<20x50xi32, #tpu.memory_space<vmem>> -> memref<1x50xi32, #tpu.memory_space<vmem>>
      %dma_start3A_509 = tpu.memref_squeeze %dma_start3A_508 : memref<1x50xi32, #tpu.memory_space<vmem>> -> memref<50xi32, #tpu.memory_space<vmem>>
      %dma_start3A_510 = arith.constant 0 : i32
      %dma_start3A_511 = arith.constant 0 : i32
      %dma_start3A_512 = tpu.memref_slice %arg14[%dma_start3A_510, %dma_start3A_511] : memref<10240x128xf32, #tpu.memory_space<vmem_shared>> -> memref<10240x128xf32, #tpu.memory_space<vmem_shared>>
      tpu.enqueue_indirect_dma source(%arg12 : memref<50x128xf32, #tpu.memory_space<vmem>>) target(%dma_start3A_512 : memref<10240x128xf32, #tpu.memory_space<vmem_shared>>) offsets(%dma_start3A_509 : memref<50xi32, #tpu.memory_space<vmem>>) semaphore(%arg21 : memref<!tpu.dma_semaphore, #tpu.memory_space<semaphore_mem>>) {add = true}
      %dma_wait3A_513 = arith.constant 0 : i32
      %dma_wait3A_514 = arith.constant 0 : i32
      %dma_wait3A_515 = tpu.memref_slice %arg8[%dma_wait3A_513, %dma_wait3A_514] : memref<20x50xi32, #tpu.memory_space<vmem>> -> memref<1x50xi32, #tpu.memory_space<vmem>>
      %dma_wait3A_516 = tpu.memref_squeeze %dma_wait3A_515 : memref<1x50xi32, #tpu.memory_space<vmem>> -> memref<50xi32, #tpu.memory_space<vmem>>
      %dma_wait3A_517 = arith.constant 0 : i32
      %dma_wait3A_518 = arith.constant 0 : i32
      %dma_wait3A_519 = tpu.memref_slice %arg14[%dma_wait3A_517, %dma_wait3A_518] : memref<10240x128xf32, #tpu.memory_space<vmem_shared>> -> memref<10240x128xf32, #tpu.memory_space<vmem_shared>>
      tpu.wait_indirect_dma semaphore(%arg20 : memref<!tpu.dma_semaphore, #tpu.memory_space<semaphore_mem>>) src(%arg11 : memref<50x128xf32, #tpu.memory_space<vmem>>) dst(%dma_wait3A_519 : memref<10240x128xf32, #tpu.memory_space<vmem_shared>>)
      %dma_start3A_520 = arith.constant 17 : i32
      %dma_start3A_521 = arith.constant 0 : i32
      %dma_start3A_522 = tpu.memref_slice %arg6[%dma_start3A_520, %dma_start3A_521] : memref<20x50xi32, #tpu.memory_space<vmem>> -> memref<1x50xi32, #tpu.memory_space<vmem>>
      %dma_start3A_523 = tpu.memref_squeeze %dma_start3A_522 : memref<1x50xi32, #tpu.memory_space<vmem>> -> memref<50xi32, #tpu.memory_space<vmem>>
      %dma_start3A_524 = arith.constant 0 : i32
      %dma_start3A_525 = arith.constant 0 : i32
      %dma_start3A_526 = tpu.memref_slice %arg2[%dma_start3A_524, %dma_start3A_525] : memref<10000x128xf32, #tpu.memory_space<hbm>> -> memref<10000x128xf32, #tpu.memory_space<hbm>>
      tpu.enqueue_indirect_dma source(%dma_start3A_526 : memref<10000x128xf32, #tpu.memory_space<hbm>>) target(%arg11 : memref<50x128xf32, #tpu.memory_space<vmem>>) offsets(%dma_start3A_523 : memref<50xi32, #tpu.memory_space<vmem>>) semaphore(%arg16 : memref<!tpu.dma_semaphore, #tpu.memory_space<semaphore_mem>>)
      %dma_wait3A_527 = arith.constant 0 : i32
      %dma_wait3A_528 = arith.constant 0 : i32
      %dma_wait3A_529 = tpu.memref_slice %arg6[%dma_wait3A_527, %dma_wait3A_528] : memref<20x50xi32, #tpu.memory_space<vmem>> -> memref<1x50xi32, #tpu.memory_space<vmem>>
      %dma_wait3A_530 = tpu.memref_squeeze %dma_wait3A_529 : memref<1x50xi32, #tpu.memory_space<vmem>> -> memref<50xi32, #tpu.memory_space<vmem>>
      %dma_wait3A_531 = arith.constant 0 : i32
      %dma_wait3A_532 = arith.constant 0 : i32
      %dma_wait3A_533 = tpu.memref_slice %arg2[%dma_wait3A_531, %dma_wait3A_532] : memref<10000x128xf32, #tpu.memory_space<hbm>> -> memref<10000x128xf32, #tpu.memory_space<hbm>>
      tpu.wait_indirect_dma semaphore(%arg18 : memref<!tpu.dma_semaphore, #tpu.memory_space<semaphore_mem>>) src(%dma_wait3A_533 : memref<10000x128xf32, #tpu.memory_space<hbm>>) dst(%arg13 : memref<50x128xf32, #tpu.memory_space<vmem>>)
      %dma_start3A_534 = arith.constant 15 : i32
      %dma_start3A_535 = arith.constant 0 : i32
      %dma_start3A_536 = tpu.memref_slice %arg8[%dma_start3A_534, %dma_start3A_535] : memref<20x50xi32, #tpu.memory_space<vmem>> -> memref<1x50xi32, #tpu.memory_space<vmem>>
      %dma_start3A_537 = tpu.memref_squeeze %dma_start3A_536 : memref<1x50xi32, #tpu.memory_space<vmem>> -> memref<50xi32, #tpu.memory_space<vmem>>
      %dma_start3A_538 = arith.constant 0 : i32
      %dma_start3A_539 = arith.constant 0 : i32
      %dma_start3A_540 = tpu.memref_slice %arg14[%dma_start3A_538, %dma_start3A_539] : memref<10240x128xf32, #tpu.memory_space<vmem_shared>> -> memref<10240x128xf32, #tpu.memory_space<vmem_shared>>
      tpu.enqueue_indirect_dma source(%arg13 : memref<50x128xf32, #tpu.memory_space<vmem>>) target(%dma_start3A_540 : memref<10240x128xf32, #tpu.memory_space<vmem_shared>>) offsets(%dma_start3A_537 : memref<50xi32, #tpu.memory_space<vmem>>) semaphore(%arg22 : memref<!tpu.dma_semaphore, #tpu.memory_space<semaphore_mem>>) {add = true}
      %dma_wait3A_541 = arith.constant 0 : i32
      %dma_wait3A_542 = arith.constant 0 : i32
      %dma_wait3A_543 = tpu.memref_slice %arg8[%dma_wait3A_541, %dma_wait3A_542] : memref<20x50xi32, #tpu.memory_space<vmem>> -> memref<1x50xi32, #tpu.memory_space<vmem>>
      %dma_wait3A_544 = tpu.memref_squeeze %dma_wait3A_543 : memref<1x50xi32, #tpu.memory_space<vmem>> -> memref<50xi32, #tpu.memory_space<vmem>>
      %dma_wait3A_545 = arith.constant 0 : i32
      %dma_wait3A_546 = arith.constant 0 : i32
      %dma_wait3A_547 = tpu.memref_slice %arg14[%dma_wait3A_545, %dma_wait3A_546] : memref<10240x128xf32, #tpu.memory_space<vmem_shared>> -> memref<10240x128xf32, #tpu.memory_space<vmem_shared>>
      tpu.wait_indirect_dma semaphore(%arg21 : memref<!tpu.dma_semaphore, #tpu.memory_space<semaphore_mem>>) src(%arg12 : memref<50x128xf32, #tpu.memory_space<vmem>>) dst(%dma_wait3A_547 : memref<10240x128xf32, #tpu.memory_space<vmem_shared>>)
      %dma_start3A_548 = arith.constant 18 : i32
      %dma_start3A_549 = arith.constant 0 : i32
      %dma_start3A_550 = tpu.memref_slice %arg6[%dma_start3A_548, %dma_start3A_549] : memref<20x50xi32, #tpu.memory_space<vmem>> -> memref<1x50xi32, #tpu.memory_space<vmem>>
      %dma_start3A_551 = tpu.memref_squeeze %dma_start3A_550 : memref<1x50xi32, #tpu.memory_space<vmem>> -> memref<50xi32, #tpu.memory_space<vmem>>
      %dma_start3A_552 = arith.constant 0 : i32
      %dma_start3A_553 = arith.constant 0 : i32
      %dma_start3A_554 = tpu.memref_slice %arg2[%dma_start3A_552, %dma_start3A_553] : memref<10000x128xf32, #tpu.memory_space<hbm>> -> memref<10000x128xf32, #tpu.memory_space<hbm>>
      tpu.enqueue_indirect_dma source(%dma_start3A_554 : memref<10000x128xf32, #tpu.memory_space<hbm>>) target(%arg12 : memref<50x128xf32, #tpu.memory_space<vmem>>) offsets(%dma_start3A_551 : memref<50xi32, #tpu.memory_space<vmem>>) semaphore(%arg17 : memref<!tpu.dma_semaphore, #tpu.memory_space<semaphore_mem>>)
      %dma_wait3A_555 = arith.constant 0 : i32
      %dma_wait3A_556 = arith.constant 0 : i32
      %dma_wait3A_557 = tpu.memref_slice %arg6[%dma_wait3A_555, %dma_wait3A_556] : memref<20x50xi32, #tpu.memory_space<vmem>> -> memref<1x50xi32, #tpu.memory_space<vmem>>
      %dma_wait3A_558 = tpu.memref_squeeze %dma_wait3A_557 : memref<1x50xi32, #tpu.memory_space<vmem>> -> memref<50xi32, #tpu.memory_space<vmem>>
      %dma_wait3A_559 = arith.constant 0 : i32
      %dma_wait3A_560 = arith.constant 0 : i32
      %dma_wait3A_561 = tpu.memref_slice %arg2[%dma_wait3A_559, %dma_wait3A_560] : memref<10000x128xf32, #tpu.memory_space<hbm>> -> memref<10000x128xf32, #tpu.memory_space<hbm>>
      tpu.wait_indirect_dma semaphore(%arg15 : memref<!tpu.dma_semaphore, #tpu.memory_space<semaphore_mem>>) src(%dma_wait3A_561 : memref<10000x128xf32, #tpu.memory_space<hbm>>) dst(%arg10 : memref<50x128xf32, #tpu.memory_space<vmem>>)
      %dma_start3A_562 = arith.constant 16 : i32
      %dma_start3A_563 = arith.constant 0 : i32
      %dma_start3A_564 = tpu.memref_slice %arg8[%dma_start3A_562, %dma_start3A_563] : memref<20x50xi32, #tpu.memory_space<vmem>> -> memref<1x50xi32, #tpu.memory_space<vmem>>
      %dma_start3A_565 = tpu.memref_squeeze %dma_start3A_564 : memref<1x50xi32, #tpu.memory_space<vmem>> -> memref<50xi32, #tpu.memory_space<vmem>>
      %dma_start3A_566 = arith.constant 0 : i32
      %dma_start3A_567 = arith.constant 0 : i32
      %dma_start3A_568 = tpu.memref_slice %arg14[%dma_start3A_566, %dma_start3A_567] : memref<10240x128xf32, #tpu.memory_space<vmem_shared>> -> memref<10240x128xf32, #tpu.memory_space<vmem_shared>>
      tpu.enqueue_indirect_dma source(%arg10 : memref<50x128xf32, #tpu.memory_space<vmem>>) target(%dma_start3A_568 : memref<10240x128xf32, #tpu.memory_space<vmem_shared>>) offsets(%dma_start3A_565 : memref<50xi32, #tpu.memory_space<vmem>>) semaphore(%arg19 : memref<!tpu.dma_semaphore, #tpu.memory_space<semaphore_mem>>) {add = true}
      %dma_wait3A_569 = arith.constant 0 : i32
      %dma_wait3A_570 = arith.constant 0 : i32
      %dma_wait3A_571 = tpu.memref_slice %arg8[%dma_wait3A_569, %dma_wait3A_570] : memref<20x50xi32, #tpu.memory_space<vmem>> -> memref<1x50xi32, #tpu.memory_space<vmem>>
      %dma_wait3A_572 = tpu.memref_squeeze %dma_wait3A_571 : memref<1x50xi32, #tpu.memory_space<vmem>> -> memref<50xi32, #tpu.memory_space<vmem>>
      %dma_wait3A_573 = arith.constant 0 : i32
      %dma_wait3A_574 = arith.constant 0 : i32
      %dma_wait3A_575 = tpu.memref_slice %arg14[%dma_wait3A_573, %dma_wait3A_574] : memref<10240x128xf32, #tpu.memory_space<vmem_shared>> -> memref<10240x128xf32, #tpu.memory_space<vmem_shared>>
      tpu.wait_indirect_dma semaphore(%arg22 : memref<!tpu.dma_semaphore, #tpu.memory_space<semaphore_mem>>) src(%arg13 : memref<50x128xf32, #tpu.memory_space<vmem>>) dst(%dma_wait3A_575 : memref<10240x128xf32, #tpu.memory_space<vmem_shared>>)
      %dma_start3A_576 = arith.constant 19 : i32
      %dma_start3A_577 = arith.constant 0 : i32
      %dma_start3A_578 = tpu.memref_slice %arg6[%dma_start3A_576, %dma_start3A_577] : memref<20x50xi32, #tpu.memory_space<vmem>> -> memref<1x50xi32, #tpu.memory_space<vmem>>
      %dma_start3A_579 = tpu.memref_squeeze %dma_start3A_578 : memref<1x50xi32, #tpu.memory_space<vmem>> -> memref<50xi32, #tpu.memory_space<vmem>>
      %dma_start3A_580 = arith.constant 0 : i32
      %dma_start3A_581 = arith.constant 0 : i32
      %dma_start3A_582 = tpu.memref_slice %arg2[%dma_start3A_580, %dma_start3A_581] : memref<10000x128xf32, #tpu.memory_space<hbm>> -> memref<10000x128xf32, #tpu.memory_space<hbm>>
      tpu.enqueue_indirect_dma source(%dma_start3A_582 : memref<10000x128xf32, #tpu.memory_space<hbm>>) target(%arg13 : memref<50x128xf32, #tpu.memory_space<vmem>>) offsets(%dma_start3A_579 : memref<50xi32, #tpu.memory_space<vmem>>) semaphore(%arg18 : memref<!tpu.dma_semaphore, #tpu.memory_space<semaphore_mem>>)
      %add3A_583 = arith.constant 1 : i32
      %add3A_584 = arith.addi %add3A_107, %add3A_583 : i32
      %lt3A_585 = arith.constant 10 : i32
      %lt3A_586 = arith.cmpi slt, %add3A_584, %lt3A_585 : i32
      %convert_element_type3A_587 = arith.extui %lt3A_586 : i1 to i32
      %cond3A_588 = arith.constant 0 : i32
      %cond3A_589 = arith.cmpi ne, %convert_element_type3A_587, %cond3A_588 : i32
      scf.if %cond3A_589 {
        %dma_wait3A_1192 = arith.constant 0 : i32
        %dma_wait3A_1193 = arith.constant 0 : i32
        %dma_wait3A_1194 = arith.constant 0 : i32
        %dma_wait3A_1195 = arith.constant 0 : i32
        %dma_wait3A_1196 = tpu.memref_slice %arg3[%dma_wait3A_1192, %add3A, %dma_wait3A_1193, %dma_wait3A_1194, %dma_wait3A_1195] : memref<2x32x10x20x50xi32, #tpu.memory_space<hbm>> -> memref<1x1x1x20x50xi32, #tpu.memory_space<hbm>>
        %dma_wait3A_1197 = tpu.memref_squeeze %dma_wait3A_1196 : memref<1x1x1x20x50xi32, #tpu.memory_space<hbm>> -> memref<20x50xi32, #tpu.memory_space<hbm>>
        %dma_wait3A_1198 = arith.constant 0 : i32
        %dma_wait3A_1199 = arith.constant 0 : i32
        %dma_wait3A_1200 = tpu.memref_slice %arg3[%dma_wait3A_1192, %add3A, %dma_wait3A_1193, %dma_wait3A_1198, %dma_wait3A_1199] : memref<2x32x10x20x50xi32, #tpu.memory_space<hbm>> -> memref<1x1x1x20x50xi32, #tpu.memory_space<hbm>>
        %dma_wait3A_1201 = tpu.memref_squeeze %dma_wait3A_1200 : memref<1x1x1x20x50xi32, #tpu.memory_space<hbm>> -> memref<20x50xi32, #tpu.memory_space<hbm>>
        tpu.wait_dma2 semaphore(%arg23 : memref<!tpu.dma_semaphore, #tpu.memory_space<semaphore_mem>>) src(%dma_wait3A_1201 : memref<20x50xi32, #tpu.memory_space<hbm>>) dst(%arg7 : memref<20x50xi32, #tpu.memory_space<vmem>>)
        %dma_wait3A_1202 = arith.constant 1 : i32
        %dma_wait3A_1203 = arith.constant 0 : i32
        %dma_wait3A_1204 = arith.constant 0 : i32
        %dma_wait3A_1205 = arith.constant 0 : i32
        %dma_wait3A_1206 = tpu.memref_slice %arg3[%dma_wait3A_1202, %add3A, %dma_wait3A_1203, %dma_wait3A_1204, %dma_wait3A_1205] : memref<2x32x10x20x50xi32, #tpu.memory_space<hbm>> -> memref<1x1x1x20x50xi32, #tpu.memory_space<hbm>>
        %dma_wait3A_1207 = tpu.memref_squeeze %dma_wait3A_1206 : memref<1x1x1x20x50xi32, #tpu.memory_space<hbm>> -> memref<20x50xi32, #tpu.memory_space<hbm>>
        %dma_wait3A_1208 = arith.constant 0 : i32
        %dma_wait3A_1209 = arith.constant 0 : i32
        %dma_wait3A_1210 = tpu.memref_slice %arg3[%dma_wait3A_1202, %add3A, %dma_wait3A_1203, %dma_wait3A_1208, %dma_wait3A_1209] : memref<2x32x10x20x50xi32, #tpu.memory_space<hbm>> -> memref<1x1x1x20x50xi32, #tpu.memory_space<hbm>>
        %dma_wait3A_1211 = tpu.memref_squeeze %dma_wait3A_1210 : memref<1x1x1x20x50xi32, #tpu.memory_space<hbm>> -> memref<20x50xi32, #tpu.memory_space<hbm>>
        tpu.wait_dma2 semaphore(%arg23 : memref<!tpu.dma_semaphore, #tpu.memory_space<semaphore_mem>>) src(%dma_wait3A_1211 : memref<20x50xi32, #tpu.memory_space<hbm>>) dst(%arg9 : memref<20x50xi32, #tpu.memory_space<vmem>>)
      } else {
      }
      %dma_wait3A_590 = arith.constant 0 : i32
      %dma_wait3A_591 = arith.constant 0 : i32
      %dma_wait3A_592 = tpu.memref_slice %arg6[%dma_wait3A_590, %dma_wait3A_591] : memref<20x50xi32, #tpu.memory_space<vmem>> -> memref<1x50xi32, #tpu.memory_space<vmem>>
      %dma_wait3A_593 = tpu.memref_squeeze %dma_wait3A_592 : memref<1x50xi32, #tpu.memory_space<vmem>> -> memref<50xi32, #tpu.memory_space<vmem>>
      %dma_wait3A_594 = arith.constant 0 : i32
      %dma_wait3A_595 = arith.constant 0 : i32
      %dma_wait3A_596 = tpu.memref_slice %arg2[%dma_wait3A_594, %dma_wait3A_595] : memref<10000x128xf32, #tpu.memory_space<hbm>> -> memref<10000x128xf32, #tpu.memory_space<hbm>>
      tpu.wait_indirect_dma semaphore(%arg16 : memref<!tpu.dma_semaphore, #tpu.memory_space<semaphore_mem>>) src(%dma_wait3A_596 : memref<10000x128xf32, #tpu.memory_space<hbm>>) dst(%arg11 : memref<50x128xf32, #tpu.memory_space<vmem>>)
      %dma_start3A_597 = arith.constant 17 : i32
      %dma_start3A_598 = arith.constant 0 : i32
      %dma_start3A_599 = tpu.memref_slice %arg8[%dma_start3A_597, %dma_start3A_598] : memref<20x50xi32, #tpu.memory_space<vmem>> -> memref<1x50xi32, #tpu.memory_space<vmem>>
      %dma_start3A_600 = tpu.memref_squeeze %dma_start3A_599 : memref<1x50xi32, #tpu.memory_space<vmem>> -> memref<50xi32, #tpu.memory_space<vmem>>
      %dma_start3A_601 = arith.constant 0 : i32
      %dma_start3A_602 = arith.constant 0 : i32
      %dma_start3A_603 = tpu.memref_slice %arg14[%dma_start3A_601, %dma_start3A_602] : memref<10240x128xf32, #tpu.memory_space<vmem_shared>> -> memref<10240x128xf32, #tpu.memory_space<vmem_shared>>
      tpu.enqueue_indirect_dma source(%arg11 : memref<50x128xf32, #tpu.memory_space<vmem>>) target(%dma_start3A_603 : memref<10240x128xf32, #tpu.memory_space<vmem_shared>>) offsets(%dma_start3A_600 : memref<50xi32, #tpu.memory_space<vmem>>) semaphore(%arg20 : memref<!tpu.dma_semaphore, #tpu.memory_space<semaphore_mem>>) {add = true}
      %lt3A_604 = arith.constant 9 : i32
      %lt3A_605 = arith.cmpi slt, %add3A_107, %lt3A_604 : i32
      %convert_element_type3A_606 = arith.extui %lt3A_605 : i1 to i32
      %cond3A_607 = arith.constant 0 : i32
      %cond3A_608 = arith.cmpi ne, %convert_element_type3A_606, %cond3A_607 : i32
      scf.if %cond3A_608 {
        %dma_wait3A_1192 = arith.constant 0 : i32
        %dma_wait3A_1193 = arith.constant 0 : i32
        %dma_wait3A_1194 = tpu.memref_slice %arg8[%dma_wait3A_1192, %dma_wait3A_1193] : memref<20x50xi32, #tpu.memory_space<vmem>> -> memref<1x50xi32, #tpu.memory_space<vmem>>
        %dma_wait3A_1195 = tpu.memref_squeeze %dma_wait3A_1194 : memref<1x50xi32, #tpu.memory_space<vmem>> -> memref<50xi32, #tpu.memory_space<vmem>>
        %dma_wait3A_1196 = arith.constant 0 : i32
        %dma_wait3A_1197 = arith.constant 0 : i32
        %dma_wait3A_1198 = tpu.memref_slice %arg14[%dma_wait3A_1196, %dma_wait3A_1197] : memref<10240x128xf32, #tpu.memory_space<vmem_shared>> -> memref<10240x128xf32, #tpu.memory_space<vmem_shared>>
        tpu.wait_indirect_dma semaphore(%arg19 : memref<!tpu.dma_semaphore, #tpu.memory_space<semaphore_mem>>) src(%arg10 : memref<50x128xf32, #tpu.memory_space<vmem>>) dst(%dma_wait3A_1198 : memref<10240x128xf32, #tpu.memory_space<vmem_shared>>)
        %dma_start3A_1199 = arith.constant 0 : i32
        %dma_start3A_1200 = arith.constant 0 : i32
        %dma_start3A_1201 = tpu.memref_slice %arg7[%dma_start3A_1199, %dma_start3A_1200] : memref<20x50xi32, #tpu.memory_space<vmem>> -> memref<1x50xi32, #tpu.memory_space<vmem>>
        %dma_start3A_1202 = tpu.memref_squeeze %dma_start3A_1201 : memref<1x50xi32, #tpu.memory_space<vmem>> -> memref<50xi32, #tpu.memory_space<vmem>>
        %dma_start3A_1203 = arith.constant 0 : i32
        %dma_start3A_1204 = arith.constant 0 : i32
        %dma_start3A_1205 = tpu.memref_slice %arg2[%dma_start3A_1203, %dma_start3A_1204] : memref<10000x128xf32, #tpu.memory_space<hbm>> -> memref<10000x128xf32, #tpu.memory_space<hbm>>
        tpu.enqueue_indirect_dma source(%dma_start3A_1205 : memref<10000x128xf32, #tpu.memory_space<hbm>>) target(%arg10 : memref<50x128xf32, #tpu.memory_space<vmem>>) offsets(%dma_start3A_1202 : memref<50xi32, #tpu.memory_space<vmem>>) semaphore(%arg15 : memref<!tpu.dma_semaphore, #tpu.memory_space<semaphore_mem>>)
      } else {
      }
      %dma_wait3A_609 = arith.constant 0 : i32
      %dma_wait3A_610 = arith.constant 0 : i32
      %dma_wait3A_611 = tpu.memref_slice %arg6[%dma_wait3A_609, %dma_wait3A_610] : memref<20x50xi32, #tpu.memory_space<vmem>> -> memref<1x50xi32, #tpu.memory_space<vmem>>
      %dma_wait3A_612 = tpu.memref_squeeze %dma_wait3A_611 : memref<1x50xi32, #tpu.memory_space<vmem>> -> memref<50xi32, #tpu.memory_space<vmem>>
      %dma_wait3A_613 = arith.constant 0 : i32
      %dma_wait3A_614 = arith.constant 0 : i32
      %dma_wait3A_615 = tpu.memref_slice %arg2[%dma_wait3A_613, %dma_wait3A_614] : memref<10000x128xf32, #tpu.memory_space<hbm>> -> memref<10000x128xf32, #tpu.memory_space<hbm>>
      tpu.wait_indirect_dma semaphore(%arg17 : memref<!tpu.dma_semaphore, #tpu.memory_space<semaphore_mem>>) src(%dma_wait3A_615 : memref<10000x128xf32, #tpu.memory_space<hbm>>) dst(%arg12 : memref<50x128xf32, #tpu.memory_space<vmem>>)
      %dma_start3A_616 = arith.constant 18 : i32
      %dma_start3A_617 = arith.constant 0 : i32
      %dma_start3A_618 = tpu.memref_slice %arg8[%dma_start3A_616, %dma_start3A_617] : memref<20x50xi32, #tpu.memory_space<vmem>> -> memref<1x50xi32, #tpu.memory_space<vmem>>
      %dma_start3A_619 = tpu.memref_squeeze %dma_start3A_618 : memref<1x50xi32, #tpu.memory_space<vmem>> -> memref<50xi32, #tpu.memory_space<vmem>>
      %dma_start3A_620 = arith.constant 0 : i32
      %dma_start3A_621 = arith.constant 0 : i32
      %dma_start3A_622 = tpu.memref_slice %arg14[%dma_start3A_620, %dma_start3A_621] : memref<10240x128xf32, #tpu.memory_space<vmem_shared>> -> memref<10240x128xf32, #tpu.memory_space<vmem_shared>>
      tpu.enqueue_indirect_dma source(%arg12 : memref<50x128xf32, #tpu.memory_space<vmem>>) target(%dma_start3A_622 : memref<10240x128xf32, #tpu.memory_space<vmem_shared>>) offsets(%dma_start3A_619 : memref<50xi32, #tpu.memory_space<vmem>>) semaphore(%arg21 : memref<!tpu.dma_semaphore, #tpu.memory_space<semaphore_mem>>) {add = true}
      %lt3A_623 = arith.constant 9 : i32
      %lt3A_624 = arith.cmpi slt, %add3A_107, %lt3A_623 : i32
      %convert_element_type3A_625 = arith.extui %lt3A_624 : i1 to i32
      %cond3A_626 = arith.constant 0 : i32
      %cond3A_627 = arith.cmpi ne, %convert_element_type3A_625, %cond3A_626 : i32
      scf.if %cond3A_627 {
        %dma_wait3A_1192 = arith.constant 0 : i32
        %dma_wait3A_1193 = arith.constant 0 : i32
        %dma_wait3A_1194 = tpu.memref_slice %arg8[%dma_wait3A_1192, %dma_wait3A_1193] : memref<20x50xi32, #tpu.memory_space<vmem>> -> memref<1x50xi32, #tpu.memory_space<vmem>>
        %dma_wait3A_1195 = tpu.memref_squeeze %dma_wait3A_1194 : memref<1x50xi32, #tpu.memory_space<vmem>> -> memref<50xi32, #tpu.memory_space<vmem>>
        %dma_wait3A_1196 = arith.constant 0 : i32
        %dma_wait3A_1197 = arith.constant 0 : i32
        %dma_wait3A_1198 = tpu.memref_slice %arg14[%dma_wait3A_1196, %dma_wait3A_1197] : memref<10240x128xf32, #tpu.memory_space<vmem_shared>> -> memref<10240x128xf32, #tpu.memory_space<vmem_shared>>
        tpu.wait_indirect_dma semaphore(%arg20 : memref<!tpu.dma_semaphore, #tpu.memory_space<semaphore_mem>>) src(%arg11 : memref<50x128xf32, #tpu.memory_space<vmem>>) dst(%dma_wait3A_1198 : memref<10240x128xf32, #tpu.memory_space<vmem_shared>>)
        %dma_start3A_1199 = arith.constant 1 : i32
        %dma_start3A_1200 = arith.constant 0 : i32
        %dma_start3A_1201 = tpu.memref_slice %arg7[%dma_start3A_1199, %dma_start3A_1200] : memref<20x50xi32, #tpu.memory_space<vmem>> -> memref<1x50xi32, #tpu.memory_space<vmem>>
        %dma_start3A_1202 = tpu.memref_squeeze %dma_start3A_1201 : memref<1x50xi32, #tpu.memory_space<vmem>> -> memref<50xi32, #tpu.memory_space<vmem>>
        %dma_start3A_1203 = arith.constant 0 : i32
        %dma_start3A_1204 = arith.constant 0 : i32
        %dma_start3A_1205 = tpu.memref_slice %arg2[%dma_start3A_1203, %dma_start3A_1204] : memref<10000x128xf32, #tpu.memory_space<hbm>> -> memref<10000x128xf32, #tpu.memory_space<hbm>>
        tpu.enqueue_indirect_dma source(%dma_start3A_1205 : memref<10000x128xf32, #tpu.memory_space<hbm>>) target(%arg11 : memref<50x128xf32, #tpu.memory_space<vmem>>) offsets(%dma_start3A_1202 : memref<50xi32, #tpu.memory_space<vmem>>) semaphore(%arg16 : memref<!tpu.dma_semaphore, #tpu.memory_space<semaphore_mem>>)
      } else {
      }
      %dma_wait3A_628 = arith.constant 0 : i32
      %dma_wait3A_629 = arith.constant 0 : i32
      %dma_wait3A_630 = tpu.memref_slice %arg6[%dma_wait3A_628, %dma_wait3A_629] : memref<20x50xi32, #tpu.memory_space<vmem>> -> memref<1x50xi32, #tpu.memory_space<vmem>>
      %dma_wait3A_631 = tpu.memref_squeeze %dma_wait3A_630 : memref<1x50xi32, #tpu.memory_space<vmem>> -> memref<50xi32, #tpu.memory_space<vmem>>
      %dma_wait3A_632 = arith.constant 0 : i32
      %dma_wait3A_633 = arith.constant 0 : i32
      %dma_wait3A_634 = tpu.memref_slice %arg2[%dma_wait3A_632, %dma_wait3A_633] : memref<10000x128xf32, #tpu.memory_space<hbm>> -> memref<10000x128xf32, #tpu.memory_space<hbm>>
      tpu.wait_indirect_dma semaphore(%arg18 : memref<!tpu.dma_semaphore, #tpu.memory_space<semaphore_mem>>) src(%dma_wait3A_634 : memref<10000x128xf32, #tpu.memory_space<hbm>>) dst(%arg13 : memref<50x128xf32, #tpu.memory_space<vmem>>)
      %dma_start3A_635 = arith.constant 19 : i32
      %dma_start3A_636 = arith.constant 0 : i32
      %dma_start3A_637 = tpu.memref_slice %arg8[%dma_start3A_635, %dma_start3A_636] : memref<20x50xi32, #tpu.memory_space<vmem>> -> memref<1x50xi32, #tpu.memory_space<vmem>>
      %dma_start3A_638 = tpu.memref_squeeze %dma_start3A_637 : memref<1x50xi32, #tpu.memory_space<vmem>> -> memref<50xi32, #tpu.memory_space<vmem>>
      %dma_start3A_639 = arith.constant 0 : i32
      %dma_start3A_640 = arith.constant 0 : i32
      %dma_start3A_641 = tpu.memref_slice %arg14[%dma_start3A_639, %dma_start3A_640] : memref<10240x128xf32, #tpu.memory_space<vmem_shared>> -> memref<10240x128xf32, #tpu.memory_space<vmem_shared>>
      tpu.enqueue_indirect_dma source(%arg13 : memref<50x128xf32, #tpu.memory_space<vmem>>) target(%dma_start3A_641 : memref<10240x128xf32, #tpu.memory_space<vmem_shared>>) offsets(%dma_start3A_638 : memref<50xi32, #tpu.memory_space<vmem>>) semaphore(%arg22 : memref<!tpu.dma_semaphore, #tpu.memory_space<semaphore_mem>>) {add = true}
      %lt3A_642 = arith.constant 9 : i32
      %lt3A_643 = arith.cmpi slt, %add3A_107, %lt3A_642 : i32
      %convert_element_type3A_644 = arith.extui %lt3A_643 : i1 to i32
      %cond3A_645 = arith.constant 0 : i32
      %cond3A_646 = arith.cmpi ne, %convert_element_type3A_644, %cond3A_645 : i32
      scf.if %cond3A_646 {
        %dma_wait3A_1192 = arith.constant 0 : i32
        %dma_wait3A_1193 = arith.constant 0 : i32
        %dma_wait3A_1194 = tpu.memref_slice %arg8[%dma_wait3A_1192, %dma_wait3A_1193] : memref<20x50xi32, #tpu.memory_space<vmem>> -> memref<1x50xi32, #tpu.memory_space<vmem>>
        %dma_wait3A_1195 = tpu.memref_squeeze %dma_wait3A_1194 : memref<1x50xi32, #tpu.memory_space<vmem>> -> memref<50xi32, #tpu.memory_space<vmem>>
        %dma_wait3A_1196 = arith.constant 0 : i32
        %dma_wait3A_1197 = arith.constant 0 : i32
        %dma_wait3A_1198 = tpu.memref_slice %arg14[%dma_wait3A_1196, %dma_wait3A_1197] : memref<10240x128xf32, #tpu.memory_space<vmem_shared>> -> memref<10240x128xf32, #tpu.memory_space<vmem_shared>>
        tpu.wait_indirect_dma semaphore(%arg21 : memref<!tpu.dma_semaphore, #tpu.memory_space<semaphore_mem>>) src(%arg12 : memref<50x128xf32, #tpu.memory_space<vmem>>) dst(%dma_wait3A_1198 : memref<10240x128xf32, #tpu.memory_space<vmem_shared>>)
        %dma_start3A_1199 = arith.constant 2 : i32
        %dma_start3A_1200 = arith.constant 0 : i32
        %dma_start3A_1201 = tpu.memref_slice %arg7[%dma_start3A_1199, %dma_start3A_1200] : memref<20x50xi32, #tpu.memory_space<vmem>> -> memref<1x50xi32, #tpu.memory_space<vmem>>
        %dma_start3A_1202 = tpu.memref_squeeze %dma_start3A_1201 : memref<1x50xi32, #tpu.memory_space<vmem>> -> memref<50xi32, #tpu.memory_space<vmem>>
        %dma_start3A_1203 = arith.constant 0 : i32
        %dma_start3A_1204 = arith.constant 0 : i32
        %dma_start3A_1205 = tpu.memref_slice %arg2[%dma_start3A_1203, %dma_start3A_1204] : memref<10000x128xf32, #tpu.memory_space<hbm>> -> memref<10000x128xf32, #tpu.memory_space<hbm>>
        tpu.enqueue_indirect_dma source(%dma_start3A_1205 : memref<10000x128xf32, #tpu.memory_space<hbm>>) target(%arg12 : memref<50x128xf32, #tpu.memory_space<vmem>>) offsets(%dma_start3A_1202 : memref<50xi32, #tpu.memory_space<vmem>>) semaphore(%arg17 : memref<!tpu.dma_semaphore, #tpu.memory_space<semaphore_mem>>)
      } else {
      }
      %mul3A_647 = arith.constant 2 : i32
      %mul3A_648 = arith.muli %scan3A_103, %mul3A_647 : i32
      %add3A_649 = arith.constant 1 : i32
      %add3A_650 = arith.addi %mul3A_648, %add3A_649 : i32
      %ge3A_651 = arith.constant 1 : i32
      %ge3A_652 = arith.cmpi sge, %add3A_650, %ge3A_651 : i32
      %add3A_653 = arith.constant 1 : i32
      %add3A_654 = arith.addi %add3A_650, %add3A_653 : i32
      %lt3A_655 = arith.constant 10 : i32
      %lt3A_656 = arith.cmpi slt, %add3A_654, %lt3A_655 : i32
      %and3A_657 = arith.andi %ge3A_652, %lt3A_656 : i1
      %convert_element_type3A_658 = arith.extui %and3A_657 : i1 to i32
      %cond3A_659 = arith.constant 0 : i32
      %cond3A_660 = arith.cmpi ne, %convert_element_type3A_658, %cond3A_659 : i32
      scf.if %cond3A_660 {
        %add3A_1192 = arith.constant 1 : i32
        %add3A_1193 = arith.addi %add3A_650, %add3A_1192 : i32
        %dma_start3A_1194 = arith.constant 0 : i32
        %dma_start3A_1195 = arith.constant 0 : i32
        %dma_start3A_1196 = arith.constant 0 : i32
        %dma_start3A_1197 = tpu.memref_slice %arg3[%dma_start3A_1194, %add3A, %add3A_1193, %dma_start3A_1195, %dma_start3A_1196] : memref<2x32x10x20x50xi32, #tpu.memory_space<hbm>> -> memref<1x1x1x20x50xi32, #tpu.memory_space<hbm>>
        %dma_start3A_1198 = tpu.memref_squeeze %dma_start3A_1197 : memref<1x1x1x20x50xi32, #tpu.memory_space<hbm>> -> memref<20x50xi32, #tpu.memory_space<hbm>>
        %dma_start3A_1199 = arith.constant 0 : i32
        %dma_start3A_1200 = arith.constant 0 : i32
        %dma_start3A_1201 = tpu.memref_slice %arg3[%dma_start3A_1194, %add3A, %add3A_1193, %dma_start3A_1199, %dma_start3A_1200] : memref<2x32x10x20x50xi32, #tpu.memory_space<hbm>> -> memref<1x1x1x20x50xi32, #tpu.memory_space<hbm>>
        %dma_start3A_1202 = tpu.memref_squeeze %dma_start3A_1201 : memref<1x1x1x20x50xi32, #tpu.memory_space<hbm>> -> memref<20x50xi32, #tpu.memory_space<hbm>>
        tpu.enqueue_dma source(%dma_start3A_1202 : memref<20x50xi32, #tpu.memory_space<hbm>>) target(%arg6 : memref<20x50xi32, #tpu.memory_space<vmem>>) target_semaphore(%arg23 : memref<!tpu.dma_semaphore, #tpu.memory_space<semaphore_mem>>)
        %dma_start3A_1203 = arith.constant 1 : i32
        %dma_start3A_1204 = arith.constant 0 : i32
        %dma_start3A_1205 = arith.constant 0 : i32
        %dma_start3A_1206 = tpu.memref_slice %arg3[%dma_start3A_1203, %add3A, %add3A_1193, %dma_start3A_1204, %dma_start3A_1205] : memref<2x32x10x20x50xi32, #tpu.memory_space<hbm>> -> memref<1x1x1x20x50xi32, #tpu.memory_space<hbm>>
        %dma_start3A_1207 = tpu.memref_squeeze %dma_start3A_1206 : memref<1x1x1x20x50xi32, #tpu.memory_space<hbm>> -> memref<20x50xi32, #tpu.memory_space<hbm>>
        %dma_start3A_1208 = arith.constant 0 : i32
        %dma_start3A_1209 = arith.constant 0 : i32
        %dma_start3A_1210 = tpu.memref_slice %arg3[%dma_start3A_1203, %add3A, %add3A_1193, %dma_start3A_1208, %dma_start3A_1209] : memref<2x32x10x20x50xi32, #tpu.memory_space<hbm>> -> memref<1x1x1x20x50xi32, #tpu.memory_space<hbm>>
        %dma_start3A_1211 = tpu.memref_squeeze %dma_start3A_1210 : memref<1x1x1x20x50xi32, #tpu.memory_space<hbm>> -> memref<20x50xi32, #tpu.memory_space<hbm>>
        tpu.enqueue_dma source(%dma_start3A_1211 : memref<20x50xi32, #tpu.memory_space<hbm>>) target(%arg8 : memref<20x50xi32, #tpu.memory_space<vmem>>) target_semaphore(%arg23 : memref<!tpu.dma_semaphore, #tpu.memory_space<semaphore_mem>>)
      } else {
      }
      %dma_wait3A_661 = arith.constant 0 : i32
      %dma_wait3A_662 = arith.constant 0 : i32
      %dma_wait3A_663 = tpu.memref_slice %arg6[%dma_wait3A_661, %dma_wait3A_662] : memref<20x50xi32, #tpu.memory_space<vmem>> -> memref<1x50xi32, #tpu.memory_space<vmem>>
      %dma_wait3A_664 = tpu.memref_squeeze %dma_wait3A_663 : memref<1x50xi32, #tpu.memory_space<vmem>> -> memref<50xi32, #tpu.memory_space<vmem>>
      %dma_wait3A_665 = arith.constant 0 : i32
      %dma_wait3A_666 = arith.constant 0 : i32
      %dma_wait3A_667 = tpu.memref_slice %arg2[%dma_wait3A_665, %dma_wait3A_666] : memref<10000x128xf32, #tpu.memory_space<hbm>> -> memref<10000x128xf32, #tpu.memory_space<hbm>>
      tpu.wait_indirect_dma semaphore(%arg15 : memref<!tpu.dma_semaphore, #tpu.memory_space<semaphore_mem>>) src(%dma_wait3A_667 : memref<10000x128xf32, #tpu.memory_space<hbm>>) dst(%arg10 : memref<50x128xf32, #tpu.memory_space<vmem>>)
      %dma_start3A_668 = arith.constant 0 : i32
      %dma_start3A_669 = arith.constant 0 : i32
      %dma_start3A_670 = tpu.memref_slice %arg9[%dma_start3A_668, %dma_start3A_669] : memref<20x50xi32, #tpu.memory_space<vmem>> -> memref<1x50xi32, #tpu.memory_space<vmem>>
      %dma_start3A_671 = tpu.memref_squeeze %dma_start3A_670 : memref<1x50xi32, #tpu.memory_space<vmem>> -> memref<50xi32, #tpu.memory_space<vmem>>
      %dma_start3A_672 = arith.constant 0 : i32
      %dma_start3A_673 = arith.constant 0 : i32
      %dma_start3A_674 = tpu.memref_slice %arg14[%dma_start3A_672, %dma_start3A_673] : memref<10240x128xf32, #tpu.memory_space<vmem_shared>> -> memref<10240x128xf32, #tpu.memory_space<vmem_shared>>
      tpu.enqueue_indirect_dma source(%arg10 : memref<50x128xf32, #tpu.memory_space<vmem>>) target(%dma_start3A_674 : memref<10240x128xf32, #tpu.memory_space<vmem_shared>>) offsets(%dma_start3A_671 : memref<50xi32, #tpu.memory_space<vmem>>) semaphore(%arg19 : memref<!tpu.dma_semaphore, #tpu.memory_space<semaphore_mem>>) {add = true}
      %gt3A_675 = arith.constant 0 : i32
      %gt3A_676 = arith.cmpi sgt, %add3A_650, %gt3A_675 : i32
      %convert_element_type3A_677 = arith.extui %gt3A_676 : i1 to i32
      %cond3A_678 = arith.constant 0 : i32
      %cond3A_679 = arith.cmpi ne, %convert_element_type3A_677, %cond3A_678 : i32
      scf.if %cond3A_679 {
        %dma_wait3A_1192 = arith.constant 0 : i32
        %dma_wait3A_1193 = arith.constant 0 : i32
        %dma_wait3A_1194 = tpu.memref_slice %arg8[%dma_wait3A_1192, %dma_wait3A_1193] : memref<20x50xi32, #tpu.memory_space<vmem>> -> memref<1x50xi32, #tpu.memory_space<vmem>>
        %dma_wait3A_1195 = tpu.memref_squeeze %dma_wait3A_1194 : memref<1x50xi32, #tpu.memory_space<vmem>> -> memref<50xi32, #tpu.memory_space<vmem>>
        %dma_wait3A_1196 = arith.constant 0 : i32
        %dma_wait3A_1197 = arith.constant 0 : i32
        %dma_wait3A_1198 = tpu.memref_slice %arg14[%dma_wait3A_1196, %dma_wait3A_1197] : memref<10240x128xf32, #tpu.memory_space<vmem_shared>> -> memref<10240x128xf32, #tpu.memory_space<vmem_shared>>
        tpu.wait_indirect_dma semaphore(%arg22 : memref<!tpu.dma_semaphore, #tpu.memory_space<semaphore_mem>>) src(%arg13 : memref<50x128xf32, #tpu.memory_space<vmem>>) dst(%dma_wait3A_1198 : memref<10240x128xf32, #tpu.memory_space<vmem_shared>>)
        %dma_start3A_1199 = arith.constant 3 : i32
        %dma_start3A_1200 = arith.constant 0 : i32
        %dma_start3A_1201 = tpu.memref_slice %arg7[%dma_start3A_1199, %dma_start3A_1200] : memref<20x50xi32, #tpu.memory_space<vmem>> -> memref<1x50xi32, #tpu.memory_space<vmem>>
        %dma_start3A_1202 = tpu.memref_squeeze %dma_start3A_1201 : memref<1x50xi32, #tpu.memory_space<vmem>> -> memref<50xi32, #tpu.memory_space<vmem>>
        %dma_start3A_1203 = arith.constant 0 : i32
        %dma_start3A_1204 = arith.constant 0 : i32
        %dma_start3A_1205 = tpu.memref_slice %arg2[%dma_start3A_1203, %dma_start3A_1204] : memref<10000x128xf32, #tpu.memory_space<hbm>> -> memref<10000x128xf32, #tpu.memory_space<hbm>>
        tpu.enqueue_indirect_dma source(%dma_start3A_1205 : memref<10000x128xf32, #tpu.memory_space<hbm>>) target(%arg13 : memref<50x128xf32, #tpu.memory_space<vmem>>) offsets(%dma_start3A_1202 : memref<50xi32, #tpu.memory_space<vmem>>) semaphore(%arg18 : memref<!tpu.dma_semaphore, #tpu.memory_space<semaphore_mem>>)
      } else {
      }
      %dma_wait3A_680 = arith.constant 0 : i32
      %dma_wait3A_681 = arith.constant 0 : i32
      %dma_wait3A_682 = tpu.memref_slice %arg6[%dma_wait3A_680, %dma_wait3A_681] : memref<20x50xi32, #tpu.memory_space<vmem>> -> memref<1x50xi32, #tpu.memory_space<vmem>>
      %dma_wait3A_683 = tpu.memref_squeeze %dma_wait3A_682 : memref<1x50xi32, #tpu.memory_space<vmem>> -> memref<50xi32, #tpu.memory_space<vmem>>
      %dma_wait3A_684 = arith.constant 0 : i32
      %dma_wait3A_685 = arith.constant 0 : i32
      %dma_wait3A_686 = tpu.memref_slice %arg2[%dma_wait3A_684, %dma_wait3A_685] : memref<10000x128xf32, #tpu.memory_space<hbm>> -> memref<10000x128xf32, #tpu.memory_space<hbm>>
      tpu.wait_indirect_dma semaphore(%arg16 : memref<!tpu.dma_semaphore, #tpu.memory_space<semaphore_mem>>) src(%dma_wait3A_686 : memref<10000x128xf32, #tpu.memory_space<hbm>>) dst(%arg11 : memref<50x128xf32, #tpu.memory_space<vmem>>)
      %dma_start3A_687 = arith.constant 1 : i32
      %dma_start3A_688 = arith.constant 0 : i32
      %dma_start3A_689 = tpu.memref_slice %arg9[%dma_start3A_687, %dma_start3A_688] : memref<20x50xi32, #tpu.memory_space<vmem>> -> memref<1x50xi32, #tpu.memory_space<vmem>>
      %dma_start3A_690 = tpu.memref_squeeze %dma_start3A_689 : memref<1x50xi32, #tpu.memory_space<vmem>> -> memref<50xi32, #tpu.memory_space<vmem>>
      %dma_start3A_691 = arith.constant 0 : i32
      %dma_start3A_692 = arith.constant 0 : i32
      %dma_start3A_693 = tpu.memref_slice %arg14[%dma_start3A_691, %dma_start3A_692] : memref<10240x128xf32, #tpu.memory_space<vmem_shared>> -> memref<10240x128xf32, #tpu.memory_space<vmem_shared>>
      tpu.enqueue_indirect_dma source(%arg11 : memref<50x128xf32, #tpu.memory_space<vmem>>) target(%dma_start3A_693 : memref<10240x128xf32, #tpu.memory_space<vmem_shared>>) offsets(%dma_start3A_690 : memref<50xi32, #tpu.memory_space<vmem>>) semaphore(%arg20 : memref<!tpu.dma_semaphore, #tpu.memory_space<semaphore_mem>>) {add = true}
      %dma_wait3A_694 = arith.constant 0 : i32
      %dma_wait3A_695 = arith.constant 0 : i32
      %dma_wait3A_696 = tpu.memref_slice %arg8[%dma_wait3A_694, %dma_wait3A_695] : memref<20x50xi32, #tpu.memory_space<vmem>> -> memref<1x50xi32, #tpu.memory_space<vmem>>
      %dma_wait3A_697 = tpu.memref_squeeze %dma_wait3A_696 : memref<1x50xi32, #tpu.memory_space<vmem>> -> memref<50xi32, #tpu.memory_space<vmem>>
      %dma_wait3A_698 = arith.constant 0 : i32
      %dma_wait3A_699 = arith.constant 0 : i32
      %dma_wait3A_700 = tpu.memref_slice %arg14[%dma_wait3A_698, %dma_wait3A_699] : memref<10240x128xf32, #tpu.memory_space<vmem_shared>> -> memref<10240x128xf32, #tpu.memory_space<vmem_shared>>
      tpu.wait_indirect_dma semaphore(%arg19 : memref<!tpu.dma_semaphore, #tpu.memory_space<semaphore_mem>>) src(%arg10 : memref<50x128xf32, #tpu.memory_space<vmem>>) dst(%dma_wait3A_700 : memref<10240x128xf32, #tpu.memory_space<vmem_shared>>)
      %dma_start3A_701 = arith.constant 4 : i32
      %dma_start3A_702 = arith.constant 0 : i32
      %dma_start3A_703 = tpu.memref_slice %arg7[%dma_start3A_701, %dma_start3A_702] : memref<20x50xi32, #tpu.memory_space<vmem>> -> memref<1x50xi32, #tpu.memory_space<vmem>>
      %dma_start3A_704 = tpu.memref_squeeze %dma_start3A_703 : memref<1x50xi32, #tpu.memory_space<vmem>> -> memref<50xi32, #tpu.memory_space<vmem>>
      %dma_start3A_705 = arith.constant 0 : i32
      %dma_start3A_706 = arith.constant 0 : i32
      %dma_start3A_707 = tpu.memref_slice %arg2[%dma_start3A_705, %dma_start3A_706] : memref<10000x128xf32, #tpu.memory_space<hbm>> -> memref<10000x128xf32, #tpu.memory_space<hbm>>
      tpu.enqueue_indirect_dma source(%dma_start3A_707 : memref<10000x128xf32, #tpu.memory_space<hbm>>) target(%arg10 : memref<50x128xf32, #tpu.memory_space<vmem>>) offsets(%dma_start3A_704 : memref<50xi32, #tpu.memory_space<vmem>>) semaphore(%arg15 : memref<!tpu.dma_semaphore, #tpu.memory_space<semaphore_mem>>)
      %dma_wait3A_708 = arith.constant 0 : i32
      %dma_wait3A_709 = arith.constant 0 : i32
      %dma_wait3A_710 = tpu.memref_slice %arg6[%dma_wait3A_708, %dma_wait3A_709] : memref<20x50xi32, #tpu.memory_space<vmem>> -> memref<1x50xi32, #tpu.memory_space<vmem>>
      %dma_wait3A_711 = tpu.memref_squeeze %dma_wait3A_710 : memref<1x50xi32, #tpu.memory_space<vmem>> -> memref<50xi32, #tpu.memory_space<vmem>>
      %dma_wait3A_712 = arith.constant 0 : i32
      %dma_wait3A_713 = arith.constant 0 : i32
      %dma_wait3A_714 = tpu.memref_slice %arg2[%dma_wait3A_712, %dma_wait3A_713] : memref<10000x128xf32, #tpu.memory_space<hbm>> -> memref<10000x128xf32, #tpu.memory_space<hbm>>
      tpu.wait_indirect_dma semaphore(%arg17 : memref<!tpu.dma_semaphore, #tpu.memory_space<semaphore_mem>>) src(%dma_wait3A_714 : memref<10000x128xf32, #tpu.memory_space<hbm>>) dst(%arg12 : memref<50x128xf32, #tpu.memory_space<vmem>>)
      %dma_start3A_715 = arith.constant 2 : i32
      %dma_start3A_716 = arith.constant 0 : i32
      %dma_start3A_717 = tpu.memref_slice %arg9[%dma_start3A_715, %dma_start3A_716] : memref<20x50xi32, #tpu.memory_space<vmem>> -> memref<1x50xi32, #tpu.memory_space<vmem>>
      %dma_start3A_718 = tpu.memref_squeeze %dma_start3A_717 : memref<1x50xi32, #tpu.memory_space<vmem>> -> memref<50xi32, #tpu.memory_space<vmem>>
      %dma_start3A_719 = arith.constant 0 : i32
      %dma_start3A_720 = arith.constant 0 : i32
      %dma_start3A_721 = tpu.memref_slice %arg14[%dma_start3A_719, %dma_start3A_720] : memref<10240x128xf32, #tpu.memory_space<vmem_shared>> -> memref<10240x128xf32, #tpu.memory_space<vmem_shared>>
      tpu.enqueue_indirect_dma source(%arg12 : memref<50x128xf32, #tpu.memory_space<vmem>>) target(%dma_start3A_721 : memref<10240x128xf32, #tpu.memory_space<vmem_shared>>) offsets(%dma_start3A_718 : memref<50xi32, #tpu.memory_space<vmem>>) semaphore(%arg21 : memref<!tpu.dma_semaphore, #tpu.memory_space<semaphore_mem>>) {add = true}
      %dma_wait3A_722 = arith.constant 0 : i32
      %dma_wait3A_723 = arith.constant 0 : i32
      %dma_wait3A_724 = tpu.memref_slice %arg8[%dma_wait3A_722, %dma_wait3A_723] : memref<20x50xi32, #tpu.memory_space<vmem>> -> memref<1x50xi32, #tpu.memory_space<vmem>>
      %dma_wait3A_725 = tpu.memref_squeeze %dma_wait3A_724 : memref<1x50xi32, #tpu.memory_space<vmem>> -> memref<50xi32, #tpu.memory_space<vmem>>
      %dma_wait3A_726 = arith.constant 0 : i32
      %dma_wait3A_727 = arith.constant 0 : i32
      %dma_wait3A_728 = tpu.memref_slice %arg14[%dma_wait3A_726, %dma_wait3A_727] : memref<10240x128xf32, #tpu.memory_space<vmem_shared>> -> memref<10240x128xf32, #tpu.memory_space<vmem_shared>>
      tpu.wait_indirect_dma semaphore(%arg20 : memref<!tpu.dma_semaphore, #tpu.memory_space<semaphore_mem>>) src(%arg11 : memref<50x128xf32, #tpu.memory_space<vmem>>) dst(%dma_wait3A_728 : memref<10240x128xf32, #tpu.memory_space<vmem_shared>>)
      %dma_start3A_729 = arith.constant 5 : i32
      %dma_start3A_730 = arith.constant 0 : i32
      %dma_start3A_731 = tpu.memref_slice %arg7[%dma_start3A_729, %dma_start3A_730] : memref<20x50xi32, #tpu.memory_space<vmem>> -> memref<1x50xi32, #tpu.memory_space<vmem>>
      %dma_start3A_732 = tpu.memref_squeeze %dma_start3A_731 : memref<1x50xi32, #tpu.memory_space<vmem>> -> memref<50xi32, #tpu.memory_space<vmem>>
      %dma_start3A_733 = arith.constant 0 : i32
      %dma_start3A_734 = arith.constant 0 : i32
      %dma_start3A_735 = tpu.memref_slice %arg2[%dma_start3A_733, %dma_start3A_734] : memref<10000x128xf32, #tpu.memory_space<hbm>> -> memref<10000x128xf32, #tpu.memory_space<hbm>>
      tpu.enqueue_indirect_dma source(%dma_start3A_735 : memref<10000x128xf32, #tpu.memory_space<hbm>>) target(%arg11 : memref<50x128xf32, #tpu.memory_space<vmem>>) offsets(%dma_start3A_732 : memref<50xi32, #tpu.memory_space<vmem>>) semaphore(%arg16 : memref<!tpu.dma_semaphore, #tpu.memory_space<semaphore_mem>>)
      %dma_wait3A_736 = arith.constant 0 : i32
      %dma_wait3A_737 = arith.constant 0 : i32
      %dma_wait3A_738 = tpu.memref_slice %arg6[%dma_wait3A_736, %dma_wait3A_737] : memref<20x50xi32, #tpu.memory_space<vmem>> -> memref<1x50xi32, #tpu.memory_space<vmem>>
      %dma_wait3A_739 = tpu.memref_squeeze %dma_wait3A_738 : memref<1x50xi32, #tpu.memory_space<vmem>> -> memref<50xi32, #tpu.memory_space<vmem>>
      %dma_wait3A_740 = arith.constant 0 : i32
      %dma_wait3A_741 = arith.constant 0 : i32
      %dma_wait3A_742 = tpu.memref_slice %arg2[%dma_wait3A_740, %dma_wait3A_741] : memref<10000x128xf32, #tpu.memory_space<hbm>> -> memref<10000x128xf32, #tpu.memory_space<hbm>>
      tpu.wait_indirect_dma semaphore(%arg18 : memref<!tpu.dma_semaphore, #tpu.memory_space<semaphore_mem>>) src(%dma_wait3A_742 : memref<10000x128xf32, #tpu.memory_space<hbm>>) dst(%arg13 : memref<50x128xf32, #tpu.memory_space<vmem>>)
      %dma_start3A_743 = arith.constant 3 : i32
      %dma_start3A_744 = arith.constant 0 : i32
      %dma_start3A_745 = tpu.memref_slice %arg9[%dma_start3A_743, %dma_start3A_744] : memref<20x50xi32, #tpu.memory_space<vmem>> -> memref<1x50xi32, #tpu.memory_space<vmem>>
      %dma_start3A_746 = tpu.memref_squeeze %dma_start3A_745 : memref<1x50xi32, #tpu.memory_space<vmem>> -> memref<50xi32, #tpu.memory_space<vmem>>
      %dma_start3A_747 = arith.constant 0 : i32
      %dma_start3A_748 = arith.constant 0 : i32
      %dma_start3A_749 = tpu.memref_slice %arg14[%dma_start3A_747, %dma_start3A_748] : memref<10240x128xf32, #tpu.memory_space<vmem_shared>> -> memref<10240x128xf32, #tpu.memory_space<vmem_shared>>
      tpu.enqueue_indirect_dma source(%arg13 : memref<50x128xf32, #tpu.memory_space<vmem>>) target(%dma_start3A_749 : memref<10240x128xf32, #tpu.memory_space<vmem_shared>>) offsets(%dma_start3A_746 : memref<50xi32, #tpu.memory_space<vmem>>) semaphore(%arg22 : memref<!tpu.dma_semaphore, #tpu.memory_space<semaphore_mem>>) {add = true}
      %dma_wait3A_750 = arith.constant 0 : i32
      %dma_wait3A_751 = arith.constant 0 : i32
      %dma_wait3A_752 = tpu.memref_slice %arg8[%dma_wait3A_750, %dma_wait3A_751] : memref<20x50xi32, #tpu.memory_space<vmem>> -> memref<1x50xi32, #tpu.memory_space<vmem>>
      %dma_wait3A_753 = tpu.memref_squeeze %dma_wait3A_752 : memref<1x50xi32, #tpu.memory_space<vmem>> -> memref<50xi32, #tpu.memory_space<vmem>>
      %dma_wait3A_754 = arith.constant 0 : i32
      %dma_wait3A_755 = arith.constant 0 : i32
      %dma_wait3A_756 = tpu.memref_slice %arg14[%dma_wait3A_754, %dma_wait3A_755] : memref<10240x128xf32, #tpu.memory_space<vmem_shared>> -> memref<10240x128xf32, #tpu.memory_space<vmem_shared>>
      tpu.wait_indirect_dma semaphore(%arg21 : memref<!tpu.dma_semaphore, #tpu.memory_space<semaphore_mem>>) src(%arg12 : memref<50x128xf32, #tpu.memory_space<vmem>>) dst(%dma_wait3A_756 : memref<10240x128xf32, #tpu.memory_space<vmem_shared>>)
      %dma_start3A_757 = arith.constant 6 : i32
      %dma_start3A_758 = arith.constant 0 : i32
      %dma_start3A_759 = tpu.memref_slice %arg7[%dma_start3A_757, %dma_start3A_758] : memref<20x50xi32, #tpu.memory_space<vmem>> -> memref<1x50xi32, #tpu.memory_space<vmem>>
      %dma_start3A_760 = tpu.memref_squeeze %dma_start3A_759 : memref<1x50xi32, #tpu.memory_space<vmem>> -> memref<50xi32, #tpu.memory_space<vmem>>
      %dma_start3A_761 = arith.constant 0 : i32
      %dma_start3A_762 = arith.constant 0 : i32
      %dma_start3A_763 = tpu.memref_slice %arg2[%dma_start3A_761, %dma_start3A_762] : memref<10000x128xf32, #tpu.memory_space<hbm>> -> memref<10000x128xf32, #tpu.memory_space<hbm>>
      tpu.enqueue_indirect_dma source(%dma_start3A_763 : memref<10000x128xf32, #tpu.memory_space<hbm>>) target(%arg12 : memref<50x128xf32, #tpu.memory_space<vmem>>) offsets(%dma_start3A_760 : memref<50xi32, #tpu.memory_space<vmem>>) semaphore(%arg17 : memref<!tpu.dma_semaphore, #tpu.memory_space<semaphore_mem>>)
      %dma_wait3A_764 = arith.constant 0 : i32
      %dma_wait3A_765 = arith.constant 0 : i32
      %dma_wait3A_766 = tpu.memref_slice %arg6[%dma_wait3A_764, %dma_wait3A_765] : memref<20x50xi32, #tpu.memory_space<vmem>> -> memref<1x50xi32, #tpu.memory_space<vmem>>
      %dma_wait3A_767 = tpu.memref_squeeze %dma_wait3A_766 : memref<1x50xi32, #tpu.memory_space<vmem>> -> memref<50xi32, #tpu.memory_space<vmem>>
      %dma_wait3A_768 = arith.constant 0 : i32
      %dma_wait3A_769 = arith.constant 0 : i32
      %dma_wait3A_770 = tpu.memref_slice %arg2[%dma_wait3A_768, %dma_wait3A_769] : memref<10000x128xf32, #tpu.memory_space<hbm>> -> memref<10000x128xf32, #tpu.memory_space<hbm>>
      tpu.wait_indirect_dma semaphore(%arg15 : memref<!tpu.dma_semaphore, #tpu.memory_space<semaphore_mem>>) src(%dma_wait3A_770 : memref<10000x128xf32, #tpu.memory_space<hbm>>) dst(%arg10 : memref<50x128xf32, #tpu.memory_space<vmem>>)
      %dma_start3A_771 = arith.constant 4 : i32
      %dma_start3A_772 = arith.constant 0 : i32
      %dma_start3A_773 = tpu.memref_slice %arg9[%dma_start3A_771, %dma_start3A_772] : memref<20x50xi32, #tpu.memory_space<vmem>> -> memref<1x50xi32, #tpu.memory_space<vmem>>
      %dma_start3A_774 = tpu.memref_squeeze %dma_start3A_773 : memref<1x50xi32, #tpu.memory_space<vmem>> -> memref<50xi32, #tpu.memory_space<vmem>>
      %dma_start3A_775 = arith.constant 0 : i32
      %dma_start3A_776 = arith.constant 0 : i32
      %dma_start3A_777 = tpu.memref_slice %arg14[%dma_start3A_775, %dma_start3A_776] : memref<10240x128xf32, #tpu.memory_space<vmem_shared>> -> memref<10240x128xf32, #tpu.memory_space<vmem_shared>>
      tpu.enqueue_indirect_dma source(%arg10 : memref<50x128xf32, #tpu.memory_space<vmem>>) target(%dma_start3A_777 : memref<10240x128xf32, #tpu.memory_space<vmem_shared>>) offsets(%dma_start3A_774 : memref<50xi32, #tpu.memory_space<vmem>>) semaphore(%arg19 : memref<!tpu.dma_semaphore, #tpu.memory_space<semaphore_mem>>) {add = true}
      %dma_wait3A_778 = arith.constant 0 : i32
      %dma_wait3A_779 = arith.constant 0 : i32
      %dma_wait3A_780 = tpu.memref_slice %arg8[%dma_wait3A_778, %dma_wait3A_779] : memref<20x50xi32, #tpu.memory_space<vmem>> -> memref<1x50xi32, #tpu.memory_space<vmem>>
      %dma_wait3A_781 = tpu.memref_squeeze %dma_wait3A_780 : memref<1x50xi32, #tpu.memory_space<vmem>> -> memref<50xi32, #tpu.memory_space<vmem>>
      %dma_wait3A_782 = arith.constant 0 : i32
      %dma_wait3A_783 = arith.constant 0 : i32
      %dma_wait3A_784 = tpu.memref_slice %arg14[%dma_wait3A_782, %dma_wait3A_783] : memref<10240x128xf32, #tpu.memory_space<vmem_shared>> -> memref<10240x128xf32, #tpu.memory_space<vmem_shared>>
      tpu.wait_indirect_dma semaphore(%arg22 : memref<!tpu.dma_semaphore, #tpu.memory_space<semaphore_mem>>) src(%arg13 : memref<50x128xf32, #tpu.memory_space<vmem>>) dst(%dma_wait3A_784 : memref<10240x128xf32, #tpu.memory_space<vmem_shared>>)
      %dma_start3A_785 = arith.constant 7 : i32
      %dma_start3A_786 = arith.constant 0 : i32
      %dma_start3A_787 = tpu.memref_slice %arg7[%dma_start3A_785, %dma_start3A_786] : memref<20x50xi32, #tpu.memory_space<vmem>> -> memref<1x50xi32, #tpu.memory_space<vmem>>
      %dma_start3A_788 = tpu.memref_squeeze %dma_start3A_787 : memref<1x50xi32, #tpu.memory_space<vmem>> -> memref<50xi32, #tpu.memory_space<vmem>>
      %dma_start3A_789 = arith.constant 0 : i32
      %dma_start3A_790 = arith.constant 0 : i32
      %dma_start3A_791 = tpu.memref_slice %arg2[%dma_start3A_789, %dma_start3A_790] : memref<10000x128xf32, #tpu.memory_space<hbm>> -> memref<10000x128xf32, #tpu.memory_space<hbm>>
      tpu.enqueue_indirect_dma source(%dma_start3A_791 : memref<10000x128xf32, #tpu.memory_space<hbm>>) target(%arg13 : memref<50x128xf32, #tpu.memory_space<vmem>>) offsets(%dma_start3A_788 : memref<50xi32, #tpu.memory_space<vmem>>) semaphore(%arg18 : memref<!tpu.dma_semaphore, #tpu.memory_space<semaphore_mem>>)
      %dma_wait3A_792 = arith.constant 0 : i32
      %dma_wait3A_793 = arith.constant 0 : i32
      %dma_wait3A_794 = tpu.memref_slice %arg6[%dma_wait3A_792, %dma_wait3A_793] : memref<20x50xi32, #tpu.memory_space<vmem>> -> memref<1x50xi32, #tpu.memory_space<vmem>>
      %dma_wait3A_795 = tpu.memref_squeeze %dma_wait3A_794 : memref<1x50xi32, #tpu.memory_space<vmem>> -> memref<50xi32, #tpu.memory_space<vmem>>
      %dma_wait3A_796 = arith.constant 0 : i32
      %dma_wait3A_797 = arith.constant 0 : i32
      %dma_wait3A_798 = tpu.memref_slice %arg2[%dma_wait3A_796, %dma_wait3A_797] : memref<10000x128xf32, #tpu.memory_space<hbm>> -> memref<10000x128xf32, #tpu.memory_space<hbm>>
      tpu.wait_indirect_dma semaphore(%arg16 : memref<!tpu.dma_semaphore, #tpu.memory_space<semaphore_mem>>) src(%dma_wait3A_798 : memref<10000x128xf32, #tpu.memory_space<hbm>>) dst(%arg11 : memref<50x128xf32, #tpu.memory_space<vmem>>)
      %dma_start3A_799 = arith.constant 5 : i32
      %dma_start3A_800 = arith.constant 0 : i32
      %dma_start3A_801 = tpu.memref_slice %arg9[%dma_start3A_799, %dma_start3A_800] : memref<20x50xi32, #tpu.memory_space<vmem>> -> memref<1x50xi32, #tpu.memory_space<vmem>>
      %dma_start3A_802 = tpu.memref_squeeze %dma_start3A_801 : memref<1x50xi32, #tpu.memory_space<vmem>> -> memref<50xi32, #tpu.memory_space<vmem>>
      %dma_start3A_803 = arith.constant 0 : i32
      %dma_start3A_804 = arith.constant 0 : i32
      %dma_start3A_805 = tpu.memref_slice %arg14[%dma_start3A_803, %dma_start3A_804] : memref<10240x128xf32, #tpu.memory_space<vmem_shared>> -> memref<10240x128xf32, #tpu.memory_space<vmem_shared>>
      tpu.enqueue_indirect_dma source(%arg11 : memref<50x128xf32, #tpu.memory_space<vmem>>) target(%dma_start3A_805 : memref<10240x128xf32, #tpu.memory_space<vmem_shared>>) offsets(%dma_start3A_802 : memref<50xi32, #tpu.memory_space<vmem>>) semaphore(%arg20 : memref<!tpu.dma_semaphore, #tpu.memory_space<semaphore_mem>>) {add = true}
      %dma_wait3A_806 = arith.constant 0 : i32
      %dma_wait3A_807 = arith.constant 0 : i32
      %dma_wait3A_808 = tpu.memref_slice %arg8[%dma_wait3A_806, %dma_wait3A_807] : memref<20x50xi32, #tpu.memory_space<vmem>> -> memref<1x50xi32, #tpu.memory_space<vmem>>
      %dma_wait3A_809 = tpu.memref_squeeze %dma_wait3A_808 : memref<1x50xi32, #tpu.memory_space<vmem>> -> memref<50xi32, #tpu.memory_space<vmem>>
      %dma_wait3A_810 = arith.constant 0 : i32
      %dma_wait3A_811 = arith.constant 0 : i32
      %dma_wait3A_812 = tpu.memref_slice %arg14[%dma_wait3A_810, %dma_wait3A_811] : memref<10240x128xf32, #tpu.memory_space<vmem_shared>> -> memref<10240x128xf32, #tpu.memory_space<vmem_shared>>
      tpu.wait_indirect_dma semaphore(%arg19 : memref<!tpu.dma_semaphore, #tpu.memory_space<semaphore_mem>>) src(%arg10 : memref<50x128xf32, #tpu.memory_space<vmem>>) dst(%dma_wait3A_812 : memref<10240x128xf32, #tpu.memory_space<vmem_shared>>)
      %dma_start3A_813 = arith.constant 8 : i32
      %dma_start3A_814 = arith.constant 0 : i32
      %dma_start3A_815 = tpu.memref_slice %arg7[%dma_start3A_813, %dma_start3A_814] : memref<20x50xi32, #tpu.memory_space<vmem>> -> memref<1x50xi32, #tpu.memory_space<vmem>>
      %dma_start3A_816 = tpu.memref_squeeze %dma_start3A_815 : memref<1x50xi32, #tpu.memory_space<vmem>> -> memref<50xi32, #tpu.memory_space<vmem>>
      %dma_start3A_817 = arith.constant 0 : i32
      %dma_start3A_818 = arith.constant 0 : i32
      %dma_start3A_819 = tpu.memref_slice %arg2[%dma_start3A_817, %dma_start3A_818] : memref<10000x128xf32, #tpu.memory_space<hbm>> -> memref<10000x128xf32, #tpu.memory_space<hbm>>
      tpu.enqueue_indirect_dma source(%dma_start3A_819 : memref<10000x128xf32, #tpu.memory_space<hbm>>) target(%arg10 : memref<50x128xf32, #tpu.memory_space<vmem>>) offsets(%dma_start3A_816 : memref<50xi32, #tpu.memory_space<vmem>>) semaphore(%arg15 : memref<!tpu.dma_semaphore, #tpu.memory_space<semaphore_mem>>)
      %dma_wait3A_820 = arith.constant 0 : i32
      %dma_wait3A_821 = arith.constant 0 : i32
      %dma_wait3A_822 = tpu.memref_slice %arg6[%dma_wait3A_820, %dma_wait3A_821] : memref<20x50xi32, #tpu.memory_space<vmem>> -> memref<1x50xi32, #tpu.memory_space<vmem>>
      %dma_wait3A_823 = tpu.memref_squeeze %dma_wait3A_822 : memref<1x50xi32, #tpu.memory_space<vmem>> -> memref<50xi32, #tpu.memory_space<vmem>>
      %dma_wait3A_824 = arith.constant 0 : i32
      %dma_wait3A_825 = arith.constant 0 : i32
      %dma_wait3A_826 = tpu.memref_slice %arg2[%dma_wait3A_824, %dma_wait3A_825] : memref<10000x128xf32, #tpu.memory_space<hbm>> -> memref<10000x128xf32, #tpu.memory_space<hbm>>
      tpu.wait_indirect_dma semaphore(%arg17 : memref<!tpu.dma_semaphore, #tpu.memory_space<semaphore_mem>>) src(%dma_wait3A_826 : memref<10000x128xf32, #tpu.memory_space<hbm>>) dst(%arg12 : memref<50x128xf32, #tpu.memory_space<vmem>>)
      %dma_start3A_827 = arith.constant 6 : i32
      %dma_start3A_828 = arith.constant 0 : i32
      %dma_start3A_829 = tpu.memref_slice %arg9[%dma_start3A_827, %dma_start3A_828] : memref<20x50xi32, #tpu.memory_space<vmem>> -> memref<1x50xi32, #tpu.memory_space<vmem>>
      %dma_start3A_830 = tpu.memref_squeeze %dma_start3A_829 : memref<1x50xi32, #tpu.memory_space<vmem>> -> memref<50xi32, #tpu.memory_space<vmem>>
      %dma_start3A_831 = arith.constant 0 : i32
      %dma_start3A_832 = arith.constant 0 : i32
      %dma_start3A_833 = tpu.memref_slice %arg14[%dma_start3A_831, %dma_start3A_832] : memref<10240x128xf32, #tpu.memory_space<vmem_shared>> -> memref<10240x128xf32, #tpu.memory_space<vmem_shared>>
      tpu.enqueue_indirect_dma source(%arg12 : memref<50x128xf32, #tpu.memory_space<vmem>>) target(%dma_start3A_833 : memref<10240x128xf32, #tpu.memory_space<vmem_shared>>) offsets(%dma_start3A_830 : memref<50xi32, #tpu.memory_space<vmem>>) semaphore(%arg21 : memref<!tpu.dma_semaphore, #tpu.memory_space<semaphore_mem>>) {add = true}
      %dma_wait3A_834 = arith.constant 0 : i32
      %dma_wait3A_835 = arith.constant 0 : i32
      %dma_wait3A_836 = tpu.memref_slice %arg8[%dma_wait3A_834, %dma_wait3A_835] : memref<20x50xi32, #tpu.memory_space<vmem>> -> memref<1x50xi32, #tpu.memory_space<vmem>>
      %dma_wait3A_837 = tpu.memref_squeeze %dma_wait3A_836 : memref<1x50xi32, #tpu.memory_space<vmem>> -> memref<50xi32, #tpu.memory_space<vmem>>
      %dma_wait3A_838 = arith.constant 0 : i32
      %dma_wait3A_839 = arith.constant 0 : i32
      %dma_wait3A_840 = tpu.memref_slice %arg14[%dma_wait3A_838, %dma_wait3A_839] : memref<10240x128xf32, #tpu.memory_space<vmem_shared>> -> memref<10240x128xf32, #tpu.memory_space<vmem_shared>>
      tpu.wait_indirect_dma semaphore(%arg20 : memref<!tpu.dma_semaphore, #tpu.memory_space<semaphore_mem>>) src(%arg11 : memref<50x128xf32, #tpu.memory_space<vmem>>) dst(%dma_wait3A_840 : memref<10240x128xf32, #tpu.memory_space<vmem_shared>>)
      %dma_start3A_841 = arith.constant 9 : i32
      %dma_start3A_842 = arith.constant 0 : i32
      %dma_start3A_843 = tpu.memref_slice %arg7[%dma_start3A_841, %dma_start3A_842] : memref<20x50xi32, #tpu.memory_space<vmem>> -> memref<1x50xi32, #tpu.memory_space<vmem>>
      %dma_start3A_844 = tpu.memref_squeeze %dma_start3A_843 : memref<1x50xi32, #tpu.memory_space<vmem>> -> memref<50xi32, #tpu.memory_space<vmem>>
      %dma_start3A_845 = arith.constant 0 : i32
      %dma_start3A_846 = arith.constant 0 : i32
      %dma_start3A_847 = tpu.memref_slice %arg2[%dma_start3A_845, %dma_start3A_846] : memref<10000x128xf32, #tpu.memory_space<hbm>> -> memref<10000x128xf32, #tpu.memory_space<hbm>>
      tpu.enqueue_indirect_dma source(%dma_start3A_847 : memref<10000x128xf32, #tpu.memory_space<hbm>>) target(%arg11 : memref<50x128xf32, #tpu.memory_space<vmem>>) offsets(%dma_start3A_844 : memref<50xi32, #tpu.memory_space<vmem>>) semaphore(%arg16 : memref<!tpu.dma_semaphore, #tpu.memory_space<semaphore_mem>>)
      %dma_wait3A_848 = arith.constant 0 : i32
      %dma_wait3A_849 = arith.constant 0 : i32
      %dma_wait3A_850 = tpu.memref_slice %arg6[%dma_wait3A_848, %dma_wait3A_849] : memref<20x50xi32, #tpu.memory_space<vmem>> -> memref<1x50xi32, #tpu.memory_space<vmem>>
      %dma_wait3A_851 = tpu.memref_squeeze %dma_wait3A_850 : memref<1x50xi32, #tpu.memory_space<vmem>> -> memref<50xi32, #tpu.memory_space<vmem>>
      %dma_wait3A_852 = arith.constant 0 : i32
      %dma_wait3A_853 = arith.constant 0 : i32
      %dma_wait3A_854 = tpu.memref_slice %arg2[%dma_wait3A_852, %dma_wait3A_853] : memref<10000x128xf32, #tpu.memory_space<hbm>> -> memref<10000x128xf32, #tpu.memory_space<hbm>>
      tpu.wait_indirect_dma semaphore(%arg18 : memref<!tpu.dma_semaphore, #tpu.memory_space<semaphore_mem>>) src(%dma_wait3A_854 : memref<10000x128xf32, #tpu.memory_space<hbm>>) dst(%arg13 : memref<50x128xf32, #tpu.memory_space<vmem>>)
      %dma_start3A_855 = arith.constant 7 : i32
      %dma_start3A_856 = arith.constant 0 : i32
      %dma_start3A_857 = tpu.memref_slice %arg9[%dma_start3A_855, %dma_start3A_856] : memref<20x50xi32, #tpu.memory_space<vmem>> -> memref<1x50xi32, #tpu.memory_space<vmem>>
      %dma_start3A_858 = tpu.memref_squeeze %dma_start3A_857 : memref<1x50xi32, #tpu.memory_space<vmem>> -> memref<50xi32, #tpu.memory_space<vmem>>
      %dma_start3A_859 = arith.constant 0 : i32
      %dma_start3A_860 = arith.constant 0 : i32
      %dma_start3A_861 = tpu.memref_slice %arg14[%dma_start3A_859, %dma_start3A_860] : memref<10240x128xf32, #tpu.memory_space<vmem_shared>> -> memref<10240x128xf32, #tpu.memory_space<vmem_shared>>
      tpu.enqueue_indirect_dma source(%arg13 : memref<50x128xf32, #tpu.memory_space<vmem>>) target(%dma_start3A_861 : memref<10240x128xf32, #tpu.memory_space<vmem_shared>>) offsets(%dma_start3A_858 : memref<50xi32, #tpu.memory_space<vmem>>) semaphore(%arg22 : memref<!tpu.dma_semaphore, #tpu.memory_space<semaphore_mem>>) {add = true}
      %dma_wait3A_862 = arith.constant 0 : i32
      %dma_wait3A_863 = arith.constant 0 : i32
      %dma_wait3A_864 = tpu.memref_slice %arg8[%dma_wait3A_862, %dma_wait3A_863] : memref<20x50xi32, #tpu.memory_space<vmem>> -> memref<1x50xi32, #tpu.memory_space<vmem>>
      %dma_wait3A_865 = tpu.memref_squeeze %dma_wait3A_864 : memref<1x50xi32, #tpu.memory_space<vmem>> -> memref<50xi32, #tpu.memory_space<vmem>>
      %dma_wait3A_866 = arith.constant 0 : i32
      %dma_wait3A_867 = arith.constant 0 : i32
      %dma_wait3A_868 = tpu.memref_slice %arg14[%dma_wait3A_866, %dma_wait3A_867] : memref<10240x128xf32, #tpu.memory_space<vmem_shared>> -> memref<10240x128xf32, #tpu.memory_space<vmem_shared>>
      tpu.wait_indirect_dma semaphore(%arg21 : memref<!tpu.dma_semaphore, #tpu.memory_space<semaphore_mem>>) src(%arg12 : memref<50x128xf32, #tpu.memory_space<vmem>>) dst(%dma_wait3A_868 : memref<10240x128xf32, #tpu.memory_space<vmem_shared>>)
      %dma_start3A_869 = arith.constant 10 : i32
      %dma_start3A_870 = arith.constant 0 : i32
      %dma_start3A_871 = tpu.memref_slice %arg7[%dma_start3A_869, %dma_start3A_870] : memref<20x50xi32, #tpu.memory_space<vmem>> -> memref<1x50xi32, #tpu.memory_space<vmem>>
      %dma_start3A_872 = tpu.memref_squeeze %dma_start3A_871 : memref<1x50xi32, #tpu.memory_space<vmem>> -> memref<50xi32, #tpu.memory_space<vmem>>
      %dma_start3A_873 = arith.constant 0 : i32
      %dma_start3A_874 = arith.constant 0 : i32
      %dma_start3A_875 = tpu.memref_slice %arg2[%dma_start3A_873, %dma_start3A_874] : memref<10000x128xf32, #tpu.memory_space<hbm>> -> memref<10000x128xf32, #tpu.memory_space<hbm>>
      tpu.enqueue_indirect_dma source(%dma_start3A_875 : memref<10000x128xf32, #tpu.memory_space<hbm>>) target(%arg12 : memref<50x128xf32, #tpu.memory_space<vmem>>) offsets(%dma_start3A_872 : memref<50xi32, #tpu.memory_space<vmem>>) semaphore(%arg17 : memref<!tpu.dma_semaphore, #tpu.memory_space<semaphore_mem>>)
      %dma_wait3A_876 = arith.constant 0 : i32
      %dma_wait3A_877 = arith.constant 0 : i32
      %dma_wait3A_878 = tpu.memref_slice %arg6[%dma_wait3A_876, %dma_wait3A_877] : memref<20x50xi32, #tpu.memory_space<vmem>> -> memref<1x50xi32, #tpu.memory_space<vmem>>
      %dma_wait3A_879 = tpu.memref_squeeze %dma_wait3A_878 : memref<1x50xi32, #tpu.memory_space<vmem>> -> memref<50xi32, #tpu.memory_space<vmem>>
      %dma_wait3A_880 = arith.constant 0 : i32
      %dma_wait3A_881 = arith.constant 0 : i32
      %dma_wait3A_882 = tpu.memref_slice %arg2[%dma_wait3A_880, %dma_wait3A_881] : memref<10000x128xf32, #tpu.memory_space<hbm>> -> memref<10000x128xf32, #tpu.memory_space<hbm>>
      tpu.wait_indirect_dma semaphore(%arg15 : memref<!tpu.dma_semaphore, #tpu.memory_space<semaphore_mem>>) src(%dma_wait3A_882 : memref<10000x128xf32, #tpu.memory_space<hbm>>) dst(%arg10 : memref<50x128xf32, #tpu.memory_space<vmem>>)
      %dma_start3A_883 = arith.constant 8 : i32
      %dma_start3A_884 = arith.constant 0 : i32
      %dma_start3A_885 = tpu.memref_slice %arg9[%dma_start3A_883, %dma_start3A_884] : memref<20x50xi32, #tpu.memory_space<vmem>> -> memref<1x50xi32, #tpu.memory_space<vmem>>
      %dma_start3A_886 = tpu.memref_squeeze %dma_start3A_885 : memref<1x50xi32, #tpu.memory_space<vmem>> -> memref<50xi32, #tpu.memory_space<vmem>>
      %dma_start3A_887 = arith.constant 0 : i32
      %dma_start3A_888 = arith.constant 0 : i32
      %dma_start3A_889 = tpu.memref_slice %arg14[%dma_start3A_887, %dma_start3A_888] : memref<10240x128xf32, #tpu.memory_space<vmem_shared>> -> memref<10240x128xf32, #tpu.memory_space<vmem_shared>>
      tpu.enqueue_indirect_dma source(%arg10 : memref<50x128xf32, #tpu.memory_space<vmem>>) target(%dma_start3A_889 : memref<10240x128xf32, #tpu.memory_space<vmem_shared>>) offsets(%dma_start3A_886 : memref<50xi32, #tpu.memory_space<vmem>>) semaphore(%arg19 : memref<!tpu.dma_semaphore, #tpu.memory_space<semaphore_mem>>) {add = true}
      %dma_wait3A_890 = arith.constant 0 : i32
      %dma_wait3A_891 = arith.constant 0 : i32
      %dma_wait3A_892 = tpu.memref_slice %arg8[%dma_wait3A_890, %dma_wait3A_891] : memref<20x50xi32, #tpu.memory_space<vmem>> -> memref<1x50xi32, #tpu.memory_space<vmem>>
      %dma_wait3A_893 = tpu.memref_squeeze %dma_wait3A_892 : memref<1x50xi32, #tpu.memory_space<vmem>> -> memref<50xi32, #tpu.memory_space<vmem>>
      %dma_wait3A_894 = arith.constant 0 : i32
      %dma_wait3A_895 = arith.constant 0 : i32
      %dma_wait3A_896 = tpu.memref_slice %arg14[%dma_wait3A_894, %dma_wait3A_895] : memref<10240x128xf32, #tpu.memory_space<vmem_shared>> -> memref<10240x128xf32, #tpu.memory_space<vmem_shared>>
      tpu.wait_indirect_dma semaphore(%arg22 : memref<!tpu.dma_semaphore, #tpu.memory_space<semaphore_mem>>) src(%arg13 : memref<50x128xf32, #tpu.memory_space<vmem>>) dst(%dma_wait3A_896 : memref<10240x128xf32, #tpu.memory_space<vmem_shared>>)
      %dma_start3A_897 = arith.constant 11 : i32
      %dma_start3A_898 = arith.constant 0 : i32
      %dma_start3A_899 = tpu.memref_slice %arg7[%dma_start3A_897, %dma_start3A_898] : memref<20x50xi32, #tpu.memory_space<vmem>> -> memref<1x50xi32, #tpu.memory_space<vmem>>
      %dma_start3A_900 = tpu.memref_squeeze %dma_start3A_899 : memref<1x50xi32, #tpu.memory_space<vmem>> -> memref<50xi32, #tpu.memory_space<vmem>>
      %dma_start3A_901 = arith.constant 0 : i32
      %dma_start3A_902 = arith.constant 0 : i32
      %dma_start3A_903 = tpu.memref_slice %arg2[%dma_start3A_901, %dma_start3A_902] : memref<10000x128xf32, #tpu.memory_space<hbm>> -> memref<10000x128xf32, #tpu.memory_space<hbm>>
      tpu.enqueue_indirect_dma source(%dma_start3A_903 : memref<10000x128xf32, #tpu.memory_space<hbm>>) target(%arg13 : memref<50x128xf32, #tpu.memory_space<vmem>>) offsets(%dma_start3A_900 : memref<50xi32, #tpu.memory_space<vmem>>) semaphore(%arg18 : memref<!tpu.dma_semaphore, #tpu.memory_space<semaphore_mem>>)
      %dma_wait3A_904 = arith.constant 0 : i32
      %dma_wait3A_905 = arith.constant 0 : i32
      %dma_wait3A_906 = tpu.memref_slice %arg6[%dma_wait3A_904, %dma_wait3A_905] : memref<20x50xi32, #tpu.memory_space<vmem>> -> memref<1x50xi32, #tpu.memory_space<vmem>>
      %dma_wait3A_907 = tpu.memref_squeeze %dma_wait3A_906 : memref<1x50xi32, #tpu.memory_space<vmem>> -> memref<50xi32, #tpu.memory_space<vmem>>
      %dma_wait3A_908 = arith.constant 0 : i32
      %dma_wait3A_909 = arith.constant 0 : i32
      %dma_wait3A_910 = tpu.memref_slice %arg2[%dma_wait3A_908, %dma_wait3A_909] : memref<10000x128xf32, #tpu.memory_space<hbm>> -> memref<10000x128xf32, #tpu.memory_space<hbm>>
      tpu.wait_indirect_dma semaphore(%arg16 : memref<!tpu.dma_semaphore, #tpu.memory_space<semaphore_mem>>) src(%dma_wait3A_910 : memref<10000x128xf32, #tpu.memory_space<hbm>>) dst(%arg11 : memref<50x128xf32, #tpu.memory_space<vmem>>)
      %dma_start3A_911 = arith.constant 9 : i32
      %dma_start3A_912 = arith.constant 0 : i32
      %dma_start3A_913 = tpu.memref_slice %arg9[%dma_start3A_911, %dma_start3A_912] : memref<20x50xi32, #tpu.memory_space<vmem>> -> memref<1x50xi32, #tpu.memory_space<vmem>>
      %dma_start3A_914 = tpu.memref_squeeze %dma_start3A_913 : memref<1x50xi32, #tpu.memory_space<vmem>> -> memref<50xi32, #tpu.memory_space<vmem>>
      %dma_start3A_915 = arith.constant 0 : i32
      %dma_start3A_916 = arith.constant 0 : i32
      %dma_start3A_917 = tpu.memref_slice %arg14[%dma_start3A_915, %dma_start3A_916] : memref<10240x128xf32, #tpu.memory_space<vmem_shared>> -> memref<10240x128xf32, #tpu.memory_space<vmem_shared>>
      tpu.enqueue_indirect_dma source(%arg11 : memref<50x128xf32, #tpu.memory_space<vmem>>) target(%dma_start3A_917 : memref<10240x128xf32, #tpu.memory_space<vmem_shared>>) offsets(%dma_start3A_914 : memref<50xi32, #tpu.memory_space<vmem>>) semaphore(%arg20 : memref<!tpu.dma_semaphore, #tpu.memory_space<semaphore_mem>>) {add = true}
      %dma_wait3A_918 = arith.constant 0 : i32
      %dma_wait3A_919 = arith.constant 0 : i32
      %dma_wait3A_920 = tpu.memref_slice %arg8[%dma_wait3A_918, %dma_wait3A_919] : memref<20x50xi32, #tpu.memory_space<vmem>> -> memref<1x50xi32, #tpu.memory_space<vmem>>
      %dma_wait3A_921 = tpu.memref_squeeze %dma_wait3A_920 : memref<1x50xi32, #tpu.memory_space<vmem>> -> memref<50xi32, #tpu.memory_space<vmem>>
      %dma_wait3A_922 = arith.constant 0 : i32
      %dma_wait3A_923 = arith.constant 0 : i32
      %dma_wait3A_924 = tpu.memref_slice %arg14[%dma_wait3A_922, %dma_wait3A_923] : memref<10240x128xf32, #tpu.memory_space<vmem_shared>> -> memref<10240x128xf32, #tpu.memory_space<vmem_shared>>
      tpu.wait_indirect_dma semaphore(%arg19 : memref<!tpu.dma_semaphore, #tpu.memory_space<semaphore_mem>>) src(%arg10 : memref<50x128xf32, #tpu.memory_space<vmem>>) dst(%dma_wait3A_924 : memref<10240x128xf32, #tpu.memory_space<vmem_shared>>)
      %dma_start3A_925 = arith.constant 12 : i32
      %dma_start3A_926 = arith.constant 0 : i32
      %dma_start3A_927 = tpu.memref_slice %arg7[%dma_start3A_925, %dma_start3A_926] : memref<20x50xi32, #tpu.memory_space<vmem>> -> memref<1x50xi32, #tpu.memory_space<vmem>>
      %dma_start3A_928 = tpu.memref_squeeze %dma_start3A_927 : memref<1x50xi32, #tpu.memory_space<vmem>> -> memref<50xi32, #tpu.memory_space<vmem>>
      %dma_start3A_929 = arith.constant 0 : i32
      %dma_start3A_930 = arith.constant 0 : i32
      %dma_start3A_931 = tpu.memref_slice %arg2[%dma_start3A_929, %dma_start3A_930] : memref<10000x128xf32, #tpu.memory_space<hbm>> -> memref<10000x128xf32, #tpu.memory_space<hbm>>
      tpu.enqueue_indirect_dma source(%dma_start3A_931 : memref<10000x128xf32, #tpu.memory_space<hbm>>) target(%arg10 : memref<50x128xf32, #tpu.memory_space<vmem>>) offsets(%dma_start3A_928 : memref<50xi32, #tpu.memory_space<vmem>>) semaphore(%arg15 : memref<!tpu.dma_semaphore, #tpu.memory_space<semaphore_mem>>)
      %dma_wait3A_932 = arith.constant 0 : i32
      %dma_wait3A_933 = arith.constant 0 : i32
      %dma_wait3A_934 = tpu.memref_slice %arg6[%dma_wait3A_932, %dma_wait3A_933] : memref<20x50xi32, #tpu.memory_space<vmem>> -> memref<1x50xi32, #tpu.memory_space<vmem>>
      %dma_wait3A_935 = tpu.memref_squeeze %dma_wait3A_934 : memref<1x50xi32, #tpu.memory_space<vmem>> -> memref<50xi32, #tpu.memory_space<vmem>>
      %dma_wait3A_936 = arith.constant 0 : i32
      %dma_wait3A_937 = arith.constant 0 : i32
      %dma_wait3A_938 = tpu.memref_slice %arg2[%dma_wait3A_936, %dma_wait3A_937] : memref<10000x128xf32, #tpu.memory_space<hbm>> -> memref<10000x128xf32, #tpu.memory_space<hbm>>
      tpu.wait_indirect_dma semaphore(%arg17 : memref<!tpu.dma_semaphore, #tpu.memory_space<semaphore_mem>>) src(%dma_wait3A_938 : memref<10000x128xf32, #tpu.memory_space<hbm>>) dst(%arg12 : memref<50x128xf32, #tpu.memory_space<vmem>>)
      %dma_start3A_939 = arith.constant 10 : i32
      %dma_start3A_940 = arith.constant 0 : i32
      %dma_start3A_941 = tpu.memref_slice %arg9[%dma_start3A_939, %dma_start3A_940] : memref<20x50xi32, #tpu.memory_space<vmem>> -> memref<1x50xi32, #tpu.memory_space<vmem>>
      %dma_start3A_942 = tpu.memref_squeeze %dma_start3A_941 : memref<1x50xi32, #tpu.memory_space<vmem>> -> memref<50xi32, #tpu.memory_space<vmem>>
      %dma_start3A_943 = arith.constant 0 : i32
      %dma_start3A_944 = arith.constant 0 : i32
      %dma_start3A_945 = tpu.memref_slice %arg14[%dma_start3A_943, %dma_start3A_944] : memref<10240x128xf32, #tpu.memory_space<vmem_shared>> -> memref<10240x128xf32, #tpu.memory_space<vmem_shared>>
      tpu.enqueue_indirect_dma source(%arg12 : memref<50x128xf32, #tpu.memory_space<vmem>>) target(%dma_start3A_945 : memref<10240x128xf32, #tpu.memory_space<vmem_shared>>) offsets(%dma_start3A_942 : memref<50xi32, #tpu.memory_space<vmem>>) semaphore(%arg21 : memref<!tpu.dma_semaphore, #tpu.memory_space<semaphore_mem>>) {add = true}
      %dma_wait3A_946 = arith.constant 0 : i32
      %dma_wait3A_947 = arith.constant 0 : i32
      %dma_wait3A_948 = tpu.memref_slice %arg8[%dma_wait3A_946, %dma_wait3A_947] : memref<20x50xi32, #tpu.memory_space<vmem>> -> memref<1x50xi32, #tpu.memory_space<vmem>>
      %dma_wait3A_949 = tpu.memref_squeeze %dma_wait3A_948 : memref<1x50xi32, #tpu.memory_space<vmem>> -> memref<50xi32, #tpu.memory_space<vmem>>
      %dma_wait3A_950 = arith.constant 0 : i32
      %dma_wait3A_951 = arith.constant 0 : i32
      %dma_wait3A_952 = tpu.memref_slice %arg14[%dma_wait3A_950, %dma_wait3A_951] : memref<10240x128xf32, #tpu.memory_space<vmem_shared>> -> memref<10240x128xf32, #tpu.memory_space<vmem_shared>>
      tpu.wait_indirect_dma semaphore(%arg20 : memref<!tpu.dma_semaphore, #tpu.memory_space<semaphore_mem>>) src(%arg11 : memref<50x128xf32, #tpu.memory_space<vmem>>) dst(%dma_wait3A_952 : memref<10240x128xf32, #tpu.memory_space<vmem_shared>>)
      %dma_start3A_953 = arith.constant 13 : i32
      %dma_start3A_954 = arith.constant 0 : i32
      %dma_start3A_955 = tpu.memref_slice %arg7[%dma_start3A_953, %dma_start3A_954] : memref<20x50xi32, #tpu.memory_space<vmem>> -> memref<1x50xi32, #tpu.memory_space<vmem>>
      %dma_start3A_956 = tpu.memref_squeeze %dma_start3A_955 : memref<1x50xi32, #tpu.memory_space<vmem>> -> memref<50xi32, #tpu.memory_space<vmem>>
      %dma_start3A_957 = arith.constant 0 : i32
      %dma_start3A_958 = arith.constant 0 : i32
      %dma_start3A_959 = tpu.memref_slice %arg2[%dma_start3A_957, %dma_start3A_958] : memref<10000x128xf32, #tpu.memory_space<hbm>> -> memref<10000x128xf32, #tpu.memory_space<hbm>>
      tpu.enqueue_indirect_dma source(%dma_start3A_959 : memref<10000x128xf32, #tpu.memory_space<hbm>>) target(%arg11 : memref<50x128xf32, #tpu.memory_space<vmem>>) offsets(%dma_start3A_956 : memref<50xi32, #tpu.memory_space<vmem>>) semaphore(%arg16 : memref<!tpu.dma_semaphore, #tpu.memory_space<semaphore_mem>>)
      %dma_wait3A_960 = arith.constant 0 : i32
      %dma_wait3A_961 = arith.constant 0 : i32
      %dma_wait3A_962 = tpu.memref_slice %arg6[%dma_wait3A_960, %dma_wait3A_961] : memref<20x50xi32, #tpu.memory_space<vmem>> -> memref<1x50xi32, #tpu.memory_space<vmem>>
      %dma_wait3A_963 = tpu.memref_squeeze %dma_wait3A_962 : memref<1x50xi32, #tpu.memory_space<vmem>> -> memref<50xi32, #tpu.memory_space<vmem>>
      %dma_wait3A_964 = arith.constant 0 : i32
      %dma_wait3A_965 = arith.constant 0 : i32
      %dma_wait3A_966 = tpu.memref_slice %arg2[%dma_wait3A_964, %dma_wait3A_965] : memref<10000x128xf32, #tpu.memory_space<hbm>> -> memref<10000x128xf32, #tpu.memory_space<hbm>>
      tpu.wait_indirect_dma semaphore(%arg18 : memref<!tpu.dma_semaphore, #tpu.memory_space<semaphore_mem>>) src(%dma_wait3A_966 : memref<10000x128xf32, #tpu.memory_space<hbm>>) dst(%arg13 : memref<50x128xf32, #tpu.memory_space<vmem>>)
      %dma_start3A_967 = arith.constant 11 : i32
      %dma_start3A_968 = arith.constant 0 : i32
      %dma_start3A_969 = tpu.memref_slice %arg9[%dma_start3A_967, %dma_start3A_968] : memref<20x50xi32, #tpu.memory_space<vmem>> -> memref<1x50xi32, #tpu.memory_space<vmem>>
      %dma_start3A_970 = tpu.memref_squeeze %dma_start3A_969 : memref<1x50xi32, #tpu.memory_space<vmem>> -> memref<50xi32, #tpu.memory_space<vmem>>
      %dma_start3A_971 = arith.constant 0 : i32
      %dma_start3A_972 = arith.constant 0 : i32
      %dma_start3A_973 = tpu.memref_slice %arg14[%dma_start3A_971, %dma_start3A_972] : memref<10240x128xf32, #tpu.memory_space<vmem_shared>> -> memref<10240x128xf32, #tpu.memory_space<vmem_shared>>
      tpu.enqueue_indirect_dma source(%arg13 : memref<50x128xf32, #tpu.memory_space<vmem>>) target(%dma_start3A_973 : memref<10240x128xf32, #tpu.memory_space<vmem_shared>>) offsets(%dma_start3A_970 : memref<50xi32, #tpu.memory_space<vmem>>) semaphore(%arg22 : memref<!tpu.dma_semaphore, #tpu.memory_space<semaphore_mem>>) {add = true}
      %dma_wait3A_974 = arith.constant 0 : i32
      %dma_wait3A_975 = arith.constant 0 : i32
      %dma_wait3A_976 = tpu.memref_slice %arg8[%dma_wait3A_974, %dma_wait3A_975] : memref<20x50xi32, #tpu.memory_space<vmem>> -> memref<1x50xi32, #tpu.memory_space<vmem>>
      %dma_wait3A_977 = tpu.memref_squeeze %dma_wait3A_976 : memref<1x50xi32, #tpu.memory_space<vmem>> -> memref<50xi32, #tpu.memory_space<vmem>>
      %dma_wait3A_978 = arith.constant 0 : i32
      %dma_wait3A_979 = arith.constant 0 : i32
      %dma_wait3A_980 = tpu.memref_slice %arg14[%dma_wait3A_978, %dma_wait3A_979] : memref<10240x128xf32, #tpu.memory_space<vmem_shared>> -> memref<10240x128xf32, #tpu.memory_space<vmem_shared>>
      tpu.wait_indirect_dma semaphore(%arg21 : memref<!tpu.dma_semaphore, #tpu.memory_space<semaphore_mem>>) src(%arg12 : memref<50x128xf32, #tpu.memory_space<vmem>>) dst(%dma_wait3A_980 : memref<10240x128xf32, #tpu.memory_space<vmem_shared>>)
      %dma_start3A_981 = arith.constant 14 : i32
      %dma_start3A_982 = arith.constant 0 : i32
      %dma_start3A_983 = tpu.memref_slice %arg7[%dma_start3A_981, %dma_start3A_982] : memref<20x50xi32, #tpu.memory_space<vmem>> -> memref<1x50xi32, #tpu.memory_space<vmem>>
      %dma_start3A_984 = tpu.memref_squeeze %dma_start3A_983 : memref<1x50xi32, #tpu.memory_space<vmem>> -> memref<50xi32, #tpu.memory_space<vmem>>
      %dma_start3A_985 = arith.constant 0 : i32
      %dma_start3A_986 = arith.constant 0 : i32
      %dma_start3A_987 = tpu.memref_slice %arg2[%dma_start3A_985, %dma_start3A_986] : memref<10000x128xf32, #tpu.memory_space<hbm>> -> memref<10000x128xf32, #tpu.memory_space<hbm>>
      tpu.enqueue_indirect_dma source(%dma_start3A_987 : memref<10000x128xf32, #tpu.memory_space<hbm>>) target(%arg12 : memref<50x128xf32, #tpu.memory_space<vmem>>) offsets(%dma_start3A_984 : memref<50xi32, #tpu.memory_space<vmem>>) semaphore(%arg17 : memref<!tpu.dma_semaphore, #tpu.memory_space<semaphore_mem>>)
      %dma_wait3A_988 = arith.constant 0 : i32
      %dma_wait3A_989 = arith.constant 0 : i32
      %dma_wait3A_990 = tpu.memref_slice %arg6[%dma_wait3A_988, %dma_wait3A_989] : memref<20x50xi32, #tpu.memory_space<vmem>> -> memref<1x50xi32, #tpu.memory_space<vmem>>
      %dma_wait3A_991 = tpu.memref_squeeze %dma_wait3A_990 : memref<1x50xi32, #tpu.memory_space<vmem>> -> memref<50xi32, #tpu.memory_space<vmem>>
      %dma_wait3A_992 = arith.constant 0 : i32
      %dma_wait3A_993 = arith.constant 0 : i32
      %dma_wait3A_994 = tpu.memref_slice %arg2[%dma_wait3A_992, %dma_wait3A_993] : memref<10000x128xf32, #tpu.memory_space<hbm>> -> memref<10000x128xf32, #tpu.memory_space<hbm>>
      tpu.wait_indirect_dma semaphore(%arg15 : memref<!tpu.dma_semaphore, #tpu.memory_space<semaphore_mem>>) src(%dma_wait3A_994 : memref<10000x128xf32, #tpu.memory_space<hbm>>) dst(%arg10 : memref<50x128xf32, #tpu.memory_space<vmem>>)
      %dma_start3A_995 = arith.constant 12 : i32
      %dma_start3A_996 = arith.constant 0 : i32
      %dma_start3A_997 = tpu.memref_slice %arg9[%dma_start3A_995, %dma_start3A_996] : memref<20x50xi32, #tpu.memory_space<vmem>> -> memref<1x50xi32, #tpu.memory_space<vmem>>
      %dma_start3A_998 = tpu.memref_squeeze %dma_start3A_997 : memref<1x50xi32, #tpu.memory_space<vmem>> -> memref<50xi32, #tpu.memory_space<vmem>>
      %dma_start3A_999 = arith.constant 0 : i32
      %dma_start3A_1000 = arith.constant 0 : i32
      %dma_start3A_1001 = tpu.memref_slice %arg14[%dma_start3A_999, %dma_start3A_1000] : memref<10240x128xf32, #tpu.memory_space<vmem_shared>> -> memref<10240x128xf32, #tpu.memory_space<vmem_shared>>
      tpu.enqueue_indirect_dma source(%arg10 : memref<50x128xf32, #tpu.memory_space<vmem>>) target(%dma_start3A_1001 : memref<10240x128xf32, #tpu.memory_space<vmem_shared>>) offsets(%dma_start3A_998 : memref<50xi32, #tpu.memory_space<vmem>>) semaphore(%arg19 : memref<!tpu.dma_semaphore, #tpu.memory_space<semaphore_mem>>) {add = true}
      %dma_wait3A_1002 = arith.constant 0 : i32
      %dma_wait3A_1003 = arith.constant 0 : i32
      %dma_wait3A_1004 = tpu.memref_slice %arg8[%dma_wait3A_1002, %dma_wait3A_1003] : memref<20x50xi32, #tpu.memory_space<vmem>> -> memref<1x50xi32, #tpu.memory_space<vmem>>
      %dma_wait3A_1005 = tpu.memref_squeeze %dma_wait3A_1004 : memref<1x50xi32, #tpu.memory_space<vmem>> -> memref<50xi32, #tpu.memory_space<vmem>>
      %dma_wait3A_1006 = arith.constant 0 : i32
      %dma_wait3A_1007 = arith.constant 0 : i32
      %dma_wait3A_1008 = tpu.memref_slice %arg14[%dma_wait3A_1006, %dma_wait3A_1007] : memref<10240x128xf32, #tpu.memory_space<vmem_shared>> -> memref<10240x128xf32, #tpu.memory_space<vmem_shared>>
      tpu.wait_indirect_dma semaphore(%arg22 : memref<!tpu.dma_semaphore, #tpu.memory_space<semaphore_mem>>) src(%arg13 : memref<50x128xf32, #tpu.memory_space<vmem>>) dst(%dma_wait3A_1008 : memref<10240x128xf32, #tpu.memory_space<vmem_shared>>)
      %dma_start3A_1009 = arith.constant 15 : i32
      %dma_start3A_1010 = arith.constant 0 : i32
      %dma_start3A_1011 = tpu.memref_slice %arg7[%dma_start3A_1009, %dma_start3A_1010] : memref<20x50xi32, #tpu.memory_space<vmem>> -> memref<1x50xi32, #tpu.memory_space<vmem>>
      %dma_start3A_1012 = tpu.memref_squeeze %dma_start3A_1011 : memref<1x50xi32, #tpu.memory_space<vmem>> -> memref<50xi32, #tpu.memory_space<vmem>>
      %dma_start3A_1013 = arith.constant 0 : i32
      %dma_start3A_1014 = arith.constant 0 : i32
      %dma_start3A_1015 = tpu.memref_slice %arg2[%dma_start3A_1013, %dma_start3A_1014] : memref<10000x128xf32, #tpu.memory_space<hbm>> -> memref<10000x128xf32, #tpu.memory_space<hbm>>
      tpu.enqueue_indirect_dma source(%dma_start3A_1015 : memref<10000x128xf32, #tpu.memory_space<hbm>>) target(%arg13 : memref<50x128xf32, #tpu.memory_space<vmem>>) offsets(%dma_start3A_1012 : memref<50xi32, #tpu.memory_space<vmem>>) semaphore(%arg18 : memref<!tpu.dma_semaphore, #tpu.memory_space<semaphore_mem>>)
      %dma_wait3A_1016 = arith.constant 0 : i32
      %dma_wait3A_1017 = arith.constant 0 : i32
      %dma_wait3A_1018 = tpu.memref_slice %arg6[%dma_wait3A_1016, %dma_wait3A_1017] : memref<20x50xi32, #tpu.memory_space<vmem>> -> memref<1x50xi32, #tpu.memory_space<vmem>>
      %dma_wait3A_1019 = tpu.memref_squeeze %dma_wait3A_1018 : memref<1x50xi32, #tpu.memory_space<vmem>> -> memref<50xi32, #tpu.memory_space<vmem>>
      %dma_wait3A_1020 = arith.constant 0 : i32
      %dma_wait3A_1021 = arith.constant 0 : i32
      %dma_wait3A_1022 = tpu.memref_slice %arg2[%dma_wait3A_1020, %dma_wait3A_1021] : memref<10000x128xf32, #tpu.memory_space<hbm>> -> memref<10000x128xf32, #tpu.memory_space<hbm>>
      tpu.wait_indirect_dma semaphore(%arg16 : memref<!tpu.dma_semaphore, #tpu.memory_space<semaphore_mem>>) src(%dma_wait3A_1022 : memref<10000x128xf32, #tpu.memory_space<hbm>>) dst(%arg11 : memref<50x128xf32, #tpu.memory_space<vmem>>)
      %dma_start3A_1023 = arith.constant 13 : i32
      %dma_start3A_1024 = arith.constant 0 : i32
      %dma_start3A_1025 = tpu.memref_slice %arg9[%dma_start3A_1023, %dma_start3A_1024] : memref<20x50xi32, #tpu.memory_space<vmem>> -> memref<1x50xi32, #tpu.memory_space<vmem>>
      %dma_start3A_1026 = tpu.memref_squeeze %dma_start3A_1025 : memref<1x50xi32, #tpu.memory_space<vmem>> -> memref<50xi32, #tpu.memory_space<vmem>>
      %dma_start3A_1027 = arith.constant 0 : i32
      %dma_start3A_1028 = arith.constant 0 : i32
      %dma_start3A_1029 = tpu.memref_slice %arg14[%dma_start3A_1027, %dma_start3A_1028] : memref<10240x128xf32, #tpu.memory_space<vmem_shared>> -> memref<10240x128xf32, #tpu.memory_space<vmem_shared>>
      tpu.enqueue_indirect_dma source(%arg11 : memref<50x128xf32, #tpu.memory_space<vmem>>) target(%dma_start3A_1029 : memref<10240x128xf32, #tpu.memory_space<vmem_shared>>) offsets(%dma_start3A_1026 : memref<50xi32, #tpu.memory_space<vmem>>) semaphore(%arg20 : memref<!tpu.dma_semaphore, #tpu.memory_space<semaphore_mem>>) {add = true}
      %dma_wait3A_1030 = arith.constant 0 : i32
      %dma_wait3A_1031 = arith.constant 0 : i32
      %dma_wait3A_1032 = tpu.memref_slice %arg8[%dma_wait3A_1030, %dma_wait3A_1031] : memref<20x50xi32, #tpu.memory_space<vmem>> -> memref<1x50xi32, #tpu.memory_space<vmem>>
      %dma_wait3A_1033 = tpu.memref_squeeze %dma_wait3A_1032 : memref<1x50xi32, #tpu.memory_space<vmem>> -> memref<50xi32, #tpu.memory_space<vmem>>
      %dma_wait3A_1034 = arith.constant 0 : i32
      %dma_wait3A_1035 = arith.constant 0 : i32
      %dma_wait3A_1036 = tpu.memref_slice %arg14[%dma_wait3A_1034, %dma_wait3A_1035] : memref<10240x128xf32, #tpu.memory_space<vmem_shared>> -> memref<10240x128xf32, #tpu.memory_space<vmem_shared>>
      tpu.wait_indirect_dma semaphore(%arg19 : memref<!tpu.dma_semaphore, #tpu.memory_space<semaphore_mem>>) src(%arg10 : memref<50x128xf32, #tpu.memory_space<vmem>>) dst(%dma_wait3A_1036 : memref<10240x128xf32, #tpu.memory_space<vmem_shared>>)
      %dma_start3A_1037 = arith.constant 16 : i32
      %dma_start3A_1038 = arith.constant 0 : i32
      %dma_start3A_1039 = tpu.memref_slice %arg7[%dma_start3A_1037, %dma_start3A_1038] : memref<20x50xi32, #tpu.memory_space<vmem>> -> memref<1x50xi32, #tpu.memory_space<vmem>>
      %dma_start3A_1040 = tpu.memref_squeeze %dma_start3A_1039 : memref<1x50xi32, #tpu.memory_space<vmem>> -> memref<50xi32, #tpu.memory_space<vmem>>
      %dma_start3A_1041 = arith.constant 0 : i32
      %dma_start3A_1042 = arith.constant 0 : i32
      %dma_start3A_1043 = tpu.memref_slice %arg2[%dma_start3A_1041, %dma_start3A_1042] : memref<10000x128xf32, #tpu.memory_space<hbm>> -> memref<10000x128xf32, #tpu.memory_space<hbm>>
      tpu.enqueue_indirect_dma source(%dma_start3A_1043 : memref<10000x128xf32, #tpu.memory_space<hbm>>) target(%arg10 : memref<50x128xf32, #tpu.memory_space<vmem>>) offsets(%dma_start3A_1040 : memref<50xi32, #tpu.memory_space<vmem>>) semaphore(%arg15 : memref<!tpu.dma_semaphore, #tpu.memory_space<semaphore_mem>>)
      %dma_wait3A_1044 = arith.constant 0 : i32
      %dma_wait3A_1045 = arith.constant 0 : i32
      %dma_wait3A_1046 = tpu.memref_slice %arg6[%dma_wait3A_1044, %dma_wait3A_1045] : memref<20x50xi32, #tpu.memory_space<vmem>> -> memref<1x50xi32, #tpu.memory_space<vmem>>
      %dma_wait3A_1047 = tpu.memref_squeeze %dma_wait3A_1046 : memref<1x50xi32, #tpu.memory_space<vmem>> -> memref<50xi32, #tpu.memory_space<vmem>>
      %dma_wait3A_1048 = arith.constant 0 : i32
      %dma_wait3A_1049 = arith.constant 0 : i32
      %dma_wait3A_1050 = tpu.memref_slice %arg2[%dma_wait3A_1048, %dma_wait3A_1049] : memref<10000x128xf32, #tpu.memory_space<hbm>> -> memref<10000x128xf32, #tpu.memory_space<hbm>>
      tpu.wait_indirect_dma semaphore(%arg17 : memref<!tpu.dma_semaphore, #tpu.memory_space<semaphore_mem>>) src(%dma_wait3A_1050 : memref<10000x128xf32, #tpu.memory_space<hbm>>) dst(%arg12 : memref<50x128xf32, #tpu.memory_space<vmem>>)
      %dma_start3A_1051 = arith.constant 14 : i32
      %dma_start3A_1052 = arith.constant 0 : i32
      %dma_start3A_1053 = tpu.memref_slice %arg9[%dma_start3A_1051, %dma_start3A_1052] : memref<20x50xi32, #tpu.memory_space<vmem>> -> memref<1x50xi32, #tpu.memory_space<vmem>>
      %dma_start3A_1054 = tpu.memref_squeeze %dma_start3A_1053 : memref<1x50xi32, #tpu.memory_space<vmem>> -> memref<50xi32, #tpu.memory_space<vmem>>
      %dma_start3A_1055 = arith.constant 0 : i32
      %dma_start3A_1056 = arith.constant 0 : i32
      %dma_start3A_1057 = tpu.memref_slice %arg14[%dma_start3A_1055, %dma_start3A_1056] : memref<10240x128xf32, #tpu.memory_space<vmem_shared>> -> memref<10240x128xf32, #tpu.memory_space<vmem_shared>>
      tpu.enqueue_indirect_dma source(%arg12 : memref<50x128xf32, #tpu.memory_space<vmem>>) target(%dma_start3A_1057 : memref<10240x128xf32, #tpu.memory_space<vmem_shared>>) offsets(%dma_start3A_1054 : memref<50xi32, #tpu.memory_space<vmem>>) semaphore(%arg21 : memref<!tpu.dma_semaphore, #tpu.memory_space<semaphore_mem>>) {add = true}
      %dma_wait3A_1058 = arith.constant 0 : i32
      %dma_wait3A_1059 = arith.constant 0 : i32
      %dma_wait3A_1060 = tpu.memref_slice %arg8[%dma_wait3A_1058, %dma_wait3A_1059] : memref<20x50xi32, #tpu.memory_space<vmem>> -> memref<1x50xi32, #tpu.memory_space<vmem>>
      %dma_wait3A_1061 = tpu.memref_squeeze %dma_wait3A_1060 : memref<1x50xi32, #tpu.memory_space<vmem>> -> memref<50xi32, #tpu.memory_space<vmem>>
      %dma_wait3A_1062 = arith.constant 0 : i32
      %dma_wait3A_1063 = arith.constant 0 : i32
      %dma_wait3A_1064 = tpu.memref_slice %arg14[%dma_wait3A_1062, %dma_wait3A_1063] : memref<10240x128xf32, #tpu.memory_space<vmem_shared>> -> memref<10240x128xf32, #tpu.memory_space<vmem_shared>>
      tpu.wait_indirect_dma semaphore(%arg20 : memref<!tpu.dma_semaphore, #tpu.memory_space<semaphore_mem>>) src(%arg11 : memref<50x128xf32, #tpu.memory_space<vmem>>) dst(%dma_wait3A_1064 : memref<10240x128xf32, #tpu.memory_space<vmem_shared>>)
      %dma_start3A_1065 = arith.constant 17 : i32
      %dma_start3A_1066 = arith.constant 0 : i32
      %dma_start3A_1067 = tpu.memref_slice %arg7[%dma_start3A_1065, %dma_start3A_1066] : memref<20x50xi32, #tpu.memory_space<vmem>> -> memref<1x50xi32, #tpu.memory_space<vmem>>
      %dma_start3A_1068 = tpu.memref_squeeze %dma_start3A_1067 : memref<1x50xi32, #tpu.memory_space<vmem>> -> memref<50xi32, #tpu.memory_space<vmem>>
      %dma_start3A_1069 = arith.constant 0 : i32
      %dma_start3A_1070 = arith.constant 0 : i32
      %dma_start3A_1071 = tpu.memref_slice %arg2[%dma_start3A_1069, %dma_start3A_1070] : memref<10000x128xf32, #tpu.memory_space<hbm>> -> memref<10000x128xf32, #tpu.memory_space<hbm>>
      tpu.enqueue_indirect_dma source(%dma_start3A_1071 : memref<10000x128xf32, #tpu.memory_space<hbm>>) target(%arg11 : memref<50x128xf32, #tpu.memory_space<vmem>>) offsets(%dma_start3A_1068 : memref<50xi32, #tpu.memory_space<vmem>>) semaphore(%arg16 : memref<!tpu.dma_semaphore, #tpu.memory_space<semaphore_mem>>)
      %dma_wait3A_1072 = arith.constant 0 : i32
      %dma_wait3A_1073 = arith.constant 0 : i32
      %dma_wait3A_1074 = tpu.memref_slice %arg6[%dma_wait3A_1072, %dma_wait3A_1073] : memref<20x50xi32, #tpu.memory_space<vmem>> -> memref<1x50xi32, #tpu.memory_space<vmem>>
      %dma_wait3A_1075 = tpu.memref_squeeze %dma_wait3A_1074 : memref<1x50xi32, #tpu.memory_space<vmem>> -> memref<50xi32, #tpu.memory_space<vmem>>
      %dma_wait3A_1076 = arith.constant 0 : i32
      %dma_wait3A_1077 = arith.constant 0 : i32
      %dma_wait3A_1078 = tpu.memref_slice %arg2[%dma_wait3A_1076, %dma_wait3A_1077] : memref<10000x128xf32, #tpu.memory_space<hbm>> -> memref<10000x128xf32, #tpu.memory_space<hbm>>
      tpu.wait_indirect_dma semaphore(%arg18 : memref<!tpu.dma_semaphore, #tpu.memory_space<semaphore_mem>>) src(%dma_wait3A_1078 : memref<10000x128xf32, #tpu.memory_space<hbm>>) dst(%arg13 : memref<50x128xf32, #tpu.memory_space<vmem>>)
      %dma_start3A_1079 = arith.constant 15 : i32
      %dma_start3A_1080 = arith.constant 0 : i32
      %dma_start3A_1081 = tpu.memref_slice %arg9[%dma_start3A_1079, %dma_start3A_1080] : memref<20x50xi32, #tpu.memory_space<vmem>> -> memref<1x50xi32, #tpu.memory_space<vmem>>
      %dma_start3A_1082 = tpu.memref_squeeze %dma_start3A_1081 : memref<1x50xi32, #tpu.memory_space<vmem>> -> memref<50xi32, #tpu.memory_space<vmem>>
      %dma_start3A_1083 = arith.constant 0 : i32
      %dma_start3A_1084 = arith.constant 0 : i32
      %dma_start3A_1085 = tpu.memref_slice %arg14[%dma_start3A_1083, %dma_start3A_1084] : memref<10240x128xf32, #tpu.memory_space<vmem_shared>> -> memref<10240x128xf32, #tpu.memory_space<vmem_shared>>
      tpu.enqueue_indirect_dma source(%arg13 : memref<50x128xf32, #tpu.memory_space<vmem>>) target(%dma_start3A_1085 : memref<10240x128xf32, #tpu.memory_space<vmem_shared>>) offsets(%dma_start3A_1082 : memref<50xi32, #tpu.memory_space<vmem>>) semaphore(%arg22 : memref<!tpu.dma_semaphore, #tpu.memory_space<semaphore_mem>>) {add = true}
      %dma_wait3A_1086 = arith.constant 0 : i32
      %dma_wait3A_1087 = arith.constant 0 : i32
      %dma_wait3A_1088 = tpu.memref_slice %arg8[%dma_wait3A_1086, %dma_wait3A_1087] : memref<20x50xi32, #tpu.memory_space<vmem>> -> memref<1x50xi32, #tpu.memory_space<vmem>>
      %dma_wait3A_1089 = tpu.memref_squeeze %dma_wait3A_1088 : memref<1x50xi32, #tpu.memory_space<vmem>> -> memref<50xi32, #tpu.memory_space<vmem>>
      %dma_wait3A_1090 = arith.constant 0 : i32
      %dma_wait3A_1091 = arith.constant 0 : i32
      %dma_wait3A_1092 = tpu.memref_slice %arg14[%dma_wait3A_1090, %dma_wait3A_1091] : memref<10240x128xf32, #tpu.memory_space<vmem_shared>> -> memref<10240x128xf32, #tpu.memory_space<vmem_shared>>
      tpu.wait_indirect_dma semaphore(%arg21 : memref<!tpu.dma_semaphore, #tpu.memory_space<semaphore_mem>>) src(%arg12 : memref<50x128xf32, #tpu.memory_space<vmem>>) dst(%dma_wait3A_1092 : memref<10240x128xf32, #tpu.memory_space<vmem_shared>>)
      %dma_start3A_1093 = arith.constant 18 : i32
      %dma_start3A_1094 = arith.constant 0 : i32
      %dma_start3A_1095 = tpu.memref_slice %arg7[%dma_start3A_1093, %dma_start3A_1094] : memref<20x50xi32, #tpu.memory_space<vmem>> -> memref<1x50xi32, #tpu.memory_space<vmem>>
      %dma_start3A_1096 = tpu.memref_squeeze %dma_start3A_1095 : memref<1x50xi32, #tpu.memory_space<vmem>> -> memref<50xi32, #tpu.memory_space<vmem>>
      %dma_start3A_1097 = arith.constant 0 : i32
      %dma_start3A_1098 = arith.constant 0 : i32
      %dma_start3A_1099 = tpu.memref_slice %arg2[%dma_start3A_1097, %dma_start3A_1098] : memref<10000x128xf32, #tpu.memory_space<hbm>> -> memref<10000x128xf32, #tpu.memory_space<hbm>>
      tpu.enqueue_indirect_dma source(%dma_start3A_1099 : memref<10000x128xf32, #tpu.memory_space<hbm>>) target(%arg12 : memref<50x128xf32, #tpu.memory_space<vmem>>) offsets(%dma_start3A_1096 : memref<50xi32, #tpu.memory_space<vmem>>) semaphore(%arg17 : memref<!tpu.dma_semaphore, #tpu.memory_space<semaphore_mem>>)
      %dma_wait3A_1100 = arith.constant 0 : i32
      %dma_wait3A_1101 = arith.constant 0 : i32
      %dma_wait3A_1102 = tpu.memref_slice %arg6[%dma_wait3A_1100, %dma_wait3A_1101] : memref<20x50xi32, #tpu.memory_space<vmem>> -> memref<1x50xi32, #tpu.memory_space<vmem>>
      %dma_wait3A_1103 = tpu.memref_squeeze %dma_wait3A_1102 : memref<1x50xi32, #tpu.memory_space<vmem>> -> memref<50xi32, #tpu.memory_space<vmem>>
      %dma_wait3A_1104 = arith.constant 0 : i32
      %dma_wait3A_1105 = arith.constant 0 : i32
      %dma_wait3A_1106 = tpu.memref_slice %arg2[%dma_wait3A_1104, %dma_wait3A_1105] : memref<10000x128xf32, #tpu.memory_space<hbm>> -> memref<10000x128xf32, #tpu.memory_space<hbm>>
      tpu.wait_indirect_dma semaphore(%arg15 : memref<!tpu.dma_semaphore, #tpu.memory_space<semaphore_mem>>) src(%dma_wait3A_1106 : memref<10000x128xf32, #tpu.memory_space<hbm>>) dst(%arg10 : memref<50x128xf32, #tpu.memory_space<vmem>>)
      %dma_start3A_1107 = arith.constant 16 : i32
      %dma_start3A_1108 = arith.constant 0 : i32
      %dma_start3A_1109 = tpu.memref_slice %arg9[%dma_start3A_1107, %dma_start3A_1108] : memref<20x50xi32, #tpu.memory_space<vmem>> -> memref<1x50xi32, #tpu.memory_space<vmem>>
      %dma_start3A_1110 = tpu.memref_squeeze %dma_start3A_1109 : memref<1x50xi32, #tpu.memory_space<vmem>> -> memref<50xi32, #tpu.memory_space<vmem>>
      %dma_start3A_1111 = arith.constant 0 : i32
      %dma_start3A_1112 = arith.constant 0 : i32
      %dma_start3A_1113 = tpu.memref_slice %arg14[%dma_start3A_1111, %dma_start3A_1112] : memref<10240x128xf32, #tpu.memory_space<vmem_shared>> -> memref<10240x128xf32, #tpu.memory_space<vmem_shared>>
      tpu.enqueue_indirect_dma source(%arg10 : memref<50x128xf32, #tpu.memory_space<vmem>>) target(%dma_start3A_1113 : memref<10240x128xf32, #tpu.memory_space<vmem_shared>>) offsets(%dma_start3A_1110 : memref<50xi32, #tpu.memory_space<vmem>>) semaphore(%arg19 : memref<!tpu.dma_semaphore, #tpu.memory_space<semaphore_mem>>) {add = true}
      %dma_wait3A_1114 = arith.constant 0 : i32
      %dma_wait3A_1115 = arith.constant 0 : i32
      %dma_wait3A_1116 = tpu.memref_slice %arg8[%dma_wait3A_1114, %dma_wait3A_1115] : memref<20x50xi32, #tpu.memory_space<vmem>> -> memref<1x50xi32, #tpu.memory_space<vmem>>
      %dma_wait3A_1117 = tpu.memref_squeeze %dma_wait3A_1116 : memref<1x50xi32, #tpu.memory_space<vmem>> -> memref<50xi32, #tpu.memory_space<vmem>>
      %dma_wait3A_1118 = arith.constant 0 : i32
      %dma_wait3A_1119 = arith.constant 0 : i32
      %dma_wait3A_1120 = tpu.memref_slice %arg14[%dma_wait3A_1118, %dma_wait3A_1119] : memref<10240x128xf32, #tpu.memory_space<vmem_shared>> -> memref<10240x128xf32, #tpu.memory_space<vmem_shared>>
      tpu.wait_indirect_dma semaphore(%arg22 : memref<!tpu.dma_semaphore, #tpu.memory_space<semaphore_mem>>) src(%arg13 : memref<50x128xf32, #tpu.memory_space<vmem>>) dst(%dma_wait3A_1120 : memref<10240x128xf32, #tpu.memory_space<vmem_shared>>)
      %dma_start3A_1121 = arith.constant 19 : i32
      %dma_start3A_1122 = arith.constant 0 : i32
      %dma_start3A_1123 = tpu.memref_slice %arg7[%dma_start3A_1121, %dma_start3A_1122] : memref<20x50xi32, #tpu.memory_space<vmem>> -> memref<1x50xi32, #tpu.memory_space<vmem>>
      %dma_start3A_1124 = tpu.memref_squeeze %dma_start3A_1123 : memref<1x50xi32, #tpu.memory_space<vmem>> -> memref<50xi32, #tpu.memory_space<vmem>>
      %dma_start3A_1125 = arith.constant 0 : i32
      %dma_start3A_1126 = arith.constant 0 : i32
      %dma_start3A_1127 = tpu.memref_slice %arg2[%dma_start3A_1125, %dma_start3A_1126] : memref<10000x128xf32, #tpu.memory_space<hbm>> -> memref<10000x128xf32, #tpu.memory_space<hbm>>
      tpu.enqueue_indirect_dma source(%dma_start3A_1127 : memref<10000x128xf32, #tpu.memory_space<hbm>>) target(%arg13 : memref<50x128xf32, #tpu.memory_space<vmem>>) offsets(%dma_start3A_1124 : memref<50xi32, #tpu.memory_space<vmem>>) semaphore(%arg18 : memref<!tpu.dma_semaphore, #tpu.memory_space<semaphore_mem>>)
      %add3A_1128 = arith.constant 1 : i32
      %add3A_1129 = arith.addi %add3A_650, %add3A_1128 : i32
      %lt3A_1130 = arith.constant 10 : i32
      %lt3A_1131 = arith.cmpi slt, %add3A_1129, %lt3A_1130 : i32
      %convert_element_type3A_1132 = arith.extui %lt3A_1131 : i1 to i32
      %cond3A_1133 = arith.constant 0 : i32
      %cond3A_1134 = arith.cmpi ne, %convert_element_type3A_1132, %cond3A_1133 : i32
      scf.if %cond3A_1134 {
        %dma_wait3A_1192 = arith.constant 0 : i32
        %dma_wait3A_1193 = arith.constant 0 : i32
        %dma_wait3A_1194 = arith.constant 0 : i32
        %dma_wait3A_1195 = arith.constant 0 : i32
        %dma_wait3A_1196 = tpu.memref_slice %arg3[%dma_wait3A_1192, %add3A, %dma_wait3A_1193, %dma_wait3A_1194, %dma_wait3A_1195] : memref<2x32x10x20x50xi32, #tpu.memory_space<hbm>> -> memref<1x1x1x20x50xi32, #tpu.memory_space<hbm>>
        %dma_wait3A_1197 = tpu.memref_squeeze %dma_wait3A_1196 : memref<1x1x1x20x50xi32, #tpu.memory_space<hbm>> -> memref<20x50xi32, #tpu.memory_space<hbm>>
        %dma_wait3A_1198 = arith.constant 0 : i32
        %dma_wait3A_1199 = arith.constant 0 : i32
        %dma_wait3A_1200 = tpu.memref_slice %arg3[%dma_wait3A_1192, %add3A, %dma_wait3A_1193, %dma_wait3A_1198, %dma_wait3A_1199] : memref<2x32x10x20x50xi32, #tpu.memory_space<hbm>> -> memref<1x1x1x20x50xi32, #tpu.memory_space<hbm>>
        %dma_wait3A_1201 = tpu.memref_squeeze %dma_wait3A_1200 : memref<1x1x1x20x50xi32, #tpu.memory_space<hbm>> -> memref<20x50xi32, #tpu.memory_space<hbm>>
        tpu.wait_dma2 semaphore(%arg23 : memref<!tpu.dma_semaphore, #tpu.memory_space<semaphore_mem>>) src(%dma_wait3A_1201 : memref<20x50xi32, #tpu.memory_space<hbm>>) dst(%arg6 : memref<20x50xi32, #tpu.memory_space<vmem>>)
        %dma_wait3A_1202 = arith.constant 1 : i32
        %dma_wait3A_1203 = arith.constant 0 : i32
        %dma_wait3A_1204 = arith.constant 0 : i32
        %dma_wait3A_1205 = arith.constant 0 : i32
        %dma_wait3A_1206 = tpu.memref_slice %arg3[%dma_wait3A_1202, %add3A, %dma_wait3A_1203, %dma_wait3A_1204, %dma_wait3A_1205] : memref<2x32x10x20x50xi32, #tpu.memory_space<hbm>> -> memref<1x1x1x20x50xi32, #tpu.memory_space<hbm>>
        %dma_wait3A_1207 = tpu.memref_squeeze %dma_wait3A_1206 : memref<1x1x1x20x50xi32, #tpu.memory_space<hbm>> -> memref<20x50xi32, #tpu.memory_space<hbm>>
        %dma_wait3A_1208 = arith.constant 0 : i32
        %dma_wait3A_1209 = arith.constant 0 : i32
        %dma_wait3A_1210 = tpu.memref_slice %arg3[%dma_wait3A_1202, %add3A, %dma_wait3A_1203, %dma_wait3A_1208, %dma_wait3A_1209] : memref<2x32x10x20x50xi32, #tpu.memory_space<hbm>> -> memref<1x1x1x20x50xi32, #tpu.memory_space<hbm>>
        %dma_wait3A_1211 = tpu.memref_squeeze %dma_wait3A_1210 : memref<1x1x1x20x50xi32, #tpu.memory_space<hbm>> -> memref<20x50xi32, #tpu.memory_space<hbm>>
        tpu.wait_dma2 semaphore(%arg23 : memref<!tpu.dma_semaphore, #tpu.memory_space<semaphore_mem>>) src(%dma_wait3A_1211 : memref<20x50xi32, #tpu.memory_space<hbm>>) dst(%arg8 : memref<20x50xi32, #tpu.memory_space<vmem>>)
      } else {
      }
      %dma_wait3A_1135 = arith.constant 0 : i32
      %dma_wait3A_1136 = arith.constant 0 : i32
      %dma_wait3A_1137 = tpu.memref_slice %arg6[%dma_wait3A_1135, %dma_wait3A_1136] : memref<20x50xi32, #tpu.memory_space<vmem>> -> memref<1x50xi32, #tpu.memory_space<vmem>>
      %dma_wait3A_1138 = tpu.memref_squeeze %dma_wait3A_1137 : memref<1x50xi32, #tpu.memory_space<vmem>> -> memref<50xi32, #tpu.memory_space<vmem>>
      %dma_wait3A_1139 = arith.constant 0 : i32
      %dma_wait3A_1140 = arith.constant 0 : i32
      %dma_wait3A_1141 = tpu.memref_slice %arg2[%dma_wait3A_1139, %dma_wait3A_1140] : memref<10000x128xf32, #tpu.memory_space<hbm>> -> memref<10000x128xf32, #tpu.memory_space<hbm>>
      tpu.wait_indirect_dma semaphore(%arg16 : memref<!tpu.dma_semaphore, #tpu.memory_space<semaphore_mem>>) src(%dma_wait3A_1141 : memref<10000x128xf32, #tpu.memory_space<hbm>>) dst(%arg11 : memref<50x128xf32, #tpu.memory_space<vmem>>)
      %dma_start3A_1142 = arith.constant 17 : i32
      %dma_start3A_1143 = arith.constant 0 : i32
      %dma_start3A_1144 = tpu.memref_slice %arg9[%dma_start3A_1142, %dma_start3A_1143] : memref<20x50xi32, #tpu.memory_space<vmem>> -> memref<1x50xi32, #tpu.memory_space<vmem>>
      %dma_start3A_1145 = tpu.memref_squeeze %dma_start3A_1144 : memref<1x50xi32, #tpu.memory_space<vmem>> -> memref<50xi32, #tpu.memory_space<vmem>>
      %dma_start3A_1146 = arith.constant 0 : i32
      %dma_start3A_1147 = arith.constant 0 : i32
      %dma_start3A_1148 = tpu.memref_slice %arg14[%dma_start3A_1146, %dma_start3A_1147] : memref<10240x128xf32, #tpu.memory_space<vmem_shared>> -> memref<10240x128xf32, #tpu.memory_space<vmem_shared>>
      tpu.enqueue_indirect_dma source(%arg11 : memref<50x128xf32, #tpu.memory_space<vmem>>) target(%dma_start3A_1148 : memref<10240x128xf32, #tpu.memory_space<vmem_shared>>) offsets(%dma_start3A_1145 : memref<50xi32, #tpu.memory_space<vmem>>) semaphore(%arg20 : memref<!tpu.dma_semaphore, #tpu.memory_space<semaphore_mem>>) {add = true}
      %lt3A_1149 = arith.constant 9 : i32
      %lt3A_1150 = arith.cmpi slt, %add3A_650, %lt3A_1149 : i32
      %convert_element_type3A_1151 = arith.extui %lt3A_1150 : i1 to i32
      %cond3A_1152 = arith.constant 0 : i32
      %cond3A_1153 = arith.cmpi ne, %convert_element_type3A_1151, %cond3A_1152 : i32
      scf.if %cond3A_1153 {
        %dma_wait3A_1192 = arith.constant 0 : i32
        %dma_wait3A_1193 = arith.constant 0 : i32
        %dma_wait3A_1194 = tpu.memref_slice %arg8[%dma_wait3A_1192, %dma_wait3A_1193] : memref<20x50xi32, #tpu.memory_space<vmem>> -> memref<1x50xi32, #tpu.memory_space<vmem>>
        %dma_wait3A_1195 = tpu.memref_squeeze %dma_wait3A_1194 : memref<1x50xi32, #tpu.memory_space<vmem>> -> memref<50xi32, #tpu.memory_space<vmem>>
        %dma_wait3A_1196 = arith.constant 0 : i32
        %dma_wait3A_1197 = arith.constant 0 : i32
        %dma_wait3A_1198 = tpu.memref_slice %arg14[%dma_wait3A_1196, %dma_wait3A_1197] : memref<10240x128xf32, #tpu.memory_space<vmem_shared>> -> memref<10240x128xf32, #tpu.memory_space<vmem_shared>>
        tpu.wait_indirect_dma semaphore(%arg19 : memref<!tpu.dma_semaphore, #tpu.memory_space<semaphore_mem>>) src(%arg10 : memref<50x128xf32, #tpu.memory_space<vmem>>) dst(%dma_wait3A_1198 : memref<10240x128xf32, #tpu.memory_space<vmem_shared>>)
        %dma_start3A_1199 = arith.constant 0 : i32
        %dma_start3A_1200 = arith.constant 0 : i32
        %dma_start3A_1201 = tpu.memref_slice %arg6[%dma_start3A_1199, %dma_start3A_1200] : memref<20x50xi32, #tpu.memory_space<vmem>> -> memref<1x50xi32, #tpu.memory_space<vmem>>
        %dma_start3A_1202 = tpu.memref_squeeze %dma_start3A_1201 : memref<1x50xi32, #tpu.memory_space<vmem>> -> memref<50xi32, #tpu.memory_space<vmem>>
        %dma_start3A_1203 = arith.constant 0 : i32
        %dma_start3A_1204 = arith.constant 0 : i32
        %dma_start3A_1205 = tpu.memref_slice %arg2[%dma_start3A_1203, %dma_start3A_1204] : memref<10000x128xf32, #tpu.memory_space<hbm>> -> memref<10000x128xf32, #tpu.memory_space<hbm>>
        tpu.enqueue_indirect_dma source(%dma_start3A_1205 : memref<10000x128xf32, #tpu.memory_space<hbm>>) target(%arg10 : memref<50x128xf32, #tpu.memory_space<vmem>>) offsets(%dma_start3A_1202 : memref<50xi32, #tpu.memory_space<vmem>>) semaphore(%arg15 : memref<!tpu.dma_semaphore, #tpu.memory_space<semaphore_mem>>)
      } else {
      }
      %dma_wait3A_1154 = arith.constant 0 : i32
      %dma_wait3A_1155 = arith.constant 0 : i32
      %dma_wait3A_1156 = tpu.memref_slice %arg6[%dma_wait3A_1154, %dma_wait3A_1155] : memref<20x50xi32, #tpu.memory_space<vmem>> -> memref<1x50xi32, #tpu.memory_space<vmem>>
      %dma_wait3A_1157 = tpu.memref_squeeze %dma_wait3A_1156 : memref<1x50xi32, #tpu.memory_space<vmem>> -> memref<50xi32, #tpu.memory_space<vmem>>
      %dma_wait3A_1158 = arith.constant 0 : i32
      %dma_wait3A_1159 = arith.constant 0 : i32
      %dma_wait3A_1160 = tpu.memref_slice %arg2[%dma_wait3A_1158, %dma_wait3A_1159] : memref<10000x128xf32, #tpu.memory_space<hbm>> -> memref<10000x128xf32, #tpu.memory_space<hbm>>
      tpu.wait_indirect_dma semaphore(%arg17 : memref<!tpu.dma_semaphore, #tpu.memory_space<semaphore_mem>>) src(%dma_wait3A_1160 : memref<10000x128xf32, #tpu.memory_space<hbm>>) dst(%arg12 : memref<50x128xf32, #tpu.memory_space<vmem>>)
      %dma_start3A_1161 = arith.constant 18 : i32
      %dma_start3A_1162 = arith.constant 0 : i32
      %dma_start3A_1163 = tpu.memref_slice %arg9[%dma_start3A_1161, %dma_start3A_1162] : memref<20x50xi32, #tpu.memory_space<vmem>> -> memref<1x50xi32, #tpu.memory_space<vmem>>
      %dma_start3A_1164 = tpu.memref_squeeze %dma_start3A_1163 : memref<1x50xi32, #tpu.memory_space<vmem>> -> memref<50xi32, #tpu.memory_space<vmem>>
      %dma_start3A_1165 = arith.constant 0 : i32
      %dma_start3A_1166 = arith.constant 0 : i32
      %dma_start3A_1167 = tpu.memref_slice %arg14[%dma_start3A_1165, %dma_start3A_1166] : memref<10240x128xf32, #tpu.memory_space<vmem_shared>> -> memref<10240x128xf32, #tpu.memory_space<vmem_shared>>
      tpu.enqueue_indirect_dma source(%arg12 : memref<50x128xf32, #tpu.memory_space<vmem>>) target(%dma_start3A_1167 : memref<10240x128xf32, #tpu.memory_space<vmem_shared>>) offsets(%dma_start3A_1164 : memref<50xi32, #tpu.memory_space<vmem>>) semaphore(%arg21 : memref<!tpu.dma_semaphore, #tpu.memory_space<semaphore_mem>>) {add = true}
      %lt3A_1168 = arith.constant 9 : i32
      %lt3A_1169 = arith.cmpi slt, %add3A_650, %lt3A_1168 : i32
      %convert_element_type3A_1170 = arith.extui %lt3A_1169 : i1 to i32
      %cond3A_1171 = arith.constant 0 : i32
      %cond3A_1172 = arith.cmpi ne, %convert_element_type3A_1170, %cond3A_1171 : i32
      scf.if %cond3A_1172 {
        %dma_wait3A_1192 = arith.constant 0 : i32
        %dma_wait3A_1193 = arith.constant 0 : i32
        %dma_wait3A_1194 = tpu.memref_slice %arg8[%dma_wait3A_1192, %dma_wait3A_1193] : memref<20x50xi32, #tpu.memory_space<vmem>> -> memref<1x50xi32, #tpu.memory_space<vmem>>
        %dma_wait3A_1195 = tpu.memref_squeeze %dma_wait3A_1194 : memref<1x50xi32, #tpu.memory_space<vmem>> -> memref<50xi32, #tpu.memory_space<vmem>>
        %dma_wait3A_1196 = arith.constant 0 : i32
        %dma_wait3A_1197 = arith.constant 0 : i32
        %dma_wait3A_1198 = tpu.memref_slice %arg14[%dma_wait3A_1196, %dma_wait3A_1197] : memref<10240x128xf32, #tpu.memory_space<vmem_shared>> -> memref<10240x128xf32, #tpu.memory_space<vmem_shared>>
        tpu.wait_indirect_dma semaphore(%arg20 : memref<!tpu.dma_semaphore, #tpu.memory_space<semaphore_mem>>) src(%arg11 : memref<50x128xf32, #tpu.memory_space<vmem>>) dst(%dma_wait3A_1198 : memref<10240x128xf32, #tpu.memory_space<vmem_shared>>)
        %dma_start3A_1199 = arith.constant 1 : i32
        %dma_start3A_1200 = arith.constant 0 : i32
        %dma_start3A_1201 = tpu.memref_slice %arg6[%dma_start3A_1199, %dma_start3A_1200] : memref<20x50xi32, #tpu.memory_space<vmem>> -> memref<1x50xi32, #tpu.memory_space<vmem>>
        %dma_start3A_1202 = tpu.memref_squeeze %dma_start3A_1201 : memref<1x50xi32, #tpu.memory_space<vmem>> -> memref<50xi32, #tpu.memory_space<vmem>>
        %dma_start3A_1203 = arith.constant 0 : i32
        %dma_start3A_1204 = arith.constant 0 : i32
        %dma_start3A_1205 = tpu.memref_slice %arg2[%dma_start3A_1203, %dma_start3A_1204] : memref<10000x128xf32, #tpu.memory_space<hbm>> -> memref<10000x128xf32, #tpu.memory_space<hbm>>
        tpu.enqueue_indirect_dma source(%dma_start3A_1205 : memref<10000x128xf32, #tpu.memory_space<hbm>>) target(%arg11 : memref<50x128xf32, #tpu.memory_space<vmem>>) offsets(%dma_start3A_1202 : memref<50xi32, #tpu.memory_space<vmem>>) semaphore(%arg16 : memref<!tpu.dma_semaphore, #tpu.memory_space<semaphore_mem>>)
      } else {
      }
      %dma_wait3A_1173 = arith.constant 0 : i32
      %dma_wait3A_1174 = arith.constant 0 : i32
      %dma_wait3A_1175 = tpu.memref_slice %arg6[%dma_wait3A_1173, %dma_wait3A_1174] : memref<20x50xi32, #tpu.memory_space<vmem>> -> memref<1x50xi32, #tpu.memory_space<vmem>>
      %dma_wait3A_1176 = tpu.memref_squeeze %dma_wait3A_1175 : memref<1x50xi32, #tpu.memory_space<vmem>> -> memref<50xi32, #tpu.memory_space<vmem>>
      %dma_wait3A_1177 = arith.constant 0 : i32
      %dma_wait3A_1178 = arith.constant 0 : i32
      %dma_wait3A_1179 = tpu.memref_slice %arg2[%dma_wait3A_1177, %dma_wait3A_1178] : memref<10000x128xf32, #tpu.memory_space<hbm>> -> memref<10000x128xf32, #tpu.memory_space<hbm>>
      tpu.wait_indirect_dma semaphore(%arg18 : memref<!tpu.dma_semaphore, #tpu.memory_space<semaphore_mem>>) src(%dma_wait3A_1179 : memref<10000x128xf32, #tpu.memory_space<hbm>>) dst(%arg13 : memref<50x128xf32, #tpu.memory_space<vmem>>)
      %dma_start3A_1180 = arith.constant 19 : i32
      %dma_start3A_1181 = arith.constant 0 : i32
      %dma_start3A_1182 = tpu.memref_slice %arg9[%dma_start3A_1180, %dma_start3A_1181] : memref<20x50xi32, #tpu.memory_space<vmem>> -> memref<1x50xi32, #tpu.memory_space<vmem>>
      %dma_start3A_1183 = tpu.memref_squeeze %dma_start3A_1182 : memref<1x50xi32, #tpu.memory_space<vmem>> -> memref<50xi32, #tpu.memory_space<vmem>>
      %dma_start3A_1184 = arith.constant 0 : i32
      %dma_start3A_1185 = arith.constant 0 : i32
      %dma_start3A_1186 = tpu.memref_slice %arg14[%dma_start3A_1184, %dma_start3A_1185] : memref<10240x128xf32, #tpu.memory_space<vmem_shared>> -> memref<10240x128xf32, #tpu.memory_space<vmem_shared>>
      tpu.enqueue_indirect_dma source(%arg13 : memref<50x128xf32, #tpu.memory_space<vmem>>) target(%dma_start3A_1186 : memref<10240x128xf32, #tpu.memory_space<vmem_shared>>) offsets(%dma_start3A_1183 : memref<50xi32, #tpu.memory_space<vmem>>) semaphore(%arg22 : memref<!tpu.dma_semaphore, #tpu.memory_space<semaphore_mem>>) {add = true}
      %lt3A_1187 = arith.constant 9 : i32
      %lt3A_1188 = arith.cmpi slt, %add3A_650, %lt3A_1187 : i32
      %convert_element_type3A_1189 = arith.extui %lt3A_1188 : i1 to i32
      %cond3A_1190 = arith.constant 0 : i32
      %cond3A_1191 = arith.cmpi ne, %convert_element_type3A_1189, %cond3A_1190 : i32
      scf.if %cond3A_1191 {
        %dma_wait3A_1192 = arith.constant 0 : i32
        %dma_wait3A_1193 = arith.constant 0 : i32
        %dma_wait3A_1194 = tpu.memref_slice %arg8[%dma_wait3A_1192, %dma_wait3A_1193] : memref<20x50xi32, #tpu.memory_space<vmem>> -> memref<1x50xi32, #tpu.memory_space<vmem>>
        %dma_wait3A_1195 = tpu.memref_squeeze %dma_wait3A_1194 : memref<1x50xi32, #tpu.memory_space<vmem>> -> memref<50xi32, #tpu.memory_space<vmem>>
        %dma_wait3A_1196 = arith.constant 0 : i32
        %dma_wait3A_1197 = arith.constant 0 : i32
        %dma_wait3A_1198 = tpu.memref_slice %arg14[%dma_wait3A_1196, %dma_wait3A_1197] : memref<10240x128xf32, #tpu.memory_space<vmem_shared>> -> memref<10240x128xf32, #tpu.memory_space<vmem_shared>>
        tpu.wait_indirect_dma semaphore(%arg21 : memref<!tpu.dma_semaphore, #tpu.memory_space<semaphore_mem>>) src(%arg12 : memref<50x128xf32, #tpu.memory_space<vmem>>) dst(%dma_wait3A_1198 : memref<10240x128xf32, #tpu.memory_space<vmem_shared>>)
        %dma_start3A_1199 = arith.constant 2 : i32
        %dma_start3A_1200 = arith.constant 0 : i32
        %dma_start3A_1201 = tpu.memref_slice %arg6[%dma_start3A_1199, %dma_start3A_1200] : memref<20x50xi32, #tpu.memory_space<vmem>> -> memref<1x50xi32, #tpu.memory_space<vmem>>
        %dma_start3A_1202 = tpu.memref_squeeze %dma_start3A_1201 : memref<1x50xi32, #tpu.memory_space<vmem>> -> memref<50xi32, #tpu.memory_space<vmem>>
        %dma_start3A_1203 = arith.constant 0 : i32
        %dma_start3A_1204 = arith.constant 0 : i32
        %dma_start3A_1205 = tpu.memref_slice %arg2[%dma_start3A_1203, %dma_start3A_1204] : memref<10000x128xf32, #tpu.memory_space<hbm>> -> memref<10000x128xf32, #tpu.memory_space<hbm>>
        tpu.enqueue_indirect_dma source(%dma_start3A_1205 : memref<10000x128xf32, #tpu.memory_space<hbm>>) target(%arg12 : memref<50x128xf32, #tpu.memory_space<vmem>>) offsets(%dma_start3A_1202 : memref<50xi32, #tpu.memory_space<vmem>>) semaphore(%arg17 : memref<!tpu.dma_semaphore, #tpu.memory_space<semaphore_mem>>)
      } else {
      }
    }
    %scan3A_70 = arith.constant 5 : i32
    %dma_wait3A = arith.constant 0 : i32
    %dma_wait3A_71 = arith.constant 0 : i32
    %dma_wait3A_72 = tpu.memref_slice %arg8[%dma_wait3A, %dma_wait3A_71] : memref<20x50xi32, #tpu.memory_space<vmem>> -> memref<1x50xi32, #tpu.memory_space<vmem>>
    %dma_wait3A_73 = tpu.memref_squeeze %dma_wait3A_72 : memref<1x50xi32, #tpu.memory_space<vmem>> -> memref<50xi32, #tpu.memory_space<vmem>>
    %dma_wait3A_74 = arith.constant 0 : i32
    %dma_wait3A_75 = arith.constant 0 : i32
    %dma_wait3A_76 = tpu.memref_slice %arg14[%dma_wait3A_74, %dma_wait3A_75] : memref<10240x128xf32, #tpu.memory_space<vmem_shared>> -> memref<10240x128xf32, #tpu.memory_space<vmem_shared>>
    tpu.wait_indirect_dma semaphore(%arg19 : memref<!tpu.dma_semaphore, #tpu.memory_space<semaphore_mem>>) src(%arg10 : memref<50x128xf32, #tpu.memory_space<vmem>>) dst(%dma_wait3A_76 : memref<10240x128xf32, #tpu.memory_space<vmem_shared>>)
    %dma_wait3A_77 = arith.constant 0 : i32
    %dma_wait3A_78 = arith.constant 0 : i32
    %dma_wait3A_79 = tpu.memref_slice %arg8[%dma_wait3A_77, %dma_wait3A_78] : memref<20x50xi32, #tpu.memory_space<vmem>> -> memref<1x50xi32, #tpu.memory_space<vmem>>
    %dma_wait3A_80 = tpu.memref_squeeze %dma_wait3A_79 : memref<1x50xi32, #tpu.memory_space<vmem>> -> memref<50xi32, #tpu.memory_space<vmem>>
    %dma_wait3A_81 = arith.constant 0 : i32
    %dma_wait3A_82 = arith.constant 0 : i32
    %dma_wait3A_83 = tpu.memref_slice %arg14[%dma_wait3A_81, %dma_wait3A_82] : memref<10240x128xf32, #tpu.memory_space<vmem_shared>> -> memref<10240x128xf32, #tpu.memory_space<vmem_shared>>
    tpu.wait_indirect_dma semaphore(%arg20 : memref<!tpu.dma_semaphore, #tpu.memory_space<semaphore_mem>>) src(%arg11 : memref<50x128xf32, #tpu.memory_space<vmem>>) dst(%dma_wait3A_83 : memref<10240x128xf32, #tpu.memory_space<vmem_shared>>)
    %dma_wait3A_84 = arith.constant 0 : i32
    %dma_wait3A_85 = arith.constant 0 : i32
    %dma_wait3A_86 = tpu.memref_slice %arg8[%dma_wait3A_84, %dma_wait3A_85] : memref<20x50xi32, #tpu.memory_space<vmem>> -> memref<1x50xi32, #tpu.memory_space<vmem>>
    %dma_wait3A_87 = tpu.memref_squeeze %dma_wait3A_86 : memref<1x50xi32, #tpu.memory_space<vmem>> -> memref<50xi32, #tpu.memory_space<vmem>>
    %dma_wait3A_88 = arith.constant 0 : i32
    %dma_wait3A_89 = arith.constant 0 : i32
    %dma_wait3A_90 = tpu.memref_slice %arg14[%dma_wait3A_88, %dma_wait3A_89] : memref<10240x128xf32, #tpu.memory_space<vmem_shared>> -> memref<10240x128xf32, #tpu.memory_space<vmem_shared>>
    tpu.wait_indirect_dma semaphore(%arg21 : memref<!tpu.dma_semaphore, #tpu.memory_space<semaphore_mem>>) src(%arg12 : memref<50x128xf32, #tpu.memory_space<vmem>>) dst(%dma_wait3A_90 : memref<10240x128xf32, #tpu.memory_space<vmem_shared>>)
    %dma_wait3A_91 = arith.constant 0 : i32
    %dma_wait3A_92 = arith.constant 0 : i32
    %dma_wait3A_93 = tpu.memref_slice %arg8[%dma_wait3A_91, %dma_wait3A_92] : memref<20x50xi32, #tpu.memory_space<vmem>> -> memref<1x50xi32, #tpu.memory_space<vmem>>
    %dma_wait3A_94 = tpu.memref_squeeze %dma_wait3A_93 : memref<1x50xi32, #tpu.memory_space<vmem>> -> memref<50xi32, #tpu.memory_space<vmem>>
    %dma_wait3A_95 = arith.constant 0 : i32
    %dma_wait3A_96 = arith.constant 0 : i32
    %dma_wait3A_97 = tpu.memref_slice %arg14[%dma_wait3A_95, %dma_wait3A_96] : memref<10240x128xf32, #tpu.memory_space<vmem_shared>> -> memref<10240x128xf32, #tpu.memory_space<vmem_shared>>
    tpu.wait_indirect_dma semaphore(%arg22 : memref<!tpu.dma_semaphore, #tpu.memory_space<semaphore_mem>>) src(%arg13 : memref<50x128xf32, #tpu.memory_space<vmem>>) dst(%dma_wait3A_97 : memref<10240x128xf32, #tpu.memory_space<vmem_shared>>)
    %barrier3A_98 = arith.constant 0 : index
    tpu.barrier barrier_id(%barrier3A_98)
    %mul3A_99 = arith.constant 640 : i32
    %mul3A_100 = arith.muli %arg1, %mul3A_99 : i32
    %mul3A_101 = arith.constant 640 : i32
    %mul3A_102 = arith.muli %arg1, %mul3A_101 : i32
    "tpu.region"() ({
      %run_scoped3A_103 = tpu.sem_alloc : memref<!tpu.dma_semaphore, #tpu.memory_space<semaphore_mem>>
      %dma_start3A_104 = arith.constant 0 : i32
      %dma_start3A_105 = tpu.memref_slice %arg5[%arg0, %mul3A_102, %dma_start3A_104] : memref<2x10240x128xf32, #tpu.memory_space<hbm>> -> memref<1x640x128xf32, #tpu.memory_space<hbm>>
      %dma_start3A_106 = tpu.memref_squeeze %dma_start3A_105 : memref<1x640x128xf32, #tpu.memory_space<hbm>> -> memref<640x128xf32, #tpu.memory_space<hbm>>
      %dma_start3A_107 = arith.constant 0 : i32
      %dma_start3A_108 = tpu.memref_slice %arg14[%mul3A_100, %dma_start3A_107] : memref<10240x128xf32, #tpu.memory_space<vmem_shared>> -> memref<640x128xf32, #tpu.memory_space<vmem_shared>>
      tpu.enqueue_dma source(%dma_start3A_108 : memref<640x128xf32, #tpu.memory_space<vmem_shared>>) target(%dma_start3A_106 : memref<640x128xf32, #tpu.memory_space<hbm>>) target_semaphore(%run_scoped3A_103 : memref<!tpu.dma_semaphore, #tpu.memory_space<semaphore_mem>>)
      %dma_wait3A_109 = arith.constant 0 : i32
      %dma_wait3A_110 = tpu.memref_slice %arg5[%arg0, %mul3A_102, %dma_wait3A_109] : memref<2x10240x128xf32, #tpu.memory_space<hbm>> -> memref<1x640x128xf32, #tpu.memory_space<hbm>>
      %dma_wait3A_111 = tpu.memref_squeeze %dma_wait3A_110 : memref<1x640x128xf32, #tpu.memory_space<hbm>> -> memref<640x128xf32, #tpu.memory_space<hbm>>
      %dma_wait3A_112 = arith.constant 0 : i32
      %dma_wait3A_113 = tpu.memref_slice %arg14[%mul3A_100, %dma_wait3A_112] : memref<10240x128xf32, #tpu.memory_space<vmem_shared>> -> memref<640x128xf32, #tpu.memory_space<vmem_shared>>
      tpu.wait_dma2 semaphore(%run_scoped3A_103 : memref<!tpu.dma_semaphore, #tpu.memory_space<semaphore_mem>>) src(%dma_wait3A_113 : memref<640x128xf32, #tpu.memory_space<vmem_shared>>) dst(%dma_wait3A_111 : memref<640x128xf32, #tpu.memory_space<hbm>>)
      tpu.yield
    }) : () -> ()
    return
  }
}

#map = affine_map<(d0, d1) -> (0, 0, 0, 0, 0)>
#map1 = affine_map<(d0, d1) -> (0)>
#map2 = affine_map<(d0, d1) -> (0, 0)>
module attributes {stable_mosaic.version = 14 : i64} {
  func.func @_deg_kernel(%arg0: i32, %arg1: i32, %arg2: memref<2x32x10x20x50xi32, #tpu.memory_space<hbm>>, %arg3: memref<10240xf32, #tpu.memory_space<hbm>>, %arg4: memref<2x10240xf32, #tpu.memory_space<hbm>>, %arg5: memref<10x20x50xi32, #tpu.memory_space<vmem>>, %arg6: memref<112xf32, #tpu.memory_space<vmem>>, %arg7: memref<10240xf32, #tpu.memory_space<vmem_shared>>, %arg8: memref<!tpu.dma_semaphore, #tpu.memory_space<semaphore_mem>>) attributes {dimension_semantics = [#tpu.dimension_semantics<core_parallel>, #tpu.dimension_semantics<subcore_parallel>], iteration_bounds = array<i64: 2, 16>, scalar_prefetch = 0 : i64, scratch_operands = 4 : i64, tpu.core_type = #tpu.core_type<sc_vector_subcore>, window_params = [{transform_indices = #map}, {transform_indices = #map1}, {transform_indices = #map2}]} {
    %mul3A = arith.constant 2 : i32
    %mul3A_0 = arith.muli %arg1, %mul3A : i32
    %add3A = arith.addi %mul3A_0, %arg0 : i32
    %mul3A_1 = arith.constant 640 : i32
    %mul3A_2 = arith.muli %arg1, %mul3A_1 : i32
    %mul3A_3 = arith.constant 640 : i32
    %mul3A_4 = arith.muli %arg1, %mul3A_3 : i32
    "tpu.region"() ({
      %run_scoped3A_61 = tpu.sem_alloc : memref<!tpu.dma_semaphore, #tpu.memory_space<semaphore_mem>>
      %dma_start3A = tpu.memref_slice %arg7[%mul3A_4] : memref<10240xf32, #tpu.memory_space<vmem_shared>> -> memref<640xf32, #tpu.memory_space<vmem_shared>>
      %dma_start3A_62 = tpu.memref_slice %arg3[%mul3A_2] : memref<10240xf32, #tpu.memory_space<hbm>> -> memref<640xf32, #tpu.memory_space<hbm>>
      tpu.enqueue_dma source(%dma_start3A_62 : memref<640xf32, #tpu.memory_space<hbm>>) target(%dma_start3A : memref<640xf32, #tpu.memory_space<vmem_shared>>) target_semaphore(%run_scoped3A_61 : memref<!tpu.dma_semaphore, #tpu.memory_space<semaphore_mem>>)
      %dma_wait3A = tpu.memref_slice %arg7[%mul3A_4] : memref<10240xf32, #tpu.memory_space<vmem_shared>> -> memref<640xf32, #tpu.memory_space<vmem_shared>>
      %dma_wait3A_63 = tpu.memref_slice %arg3[%mul3A_2] : memref<10240xf32, #tpu.memory_space<hbm>> -> memref<640xf32, #tpu.memory_space<hbm>>
      tpu.wait_dma2 semaphore(%run_scoped3A_61 : memref<!tpu.dma_semaphore, #tpu.memory_space<semaphore_mem>>) src(%dma_wait3A_63 : memref<640xf32, #tpu.memory_space<hbm>>) dst(%dma_wait3A : memref<640xf32, #tpu.memory_space<vmem_shared>>)
      tpu.yield
    }) : () -> ()
    %run_scoped3A = arith.constant 1 : i32
    "tpu.region"() ({
      %run_scoped3A_61 = tpu.sem_alloc : memref<!tpu.dma_semaphore, #tpu.memory_space<semaphore_mem>>
      %dma_start3A = arith.constant 0 : i32
      %dma_start3A_62 = arith.constant 0 : i32
      %dma_start3A_63 = arith.constant 0 : i32
      %dma_start3A_64 = tpu.memref_slice %arg2[%run_scoped3A, %add3A, %dma_start3A, %dma_start3A_62, %dma_start3A_63] : memref<2x32x10x20x50xi32, #tpu.memory_space<hbm>> -> memref<1x1x10x20x50xi32, #tpu.memory_space<hbm>>
      %dma_start3A_65 = tpu.memref_squeeze %dma_start3A_64 : memref<1x1x10x20x50xi32, #tpu.memory_space<hbm>> -> memref<10x20x50xi32, #tpu.memory_space<hbm>>
      %dma_start3A_66 = arith.constant 0 : i32
      %dma_start3A_67 = arith.constant 0 : i32
      %dma_start3A_68 = arith.constant 0 : i32
      %dma_start3A_69 = tpu.memref_slice %arg2[%run_scoped3A, %add3A, %dma_start3A_66, %dma_start3A_67, %dma_start3A_68] : memref<2x32x10x20x50xi32, #tpu.memory_space<hbm>> -> memref<1x1x10x20x50xi32, #tpu.memory_space<hbm>>
      %dma_start3A_70 = tpu.memref_squeeze %dma_start3A_69 : memref<1x1x10x20x50xi32, #tpu.memory_space<hbm>> -> memref<10x20x50xi32, #tpu.memory_space<hbm>>
      tpu.enqueue_dma source(%dma_start3A_70 : memref<10x20x50xi32, #tpu.memory_space<hbm>>) target(%arg5 : memref<10x20x50xi32, #tpu.memory_space<vmem>>) target_semaphore(%run_scoped3A_61 : memref<!tpu.dma_semaphore, #tpu.memory_space<semaphore_mem>>)
      %dma_wait3A = arith.constant 0 : i32
      %dma_wait3A_71 = arith.constant 0 : i32
      %dma_wait3A_72 = arith.constant 0 : i32
      %dma_wait3A_73 = tpu.memref_slice %arg2[%run_scoped3A, %add3A, %dma_wait3A, %dma_wait3A_71, %dma_wait3A_72] : memref<2x32x10x20x50xi32, #tpu.memory_space<hbm>> -> memref<1x1x10x20x50xi32, #tpu.memory_space<hbm>>
      %dma_wait3A_74 = tpu.memref_squeeze %dma_wait3A_73 : memref<1x1x10x20x50xi32, #tpu.memory_space<hbm>> -> memref<10x20x50xi32, #tpu.memory_space<hbm>>
      %dma_wait3A_75 = arith.constant 0 : i32
      %dma_wait3A_76 = arith.constant 0 : i32
      %dma_wait3A_77 = arith.constant 0 : i32
      %dma_wait3A_78 = tpu.memref_slice %arg2[%run_scoped3A, %add3A, %dma_wait3A_75, %dma_wait3A_76, %dma_wait3A_77] : memref<2x32x10x20x50xi32, #tpu.memory_space<hbm>> -> memref<1x1x10x20x50xi32, #tpu.memory_space<hbm>>
      %dma_wait3A_79 = tpu.memref_squeeze %dma_wait3A_78 : memref<1x1x10x20x50xi32, #tpu.memory_space<hbm>> -> memref<10x20x50xi32, #tpu.memory_space<hbm>>
      tpu.wait_dma2 semaphore(%run_scoped3A_61 : memref<!tpu.dma_semaphore, #tpu.memory_space<semaphore_mem>>) src(%dma_wait3A_79 : memref<10x20x50xi32, #tpu.memory_space<hbm>>) dst(%arg5 : memref<10x20x50xi32, #tpu.memory_space<vmem>>)
      tpu.yield
    }) : () -> ()
    %broadcast_in_dim3A = arith.constant 1.000000e+00 : f32
    %broadcast_in_dim3A_5 = vector.broadcast %broadcast_in_dim3A : f32 to vector<16xf32>
    %swap3A = arith.constant 0 : index
    %swap3A_6 = tpu.vector_load %arg6[%swap3A] {strides = array<i32>} : memref<112xf32, #tpu.memory_space<vmem>>, vector<16xf32>,
    %swap3A_7 = vector.shape_cast %swap3A_6 : vector<16xf32> to vector<16xf32>
    %swap3A_8 = vector.shape_cast %broadcast_in_dim3A_5 : vector<16xf32> to vector<16xf32>
    tpu.vector_store %arg6[%swap3A], %swap3A_8 {strides = array<i32>} : memref<112xf32, #tpu.memory_space<vmem>>, vector<16xf32>,
    %broadcast_in_dim3A_9 = arith.constant 1.000000e+00 : f32
    %broadcast_in_dim3A_10 = vector.broadcast %broadcast_in_dim3A_9 : f32 to vector<16xf32>
    %swap3A_11 = arith.constant 16 : index
    %swap3A_12 = tpu.vector_load %arg6[%swap3A_11] {strides = array<i32>} : memref<112xf32, #tpu.memory_space<vmem>>, vector<16xf32>,
    %swap3A_13 = vector.shape_cast %swap3A_12 : vector<16xf32> to vector<16xf32>
    %swap3A_14 = vector.shape_cast %broadcast_in_dim3A_10 : vector<16xf32> to vector<16xf32>
    tpu.vector_store %arg6[%swap3A_11], %swap3A_14 {strides = array<i32>} : memref<112xf32, #tpu.memory_space<vmem>>, vector<16xf32>,
    %broadcast_in_dim3A_15 = arith.constant 1.000000e+00 : f32
    %broadcast_in_dim3A_16 = vector.broadcast %broadcast_in_dim3A_15 : f32 to vector<16xf32>
    %swap3A_17 = arith.constant 32 : index
    %swap3A_18 = tpu.vector_load %arg6[%swap3A_17] {strides = array<i32>} : memref<112xf32, #tpu.memory_space<vmem>>, vector<16xf32>,
    %swap3A_19 = vector.shape_cast %swap3A_18 : vector<16xf32> to vector<16xf32>
    %swap3A_20 = vector.shape_cast %broadcast_in_dim3A_16 : vector<16xf32> to vector<16xf32>
    tpu.vector_store %arg6[%swap3A_17], %swap3A_20 {strides = array<i32>} : memref<112xf32, #tpu.memory_space<vmem>>, vector<16xf32>,
    %broadcast_in_dim3A_21 = arith.constant 1.000000e+00 : f32
    %broadcast_in_dim3A_22 = vector.broadcast %broadcast_in_dim3A_21 : f32 to vector<16xf32>
    %swap3A_23 = arith.constant 48 : index
    %swap3A_24 = tpu.vector_load %arg6[%swap3A_23] {strides = array<i32>} : memref<112xf32, #tpu.memory_space<vmem>>, vector<16xf32>,
    %swap3A_25 = vector.shape_cast %swap3A_24 : vector<16xf32> to vector<16xf32>
    %swap3A_26 = vector.shape_cast %broadcast_in_dim3A_22 : vector<16xf32> to vector<16xf32>
    tpu.vector_store %arg6[%swap3A_23], %swap3A_26 {strides = array<i32>} : memref<112xf32, #tpu.memory_space<vmem>>, vector<16xf32>,
    %broadcast_in_dim3A_27 = arith.constant 1.000000e+00 : f32
    %broadcast_in_dim3A_28 = vector.broadcast %broadcast_in_dim3A_27 : f32 to vector<16xf32>
    %swap3A_29 = arith.constant 64 : index
    %swap3A_30 = tpu.vector_load %arg6[%swap3A_29] {strides = array<i32>} : memref<112xf32, #tpu.memory_space<vmem>>, vector<16xf32>,
    %swap3A_31 = vector.shape_cast %swap3A_30 : vector<16xf32> to vector<16xf32>
    %swap3A_32 = vector.shape_cast %broadcast_in_dim3A_28 : vector<16xf32> to vector<16xf32>
    tpu.vector_store %arg6[%swap3A_29], %swap3A_32 {strides = array<i32>} : memref<112xf32, #tpu.memory_space<vmem>>, vector<16xf32>,
    %broadcast_in_dim3A_33 = arith.constant 1.000000e+00 : f32
    %broadcast_in_dim3A_34 = vector.broadcast %broadcast_in_dim3A_33 : f32 to vector<16xf32>
    %swap3A_35 = arith.constant 80 : index
    %swap3A_36 = tpu.vector_load %arg6[%swap3A_35] {strides = array<i32>} : memref<112xf32, #tpu.memory_space<vmem>>, vector<16xf32>,
    %swap3A_37 = vector.shape_cast %swap3A_36 : vector<16xf32> to vector<16xf32>
    %swap3A_38 = vector.shape_cast %broadcast_in_dim3A_34 : vector<16xf32> to vector<16xf32>
    tpu.vector_store %arg6[%swap3A_35], %swap3A_38 {strides = array<i32>} : memref<112xf32, #tpu.memory_space<vmem>>, vector<16xf32>,
    %broadcast_in_dim3A_39 = arith.constant 1.000000e+00 : f32
    %broadcast_in_dim3A_40 = vector.broadcast %broadcast_in_dim3A_39 : f32 to vector<16xf32>
    %swap3A_41 = arith.constant 96 : index
    %swap3A_42 = tpu.vector_load %arg6[%swap3A_41] {strides = array<i32>} : memref<112xf32, #tpu.memory_space<vmem>>, vector<16xf32>,
    %swap3A_43 = vector.shape_cast %swap3A_42 : vector<16xf32> to vector<16xf32>
    %swap3A_44 = vector.shape_cast %broadcast_in_dim3A_40 : vector<16xf32> to vector<16xf32>
    tpu.vector_store %arg6[%swap3A_41], %swap3A_44 {strides = array<i32>} : memref<112xf32, #tpu.memory_space<vmem>>, vector<16xf32>,
    %barrier3A = arith.constant 0 : index
    tpu.barrier barrier_id(%barrier3A)
    %scan3A = arith.constant 0 : i32
    %scan3A_45 = arith.constant 0 : i32
    %scan3A_46 = arith.constant 200 : i32
    %scan3A_47 = arith.addi %scan3A_45, %scan3A_46 : i32
    %scan3A_48 = arith.constant 1 : i32
    scf.for %scan3A_61 = %scan3A_45 to %scan3A_47 step %scan3A_48  : i32 {
      %jit3A = arith.constant 20 : i32
      %div3A = arith.divsi %scan3A_61, %jit3A : i32
      %sign3A = arith.constant 0 : i32
      %sign3A_62 = arith.cmpi sgt, %scan3A_61, %sign3A : i32
      %sign3A_63 = arith.extui %sign3A_62 : i1 to i32
      %sign3A_64 = arith.constant 0 : i32
      %sign3A_65 = arith.cmpi slt, %scan3A_61, %sign3A_64 : i32
      %sign3A_66 = arith.extui %sign3A_65 : i1 to i32
      %sign3A_67 = arith.subi %sign3A_63, %sign3A_66 : i32
      %sign3A_68 = arith.constant 0 : i32
      %sign3A_69 = arith.cmpi sgt, %jit3A, %sign3A_68 : i32
      %sign3A_70 = arith.extui %sign3A_69 : i1 to i32
      %sign3A_71 = arith.constant 0 : i32
      %sign3A_72 = arith.cmpi slt, %jit3A, %sign3A_71 : i32
      %sign3A_73 = arith.extui %sign3A_72 : i1 to i32
      %sign3A_74 = arith.subi %sign3A_70, %sign3A_73 : i32
      %ne3A = arith.cmpi ne, %sign3A_67, %sign3A_74 : i32
      %rem3A = arith.remsi %scan3A_61, %jit3A : i32
      %ne3A_75 = arith.constant 0 : i32
      %ne3A_76 = arith.cmpi ne, %rem3A, %ne3A_75 : i32
      %and3A = arith.andi %ne3A, %ne3A_76 : i1
      %sub3A = arith.constant 1 : i32
      %sub3A_77 = arith.subi %div3A, %sub3A : i32
      %select_n3A = arith.select %and3A, %sub3A_77, %div3A : i32
      %jit3A_78 = arith.constant 20 : i32
      %eq3A = arith.constant 0 : i32
      %eq3A_79 = arith.cmpi eq, %jit3A_78, %eq3A : i32
      %jit3A_80 = arith.constant 1 : i32
      %select_n3A_81 = arith.select %eq3A_79, %jit3A_80, %jit3A_78 : i32
      %rem3A_82 = arith.remsi %scan3A_61, %select_n3A_81 : i32
      %ne3A_83 = arith.constant 0 : i32
      %ne3A_84 = arith.cmpi ne, %rem3A_82, %ne3A_83 : i32
      %lt3A = arith.constant 0 : i32
      %lt3A_85 = arith.cmpi slt, %rem3A_82, %lt3A : i32
      %lt3A_86 = arith.constant 0 : i32
      %lt3A_87 = arith.cmpi slt, %select_n3A_81, %lt3A_86 : i32
      %ne3A_88 = arith.xori %lt3A_85, %lt3A_87 : i1
      %and3A_89 = arith.andi %ne3A_88, %ne3A_84 : i1
      %add3A_90 = arith.addi %rem3A_82, %select_n3A_81 : i32
      %select_n3A_91 = arith.select %and3A_89, %add3A_90, %rem3A_82 : i32
      %dma_start3A = arith.constant 0 : i32
      %dma_start3A_92 = tpu.memref_slice %arg6[%dma_start3A] : memref<112xf32, #tpu.memory_space<vmem>> -> memref<50xf32, #tpu.memory_space<vmem>>
      %dma_start3A_93 = arith.constant 0 : i32
      %dma_start3A_94 = tpu.memref_slice %arg5[%select_n3A, %select_n3A_91, %dma_start3A_93] : memref<10x20x50xi32, #tpu.memory_space<vmem>> -> memref<1x1x50xi32, #tpu.memory_space<vmem>>
      %dma_start3A_95 = tpu.memref_squeeze %dma_start3A_94 : memref<1x1x50xi32, #tpu.memory_space<vmem>> -> memref<50xi32, #tpu.memory_space<vmem>>
      %dma_start3A_96 = arith.constant 0 : i32
      %dma_start3A_97 = tpu.memref_slice %arg7[%dma_start3A_96] : memref<10240xf32, #tpu.memory_space<vmem_shared>> -> memref<10240xf32, #tpu.memory_space<vmem_shared>>
      tpu.enqueue_indirect_dma source(%dma_start3A_92 : memref<50xf32, #tpu.memory_space<vmem>>) target(%dma_start3A_97 : memref<10240xf32, #tpu.memory_space<vmem_shared>>) offsets(%dma_start3A_95 : memref<50xi32, #tpu.memory_space<vmem>>) semaphore(%arg8 : memref<!tpu.dma_semaphore, #tpu.memory_space<semaphore_mem>>) {add = true}
    }
    %scan3A_49 = arith.constant 200 : i32
    %scan3A_50 = arith.constant 0 : i32
    %scan3A_51 = arith.constant 0 : i32
    %scan3A_52 = arith.constant 200 : i32
    %scan3A_53 = arith.addi %scan3A_51, %scan3A_52 : i32
    %scan3A_54 = arith.constant 1 : i32
    scf.for %scan3A_61 = %scan3A_51 to %scan3A_53 step %scan3A_54  : i32 {
      %dma_wait3A = arith.constant 0 : i32
      %dma_wait3A_62 = arith.constant 0 : i32
      %dma_wait3A_63 = arith.constant 0 : i32
      %dma_wait3A_64 = tpu.memref_slice %arg6[%dma_wait3A_63] : memref<112xf32, #tpu.memory_space<vmem>> -> memref<50xf32, #tpu.memory_space<vmem>>
      %dma_wait3A_65 = arith.constant 0 : i32
      %dma_wait3A_66 = tpu.memref_slice %arg5[%dma_wait3A, %dma_wait3A_62, %dma_wait3A_65] : memref<10x20x50xi32, #tpu.memory_space<vmem>> -> memref<1x1x50xi32, #tpu.memory_space<vmem>>
      %dma_wait3A_67 = tpu.memref_squeeze %dma_wait3A_66 : memref<1x1x50xi32, #tpu.memory_space<vmem>> -> memref<50xi32, #tpu.memory_space<vmem>>
      %dma_wait3A_68 = arith.constant 0 : i32
      %dma_wait3A_69 = tpu.memref_slice %arg7[%dma_wait3A_68] : memref<10240xf32, #tpu.memory_space<vmem_shared>> -> memref<10240xf32, #tpu.memory_space<vmem_shared>>
      tpu.wait_indirect_dma semaphore(%arg8 : memref<!tpu.dma_semaphore, #tpu.memory_space<semaphore_mem>>) src(%dma_wait3A_64 : memref<50xf32, #tpu.memory_space<vmem>>) dst(%dma_wait3A_69 : memref<10240xf32, #tpu.memory_space<vmem_shared>>)
    }
    %scan3A_55 = arith.constant 200 : i32
    %barrier3A_56 = arith.constant 0 : index
    tpu.barrier barrier_id(%barrier3A_56)
    %mul3A_57 = arith.constant 640 : i32
    %mul3A_58 = arith.muli %arg1, %mul3A_57 : i32
    %mul3A_59 = arith.constant 640 : i32
    %mul3A_60 = arith.muli %arg1, %mul3A_59 : i32
    "tpu.region"() ({
      %run_scoped3A_61 = tpu.sem_alloc : memref<!tpu.dma_semaphore, #tpu.memory_space<semaphore_mem>>
      %dma_start3A = tpu.memref_slice %arg4[%arg0, %mul3A_60] : memref<2x10240xf32, #tpu.memory_space<hbm>> -> memref<1x640xf32, #tpu.memory_space<hbm>>
      %dma_start3A_62 = tpu.memref_squeeze %dma_start3A : memref<1x640xf32, #tpu.memory_space<hbm>> -> memref<640xf32, #tpu.memory_space<hbm>>
      %dma_start3A_63 = tpu.memref_slice %arg7[%mul3A_58] : memref<10240xf32, #tpu.memory_space<vmem_shared>> -> memref<640xf32, #tpu.memory_space<vmem_shared>>
      tpu.enqueue_dma source(%dma_start3A_63 : memref<640xf32, #tpu.memory_space<vmem_shared>>) target(%dma_start3A_62 : memref<640xf32, #tpu.memory_space<hbm>>) target_semaphore(%run_scoped3A_61 : memref<!tpu.dma_semaphore, #tpu.memory_space<semaphore_mem>>)
      %dma_wait3A = tpu.memref_slice %arg4[%arg0, %mul3A_60] : memref<2x10240xf32, #tpu.memory_space<hbm>> -> memref<1x640xf32, #tpu.memory_space<hbm>>
      %dma_wait3A_64 = tpu.memref_squeeze %dma_wait3A : memref<1x640xf32, #tpu.memory_space<hbm>> -> memref<640xf32, #tpu.memory_space<hbm>>
      %dma_wait3A_65 = tpu.memref_slice %arg7[%mul3A_58] : memref<10240xf32, #tpu.memory_space<vmem_shared>> -> memref<640xf32, #tpu.memory_space<vmem_shared>>
      tpu.wait_dma2 semaphore(%run_scoped3A_61 : memref<!tpu.dma_semaphore, #tpu.memory_space<semaphore_mem>>) src(%dma_wait3A_65 : memref<640xf32, #tpu.memory_space<vmem_shared>>) dst(%dma_wait3A_64 : memref<640xf32, #tpu.memory_space<hbm>>)
      tpu.yield
    }) : () -> ()
    return
  }
}

module attributes {stable_mosaic.version = 14 : i64} {
  func.func @_mm_scale(%arg0: memref<10000x128xf32, #tpu.memory_space<vmem>>, %arg1: memref<128x128xf32, #tpu.memory_space<vmem>>, %arg2: memref<2x10240xf32, #tpu.memory_space<vmem>>, %arg3: memref<10000x128xf32, #tpu.memory_space<vmem>>, %arg4: memref<10000x1xf32, #tpu.memory_space<vmem>>) attributes {dimension_semantics = [], scalar_prefetch = 0 : i64, scratch_operands = 0 : i64, tpu.core_type = #tpu.core_type<tc>} {
    %get3A = arith.constant 0 : index
    %get3A_0 = arith.constant 0 : index
    %get3A_1 = vector.load %arg0[%get3A, %get3A_0] : memref<10000x128xf32, #tpu.memory_space<vmem>>, vector<10000x128xf32>
    %get3A_2 = arith.constant 0 : index
    %get3A_3 = arith.constant 0 : index
    %get3A_4 = vector.load %arg1[%get3A_2, %get3A_3] : memref<128x128xf32, #tpu.memory_space<vmem>>, vector<128x128xf32>
    %dot_general3A = arith.constant dense<0.000000e+00> : vector<10000x128xf32>
    %dot_general3A_5 = tpu.matmul %get3A_1, %get3A_4, %dot_general3A {dimension_numbers = #tpu.dot_dimension_numbers<[1], [0], [0], [1], [0, 0, 1, 1], [], []>, transpose_lhs_hint = false} : vector<10000x128xf32>, vector<128x128xf32>, vector<10000x128xf32> -> vector<10000x128xf32>
    %get3A_6 = arith.constant 0 : index
    %get3A_7 = arith.constant 0 : index
    %get3A_8 = vector.load %arg2[%get3A_6, %get3A_7] : memref<2x10240xf32, #tpu.memory_space<vmem>>, vector<1x10240xf32>
    %get3A_9 = vector.shape_cast %get3A_8 : vector<1x10240xf32> to vector<10240xf32>
    %get3A_10 = arith.constant 1 : index
    %get3A_11 = arith.constant 0 : index
    %get3A_12 = vector.load %arg2[%get3A_10, %get3A_11] : memref<2x10240xf32, #tpu.memory_space<vmem>>, vector<1x10240xf32>
    %get3A_13 = vector.shape_cast %get3A_12 : vector<1x10240xf32> to vector<10240xf32>
    %add3A = arith.addf %get3A_9, %get3A_13 : vector<10240xf32>
    %add3A_14 = arith.constant 1.000000e+00 : f32
    %add3A_15 = vector.broadcast %add3A_14 : f32 to vector<10240xf32>
    %add3A_16 = arith.addf %add3A, %add3A_15 : vector<10240xf32>
    %rsqrt3A = math.rsqrt %add3A_16 : vector<10240xf32>
    %reshape3A = vector.shape_cast %rsqrt3A : vector<10240xf32> to vector<10240x1xf32>
    %slice3A = vector.extract_strided_slice %reshape3A {offsets = [0, 0], sizes = [10000, 1], strides = [1, 1]} : vector<10240x1xf32> to vector<10000x1xf32>
    %swap3A = arith.constant 0 : index
    %swap3A_17 = arith.constant 0 : index
    %swap3A_18 = vector.load %arg4[%swap3A, %swap3A_17] : memref<10000x1xf32, #tpu.memory_space<vmem>>, vector<10000x1xf32>
    tpu.vector_store %arg4[%swap3A, %swap3A_17], %slice3A {strides = array<i32>} : memref<10000x1xf32, #tpu.memory_space<vmem>>, vector<10000x1xf32>,
    %mul3A = vector.broadcast %slice3A : vector<10000x1xf32> to vector<10000x128xf32>
    %mul3A_19 = arith.mulf %dot_general3A_5, %mul3A : vector<10000x128xf32>
    %swap3A_20 = arith.constant 0 : index
    %swap3A_21 = arith.constant 0 : index
    %swap3A_22 = vector.load %arg3[%swap3A_20, %swap3A_21] : memref<10000x128xf32, #tpu.memory_space<vmem>>, vector<10000x128xf32>
    tpu.vector_store %arg3[%swap3A_20, %swap3A_21], %mul3A_19 {strides = array<i32>} : memref<10000x128xf32, #tpu.memory_space<vmem>>, vector<10000x128xf32>,
    return
  }
}

module attributes {stable_mosaic.version = 14 : i64} {
  func.func @_final(%arg0: memref<2x10240x128xf32, #tpu.memory_space<vmem>>, %arg1: memref<10000x1xf32, #tpu.memory_space<vmem>>, %arg2: memref<128xf32, #tpu.memory_space<vmem>>, %arg3: memref<128xf32, #tpu.memory_space<vmem>>, %arg4: memref<128xf32, #tpu.memory_space<vmem>>, %arg5: memref<128x32xf32, #tpu.memory_space<vmem>>, %arg6: memref<32xf32, #tpu.memory_space<vmem>>, %arg7: memref<32x64xf32, #tpu.memory_space<vmem>>, %arg8: memref<64xf32, #tpu.memory_space<vmem>>, %arg9: memref<10000x64xf32, #tpu.memory_space<vmem>>) attributes {dimension_semantics = [], scalar_prefetch = 0 : i64, scratch_operands = 0 : i64, tpu.core_type = #tpu.core_type<tc>} {
    %get3A = arith.constant 0 : index
    %get3A_0 = arith.constant 0 : index
    %get3A_1 = arith.constant 0 : index
    %get3A_2 = vector.load %arg0[%get3A, %get3A_0, %get3A_1] : memref<2x10240x128xf32, #tpu.memory_space<vmem>>, vector<1x10240x128xf32>
    %get3A_3 = vector.shape_cast %get3A_2 : vector<1x10240x128xf32> to vector<10240x128xf32>
    %get3A_4 = arith.constant 1 : index
    %get3A_5 = arith.constant 0 : index
    %get3A_6 = arith.constant 0 : index
    %get3A_7 = vector.load %arg0[%get3A_4, %get3A_5, %get3A_6] : memref<2x10240x128xf32, #tpu.memory_space<vmem>>, vector<1x10240x128xf32>
    %get3A_8 = vector.shape_cast %get3A_7 : vector<1x10240x128xf32> to vector<10240x128xf32>
    %add3A = arith.addf %get3A_3, %get3A_8 : vector<10240x128xf32>
    %slice3A = vector.extract_strided_slice %add3A {offsets = [0, 0], sizes = [10000, 128], strides = [1, 1]} : vector<10240x128xf32> to vector<10000x128xf32>
    %get3A_9 = arith.constant 0 : index
    %get3A_10 = arith.constant 0 : index
    %get3A_11 = vector.load %arg1[%get3A_9, %get3A_10] : memref<10000x1xf32, #tpu.memory_space<vmem>>, vector<10000x1xf32>
    %mul3A = vector.broadcast %get3A_11 : vector<10000x1xf32> to vector<10000x128xf32>
    %mul3A_12 = arith.mulf %slice3A, %mul3A : vector<10000x128xf32>
    %get3A_13 = arith.constant 0 : index
    %get3A_14 = vector.load %arg2[%get3A_13] : memref<128xf32, #tpu.memory_space<vmem>>, vector<128xf32>
    %broadcast_in_dim3A = vector.shape_cast %get3A_14 : vector<128xf32> to vector<1x128xf32>
    %add3A_15 = vector.broadcast %broadcast_in_dim3A : vector<1x128xf32> to vector<10000x128xf32>
    %add3A_16 = arith.addf %mul3A_12, %add3A_15 : vector<10000x128xf32>
    %reduce_sum3A = arith.constant dense<0.000000e+00> : vector<128xf32>
    %reduce_sum3A_17 = vector.multi_reduction <add>, %add3A_16, %reduce_sum3A [0] : vector<10000x128xf32> to vector<128xf32>
    %div3A = arith.constant 1.000000e+04 : f32
    %div3A_18 = vector.broadcast %div3A : f32 to vector<128xf32>
    %div3A_19 = arith.divf %reduce_sum3A_17, %div3A_18 : vector<128xf32>
    %broadcast_in_dim3A_20 = vector.shape_cast %div3A_19 : vector<128xf32> to vector<1x128xf32>
    %sub3A = vector.broadcast %broadcast_in_dim3A_20 : vector<1x128xf32> to vector<10000x128xf32>
    %sub3A_21 = arith.subf %add3A_16, %sub3A : vector<10000x128xf32>
    %integer_pow3A = arith.mulf %sub3A_21, %sub3A_21 : vector<10000x128xf32>
    %reduce_sum3A_22 = arith.constant dense<0.000000e+00> : vector<128xf32>
    %reduce_sum3A_23 = vector.multi_reduction <add>, %integer_pow3A, %reduce_sum3A_22 [0] : vector<10000x128xf32> to vector<128xf32>
    %div3A_24 = arith.constant 1.000000e+04 : f32
    %div3A_25 = vector.broadcast %div3A_24 : f32 to vector<128xf32>
    %div3A_26 = arith.divf %reduce_sum3A_23, %div3A_25 : vector<128xf32>
    %broadcast_in_dim3A_27 = vector.shape_cast %div3A_19 : vector<128xf32> to vector<1x128xf32>
    %sub3A_28 = vector.broadcast %broadcast_in_dim3A_27 : vector<1x128xf32> to vector<10000x128xf32>
    %sub3A_29 = arith.subf %add3A_16, %sub3A_28 : vector<10000x128xf32>
    %add3A_30 = arith.constant 9.99999974E-6 : f32
    %add3A_31 = vector.broadcast %add3A_30 : f32 to vector<128xf32>
    %add3A_32 = arith.addf %div3A_26, %add3A_31 : vector<128xf32>
    %rsqrt3A = math.rsqrt %add3A_32 : vector<128xf32>
    %broadcast_in_dim3A_33 = vector.shape_cast %rsqrt3A : vector<128xf32> to vector<1x128xf32>
    %mul3A_34 = vector.broadcast %broadcast_in_dim3A_33 : vector<1x128xf32> to vector<10000x128xf32>
    %mul3A_35 = arith.mulf %sub3A_29, %mul3A_34 : vector<10000x128xf32>
    %get3A_36 = arith.constant 0 : index
    %get3A_37 = vector.load %arg3[%get3A_36] : memref<128xf32, #tpu.memory_space<vmem>>, vector<128xf32>
    %broadcast_in_dim3A_38 = vector.shape_cast %get3A_37 : vector<128xf32> to vector<1x128xf32>
    %mul3A_39 = vector.broadcast %broadcast_in_dim3A_38 : vector<1x128xf32> to vector<10000x128xf32>
    %mul3A_40 = arith.mulf %mul3A_35, %mul3A_39 : vector<10000x128xf32>
    %get3A_41 = arith.constant 0 : index
    %get3A_42 = vector.load %arg4[%get3A_41] : memref<128xf32, #tpu.memory_space<vmem>>, vector<128xf32>
    %broadcast_in_dim3A_43 = vector.shape_cast %get3A_42 : vector<128xf32> to vector<1x128xf32>
    %add3A_44 = vector.broadcast %broadcast_in_dim3A_43 : vector<1x128xf32> to vector<10000x128xf32>
    %add3A_45 = arith.addf %mul3A_40, %add3A_44 : vector<10000x128xf32>
    %tanh3A = math.tanh %add3A_45 : vector<10000x128xf32>
    %get3A_46 = arith.constant 0 : index
    %get3A_47 = arith.constant 0 : index
    %get3A_48 = vector.load %arg5[%get3A_46, %get3A_47] : memref<128x32xf32, #tpu.memory_space<vmem>>, vector<128x32xf32>
    %dot_general3A = arith.constant dense<0.000000e+00> : vector<10000x32xf32>
    %dot_general3A_49 = tpu.matmul %tanh3A, %get3A_48, %dot_general3A {dimension_numbers = #tpu.dot_dimension_numbers<[1], [0], [0], [1], [0, 0, 1, 1], [], []>, transpose_lhs_hint = false} : vector<10000x128xf32>, vector<128x32xf32>, vector<10000x32xf32> -> vector<10000x32xf32>
    %get3A_50 = arith.constant 0 : index
    %get3A_51 = vector.load %arg6[%get3A_50] : memref<32xf32, #tpu.memory_space<vmem>>, vector<32xf32>
    %broadcast_in_dim3A_52 = vector.shape_cast %get3A_51 : vector<32xf32> to vector<1x32xf32>
    %add3A_53 = vector.broadcast %broadcast_in_dim3A_52 : vector<1x32xf32> to vector<10000x32xf32>
    %add3A_54 = arith.addf %dot_general3A_49, %add3A_53 : vector<10000x32xf32>
    %tanh3A_55 = math.tanh %add3A_54 : vector<10000x32xf32>
    %get3A_56 = arith.constant 0 : index
    %get3A_57 = arith.constant 0 : index
    %get3A_58 = vector.load %arg7[%get3A_56, %get3A_57] : memref<32x64xf32, #tpu.memory_space<vmem>>, vector<32x64xf32>
    %dot_general3A_59 = arith.constant dense<0.000000e+00> : vector<10000x64xf32>
    %dot_general3A_60 = tpu.matmul %tanh3A_55, %get3A_58, %dot_general3A_59 {dimension_numbers = #tpu.dot_dimension_numbers<[1], [0], [0], [1], [0, 0, 1, 1], [], []>, transpose_lhs_hint = false} : vector<10000x32xf32>, vector<32x64xf32>, vector<10000x64xf32> -> vector<10000x64xf32>
    %get3A_61 = arith.constant 0 : index
    %get3A_62 = vector.load %arg8[%get3A_61] : memref<64xf32, #tpu.memory_space<vmem>>, vector<64xf32>
    %broadcast_in_dim3A_63 = vector.shape_cast %get3A_62 : vector<64xf32> to vector<1x64xf32>
    %add3A_64 = vector.broadcast %broadcast_in_dim3A_63 : vector<1x64xf32> to vector<10000x64xf32>
    %add3A_65 = arith.addf %dot_general3A_60, %add3A_64 : vector<10000x64xf32>
    %swap3A = arith.constant 0 : index
    %swap3A_66 = arith.constant 0 : index
    %swap3A_67 = vector.load %arg9[%swap3A, %swap3A_66] : memref<10000x64xf32, #tpu.memory_space<vmem>>, vector<10000x64xf32>
    tpu.vector_store %arg9[%swap3A, %swap3A_66], %add3A_65 {strides = array<i32>} : memref<10000x64xf32, #tpu.memory_space<vmem>>, vector<10000x64xf32>,
    return
  }
}

</mosaic_0001>

<sc_bundles>
// kernel: kernel.6.cloned.1.call-start
scs
__scs_entry_jumppad:
0x0: {  	(pc) =	sbr.rel $0x88, $3  }
0x1: {  	(tag) =	ssettag $0x0;
	lr =	simm.s32 $0x1  }
0x2: {  	[smem:$0x3F97] =	sst lr;
	_ =	strace $0xD0000000  }
0x3: {  	_ = 	snop  }
0x4: {  	_ = 	snop  }
0x5: {  	_ = 	snop  }
0x6: {  	_ = 	snop  }
0x7: {  	_ = 	snop  }
__scs_overlays_trampoline_lowered:
0x8: {  	[smem:$0x3FA6] =	sst s0  }
0x9: {  	[smem:$0x3FA7] =	sst s1  }
0xa: {  	[smem:$0x3FA8] =	sst s2  }
0xb: {  	[smem:$0x3FA9] =	sst s3  }
0xc: {  	[smem:$0x3FAA] =	sst s4  }
0xd: {  	[smem:$0x3FAB] =	sst s5  }
0xe: {  	[smem:$0x3FAC] =	sst s6  }
0xf: {  	[smem:$0x3FAD] =	sst s7  }
0x10: {  	[smem:$0x3FAE] =	sst s8  }
0x11: {  	[smem:$0x3FAF] =	sst s9;
	s0 =	simm.s32 @!p0 $0x0  }
0x12: {  	s1 =	sld [smem:$0x3F95];
	s0 =	simm.s32 @p0 $0x1  }
0x13: {  	[smem:$0x3FB0] =	sst s0;
	s0 =	simm.s32 @!p1 $0x0  }
0x14: {  	s2 =	sld [smem:$0x3F94];
	s0 =	simm.s32 @p1 $0x1  }
0x15: {  	[smem:$0x3FB1] =	sst s0;
	s0 =	simm.s32 @!p2 $0x0  }
0x16: {  	s3 =	sld [smem:$0x3FDB];
	s0 =	simm.s32 @p2 $0x1  }
0x17: {  	s4 =	simm.s32 $0x1BF5;
	[smem:$0x3FB3] =	sst s0  }
0x18: {  	s0 =	sld [smem:$0x3F96];
	_ =	swait.ge [sflag:s4], $0x0  }
0x19: {  	s7 =	sld [smem:$0x3F97]  }
0x1a: {  	s8 =	sadd.s32 $0xFFFFE003, lr  }
0x1b: {  	s9 =	sadd.s32 $0xFFFFFEF7, lr;
	s5 =	simm.s32 $0xFFFFFFFF;
	p2 =	slt.u32 s8, $0xFFFFF086  }
0x1c: {  	p1 =	slt.u32 s9, $0xF7A;
	s5 =	simm.s32 @!p2 $0x0  }
0x1d: {  	s5 =	simm.s32 @p1 $0x1;
	p0 =	seq.s32 s7, s2  }
0x1e: {  	s7 =	smul.u32 @!p0 $0xF7A, s2;
	p2 =	seq.s32 @!p0 s5, $0x0  }
0x1f: {  	s9 =	smul.u32 $0xF7A, s1;
	s8 =	simm.s32 @!p0 $0x1BF5;
	p2 =	por !p2, p0  }
0x20: {  	[sflag:s8] =	ssyncset.s32 @!p0 $0xFFFFF086;
	s6 =	sadd.s32 @!p0 s3, s7;
	s7 =	simm.s32 @!p0 $0x108  }
0x21: {  	s3 =	sadd.s32 s3, s9;
	s6 =	sadd.s32 @!p0 $0x88, s6;
	s7 =	simm.s32 @p2 $0x1082  }
0x22: {  	[simem:s7], [sflag:s8] =	dma.local @!p0 [hbm:s6], $0xF7A  }
0x23: {  	s9 =	sor.u32 $0xD0000000, s2;
	s6 =	simm.s32 $0x108;
	_ =	swait.ge @!p0 [sflag:s8], $0x0  }
0x24: {  	s3 =	sadd.s32 $0x88, s3;
	s6 =	simm.s32 @!p1 $0x1082;
	[sflag:s4] =	ssyncset.s32 $0xFFFFF086  }
0x25: {  	[simem:s6], [sflag:s4] =	dma.local [hbm:s3], $0xF7A  }
0x26: {  	[smem:$0x3F97] =	sst s1;
	(tag) =	ssettag s2;
	_ =	strace s9  }
0x27: {  	s1 =	sld [smem:$0x3FA7]  }
0x28: {  	s2 =	sld [smem:$0x3FA8]  }
0x29: {  	s4 =	sld [smem:$0x3FAA]  }
0x2a: {  	p0 =	seq.s32 s5, $0x0;
	s5 =	sld [smem:$0x3FAB]  }
0x2b: {  	s6 =	sld [smem:$0x3FAC]  }
0x2c: {  	s7 =	sld [smem:$0x3FAD]  }
0x2d: {  	s3 =	simm.s32 $0x108;
	s8 =	sld [smem:$0x3FAE]  }
0x2e: {  	s3 =	simm.s32 @!p0 $0x1082;
	s9 =	sld [smem:$0x3FAF]  }
0x2f: {  	lr =	sadd.s32 s0, s3;
	s0 =	sld [smem:$0x3FA6]  }
0x30: {  	s3 =	sld [smem:$0x3FA9]  }
0x31: {  	[smem:$0x3FB2] =	sst s10  }
0x32: {  	s10 =	sld [smem:$0x3FB0];
	_ =	sdelay $0x3  }
0x33: {  	p0 =	seq.s32 s10, $0x1;
	s10 =	sld [smem:$0x3FB2];
	_ =	sdelay $0x3  }
0x34: {  	[smem:$0x3FB2] =	sst s10  }
0x35: {  	s10 =	sld [smem:$0x3FB1];
	_ =	sdelay $0x3  }
0x36: {  	p1 =	seq.s32 s10, $0x1;
	s10 =	sld [smem:$0x3FB2];
	_ =	sdelay $0x3  }
0x37: {  	[smem:$0x3FB2] =	sst s10  }
0x38: {  	s10 =	sld [smem:$0x3FB3]  }
0x39: {  	_ = 	snop;
	(pc) =	sbr.ind lr, $3  }
0x3a: {  	_ = 	snop  }
0x3b: {  	_ = 	snop  }
0x3c: {  	p2 =	seq.s32 s10, $0x1;
	s10 =	sld [smem:$0x3FB2]  }
0x3d: {  	_ =	shalt  }
0x3e: {  	_ =	shalt  }
0x3f: {  	_ =	shalt  }
0x40: {  	_ =	shalt  }
0x41: {  	_ =	shalt  }
0x42: {  	_ =	shalt  }
0x43: {  	_ =	shalt  }
0x44: {  	_ =	shalt  }
0x45: {  	_ =	shalt  }
0x46: {  	_ =	shalt  }
0x47: {  	_ =	shalt  }
0x48: {  	_ =	shalt  }
0x49: {  	_ =	shalt  }
0x4a: {  	_ =	shalt  }
0x4b: {  	_ =	shalt  }
0x4c: {  	_ =	shalt  }
0x4d: {  	_ =	shalt  }
0x4e: {  	_ =	shalt  }
0x4f: {  	_ =	shalt  }
0x50: {  	_ =	shalt  }
0x51: {  	_ =	shalt  }
0x52: {  	_ =	shalt  }
0x53: {  	_ =	shalt  }
0x54: {  	_ =	shalt  }
0x55: {  	_ =	shalt  }
0x56: {  	_ =	shalt  }
0x57: {  	_ =	shalt  }
0x58: {  	_ =	shalt  }
0x59: {  	_ =	shalt  }
0x5a: {  	_ =	shalt  }
0x5b: {  	_ =	shalt  }
0x5c: {  	_ =	shalt  }
0x5d: {  	_ =	shalt  }
0x5e: {  	_ =	shalt  }
0x5f: {  	_ =	shalt  }
0x60: {  	_ =	shalt  }
0x61: {  	_ =	shalt  }
0x62: {  	_ =	shalt  }
0x63: {  	_ =	shalt  }
0x64: {  	_ =	shalt  }
0x65: {  	_ =	shalt  }
0x66: {  	_ =	shalt  }
0x67: {  	_ =	shalt  }
0x68: {  	_ =	shalt  }
0x69: {  	_ =	shalt  }
0x6a: {  	_ =	shalt  }
0x6b: {  	_ =	shalt  }
0x6c: {  	_ =	shalt  }
0x6d: {  	_ =	shalt  }
0x6e: {  	_ =	shalt  }
0x6f: {  	_ =	shalt  }
0x70: {  	_ =	shalt  }
0x71: {  	_ =	shalt  }
0x72: {  	_ =	shalt  }
0x73: {  	_ =	shalt  }
0x74: {  	_ =	shalt  }
0x75: {  	_ =	shalt  }
0x76: {  	_ =	shalt  }
0x77: {  	_ =	shalt  }
0x78: {  	_ =	shalt  }
0x79: {  	_ =	shalt  }
0x7a: {  	_ =	shalt  }
0x7b: {  	_ =	shalt  }
0x7c: {  	_ =	shalt  }
0x7d: {  	_ =	shalt  }
0x7e: {  	_ =	shalt  }
0x7f: {  	_ =	shalt  }
0x80: {  	_ =	shalt  }
0x81: {  	_ =	shalt  }
0x82: {  	_ =	shalt  }
0x83: {  	_ =	shalt  }
0x84: {  	_ =	shalt  }
0x85: {  	_ =	shalt  }
0x86: {  	_ =	shalt  }
0x87: {  	_ =	shalt  }
.Lfunc_end0:
.L_simem_size_0:
called_computation_lowered:
.L_overlay_start_0:
0x88: {  	s2 =	sld [smem:$0x3FD9]  }
0x89: {  	s3 =	sld [smem:$0x3FFE];
	_ =	sdelay $0x1  }
0x8a: {  	s1 =	srdreg.scid  }
0x8b: {  	s0 =	sand.u32 $0x1, s1  }
0x8c: {  	s17 =	sshll.u32 s0, $0xA;
	s2 =	sadd.s32 s3, s2  }
0x8d: {  	s2 =	sadd.s32 s2, s17  }
0x8e: {  	[smem:$0x3FBE] =	sst s2  }
0x8f: {  	_ = 	snop  }
0x90: {  	s2 =	sld [smem:$0x3FD0];
	(tm) =	ssettm $0x1  }
0x91: {  	s18 =	sld [smem:$0x3FFB];
	_ =	sdelay $0x3  }
0x92: {  	_ =	strace s18  }
0x93: {  	s3 =	sld [smem:$0x3FFC];
	_ =	sdelay $0x3  }
0x94: {  	_ =	strace s3  }
0x95: {  	s3 =	sld [smem:$0x3FFD];
	_ =	sdelay $0x3  }
0x96: {  	_ =	strace s3  }
0x97: {  	_ =	strace $0x8FFFFFFF  }
0x98: {  	s19 =	sld [smem:$0x3FDB];
	_ =	sdelay $0x1  }
0x99: {  	s4 =	simm.s32 $_scs_section_size  }
0x9a: {  	s5 =	simm.s32 $_size__tile_overlayer_lowered;
	s6 =	simm.s32 $_tile_overlayer_lowered  }
0x9b: {  	s22 =	simm.s32 $0x1BFF;
	s21 =	sshll.u32 s6, $0x1;
	s3 =	sadd.s32 s4, s19  }
0x9c: {  	s7 =	simm.s32 $0x0;
	s20 =	sshll.u32 s5, $0x1;
	s5 =	sadd.s32 s21, s3  }
0x9d: {  	[timem:s7], [sflag:s22] =	dma.local [hbm:s5], s20  }
0x9e: {  	_ =	swait.ge [sflag:s22], s20  }
0x9f: {  	s4 =	ssub.s32 $0x0, s20;
	[sflag:s22] =	ssyncset.done $0x0  }
0xa0: {  	[sflag:s22] =	ssyncadd.s32 s4;
	_ =	sdelay $0x1  }
0xa1: {  	s23 =	simm.s32 $0x1B8B  }
0xa2: {  	_ =	swait.ge [sflag:s23], $0x1  }
0xa3: {  	[sflag:s23] =	ssyncset.done $0x0  }
0xa4: {  	s25 =	simm.s32 $0x1B8E;
	s24 =	sld [smem:$0x3FFE];
	[sflag:s23] =	ssyncadd.s32 $0xFFFFFFFF  }
0xa5: {  	s26 =	simm.s32 $execute0_lowered;
	[smem:$0x3FD2] =	sst s25  }
0xa6: {  	s5 =	sshll.u32 s26, $0x1;
	_ =	strace $0x80000046;
	[dreg:$0x1] =	wrdreg $0xFFFFFFFF  }
0xa7: {  	s28 =	simm.s32 $_size_execute0_lowered;
	s3 =	sadd.s32 s3, s5;
	[dreg:$0x0] =	wrdreg $0x0  }
0xa8: {  	s5 =	sshll.u32 s28, $0x1;
	[dreg:$0x2] =	wrdreg s3  }
0xa9: {  	[dreg:$0x3] =	wrdreg s5  }
0xaa: {  	[dreg:$0x4] =	wrdreg $0xC0  }
0xab: {  	_ =	task [dreg:s7], $0x5FFFF  }
0xac: {  	[dreg:$0x1] =	wrdreg $0xFFFFFFFF  }
0xad: {  	[dreg:$0x0] =	wrdreg $0x60  }
0xae: {  	[dreg:$0x2] =	wrdreg s24  }
0xaf: {  	[dreg:$0x3] =	wrdreg s2  }
0xb0: {  	[dreg:$0x4] =	wrdreg $0x78800  }
0xb1: {  	[dreg:$0x5] =	wrdreg $0x9  }
0xb2: {  	_ =	task.clear_ibuf [dreg:s7], $0x6FFFF;
	_ =	strace $0x90000046  }
0xb3: {  	s29 =	simm.s32 $0x9;
	_ =	strace $0x80000048  }
0xb4: {  	_ =	swait.ge [sflag:s29], $0x1  }
0xb5: {  	[sflag:s29] =	ssyncadd.s32 $0xFFFFFFFF  }
0xb6: {  	_ =	strace $0x90000048  }
0xb7: {  	_ =	sfence  }
0xb8: {  	s30 =	sld [smem:$0x0];
	_ =	sdelay $0x2  }
0xb9: {  	s31 =	sshll.u32 s1, $0xD;
	s1 =	sshrl.u32 s1, $0x2  }
0xba: {  	s3 =	sand.u32 $0x4000, s31;
	s1 =	sadd.s32 s1, s30  }
0xbb: {  	s0 =	sor.u32 s3, s0;
	s1 =	sshll.u32 s1, $0x11  }
0xbc: {  	s0 =	sor.u32 s1, s0  }
0xbd: {  	s0 =	sadd.s32 $0x8F2B, s0  }
0xbe: {  	[sflag:s0] =	ssyncadd.remote.s32 $0x1  }
0xbf: {  	_ =	sfence.sel $0xFFFF  }
0xc0: {  	[dreg:$0x0] =	wrdreg $0xFFFFFFFF;
	(pc) =	sbr.abs _section_cstart, $3  }
0xc1: {  	[dreg:$0x1] =	wrdreg $0xFFFFFFFF  }
0xc2: {  	_ =	task.clear_ibuf [dreg:s7], $0x2FFFF;
	_ =	strace $0x9FFFFFFF  }
0xc3: {  	(tm) =	ssettm $0x7FFFFFFF  }
tec
execute0_lowered:
.L_overlay_start_1:
0x0: {  	(tag) =	ssettag $0x1  }
0x1: {  	s0 =	rddreg [dreg:$0x0]  }
0x2: {  	s1 =	rddreg [dreg:$0x1]  }
0x3: {  	s2 =	rddreg [dreg:$0x2]  }
0x4: {  	s3 =	simm.s32 $0x0;
	s11 =	stileid.u32;
	s5 =	srdreg.scid  }
0x5: {  	s28 =	simm.s32 $0x6C00;
	s29 =	simm.s32 $0x32;
	s30 =	simm.s32 $0x7800  }
0x6: {  	s31 =	simm.s32 $0x1;
	s12 =	simm.s32 $0x0;
	[smem:$0x7FF] =	sst s3  }
0x7: {  	s4 =	smul.u32 $0x280, s11;
	s5 =	sand.u32 $0x1, s5;
	s6 =	sshll.u32 s11, $0x1  }
0x8: {  	s10 =	smul.u32 $0x500, s11;
	s25 =	sshll.u32 s11, $0x6;
	_ =	strace $0x80000047  }
0x9: {  	s8 =	ssub.s32 $0x2, s5;
	s6 =	sor.u32 s5, s6;
	s5 =	sshll.u32 s5, $0x7  }
0xa: {  	s7 =	sshrl.u32 s4, $0x3;
	s9 =	sshrl.u32 s8, $0x1;
	s6 =	smul.u32 $0x7800, s6  }
0xb: {  	s24 =	sadd.s32 s4, s2;
	s10 =	sor.u32 s5, s10;
	s5 =	sor.u32 $0x1C02, s25  }
0xc: {  	s7 =	sadd.s32 s7, s0;
	s8 =	ssub.s32 s8, s9;
	s26 =	sshrl.u32 s10, $0x3  }
0xd: {  	s9 =	sshrl.u32 s24, $0x3;
	s10 =	simm.s32 $0x2;
	s6 =	sshrl.u32 s6, $0x3  }
0xe: {  	s4 =	sadd.s32 $0x3E800, s7;
	s7 =	sadd.s32 s1, s26;
	s0 =	sadd.s32 s0, s6  }
0xf: {  	s8 =	smax.u32 s8, $0x1;
	s1 =	simm.s32 $0x10;
	s6 =	sadd.s32 $0x20800, s0  }
0x10: {  	s0 =	simm.s32 $0x20;
	s11 =	sadd.s32 $0x180, s6;
	s13 =	sadd.s32 $0x300, s6  }
0x11: {  	s15 =	sadd.s32 $0x480, s6;
	s17 =	sadd.s32 $0x600, s6;
	s19 =	sadd.s32 $0x780, s6  }
0x12: {  	v0 =	vimm.f32 $1.000000000e+00;
	s21 =	sadd.s32 $0x900, s6;
	s23 =	sadd.s32 $0xA80, s6;
	s25 =	sadd.s32 $0xC00, s6  }
.LBB2_1:
0x13: {  	[spmem:s9], [sflag:s5] =	dma.local [hbm:s4], $0x50  }
0x14: {  	_ =	swait.ge [sflag:s10], $0x50  }
0x15: {  	[sflag:s10] =	ssyncset.done $0x0  }
0x16: {  	[sflag:s10] =	ssyncadd.s32 $0xFFFFFFB0  }
0x17: {  	[tilespmem:s3], [sflag:$0x2] =	stream.linear.gather [hbm4b:s6+s3], $0xA00, $0x38;
	[tilespmem:$0x7B00] =	vst v63  }
0x18: {  	s14 =	simm.s32 $0xC00  }
0x19: {  	[tilespmem:s14], [sflag:$0x2] =	stream.linear.gather [hbm4b:s11+s3], $0xA00, $0x38;
	[tilespmem:$0x7B00] =	vst v63  }
0x1a: {  	s22 =	simm.s32 $0x1800  }
0x1b: {  	[tilespmem:s22], [sflag:$0x2] =	stream.linear.gather [hbm4b:s13+s3], $0xA00, $0x38;
	[tilespmem:$0x7B00] =	vst v63  }
0x1c: {  	s24 =	simm.s32 $0x2400  }
0x1d: {  	[tilespmem:s24], [sflag:$0x2] =	stream.linear.gather [hbm4b:s15+s3], $0xA00, $0x38;
	[tilespmem:$0x7B00] =	vst v63  }
0x1e: {  	s26 =	simm.s32 $0x3000  }
0x1f: {  	[tilespmem:s26], [sflag:$0x2] =	stream.linear.gather [hbm4b:s17+s3], $0xA00, $0x38;
	[tilespmem:$0x7B00] =	vst v63  }
0x20: {  	s16 =	simm.s32 $0x3C00  }
0x21: {  	[tilespmem:s16], [sflag:$0x2] =	stream.linear.gather [hbm4b:s19+s3], $0xA00, $0x38;
	[tilespmem:$0x7B00] =	vst v63  }
0x22: {  	s18 =	simm.s32 $0x4800  }
0x23: {  	[tilespmem:s18], [sflag:$0x2] =	stream.linear.gather [hbm4b:s21+s3], $0xA00, $0x38;
	[tilespmem:$0x7B00] =	vst v63  }
0x24: {  	s20 =	simm.s32 $0x5400  }
0x25: {  	[tilespmem:s20], [sflag:$0x2] =	stream.linear.gather [hbm4b:s23+s3], $0xA00, $0x38;
	[tilespmem:$0x7B00] =	vst v63  }
0x26: {  	s22 =	simm.s32 $0x6000  }
0x27: {  	[tilespmem:s22], [sflag:$0x2] =	stream.linear.gather [hbm4b:s25+s3], $0xA00, $0x38;
	[tilespmem:$0x7B00] =	vst v63  }
0x28: {  	s24 =	sadd.s32 $0xD80, s6  }
0x29: {  	[tilespmem:s28], [sflag:$0x2] =	stream.linear.gather [hbm4b:s24+s3], $0xA00, $0x38;
	[tilespmem:$0x7B00] =	vst v63  }
0x2a: {  	_ =	swait.ge [sflag:s10], $0x6400  }
0x2b: {  	[sflag:s10] =	ssyncset.done $0x0  }
0x2c: {  	[sflag:s10] =	ssyncadd.s32 $0xFFFF9C00  }
0x2d: {  	s26 =	smul.u32 $0xCD, s3;
	[tilespmem:$0x7800] =	vst v0  }
0x2e: {  	[tilespmem:$0x7810] =	vst v0  }
0x2f: {  	s14 =	sshrl.u32 s26, $0xC;
	[tilespmem:$0x7820] =	vst v0  }
0x30: {  	s18 =	sand.u32 $0xF, s14;
	s14 =	simm.s32 $0x1;
	[tilespmem:$0x7830] =	vst v0  }
0x31: {  	s16 =	smul.u32 $0xCD, s14;
	[tilespmem:$0x7840] =	vst v0  }
0x32: {  	s22 =	smul.u32 $0x14, s18;
	[tilespmem:$0x7850] =	vst v0  }
0x33: {  	s20 =	smul.u32 $0x3000, s18;
	[tilespmem:$0x7860] =	vst v0  }
0x34: {  	s18 =	simm.s32 $0x2;
	s22 =	ssub.s32 $0x0, s22;
	[bflag:$0x0] =	sbarrier.arrive $0xFFFF  }
.LBB2_2:
0x35: {  	s24 =	sshrl.u32 s16, $0xC;
	s16 =	smul.u32 $0xCD, s18  }
0x36: {  	s22 =	sand.u32 $0xFF, s22;
	s20 =	sshrl.u32 s20, $0x2;
	p0 =	sne.s32 s18, $0xC7  }
.Ltmp0:
0x37: {  	s24 =	sand.u32 $0xF, s24;
	s22 =	sshll.u32 s22, $0x7;
	(pc) =	sbr.rel @p0 .LBB2_2-.Ltmp0, $4  }
0x38: {  	s26 =	smul.u32 $0x14, s24;
	s20 =	sadd.s32 s22, s20;
	s22 =	smov.u32 s14  }
0x39: {  	[spmem:s2] =	stream.indirect.scatter.add.f32 [tilespmem:s30], [sflag:$0x1], $0x1, s20, s29, $0xb8;
	[tilespmem:$0x7B00] =	vst v63  }
0x3a: {  	s14 =	smov.u32 s18;
	s20 =	smul.u32 $0x3000, s24  }
0x3b: {  	s18 =	sadd.s32 $0x1, s18;
	s22 =	ssub.s32 s22, s26  }
0x3c: {  	s16 =	sshrl.u32 s16, $0xC;
	s18 =	sand.u32 $0xFF, s22  }
0x3d: {  	s20 =	sshrl.u32 s20, $0x2;
	s16 =	sand.u32 $0xF, s16;
	s18 =	sshll.u32 s18, $0x7  }
0x3e: {  	s26 =	smul.u32 $0x14, s16;
	s18 =	sadd.s32 s18, s20  }
0x3f: {  	[spmem:s2] =	stream.indirect.scatter.add.f32 [tilespmem:s30], [sflag:$0x1], $0x1, s18, s29, $0xb8;
	[tilespmem:$0x7B00] =	vst v63  }
0x40: {  	s16 =	smul.u32 $0x3000, s16;
	s14 =	ssub.s32 s14, s26  }
0x41: {  	s14 =	sand.u32 $0xFF, s14  }
0x42: {  	s16 =	sshrl.u32 s16, $0x2;
	s14 =	sshll.u32 s14, $0x7  }
0x43: {  	s14 =	sadd.s32 s14, s16  }
0x44: {  	[spmem:s2] =	stream.indirect.scatter.add.f32 [tilespmem:s30], [sflag:$0x1], $0x1, s14, s29, $0xb8;
	[tilespmem:$0x7B00] =	vst v63  }
0x45: {  	_ =	swait.ge [sflag:s31], $0x32  }
0x46: {  	s14 =	simm.s32 $0xC7;
	[sflag:s31] =	ssyncset.done $0x0  }
.LBB2_4:
0x47: {  	p0 =	sne.s32 s14, $0x1;
	s14 =	sadd.s32 $0xFFFFFFFF, s14;
	[sflag:s31] =	ssyncadd.s32 $0xFFFFFFCE  }
.Ltmp1:
0x48: {  	(pc) =	sbr.rel @p0 .LBB2_4-.Ltmp1, $3  }
0x49: {  	_ =	sdelay $0x1  }
0x4a: {  	_ =	swait.ge [sflag:s31], $0x32  }
0x4b: {  	[sflag:s31] =	ssyncset.done $0x0  }
0x4c: {  	s12 =	sadd.s32 $0x1, s12  }
0x4d: {  	[sflag:s31] =	ssyncadd.s32 $0xFFFFFFCE;
	p0 =	sne.s32 s12, s8  }
.Ltmp2:
0x4e: {  	[bflag:$0x0] =	sbarrier.arrive $0xFFFF;
	(pc) =	sbr.rel @p0 .LBB2_1-.Ltmp2, $4  }
0x4f: {  	[hbm:s7@s0], [sflag:s5] =	dma.strided [spmem:s9@s1], $0x50, s31, $0x10   }
0x50: {  	_ =	swait.ge [sflag:s10], $0x50  }
0x51: {  	[sflag:s10] =	ssyncset.done $0x0  }
0x52: {  	[sflag:s10] =	ssyncadd.s32 $0xFFFFFFB0  }
0x53: {  	_ =	sfence.sel $0x180000  }
0x54: {  	[bflag:$0x0] =	sbarrier.arrive $0xFFFF  }
0x55: {  	_ =	strace $0x90000047  }
0x56: {  	s0 =	stileid.u32;
	[bflag:$0x2] =	sbarrier.arrive $0xFFFF  }
0x57: {  	p0 =	sne.s32 s0, $0x0;
	s0 =	rddreg [dreg:$0x3]  }
0x58: {  	s0 =	sadd.s32 @!p0 $0x100000, s0  }
0x59: {  	[sflag:s0] =	ssyncadd.tile.s32 @!p0 $0x1;
	_ =	shalt  }
.Lfunc_end2:
_tile_overlayer_lowered:
.L_overlay_start_2:
0x5a: {  	(tag) =	ssettag $0x2  }
0x5b: {  	s0 =	rddreg [dreg:$0x0];
	s2 =	stileid.u32  }
0x5c: {  	s1 =	rddreg [dreg:$0x1];
	p0 =	sne.s32 s2, $0x0  }
0x5d: {  	s3 =	rddreg [dreg:$0x2];
	[bflag:$0x3] =	sbarrier.arrive $0xFFFF;
	s2 =	simm.s32 @!p0 $0x1C02  }
0x5e: {  	[timem:s3], [sflag:s2] =	dma.local @!p0 [hbm:s0], s1  }
0x5f: {  	s0 =	simm.s32 @!p0 $0x2  }
0x60: {  	_ =	swait.ge @!p0 [sflag:s0], s1  }
0x61: {  	s1 =	ssub.s32 @!p0 $0x0, s1;
	[sflag:s0] =	ssyncset.done @!p0 $0x0  }
0x62: {  	[sflag:s0] =	ssyncadd.s32 @!p0 s1  }
0x63: {  	[bflag:$0x3] =	sbarrier.arrive $0xFFFF  }
0x64: {  	_ =	shalt  }

// kernel: kernel.9.cloned.1.call-start
scs
__scs_entry_jumppad:
0x0: {  	(pc) =	sbr.rel $0x88, $3  }
0x1: {  	(tag) =	ssettag $0x0;
	lr =	simm.s32 $0x1  }
0x2: {  	[smem:$0x3F97] =	sst lr;
	_ =	strace $0xD0000000  }
0x3: {  	_ = 	snop  }
0x4: {  	_ = 	snop  }
0x5: {  	_ = 	snop  }
0x6: {  	_ = 	snop  }
0x7: {  	_ = 	snop  }
__scs_overlays_trampoline_lowered:
0x8: {  	[smem:$0x3FA6] =	sst s0  }
0x9: {  	[smem:$0x3FA7] =	sst s1  }
0xa: {  	[smem:$0x3FA8] =	sst s2  }
0xb: {  	[smem:$0x3FA9] =	sst s3  }
0xc: {  	[smem:$0x3FAA] =	sst s4  }
0xd: {  	[smem:$0x3FAB] =	sst s5  }
0xe: {  	[smem:$0x3FAC] =	sst s6  }
0xf: {  	[smem:$0x3FAD] =	sst s7  }
0x10: {  	[smem:$0x3FAE] =	sst s8  }
0x11: {  	[smem:$0x3FAF] =	sst s9;
	s0 =	simm.s32 @!p0 $0x0  }
0x12: {  	s1 =	sld [smem:$0x3F95];
	s0 =	simm.s32 @p0 $0x1  }
0x13: {  	[smem:$0x3FB0] =	sst s0;
	s0 =	simm.s32 @!p1 $0x0  }
0x14: {  	s2 =	sld [smem:$0x3F94];
	s0 =	simm.s32 @p1 $0x1  }
0x15: {  	[smem:$0x3FB1] =	sst s0;
	s0 =	simm.s32 @!p2 $0x0  }
0x16: {  	s3 =	sld [smem:$0x3FDB];
	s0 =	simm.s32 @p2 $0x1  }
0x17: {  	s4 =	simm.s32 $0x1BF5;
	[smem:$0x3FB3] =	sst s0  }
0x18: {  	s0 =	sld [smem:$0x3F96];
	_ =	swait.ge [sflag:s4], $0x0  }
0x19: {  	s7 =	sld [smem:$0x3F97]  }
0x1a: {  	s8 =	sadd.s32 $0xFFFFE003, lr  }
0x1b: {  	s9 =	sadd.s32 $0xFFFFFEF7, lr;
	s5 =	simm.s32 $0xFFFFFFFF;
	p2 =	slt.u32 s8, $0xFFFFF086  }
0x1c: {  	p1 =	slt.u32 s9, $0xF7A;
	s5 =	simm.s32 @!p2 $0x0  }
0x1d: {  	s5 =	simm.s32 @p1 $0x1;
	p0 =	seq.s32 s7, s2  }
0x1e: {  	s7 =	smul.u32 @!p0 $0xF7A, s2;
	p2 =	seq.s32 @!p0 s5, $0x0  }
0x1f: {  	s9 =	smul.u32 $0xF7A, s1;
	s8 =	simm.s32 @!p0 $0x1BF5;
	p2 =	por !p2, p0  }
0x20: {  	[sflag:s8] =	ssyncset.s32 @!p0 $0xFFFFF086;
	s6 =	sadd.s32 @!p0 s3, s7;
	s7 =	simm.s32 @!p0 $0x108  }
0x21: {  	s3 =	sadd.s32 s3, s9;
	s6 =	sadd.s32 @!p0 $0x88, s6;
	s7 =	simm.s32 @p2 $0x1082  }
0x22: {  	[simem:s7], [sflag:s8] =	dma.local @!p0 [hbm:s6], $0xF7A  }
0x23: {  	s9 =	sor.u32 $0xD0000000, s2;
	s6 =	simm.s32 $0x108;
	_ =	swait.ge @!p0 [sflag:s8], $0x0  }
0x24: {  	s3 =	sadd.s32 $0x88, s3;
	s6 =	simm.s32 @!p1 $0x1082;
	[sflag:s4] =	ssyncset.s32 $0xFFFFF086  }
0x25: {  	[simem:s6], [sflag:s4] =	dma.local [hbm:s3], $0xF7A  }
0x26: {  	[smem:$0x3F97] =	sst s1;
	(tag) =	ssettag s2;
	_ =	strace s9  }
0x27: {  	s1 =	sld [smem:$0x3FA7]  }
0x28: {  	s2 =	sld [smem:$0x3FA8]  }
0x29: {  	s4 =	sld [smem:$0x3FAA]  }
0x2a: {  	p0 =	seq.s32 s5, $0x0;
	s5 =	sld [smem:$0x3FAB]  }
0x2b: {  	s6 =	sld [smem:$0x3FAC]  }
0x2c: {  	s7 =	sld [smem:$0x3FAD]  }
0x2d: {  	s3 =	simm.s32 $0x108;
	s8 =	sld [smem:$0x3FAE]  }
0x2e: {  	s3 =	simm.s32 @!p0 $0x1082;
	s9 =	sld [smem:$0x3FAF]  }
0x2f: {  	lr =	sadd.s32 s0, s3;
	s0 =	sld [smem:$0x3FA6]  }
0x30: {  	s3 =	sld [smem:$0x3FA9]  }
0x31: {  	[smem:$0x3FB2] =	sst s10  }
0x32: {  	s10 =	sld [smem:$0x3FB0];
	_ =	sdelay $0x3  }
0x33: {  	p0 =	seq.s32 s10, $0x1;
	s10 =	sld [smem:$0x3FB2];
	_ =	sdelay $0x3  }
0x34: {  	[smem:$0x3FB2] =	sst s10  }
0x35: {  	s10 =	sld [smem:$0x3FB1];
	_ =	sdelay $0x3  }
0x36: {  	p1 =	seq.s32 s10, $0x1;
	s10 =	sld [smem:$0x3FB2];
	_ =	sdelay $0x3  }
0x37: {  	[smem:$0x3FB2] =	sst s10  }
0x38: {  	s10 =	sld [smem:$0x3FB3]  }
0x39: {  	_ = 	snop;
	(pc) =	sbr.ind lr, $3  }
0x3a: {  	_ = 	snop  }
0x3b: {  	_ = 	snop  }
0x3c: {  	p2 =	seq.s32 s10, $0x1;
	s10 =	sld [smem:$0x3FB2]  }
0x3d: {  	_ =	shalt  }
0x3e: {  	_ =	shalt  }
0x3f: {  	_ =	shalt  }
0x40: {  	_ =	shalt  }
0x41: {  	_ =	shalt  }
0x42: {  	_ =	shalt  }
0x43: {  	_ =	shalt  }
0x44: {  	_ =	shalt  }
0x45: {  	_ =	shalt  }
0x46: {  	_ =	shalt  }
0x47: {  	_ =	shalt  }
0x48: {  	_ =	shalt  }
0x49: {  	_ =	shalt  }
0x4a: {  	_ =	shalt  }
0x4b: {  	_ =	shalt  }
0x4c: {  	_ =	shalt  }
0x4d: {  	_ =	shalt  }
0x4e: {  	_ =	shalt  }
0x4f: {  	_ =	shalt  }
0x50: {  	_ =	shalt  }
0x51: {  	_ =	shalt  }
0x52: {  	_ =	shalt  }
0x53: {  	_ =	shalt  }
0x54: {  	_ =	shalt  }
0x55: {  	_ =	shalt  }
0x56: {  	_ =	shalt  }
0x57: {  	_ =	shalt  }
0x58: {  	_ =	shalt  }
0x59: {  	_ =	shalt  }
0x5a: {  	_ =	shalt  }
0x5b: {  	_ =	shalt  }
0x5c: {  	_ =	shalt  }
0x5d: {  	_ =	shalt  }
0x5e: {  	_ =	shalt  }
0x5f: {  	_ =	shalt  }
0x60: {  	_ =	shalt  }
0x61: {  	_ =	shalt  }
0x62: {  	_ =	shalt  }
0x63: {  	_ =	shalt  }
0x64: {  	_ =	shalt  }
0x65: {  	_ =	shalt  }
0x66: {  	_ =	shalt  }
0x67: {  	_ =	shalt  }
0x68: {  	_ =	shalt  }
0x69: {  	_ =	shalt  }
0x6a: {  	_ =	shalt  }
0x6b: {  	_ =	shalt  }
0x6c: {  	_ =	shalt  }
0x6d: {  	_ =	shalt  }
0x6e: {  	_ =	shalt  }
0x6f: {  	_ =	shalt  }
0x70: {  	_ =	shalt  }
0x71: {  	_ =	shalt  }
0x72: {  	_ =	shalt  }
0x73: {  	_ =	shalt  }
0x74: {  	_ =	shalt  }
0x75: {  	_ =	shalt  }
0x76: {  	_ =	shalt  }
0x77: {  	_ =	shalt  }
0x78: {  	_ =	shalt  }
0x79: {  	_ =	shalt  }
0x7a: {  	_ =	shalt  }
0x7b: {  	_ =	shalt  }
0x7c: {  	_ =	shalt  }
0x7d: {  	_ =	shalt  }
0x7e: {  	_ =	shalt  }
0x7f: {  	_ =	shalt  }
0x80: {  	_ =	shalt  }
0x81: {  	_ =	shalt  }
0x82: {  	_ =	shalt  }
0x83: {  	_ =	shalt  }
0x84: {  	_ =	shalt  }
0x85: {  	_ =	shalt  }
0x86: {  	_ =	shalt  }
0x87: {  	_ =	shalt  }
.Lfunc_end0:
.L_simem_size_0:
called_computation.1_lowered:
.L_overlay_start_0:
0x88: {  	s2 =	sld [smem:$0x3FD9]  }
0x89: {  	s3 =	sld [smem:$0x3FFE];
	_ =	sdelay $0x1  }
0x8a: {  	s1 =	srdreg.scid  }
0x8b: {  	s0 =	sand.u32 $0x1, s1  }
0x8c: {  	s16 =	sshll.u32 s0, $0xA;
	s2 =	sadd.s32 s3, s2  }
0x8d: {  	s2 =	sadd.s32 s2, s16  }
0x8e: {  	[smem:$0x3FBE] =	sst s2  }
0x8f: {  	_ = 	snop  }
0x90: {  	(tm) =	ssettm $0x1  }
0x91: {  	s17 =	sld [smem:$0x3FFB];
	_ =	sdelay $0x3  }
0x92: {  	_ =	strace s17  }
0x93: {  	s2 =	sld [smem:$0x3FFC];
	_ =	sdelay $0x3  }
0x94: {  	_ =	strace s2  }
0x95: {  	s2 =	sld [smem:$0x3FFD];
	_ =	sdelay $0x3  }
0x96: {  	_ =	strace s2  }
0x97: {  	_ =	strace $0x8FFFFFFF  }
0x98: {  	s18 =	sld [smem:$0x3FDB];
	_ =	sdelay $0x1  }
0x99: {  	s19 =	simm.s32 $_scs_section_size  }
0x9a: {  	s4 =	simm.s32 $_size__tile_overlayer_lowered;
	s5 =	simm.s32 $_tile_overlayer_lowered  }
0x9b: {  	s22 =	simm.s32 $0x1BFF;
	s21 =	sshll.u32 s5, $0x1;
	s2 =	sadd.s32 s19, s18  }
0x9c: {  	s6 =	simm.s32 $0x0;
	s20 =	sshll.u32 s4, $0x1;
	s4 =	sadd.s32 s21, s2  }
0x9d: {  	[timem:s6], [sflag:s22] =	dma.local [hbm:s4], s20  }
0x9e: {  	_ =	swait.ge [sflag:s22], s20  }
0x9f: {  	s3 =	ssub.s32 $0x0, s20;
	[sflag:s22] =	ssyncset.done $0x0  }
0xa0: {  	[sflag:s22] =	ssyncadd.s32 s3;
	_ =	sdelay $0x1  }
0xa1: {  	s23 =	simm.s32 $0x1B8B  }
0xa2: {  	_ =	swait.ge [sflag:s23], $0x1  }
0xa3: {  	[sflag:s23] =	ssyncset.done $0x0  }
0xa4: {  	s25 =	simm.s32 $0x1B8E;
	s24 =	sld [smem:$0x3FFE];
	[sflag:s23] =	ssyncadd.s32 $0xFFFFFFFF  }
0xa5: {  	s26 =	simm.s32 $execute0_lowered;
	[smem:$0x3FD2] =	sst s25  }
0xa6: {  	s4 =	sshll.u32 s26, $0x1;
	_ =	strace $0x80000049;
	[dreg:$0x1] =	wrdreg $0xFFFFFFFF  }
0xa7: {  	s28 =	simm.s32 $_size_execute0_lowered;
	s2 =	sadd.s32 s2, s4;
	[dreg:$0x0] =	wrdreg $0x0  }
0xa8: {  	s4 =	sshll.u32 s28, $0x1;
	[dreg:$0x2] =	wrdreg s2  }
0xa9: {  	[dreg:$0x3] =	wrdreg s4  }
0xaa: {  	[dreg:$0x4] =	wrdreg $0xC0  }
0xab: {  	_ =	task [dreg:s6], $0x5FFFF  }
0xac: {  	[dreg:$0x1] =	wrdreg $0xFFFFFFFF  }
0xad: {  	[dreg:$0x0] =	wrdreg $0x60  }
0xae: {  	[dreg:$0x2] =	wrdreg s24  }
0xaf: {  	[dreg:$0x3] =	wrdreg $0xA0000  }
0xb0: {  	[dreg:$0x4] =	wrdreg $0x9  }
0xb1: {  	_ =	task.clear_ibuf [dreg:s6], $0x5FFFF;
	_ =	strace $0x90000049  }
0xb2: {  	s29 =	simm.s32 $0x9;
	_ =	strace $0x8000004B  }
0xb3: {  	_ =	swait.ge [sflag:s29], $0x1  }
0xb4: {  	[sflag:s29] =	ssyncadd.s32 $0xFFFFFFFF  }
0xb5: {  	_ =	strace $0x9000004B  }
0xb6: {  	_ =	sfence  }
0xb7: {  	s30 =	sld [smem:$0x0];
	_ =	sdelay $0x2  }
0xb8: {  	s31 =	sshll.u32 s1, $0xD;
	s1 =	sshrl.u32 s1, $0x2  }
0xb9: {  	s3 =	sand.u32 $0x4000, s31;
	s1 =	sadd.s32 s1, s30  }
0xba: {  	s0 =	sor.u32 s3, s0;
	s1 =	sshll.u32 s1, $0x11  }
0xbb: {  	s0 =	sor.u32 s1, s0  }
0xbc: {  	s0 =	sadd.s32 $0x8F2B, s0  }
0xbd: {  	[sflag:s0] =	ssyncadd.remote.s32 $0x1  }
0xbe: {  	_ =	sfence.sel $0xFFFF  }
0xbf: {  	[dreg:$0x0] =	wrdreg $0xFFFFFFFF;
	(pc) =	sbr.abs _section_cstart, $3  }
0xc0: {  	[dreg:$0x1] =	wrdreg $0xFFFFFFFF  }
0xc1: {  	_ =	task.clear_ibuf [dreg:s6], $0x2FFFF;
	_ =	strace $0x9FFFFFFF  }
0xc2: {  	(tm) =	ssettm $0x7FFFFFFF  }
0xc3: {  	_ =	shalt  }
tec
execute0_lowered:
.L_overlay_start_1:
0x0: {  	(tag) =	ssettag $0x1  }
0x1: {  	s7 =	rddreg [dreg:$0x0]  }
0x2: {  	s2 =	rddreg [dreg:$0x1];
	s5 =	simm.s32 $0x0  }
0x3: {  	s12 =	simm.s32 $0x1880;
	[smem:$0x7FF] =	sst s5  }
0x4: {  	s13 =	simm.s32 $0x200;
	_ =	strace $0x8000004A;
	[dreg:$0x6] =	wrdreg s12  }
0x5: {  	s14 =	simm.s32 $0x1900;
	[dreg:$0x7] =	wrdreg s13  }
0x6: {  	s15 =	simm.s32 $0x280;
	[dreg:$0x8] =	wrdreg s14  }
0x7: {  	s16 =	simm.s32 $0x1980;
	[dreg:$0x9] =	wrdreg s15  }
0x8: {  	s17 =	simm.s32 $0x300;
	[dreg:$0xa] =	wrdreg s16  }
0x9: {  	s18 =	simm.s32 $0x1A00;
	[dreg:$0xb] =	wrdreg s17  }
0xa: {  	s19 =	simm.s32 $0x380;
	[dreg:$0xc] =	wrdreg s18  }
0xb: {  	s20 =	simm.s32 $0x1A80;
	[dreg:$0xd] =	wrdreg s19  }
0xc: {  	s21 =	simm.s32 $0x400;
	[dreg:$0xe] =	wrdreg s20  }
0xd: {  	s22 =	simm.s32 $0x1B00;
	[dreg:$0xf] =	wrdreg s21  }
0xe: {  	s23 =	simm.s32 $0x480;
	[dreg:$0x10] =	wrdreg s22  }
0xf: {  	s24 =	simm.s32 $0x1B80;
	[dreg:$0x11] =	wrdreg s23  }
0x10: {  	s25 =	simm.s32 $0x500;
	[dreg:$0x12] =	wrdreg s24  }
0x11: {  	s26 =	simm.s32 $0x1C00;
	[dreg:$0x13] =	wrdreg s25  }
0x12: {  	[dreg:$0x14] =	wrdreg s26;
	s12 =	simm.s32 $0x1D80  }
0x13: {  	s13 =	simm.s32 $0x700;
	[dreg:$0x1a] =	wrdreg s12  }
0x14: {  	s14 =	simm.s32 $0x1E00;
	[dreg:$0x1b] =	wrdreg s13  }
0x15: {  	s15 =	simm.s32 $0x780;
	[dreg:$0x1c] =	wrdreg s14  }
0x16: {  	s16 =	simm.s32 $0x1E80;
	[dreg:$0x1d] =	wrdreg s15  }
0x17: {  	s17 =	simm.s32 $0x800;
	[dreg:$0x1e] =	wrdreg s16  }
0x18: {  	s18 =	simm.s32 $0x1F00;
	[dreg:$0x1f] =	wrdreg s17  }
0x19: {  	s19 =	simm.s32 $0x880;
	[smem:$0x7C0] =	sst s18  }
0x1a: {  	s20 =	simm.s32 $0x1F80;
	[smem:$0x7C1] =	sst s19  }
0x1b: {  	s21 =	simm.s32 $0x900;
	[smem:$0x7C2] =	sst s20  }
0x1c: {  	s23 =	simm.s32 $0x2000;
	[smem:$0x7C3] =	sst s21  }
0x1d: {  	s24 =	simm.s32 $0x2080;
	[smem:$0x7C4] =	sst s23  }
0x1e: {  	s26 =	simm.s32 $0x2100;
	[smem:$0x7C6] =	sst s24  }
0x1f: {  	s13 =	simm.s32 $0x980;
	[smem:$0x7C7] =	sst s26  }
0x20: {  	s14 =	simm.s32 $0x2180;
	[smem:$0x7C5] =	sst s13  }
0x21: {  	s15 =	simm.s32 $0xD00;
	[smem:$0x7C9] =	sst s14  }
0x22: {  	s16 =	simm.s32 $0xD80;
	[smem:$0x7CA] =	sst s15  }
0x23: {  	s17 =	simm.s32 $0x2480;
	[smem:$0x7CB] =	sst s16  }
0x24: {  	s3 =	stileid.u32;
	s18 =	simm.s32 $0xE00;
	[smem:$0x7CC] =	sst s17  }
0x25: {  	s0 =	srdreg.scid;
	s19 =	simm.s32 $0x2500;
	[smem:$0x7CD] =	sst s18  }
0x26: {  	s28 =	simm.s32 $0x3000;
	s21 =	simm.s32 $0xE80;
	[smem:$0x7CE] =	sst s19  }
0x27: {  	s30 =	simm.s32 $0x4C00;
	s23 =	simm.s32 $0xF00;
	[smem:$0x7CF] =	sst s21  }
0x28: {  	s29 =	simm.s32 $0x8400;
	s24 =	simm.s32 $0x2600;
	[smem:$0x7D1] =	sst s23  }
0x29: {  	s0 =	sand.u32 $0x1, s0;
	s26 =	simm.s32 $0x2680;
	[smem:$0x7D3] =	sst s24  }
0x2a: {  	s1 =	smul.u32 $0xF000, s3;
	s13 =	simm.s32 $0xC80;
	[smem:$0x7D6] =	sst s26  }
0x2b: {  	p0 =	sne.s32 s3, $0xF;
	s15 =	simm.s32 $0x2700;
	[smem:$0x7C8] =	sst s13  }
0x2c: {  	p2 =	seq.s32 s3, $0xF;
	s16 =	simm.s32 $0x1080;
	[smem:$0x7D9] =	sst s15  }
0x2d: {  	s4 =	smul.u32 $0x7800, s0;
	s18 =	simm.s32 $0x2780;
	[smem:$0x7DA] =	sst s16  }
0x2e: {  	s22 =	ssub.s32 $0x2, s0;
	s19 =	simm.s32 $0x1100;
	[smem:$0x7DB] =	sst s18  }
0x2f: {  	s25 =	sshll.u32 s3, $0x1;
	s21 =	simm.s32 $0x2800;
	[smem:$0x7DD] =	sst s19  }
0x30: {  	p1 =	seq.s32 s0, $0x0;
	s23 =	simm.s32 $0x1180;
	[smem:$0x7DF] =	sst s21  }
0x31: {  	s12 =	sshrl.u32 s22, $0x1;
	s24 =	simm.s32 $0x2880;
	[smem:$0x7E2] =	sst s23  }
0x32: {  	p0 =	por !p1, !p0;
	s26 =	simm.s32 $0x1200;
	[smem:$0x7E4] =	sst s24  }
0x33: {  	p1 =	por !p1, !p2;
	[smem:$0x7E6] =	sst s26;
	s15 =	simm.s32 $0x2A00  }
0x34: {  	s20 =	smul.u32 $0x50000, s3;
	s16 =	simm.s32 $0x1380;
	[smem:$0x7EC] =	sst s15  }
0x35: {  	s1 =	sadd.s32 s4, s1;
	s18 =	simm.s32 $0x1400;
	[smem:$0x7ED] =	sst s16  }
0x36: {  	s4 =	sadd.s32 $0x2800, s7;
	s19 =	simm.s32 $0x2B00;
	[smem:$0x7F1] =	sst s18  }
0x37: {  	s8 =	sadd.s32 $0xF1800, s1;
	s21 =	simm.s32 $0x2B80;
	[smem:$0x7F2] =	sst s19  }
0x38: {  	s6 =	sadd.s32 $0xF0C00, s1;
	s23 =	simm.s32 $0x2C00;
	[smem:$0x7F5] =	sst s21  }
0x39: {  	s13 =	sshrl.u32 s20, $0x2;
	s24 =	simm.s32 $0x1580;
	[smem:$0x7FA] =	sst s23  }
0x3a: {  	s26 =	simm.s32 $0x2D80;
	s5 =	sshrl.u32 s8, $0x3;
	[smem:$0x7FB] =	sst s24  }
0x3b: {  	s8 =	sadd.s32 $0xC00, s1;
	s1 =	sadd.s32 $0x1800, s1;
	[smem:$0x7FD] =	sst s26  }
0x3c: {  	p0 =	por !p0, !p0;
	s13 =	sadd.s32 s13, s2;
	[smem:$0x7E7] =	sst s1  }
0x3d: {  	s6 =	sshrl.u32 s6, $0x3;
	s5 =	sadd.s32 s5, s4;
	[smem:$0x7F8] =	sst s13  }
0x3e: {  	p2 =	por !p1, !p1;
	s9 =	sadd.s32 s6, s4;
	[dreg:$0x3] =	wrdreg s5  }
0x3f: {  	p1 =	por p2, p0;
	s6 =	simm.s32 $0x580;
	[dreg:$0x4] =	wrdreg s9  }
0x40: {  	s10 =	sshrl.u32 s8, $0x3;
	s8 =	simm.s32 $0x1C80;
	[dreg:$0x15] =	wrdreg s6  }
0x41: {  	p1 =	seq.s32 @!p1 s0, $0x0;
	s11 =	sadd.s32 s10, s4;
	[dreg:$0x16] =	wrdreg s8  }
0x42: {  	p1 =	por @!p0 p1, p2;
	s9 =	simm.s32 $0x600;
	[dreg:$0x5] =	wrdreg s11  }
0x43: {  	s10 =	simm.s32 $0x1D00;
	s5 =	sadd.s32 $0x3E800, s7;
	[dreg:$0x17] =	wrdreg s9  }
0x44: {  	s6 =	smul.u32 $0x2800, s3;
	p1 =	por p1, p0;
	[dreg:$0x18] =	wrdreg s10  }
0x45: {  	s11 =	simm.s32 $0x680;
	s9 =	smul.u32 $0x140000, s0;
	s1 =	sshll.u32 @!p1 s3, $0x6  }
0x46: {  	[dreg:$0x19] =	wrdreg s11;
	s11 =	sadd.s32 s6, s7;
	s6 =	sadd.s32 s5, s6  }
0x47: {  	s10 =	smul.u32 $0x14000, s3;
	s1 =	sor.u32 @!p1 $0x1C0A, s1;
	[smem:$0x7D8] =	sst s6  }
0x48: {  	p2 =	por !p2, p0;
	s11 =	sadd.s32 $0x65A00, s11;
	[smem:$0x7EE] =	sst s1  }
0x49: {  	s9 =	sadd.s32 s10, s9;
	s10 =	simm.s32 $0x1000;
	[smem:$0x7D2] =	sst s11  }
0x4a: {  	s1 =	sshrl.u32 @!p1 s13, $0x3;
	s9 =	sshrl.u32 s9, $0x3;
	[smem:$0x7D7] =	sst s10  }
0x4b: {  	s10 =	simm.s32 $0x1280;
	[smem:$0x7F0] =	sst s1;
	s8 =	sadd.s32 s9, s7  }
0x4c: {  	s9 =	ssub.s32 s22, s12;
	s22 =	simm.s32 $0x2580;
	[smem:$0x7E9] =	sst s10  }
0x4d: {  	s12 =	sor.u32 s0, s25;
	s25 =	simm.s32 $0xF80;
	[smem:$0x7D0] =	sst s22  }
0x4e: {  	s11 =	sadd.s32 $0x12C000, s2;
	s7 =	sadd.s32 $0x64000, s7;
	[smem:$0x7D4] =	sst s25  }
0x4f: {  	s31 =	simm.s32 $0x2;
	s1 =	sshrl.u32 @!p2 s11, $0x3;
	[smem:$0x7D5] =	sst s7  }
0x50: {  	s24 =	simm.s32 $0xC00;
	s25 =	sadd.s32 $0x8DA00, s8;
	[smem:$0x7F3] =	sst s1  }
0x51: {  	s26 =	simm.s32 $0x32;
	s8 =	smax.u32 s9, $0x1;
	[smem:$0x7E3] =	sst s25  }
0x52: {  	s14 =	smul.u32 $0x7800, s12;
	s9 =	simm.s32 $0x2900;
	[smem:$0x7E5] =	sst s8  }
0x53: {  	s12 =	simm.s32 $0x2980;
	s1 =	sshll.u32 @p0 s3, $0x6;
	[smem:$0x7E8] =	sst s9  }
0x54: {  	s23 =	simm.s32 $0x5;
	[smem:$0x7EA] =	sst s12;
	s1 =	sor.u32 @p0 $0x1C0A, s1  }
0x55: {  	s0 =	simm.s32 $0x3;
	s25 =	simm.s32 $0x2C80;
	[smem:$0x7F6] =	sst s1  }
0x56: {  	s17 =	sshrl.u32 s14, $0x3;
	s14 =	simm.s32 $0x1300;
	[smem:$0x7FC] =	sst s25  }
0x57: {  	s11 =	simm.s32 $0x1;
	s1 =	sshrl.u32 @p0 s13, $0x3;
	[smem:$0x7EB] =	sst s14  }
0x58: {  	s8 =	simm.s32 $0x4;
	s7 =	sadd.s32 s4, s17;
	[smem:$0x7F9] =	sst s1  }
0x59: {  	s9 =	simm.s32 $0x7;
	s17 =	simm.s32 $0x2A80;
	[smem:$0x7E0] =	sst s7  }
0x5a: {  	s12 =	simm.s32 $0x8;
	s20 =	sadd.s32 $0x1E000, s7;
	[smem:$0x7EF] =	sst s17  }
0x5b: {  	s25 =	simm.s32 $0x2400;
	s22 =	sadd.s32 $0x180, s7;
	[smem:$0x7DC] =	sst s20  }
0x5c: {  	s13 =	simm.s32 $0x9;
	s7 =	sadd.s32 $0x1E180, s7;
	[smem:$0x7DE] =	sst s22  }
0x5d: {  	s1 =	simm.s32 $0x6800;
	[smem:$0x7E1] =	sst s7;
	s20 =	simm.s32 $0x1480  }
0x5e: {  	s14 =	simm.s32 $0x0;
	s22 =	simm.s32 $0x1500;
	[smem:$0x7F4] =	sst s20  }
0x5f: {  	s7 =	simm.s32 $0x6;
	[smem:$0x7F7] =	sst s22;
	s22 =	simm.s32 $0xA  }
.LBB2_1:
0x60: {  	s3 =	sld [smem:$0x7D2]  }
0x61: {  	s6 =	sld [smem:$0x7EE]  }
0x62: {  	s10 =	sld [smem:$0x7F0];
	_ =	sdelay $0x2  }
0x63: {  	[spmem:s10], [sflag:s6] =	dma.local @!p1 [hbm:s3], $0x2800  }
0x64: {  	s6 =	simm.s32 @!p1 $0xA  }
0x65: {  	_ =	swait.ge @!p1 [sflag:s6], $0x2800  }
0x66: {  	s3 =	sld [smem:$0x7D5]  }
0x67: {  	s10 =	sld [smem:$0x7F3]  }
0x68: {  	[sflag:s6] =	ssyncset.done @!p1 $0x0  }
0x69: {  	[sflag:s6] =	ssyncadd.s32 @!p1 $0xFFFFD800;
	s6 =	simm.s32 @!p2 $0x1FCA  }
0x6a: {  	[spmem:s10], [sflag:s6] =	dma.local @!p2 [hbm:s3], $0x1900  }
0x6b: {  	s6 =	simm.s32 @!p2 $0xA  }
0x6c: {  	_ =	swait.ge @!p2 [sflag:s6], $0x1900  }
0x6d: {  	s3 =	sld [smem:$0x7D8]  }
0x6e: {  	[sflag:s6] =	ssyncset.done @!p2 $0x0;
	s10 =	sld [smem:$0x7F9]  }
0x6f: {  	[sflag:s6] =	ssyncadd.s32 @!p2 $0xFFFFE700;
	s6 =	sld [smem:$0x7F6];
	_ =	sdelay $0x2  }
0x70: {  	[spmem:s10], [sflag:s6] =	dma.local @p0 [hbm:s3], $0x2800  }
0x71: {  	s6 =	simm.s32 @p0 $0xA  }
0x72: {  	_ =	swait.ge @p0 [sflag:s6], $0x2800  }
0x73: {  	s17 =	sld [smem:$0x7E0]  }
0x74: {  	[sflag:s6] =	ssyncset.done @p0 $0x0  }
0x75: {  	s16 =	simm.s32 $0x0;
	[sflag:s6] =	ssyncadd.s32 @p0 $0xFFFFD800  }
0x76: {  	[tilespmem:s16], [sflag:$0xA] =	stream.linear.gather [hbm4b:s17+s16], $0xA00, $0x38;
	[tilespmem:$0x1E000] =	vst v63  }
0x77: {  	_ =	swait.ge [sflag:s22], $0xA00  }
0x78: {  	s18 =	sld [smem:$0x7DC]  }
0x79: {  	[sflag:s22] =	ssyncset.done $0x0  }
0x7a: {  	s19 =	simm.s32 $0x1800;
	[sflag:s22] =	ssyncadd.s32 $0xFFFFF600  }
0x7b: {  	[tilespmem:s19], [sflag:$0xA] =	stream.linear.gather [hbm4b:s18+s16], $0xA00, $0x38;
	[tilespmem:$0x1E000] =	vst v63  }
0x7c: {  	_ =	swait.ge [sflag:s22], $0xA00  }
0x7d: {  	s20 =	sld [smem:$0x7DE]  }
0x7e: {  	[sflag:s22] =	ssyncset.done $0x0  }
0x7f: {  	s21 =	sld [smem:$0x7E1];
	[sflag:s22] =	ssyncadd.s32 $0xFFFFF600  }
0x80: {  	[tilespmem:s24], [sflag:$0x9] =	stream.linear.gather [hbm4b:s20+s16], $0xA00, $0x38;
	[tilespmem:$0x1E000] =	vst v63  }
0x81: {  	_ = 	snop  }
0x82: {  	[tilespmem:s25], [sflag:$0x9] =	stream.linear.gather [hbm4b:s21+s16], $0xA00, $0x38;
	[tilespmem:$0x1E000] =	vst v63  }
0x83: {  	[bflag:$0x0] =	sbarrier.arrive $0xFFFF  }
0x84: {  	[tilespmem:s28], [sflag:$0x1] =	stream.indirect.gather [hbm4b:s5+s26], $0x80, s16, s26, $0xb8;
	[tilespmem:$0x1E000] =	vst v63  }
0x85: {  	s10 =	simm.s32 $0x80  }
0x86: {  	[tilespmem:s30], [sflag:$0x2] =	stream.indirect.gather [hbm4b:s5+s26], $0x80, s10, s26, $0xb8;
	[tilespmem:$0x1E000] =	vst v63  }
0x87: {  	s15 =	simm.s32 $0x100;
	p3 =	por $0x1, $0x1  }
0x88: {  	[tilespmem:s1], [sflag:$0x3] =	stream.indirect.gather [hbm4b:s5+s26], $0x80, s15, s26, $0xb8;
	[tilespmem:$0x1E000] =	vst v63  }
0x89: {  	s6 =	simm.s32 @p3 $0x1;
	s16 =	simm.s32 $0x180  }
0x8a: {  	[tilespmem:s29], [sflag:$0x4] =	stream.indirect.gather [hbm4b:s5+s26], $0x80, s16, s26, $0xb8;
	[tilespmem:$0x1E000] =	vst v63  }
0x8b: {  	s10 =	simm.s32 @p3 $0x1800;
	_ =	swait.ge @p3 [sflag:s6], $0x1900  }
0x8c: {  	s15 =	simm.s32 @p3 $0x32;
	[sflag:s6] =	ssyncset.done @p3 $0x0;
	s16 =	rddreg [dreg:$0x5]  }
0x8d: {  	s17 =	rddreg [dreg:$0x4];
	[sflag:s6] =	ssyncadd.s32 @p3 $0xFFFFE700;
	s6 =	simm.s32 @p3 $0x3000  }
0x8e: {  	[spmem:s2] =	stream.indirect.scatter.add.f32 @p3 [tilespmem:s6], [sflag:$0x5], $0x80, s10, s15, $0xb8;
	[tilespmem:$0x1E000] =	vst v63  }
0x8f: {  	s6 =	sadd.s32 @!p3 $0x0, s16;
	s10 =	simm.s32 @!p3 $0x0;
	s15 =	simm.s32 @!p3 $0xC00  }
0x90: {  	[tilespmem:s15], [sflag:$0x9] =	stream.linear.gather @!p3 [hbm4b:s6+s10], $0xA00, $0x38;
	[tilespmem:$0x1E000] =	vst v63  }
0x91: {  	s16 =	simm.s32 @!p3 $0x1;
	s6 =	sadd.s32 @!p3 $0x0, s17;
	s15 =	simm.s32 @!p3 $0x2400  }
0x92: {  	[tilespmem:s15], [sflag:$0x9] =	stream.linear.gather @!p3 [hbm4b:s6+s10], $0xA00, $0x38;
	[tilespmem:$0x1E000] =	vst v63  }
0x93: {  	_ =	swait.ge @!p3 [sflag:s16], $0x1900  }
0x94: {  	s17 =	simm.s32 @!p3 $0x1800;
	s6 =	simm.s32 @!p3 $0x3000;
	[sflag:s16] =	ssyncset.done @!p3 $0x0  }
0x95: {  	s10 =	simm.s32 @!p3 $0x8;
	s15 =	simm.s32 @!p3 $0x32;
	[sflag:s16] =	ssyncadd.s32 @!p3 $0xFFFFE700  }
0x96: {  	[spmem:s2] =	stream.indirect.scatter.add.f32 @!p3 [tilespmem:s6], [sflag:$0x5], $0x80, s17, s15, $0xb8;
	[tilespmem:$0x1E000] =	vst v63  }
0x97: {  	_ =	swait.ge @!p3 [sflag:s10], $0x1900  }
0x98: {  	[sflag:s10] =	ssyncset.done @!p3 $0x0  }
0x99: {  	s16 =	simm.s32 @!p3 $0x8400;
	s6 =	simm.s32 @!p3 $0x180;
	[sflag:s10] =	ssyncadd.s32 @!p3 $0xFFFFE700  }
0x9a: {  	[tilespmem:s16], [sflag:$0x4] =	stream.indirect.gather @!p3 [hbm4b:s5+s15], $0x80, s6, s15, $0xb8;
	[tilespmem:$0x1E000] =	vst v63  }
0x9b: {  	_ =	swait.ge [sflag:s31], $0x1900  }
0x9c: {  	[sflag:s31] =	ssyncset.done $0x0  }
0x9d: {  	s17 =	rddreg [dreg:$0x6];
	[sflag:s31] =	ssyncadd.s32 $0xFFFFE700  }
0x9e: {  	[spmem:s2] =	stream.indirect.scatter.add.f32 [tilespmem:s30], [sflag:$0x6], $0x80, s17, s26, $0xb8;
	[tilespmem:$0x1E000] =	vst v63  }
0x9f: {  	_ =	swait.ge [sflag:s23], $0x1900  }
0xa0: {  	[sflag:s23] =	ssyncset.done $0x0  }
0xa1: {  	s18 =	rddreg [dreg:$0x7];
	[sflag:s23] =	ssyncadd.s32 $0xFFFFE700  }
0xa2: {  	[tilespmem:s28], [sflag:$0x1] =	stream.indirect.gather [hbm4b:s5+s26], $0x80, s18, s26, $0xb8;
	[tilespmem:$0x1E000] =	vst v63  }
0xa3: {  	_ =	swait.ge [sflag:s0], $0x1900  }
0xa4: {  	[sflag:s0] =	ssyncset.done $0x0  }
0xa5: {  	s19 =	rddreg [dreg:$0x8];
	[sflag:s0] =	ssyncadd.s32 $0xFFFFE700  }
0xa6: {  	[spmem:s2] =	stream.indirect.scatter.add.f32 [tilespmem:s1], [sflag:$0x7], $0x80, s19, s26, $0xb8;
	[tilespmem:$0x1E000] =	vst v63  }
0xa7: {  	_ =	swait.ge [sflag:s7], $0x1900  }
0xa8: {  	[sflag:s7] =	ssyncset.done $0x0  }
0xa9: {  	s20 =	rddreg [dreg:$0x9];
	[sflag:s7] =	ssyncadd.s32 $0xFFFFE700  }
0xaa: {  	[tilespmem:s30], [sflag:$0x2] =	stream.indirect.gather [hbm4b:s5+s26], $0x80, s20, s26, $0xb8;
	[tilespmem:$0x1E000] =	vst v63  }
0xab: {  	_ =	swait.ge [sflag:s8], $0x1900  }
0xac: {  	[sflag:s8] =	ssyncset.done $0x0  }
0xad: {  	s21 =	rddreg [dreg:$0xa];
	[sflag:s8] =	ssyncadd.s32 $0xFFFFE700  }
0xae: {  	[spmem:s2] =	stream.indirect.scatter.add.f32 [tilespmem:s29], [sflag:$0x8], $0x80, s21, s26, $0xb8;
	[tilespmem:$0x1E000] =	vst v63  }
0xaf: {  	_ =	swait.ge [sflag:s9], $0x1900  }
0xb0: {  	[sflag:s9] =	ssyncset.done $0x0  }
0xb1: {  	s3 =	rddreg [dreg:$0xb];
	[sflag:s9] =	ssyncadd.s32 $0xFFFFE700  }
0xb2: {  	[tilespmem:s1], [sflag:$0x3] =	stream.indirect.gather [hbm4b:s5+s26], $0x80, s3, s26, $0xb8;
	[tilespmem:$0x1E000] =	vst v63  }
0xb3: {  	_ =	swait.ge [sflag:s11], $0x1900  }
0xb4: {  	[sflag:s11] =	ssyncset.done $0x0  }
0xb5: {  	s10 =	rddreg [dreg:$0xc];
	[sflag:s11] =	ssyncadd.s32 $0xFFFFE700  }
0xb6: {  	[spmem:s2] =	stream.indirect.scatter.add.f32 [tilespmem:s28], [sflag:$0x5], $0x80, s10, s26, $0xb8;
	[tilespmem:$0x1E000] =	vst v63  }
0xb7: {  	_ =	swait.ge [sflag:s12], $0x1900  }
0xb8: {  	[sflag:s12] =	ssyncset.done $0x0  }
0xb9: {  	s15 =	rddreg [dreg:$0xd];
	[sflag:s12] =	ssyncadd.s32 $0xFFFFE700  }
0xba: {  	[tilespmem:s29], [sflag:$0x4] =	stream.indirect.gather [hbm4b:s5+s26], $0x80, s15, s26, $0xb8;
	[tilespmem:$0x1E000] =	vst v63  }
0xbb: {  	_ =	swait.ge [sflag:s31], $0x1900  }
0xbc: {  	[sflag:s31] =	ssyncset.done $0x0  }
0xbd: {  	s16 =	rddreg [dreg:$0xe];
	[sflag:s31] =	ssyncadd.s32 $0xFFFFE700  }
0xbe: {  	[spmem:s2] =	stream.indirect.scatter.add.f32 [tilespmem:s30], [sflag:$0x6], $0x80, s16, s26, $0xb8;
	[tilespmem:$0x1E000] =	vst v63  }
0xbf: {  	_ =	swait.ge [sflag:s23], $0x1900  }
0xc0: {  	[sflag:s23] =	ssyncset.done $0x0  }
0xc1: {  	s17 =	rddreg [dreg:$0xf];
	[sflag:s23] =	ssyncadd.s32 $0xFFFFE700  }
0xc2: {  	[tilespmem:s28], [sflag:$0x1] =	stream.indirect.gather [hbm4b:s5+s26], $0x80, s17, s26, $0xb8;
	[tilespmem:$0x1E000] =	vst v63  }
0xc3: {  	_ =	swait.ge [sflag:s0], $0x1900  }
0xc4: {  	[sflag:s0] =	ssyncset.done $0x0  }
0xc5: {  	s18 =	rddreg [dreg:$0x10];
	[sflag:s0] =	ssyncadd.s32 $0xFFFFE700  }
0xc6: {  	[spmem:s2] =	stream.indirect.scatter.add.f32 [tilespmem:s1], [sflag:$0x7], $0x80, s18, s26, $0xb8;
	[tilespmem:$0x1E000] =	vst v63  }
0xc7: {  	_ =	swait.ge [sflag:s7], $0x1900  }
0xc8: {  	[sflag:s7] =	ssyncset.done $0x0  }
0xc9: {  	s19 =	rddreg [dreg:$0x11];
	[sflag:s7] =	ssyncadd.s32 $0xFFFFE700  }
0xca: {  	[tilespmem:s30], [sflag:$0x2] =	stream.indirect.gather [hbm4b:s5+s26], $0x80, s19, s26, $0xb8;
	[tilespmem:$0x1E000] =	vst v63  }
0xcb: {  	_ =	swait.ge [sflag:s8], $0x1900  }
0xcc: {  	[sflag:s8] =	ssyncset.done $0x0  }
0xcd: {  	s20 =	rddreg [dreg:$0x12];
	[sflag:s8] =	ssyncadd.s32 $0xFFFFE700  }
0xce: {  	[spmem:s2] =	stream.indirect.scatter.add.f32 [tilespmem:s29], [sflag:$0x8], $0x80, s20, s26, $0xb8;
	[tilespmem:$0x1E000] =	vst v63  }
0xcf: {  	_ =	swait.ge [sflag:s9], $0x1900  }
0xd0: {  	[sflag:s9] =	ssyncset.done $0x0  }
0xd1: {  	s21 =	rddreg [dreg:$0x13];
	[sflag:s9] =	ssyncadd.s32 $0xFFFFE700  }
0xd2: {  	[tilespmem:s1], [sflag:$0x3] =	stream.indirect.gather [hbm4b:s5+s26], $0x80, s21, s26, $0xb8;
	[tilespmem:$0x1E000] =	vst v63  }
0xd3: {  	_ =	swait.ge [sflag:s11], $0x1900  }
0xd4: {  	[sflag:s11] =	ssyncset.done $0x0  }
0xd5: {  	s3 =	rddreg [dreg:$0x14];
	[sflag:s11] =	ssyncadd.s32 $0xFFFFE700  }
0xd6: {  	[spmem:s2] =	stream.indirect.scatter.add.f32 [tilespmem:s28], [sflag:$0x5], $0x80, s3, s26, $0xb8;
	[tilespmem:$0x1E000] =	vst v63  }
0xd7: {  	_ =	swait.ge [sflag:s12], $0x1900  }
0xd8: {  	[sflag:s12] =	ssyncset.done $0x0  }
0xd9: {  	s10 =	rddreg [dreg:$0x15];
	[sflag:s12] =	ssyncadd.s32 $0xFFFFE700  }
0xda: {  	[tilespmem:s29], [sflag:$0x4] =	stream.indirect.gather [hbm4b:s5+s26], $0x80, s10, s26, $0xb8;
	[tilespmem:$0x1E000] =	vst v63  }
0xdb: {  	_ =	swait.ge [sflag:s31], $0x1900  }
0xdc: {  	[sflag:s31] =	ssyncset.done $0x0  }
0xdd: {  	s15 =	rddreg [dreg:$0x16];
	[sflag:s31] =	ssyncadd.s32 $0xFFFFE700  }
0xde: {  	[spmem:s2] =	stream.indirect.scatter.add.f32 [tilespmem:s30], [sflag:$0x6], $0x80, s15, s26, $0xb8;
	[tilespmem:$0x1E000] =	vst v63  }
0xdf: {  	_ =	swait.ge [sflag:s23], $0x1900  }
0xe0: {  	[sflag:s23] =	ssyncset.done $0x0  }
0xe1: {  	s16 =	rddreg [dreg:$0x17];
	[sflag:s23] =	ssyncadd.s32 $0xFFFFE700  }
0xe2: {  	[tilespmem:s28], [sflag:$0x1] =	stream.indirect.gather [hbm4b:s5+s26], $0x80, s16, s26, $0xb8;
	[tilespmem:$0x1E000] =	vst v63  }
0xe3: {  	_ =	swait.ge [sflag:s0], $0x1900  }
0xe4: {  	[sflag:s0] =	ssyncset.done $0x0  }
0xe5: {  	s17 =	rddreg [dreg:$0x18];
	[sflag:s0] =	ssyncadd.s32 $0xFFFFE700  }
0xe6: {  	[spmem:s2] =	stream.indirect.scatter.add.f32 [tilespmem:s1], [sflag:$0x7], $0x80, s17, s26, $0xb8;
	[tilespmem:$0x1E000] =	vst v63  }
0xe7: {  	_ =	swait.ge [sflag:s7], $0x1900  }
0xe8: {  	[sflag:s7] =	ssyncset.done $0x0  }
0xe9: {  	s18 =	rddreg [dreg:$0x19];
	[sflag:s7] =	ssyncadd.s32 $0xFFFFE700  }
0xea: {  	[tilespmem:s30], [sflag:$0x2] =	stream.indirect.gather [hbm4b:s5+s26], $0x80, s18, s26, $0xb8;
	[tilespmem:$0x1E000] =	vst v63  }
0xeb: {  	_ =	swait.ge [sflag:s8], $0x1900  }
0xec: {  	[sflag:s8] =	ssyncset.done $0x0  }
0xed: {  	s19 =	rddreg [dreg:$0x1a];
	[sflag:s8] =	ssyncadd.s32 $0xFFFFE700  }
0xee: {  	[spmem:s2] =	stream.indirect.scatter.add.f32 [tilespmem:s29], [sflag:$0x8], $0x80, s19, s26, $0xb8;
	[tilespmem:$0x1E000] =	vst v63  }
0xef: {  	_ =	swait.ge [sflag:s9], $0x1900  }
0xf0: {  	[sflag:s9] =	ssyncset.done $0x0  }
0xf1: {  	s20 =	rddreg [dreg:$0x1b];
	[sflag:s9] =	ssyncadd.s32 $0xFFFFE700  }
0xf2: {  	[tilespmem:s1], [sflag:$0x3] =	stream.indirect.gather [hbm4b:s5+s26], $0x80, s20, s26, $0xb8;
	[tilespmem:$0x1E000] =	vst v63  }
0xf3: {  	_ =	swait.ge [sflag:s11], $0x1900  }
0xf4: {  	[sflag:s11] =	ssyncset.done $0x0  }
0xf5: {  	s21 =	rddreg [dreg:$0x1c];
	[sflag:s11] =	ssyncadd.s32 $0xFFFFE700  }
0xf6: {  	[spmem:s2] =	stream.indirect.scatter.add.f32 [tilespmem:s28], [sflag:$0x5], $0x80, s21, s26, $0xb8;
	[tilespmem:$0x1E000] =	vst v63  }
0xf7: {  	_ =	swait.ge [sflag:s12], $0x1900  }
0xf8: {  	[sflag:s12] =	ssyncset.done $0x0  }
0xf9: {  	s3 =	rddreg [dreg:$0x1d];
	[sflag:s12] =	ssyncadd.s32 $0xFFFFE700  }
0xfa: {  	[tilespmem:s29], [sflag:$0x4] =	stream.indirect.gather [hbm4b:s5+s26], $0x80, s3, s26, $0xb8;
	[tilespmem:$0x1E000] =	vst v63  }
0xfb: {  	_ =	swait.ge [sflag:s31], $0x1900  }
0xfc: {  	[sflag:s31] =	ssyncset.done $0x0  }
0xfd: {  	s10 =	rddreg [dreg:$0x1e];
	[sflag:s31] =	ssyncadd.s32 $0xFFFFE700  }
0xfe: {  	[spmem:s2] =	stream.indirect.scatter.add.f32 [tilespmem:s30], [sflag:$0x6], $0x80, s10, s26, $0xb8;
	[tilespmem:$0x1E000] =	vst v63  }
0xff: {  	_ =	swait.ge [sflag:s23], $0x1900  }
0x100: {  	[sflag:s23] =	ssyncset.done $0x0  }
0x101: {  	s15 =	rddreg [dreg:$0x1f];
	[sflag:s23] =	ssyncadd.s32 $0xFFFFE700  }
0x102: {  	[tilespmem:s28], [sflag:$0x1] =	stream.indirect.gather [hbm4b:s5+s26], $0x80, s15, s26, $0xb8;
	[tilespmem:$0x1E000] =	vst v63  }
0x103: {  	_ =	swait.ge [sflag:s0], $0x1900  }
0x104: {  	s16 =	sld [smem:$0x7C0]  }
0x105: {  	[sflag:s0] =	ssyncset.done $0x0  }
0x106: {  	[sflag:s0] =	ssyncadd.s32 $0xFFFFE700  }
0x107: {  	[spmem:s2] =	stream.indirect.scatter.add.f32 [tilespmem:s1], [sflag:$0x7], $0x80, s16, s26, $0xb8;
	[tilespmem:$0x1E000] =	vst v63  }
0x108: {  	_ =	swait.ge [sflag:s7], $0x1900  }
0x109: {  	s17 =	sld [smem:$0x7C1]  }
0x10a: {  	[sflag:s7] =	ssyncset.done $0x0  }
0x10b: {  	[sflag:s7] =	ssyncadd.s32 $0xFFFFE700  }
0x10c: {  	[tilespmem:s30], [sflag:$0x2] =	stream.indirect.gather [hbm4b:s5+s26], $0x80, s17, s26, $0xb8;
	[tilespmem:$0x1E000] =	vst v63  }
0x10d: {  	_ =	swait.ge [sflag:s8], $0x1900  }
0x10e: {  	s18 =	sld [smem:$0x7C2]  }
0x10f: {  	[sflag:s8] =	ssyncset.done $0x0  }
0x110: {  	[sflag:s8] =	ssyncadd.s32 $0xFFFFE700  }
0x111: {  	[spmem:s2] =	stream.indirect.scatter.add.f32 [tilespmem:s29], [sflag:$0x8], $0x80, s18, s26, $0xb8;
	[tilespmem:$0x1E000] =	vst v63  }
0x112: {  	_ =	swait.ge [sflag:s9], $0x1900  }
0x113: {  	s19 =	sld [smem:$0x7C3]  }
0x114: {  	[sflag:s9] =	ssyncset.done $0x0  }
0x115: {  	[sflag:s9] =	ssyncadd.s32 $0xFFFFE700  }
0x116: {  	[tilespmem:s1], [sflag:$0x3] =	stream.indirect.gather [hbm4b:s5+s26], $0x80, s19, s26, $0xb8;
	[tilespmem:$0x1E000] =	vst v63  }
0x117: {  	_ =	swait.ge [sflag:s11], $0x1900  }
0x118: {  	s20 =	sld [smem:$0x7C4]  }
0x119: {  	[sflag:s11] =	ssyncset.done $0x0  }
0x11a: {  	[sflag:s11] =	ssyncadd.s32 $0xFFFFE700  }
0x11b: {  	[spmem:s2] =	stream.indirect.scatter.add.f32 [tilespmem:s28], [sflag:$0x5], $0x80, s20, s26, $0xb8;
	[tilespmem:$0x1E000] =	vst v63  }
0x11c: {  	_ =	swait.ge [sflag:s12], $0x1900  }
0x11d: {  	s21 =	sld [smem:$0x7C5]  }
0x11e: {  	[sflag:s12] =	ssyncset.done $0x0  }
0x11f: {  	[sflag:s12] =	ssyncadd.s32 $0xFFFFE700  }
0x120: {  	[tilespmem:s29], [sflag:$0x4] =	stream.indirect.gather [hbm4b:s5+s26], $0x80, s21, s26, $0xb8;
	[tilespmem:$0x1E000] =	vst v63  }
0x121: {  	_ =	swait.ge [sflag:s13], $0xA00  }
0x122: {  	[sflag:s13] =	ssyncset.done $0x0  }
0x123: {  	[sflag:s13] =	ssyncadd.s32 $0xFFFFF600  }
0x124: {  	_ =	swait.ge [sflag:s13], $0xA00  }
0x125: {  	[sflag:s13] =	ssyncset.done $0x0  }
0x126: {  	[sflag:s13] =	ssyncadd.s32 $0xFFFFF600  }
0x127: {  	_ =	swait.ge [sflag:s31], $0x1900  }
0x128: {  	s3 =	sld [smem:$0x7C6]  }
0x129: {  	[sflag:s31] =	ssyncset.done $0x0  }
0x12a: {  	[sflag:s31] =	ssyncadd.s32 $0xFFFFE700  }
0x12b: {  	[spmem:s2] =	stream.indirect.scatter.add.f32 [tilespmem:s30], [sflag:$0x6], $0x80, s3, s26, $0xb8;
	[tilespmem:$0x1E000] =	vst v63  }
0x12c: {  	_ =	swait.ge [sflag:s23], $0x1900  }
0x12d: {  	[sflag:s23] =	ssyncset.done $0x0  }
0x12e: {  	[sflag:s23] =	ssyncadd.s32 $0xFFFFE700  }
0x12f: {  	[tilespmem:s28], [sflag:$0x1] =	stream.indirect.gather [hbm4b:s5+s26], $0x80, s24, s26, $0xb8;
	[tilespmem:$0x1E000] =	vst v63  }
0x130: {  	_ =	swait.ge [sflag:s0], $0x1900  }
0x131: {  	s10 =	sld [smem:$0x7C7]  }
0x132: {  	[sflag:s0] =	ssyncset.done $0x0  }
0x133: {  	[sflag:s0] =	ssyncadd.s32 $0xFFFFE700  }
0x134: {  	[spmem:s2] =	stream.indirect.scatter.add.f32 [tilespmem:s1], [sflag:$0x7], $0x80, s10, s26, $0xb8;
	[tilespmem:$0x1E000] =	vst v63  }
0x135: {  	_ =	swait.ge [sflag:s7], $0x1900  }
0x136: {  	s15 =	sld [smem:$0x7C8]  }
0x137: {  	[sflag:s7] =	ssyncset.done $0x0  }
0x138: {  	[sflag:s7] =	ssyncadd.s32 $0xFFFFE700  }
0x139: {  	[tilespmem:s30], [sflag:$0x2] =	stream.indirect.gather [hbm4b:s5+s26], $0x80, s15, s26, $0xb8;
	[tilespmem:$0x1E000] =	vst v63  }
0x13a: {  	_ =	swait.ge [sflag:s8], $0x1900  }
0x13b: {  	s16 =	sld [smem:$0x7C9]  }
0x13c: {  	[sflag:s8] =	ssyncset.done $0x0  }
0x13d: {  	[sflag:s8] =	ssyncadd.s32 $0xFFFFE700  }
0x13e: {  	[spmem:s2] =	stream.indirect.scatter.add.f32 [tilespmem:s29], [sflag:$0x8], $0x80, s16, s26, $0xb8;
	[tilespmem:$0x1E000] =	vst v63  }
0x13f: {  	_ =	swait.ge [sflag:s9], $0x1900  }
0x140: {  	s3 =	sld [smem:$0x7E7]  }
0x141: {  	s17 =	sld [smem:$0x7CA]  }
0x142: {  	p3 =	por $0x0, $0x0;
	[sflag:s9] =	ssyncset.done $0x0  }
0x143: {  	[sflag:s9] =	ssyncadd.s32 $0xFFFFE700;
	s15 =	sshrl.u32 @!p3 s3, $0x3  }
0x144: {  	[tilespmem:s1], [sflag:$0x3] =	stream.indirect.gather [hbm4b:s5+s26], $0x80, s17, s26, $0xb8;
	[tilespmem:$0x1E000] =	vst v63  }
0x145: {  	s6 =	simm.s32 @!p3 $0x0;
	s10 =	rddreg [dreg:$0x3];
	s15 =	sadd.s32 @!p3 s4, s15  }
0x146: {  	[tilespmem:s6], [sflag:$0x9] =	stream.linear.gather @!p3 [hbm4b:s15+s6], $0xA00, $0x38;
	[tilespmem:$0x1E000] =	vst v63  }
0x147: {  	s10 =	sadd.s32 @!p3 $0x0, s10;
	s15 =	simm.s32 @!p3 $0x1800  }
0x148: {  	[tilespmem:s15], [sflag:$0x9] =	stream.linear.gather @!p3 [hbm4b:s10+s6], $0xA00, $0x38;
	[tilespmem:$0x1E000] =	vst v63  }
0x149: {  	_ =	swait.ge [sflag:s11], $0x1900  }
0x14a: {  	[sflag:s11] =	ssyncset.done $0x0  }
0x14b: {  	[sflag:s11] =	ssyncadd.s32 $0xFFFFE700  }
0x14c: {  	[spmem:s2] =	stream.indirect.scatter.add.f32 [tilespmem:s28], [sflag:$0x5], $0x80, s25, s26, $0xb8;
	[tilespmem:$0x1E000] =	vst v63  }
0x14d: {  	_ =	swait.ge [sflag:s12], $0x1900  }
0x14e: {  	s18 =	sld [smem:$0x7CB]  }
0x14f: {  	[sflag:s12] =	ssyncset.done $0x0  }
0x150: {  	[sflag:s12] =	ssyncadd.s32 $0xFFFFE700  }
0x151: {  	[tilespmem:s29], [sflag:$0x4] =	stream.indirect.gather [hbm4b:s5+s26], $0x80, s18, s26, $0xb8;
	[tilespmem:$0x1E000] =	vst v63  }
0x152: {  	_ =	swait.ge [sflag:s31], $0x1900  }
0x153: {  	s19 =	sld [smem:$0x7CC]  }
0x154: {  	[sflag:s31] =	ssyncset.done $0x0  }
0x155: {  	[sflag:s31] =	ssyncadd.s32 $0xFFFFE700  }
0x156: {  	[spmem:s2] =	stream.indirect.scatter.add.f32 [tilespmem:s30], [sflag:$0x6], $0x80, s19, s26, $0xb8;
	[tilespmem:$0x1E000] =	vst v63  }
0x157: {  	_ =	swait.ge [sflag:s23], $0x1900  }
0x158: {  	s20 =	sld [smem:$0x7CD]  }
0x159: {  	[sflag:s23] =	ssyncset.done $0x0  }
0x15a: {  	[sflag:s23] =	ssyncadd.s32 $0xFFFFE700  }
0x15b: {  	[tilespmem:s28], [sflag:$0x1] =	stream.indirect.gather [hbm4b:s5+s26], $0x80, s20, s26, $0xb8;
	[tilespmem:$0x1E000] =	vst v63  }
0x15c: {  	_ =	swait.ge [sflag:s0], $0x1900  }
0x15d: {  	s21 =	sld [smem:$0x7CE]  }
0x15e: {  	[sflag:s0] =	ssyncset.done $0x0  }
0x15f: {  	[sflag:s0] =	ssyncadd.s32 $0xFFFFE700  }
0x160: {  	[spmem:s2] =	stream.indirect.scatter.add.f32 [tilespmem:s1], [sflag:$0x7], $0x80, s21, s26, $0xb8;
	[tilespmem:$0x1E000] =	vst v63  }
0x161: {  	_ =	swait.ge [sflag:s7], $0x1900  }
0x162: {  	s10 =	sld [smem:$0x7CF]  }
0x163: {  	[sflag:s7] =	ssyncset.done $0x0  }
0x164: {  	[sflag:s7] =	ssyncadd.s32 $0xFFFFE700  }
0x165: {  	[tilespmem:s30], [sflag:$0x2] =	stream.indirect.gather [hbm4b:s5+s26], $0x80, s10, s26, $0xb8;
	[tilespmem:$0x1E000] =	vst v63  }
0x166: {  	_ =	swait.ge [sflag:s8], $0x1900  }
0x167: {  	s15 =	sld [smem:$0x7D0]  }
0x168: {  	[sflag:s8] =	ssyncset.done $0x0  }
0x169: {  	[sflag:s8] =	ssyncadd.s32 $0xFFFFE700  }
0x16a: {  	[spmem:s2] =	stream.indirect.scatter.add.f32 [tilespmem:s29], [sflag:$0x8], $0x80, s15, s26, $0xb8;
	[tilespmem:$0x1E000] =	vst v63  }
0x16b: {  	_ =	swait.ge [sflag:s9], $0x1900  }
0x16c: {  	s16 =	sld [smem:$0x7D1]  }
0x16d: {  	[sflag:s9] =	ssyncset.done $0x0  }
0x16e: {  	[sflag:s9] =	ssyncadd.s32 $0xFFFFE700  }
0x16f: {  	[tilespmem:s1], [sflag:$0x3] =	stream.indirect.gather [hbm4b:s5+s26], $0x80, s16, s26, $0xb8;
	[tilespmem:$0x1E000] =	vst v63  }
0x170: {  	_ =	swait.ge [sflag:s11], $0x1900  }
0x171: {  	s17 =	sld [smem:$0x7D3]  }
0x172: {  	[sflag:s11] =	ssyncset.done $0x0  }
0x173: {  	[sflag:s11] =	ssyncadd.s32 $0xFFFFE700  }
0x174: {  	[spmem:s2] =	stream.indirect.scatter.add.f32 [tilespmem:s28], [sflag:$0x5], $0x80, s17, s26, $0xb8;
	[tilespmem:$0x1E000] =	vst v63  }
0x175: {  	_ =	swait.ge [sflag:s12], $0x1900  }
0x176: {  	s18 =	sld [smem:$0x7D4]  }
0x177: {  	[sflag:s12] =	ssyncset.done $0x0  }
0x178: {  	[sflag:s12] =	ssyncadd.s32 $0xFFFFE700  }
0x179: {  	[tilespmem:s29], [sflag:$0x4] =	stream.indirect.gather [hbm4b:s5+s26], $0x80, s18, s26, $0xb8;
	[tilespmem:$0x1E000] =	vst v63  }
0x17a: {  	_ =	swait.ge [sflag:s31], $0x1900  }
0x17b: {  	s19 =	sld [smem:$0x7D6]  }
0x17c: {  	[sflag:s31] =	ssyncset.done $0x0  }
0x17d: {  	[sflag:s31] =	ssyncadd.s32 $0xFFFFE700  }
0x17e: {  	[spmem:s2] =	stream.indirect.scatter.add.f32 [tilespmem:s30], [sflag:$0x6], $0x80, s19, s26, $0xb8;
	[tilespmem:$0x1E000] =	vst v63  }
0x17f: {  	_ =	swait.ge [sflag:s23], $0x1900  }
0x180: {  	s20 =	sld [smem:$0x7D7]  }
0x181: {  	[sflag:s23] =	ssyncset.done $0x0  }
0x182: {  	[sflag:s23] =	ssyncadd.s32 $0xFFFFE700  }
0x183: {  	[tilespmem:s28], [sflag:$0x1] =	stream.indirect.gather [hbm4b:s5+s26], $0x80, s20, s26, $0xb8;
	[tilespmem:$0x1E000] =	vst v63  }
0x184: {  	_ =	swait.ge [sflag:s0], $0x1900  }
0x185: {  	s21 =	sld [smem:$0x7D9]  }
0x186: {  	[sflag:s0] =	ssyncset.done $0x0  }
0x187: {  	[sflag:s0] =	ssyncadd.s32 $0xFFFFE700  }
0x188: {  	[spmem:s2] =	stream.indirect.scatter.add.f32 [tilespmem:s1], [sflag:$0x7], $0x80, s21, s26, $0xb8;
	[tilespmem:$0x1E000] =	vst v63  }
0x189: {  	_ =	swait.ge [sflag:s7], $0x1900  }
0x18a: {  	s10 =	sld [smem:$0x7DA]  }
0x18b: {  	[sflag:s7] =	ssyncset.done $0x0  }
0x18c: {  	[sflag:s7] =	ssyncadd.s32 $0xFFFFE700  }
0x18d: {  	[tilespmem:s30], [sflag:$0x2] =	stream.indirect.gather [hbm4b:s5+s26], $0x80, s10, s26, $0xb8;
	[tilespmem:$0x1E000] =	vst v63  }
0x18e: {  	_ =	swait.ge [sflag:s8], $0x1900  }
0x18f: {  	s15 =	sld [smem:$0x7DB]  }
0x190: {  	[sflag:s8] =	ssyncset.done $0x0  }
0x191: {  	[sflag:s8] =	ssyncadd.s32 $0xFFFFE700  }
0x192: {  	[spmem:s2] =	stream.indirect.scatter.add.f32 [tilespmem:s29], [sflag:$0x8], $0x80, s15, s26, $0xb8;
	[tilespmem:$0x1E000] =	vst v63  }
0x193: {  	_ =	swait.ge [sflag:s9], $0x1900  }
0x194: {  	s16 =	sld [smem:$0x7DD]  }
0x195: {  	[sflag:s9] =	ssyncset.done $0x0  }
0x196: {  	[sflag:s9] =	ssyncadd.s32 $0xFFFFE700  }
0x197: {  	[tilespmem:s1], [sflag:$0x3] =	stream.indirect.gather [hbm4b:s5+s26], $0x80, s16, s26, $0xb8;
	[tilespmem:$0x1E000] =	vst v63  }
0x198: {  	_ =	swait.ge [sflag:s11], $0x1900  }
0x199: {  	s17 =	sld [smem:$0x7DF]  }
0x19a: {  	[sflag:s11] =	ssyncset.done $0x0  }
0x19b: {  	[sflag:s11] =	ssyncadd.s32 $0xFFFFE700  }
0x19c: {  	[spmem:s2] =	stream.indirect.scatter.add.f32 [tilespmem:s28], [sflag:$0x5], $0x80, s17, s26, $0xb8;
	[tilespmem:$0x1E000] =	vst v63  }
0x19d: {  	_ =	swait.ge [sflag:s12], $0x1900  }
0x19e: {  	s18 =	sld [smem:$0x7E2]  }
0x19f: {  	[sflag:s12] =	ssyncset.done $0x0  }
0x1a0: {  	[sflag:s12] =	ssyncadd.s32 $0xFFFFE700  }
0x1a1: {  	[tilespmem:s29], [sflag:$0x4] =	stream.indirect.gather [hbm4b:s5+s26], $0x80, s18, s26, $0xb8;
	[tilespmem:$0x1E000] =	vst v63  }
0x1a2: {  	_ =	swait.ge [sflag:s31], $0x1900  }
0x1a3: {  	s19 =	sld [smem:$0x7E4]  }
0x1a4: {  	[sflag:s31] =	ssyncset.done $0x0  }
0x1a5: {  	[sflag:s31] =	ssyncadd.s32 $0xFFFFE700  }
0x1a6: {  	[spmem:s2] =	stream.indirect.scatter.add.f32 [tilespmem:s30], [sflag:$0x6], $0x80, s19, s26, $0xb8;
	[tilespmem:$0x1E000] =	vst v63  }
0x1a7: {  	_ =	swait.ge [sflag:s23], $0x1900  }
0x1a8: {  	s20 =	sld [smem:$0x7E6]  }
0x1a9: {  	[sflag:s23] =	ssyncset.done $0x0  }
0x1aa: {  	[sflag:s23] =	ssyncadd.s32 $0xFFFFE700  }
0x1ab: {  	[tilespmem:s28], [sflag:$0x1] =	stream.indirect.gather [hbm4b:s5+s26], $0x80, s20, s26, $0xb8;
	[tilespmem:$0x1E000] =	vst v63  }
0x1ac: {  	_ =	swait.ge [sflag:s0], $0x1900  }
0x1ad: {  	s21 =	sld [smem:$0x7E8]  }
0x1ae: {  	[sflag:s0] =	ssyncset.done $0x0  }
0x1af: {  	[sflag:s0] =	ssyncadd.s32 $0xFFFFE700  }
0x1b0: {  	[spmem:s2] =	stream.indirect.scatter.add.f32 [tilespmem:s1], [sflag:$0x7], $0x80, s21, s26, $0xb8;
	[tilespmem:$0x1E000] =	vst v63  }
0x1b1: {  	_ =	swait.ge [sflag:s7], $0x1900  }
0x1b2: {  	s10 =	sld [smem:$0x7E9]  }
0x1b3: {  	[sflag:s7] =	ssyncset.done $0x0  }
0x1b4: {  	[sflag:s7] =	ssyncadd.s32 $0xFFFFE700  }
0x1b5: {  	[tilespmem:s30], [sflag:$0x2] =	stream.indirect.gather [hbm4b:s5+s26], $0x80, s10, s26, $0xb8;
	[tilespmem:$0x1E000] =	vst v63  }
0x1b6: {  	_ =	swait.ge [sflag:s8], $0x1900  }
0x1b7: {  	s15 =	sld [smem:$0x7EA]  }
0x1b8: {  	[sflag:s8] =	ssyncset.done $0x0  }
0x1b9: {  	[sflag:s8] =	ssyncadd.s32 $0xFFFFE700  }
0x1ba: {  	[spmem:s2] =	stream.indirect.scatter.add.f32 [tilespmem:s29], [sflag:$0x8], $0x80, s15, s26, $0xb8;
	[tilespmem:$0x1E000] =	vst v63  }
0x1bb: {  	_ =	swait.ge [sflag:s9], $0x1900  }
0x1bc: {  	s16 =	sld [smem:$0x7EB]  }
0x1bd: {  	[sflag:s9] =	ssyncset.done $0x0  }
0x1be: {  	[sflag:s9] =	ssyncadd.s32 $0xFFFFE700  }
0x1bf: {  	[tilespmem:s1], [sflag:$0x3] =	stream.indirect.gather [hbm4b:s5+s26], $0x80, s16, s26, $0xb8;
	[tilespmem:$0x1E000] =	vst v63  }
0x1c0: {  	_ =	swait.ge [sflag:s11], $0x1900  }
0x1c1: {  	s17 =	sld [smem:$0x7EC]  }
0x1c2: {  	[sflag:s11] =	ssyncset.done $0x0  }
0x1c3: {  	[sflag:s11] =	ssyncadd.s32 $0xFFFFE700  }
0x1c4: {  	[spmem:s2] =	stream.indirect.scatter.add.f32 [tilespmem:s28], [sflag:$0x5], $0x80, s17, s26, $0xb8;
	[tilespmem:$0x1E000] =	vst v63  }
0x1c5: {  	_ =	swait.ge [sflag:s12], $0x1900  }
0x1c6: {  	s18 =	sld [smem:$0x7ED]  }
0x1c7: {  	[sflag:s12] =	ssyncset.done $0x0  }
0x1c8: {  	[sflag:s12] =	ssyncadd.s32 $0xFFFFE700  }
0x1c9: {  	[tilespmem:s29], [sflag:$0x4] =	stream.indirect.gather [hbm4b:s5+s26], $0x80, s18, s26, $0xb8;
	[tilespmem:$0x1E000] =	vst v63  }
0x1ca: {  	_ =	swait.ge [sflag:s31], $0x1900  }
0x1cb: {  	s19 =	sld [smem:$0x7EF]  }
0x1cc: {  	[sflag:s31] =	ssyncset.done $0x0  }
0x1cd: {  	[sflag:s31] =	ssyncadd.s32 $0xFFFFE700  }
0x1ce: {  	[spmem:s2] =	stream.indirect.scatter.add.f32 [tilespmem:s30], [sflag:$0x6], $0x80, s19, s26, $0xb8;
	[tilespmem:$0x1E000] =	vst v63  }
0x1cf: {  	_ =	swait.ge [sflag:s23], $0x1900  }
0x1d0: {  	s20 =	sld [smem:$0x7F1]  }
0x1d1: {  	[sflag:s23] =	ssyncset.done $0x0  }
0x1d2: {  	[sflag:s23] =	ssyncadd.s32 $0xFFFFE700  }
0x1d3: {  	[tilespmem:s28], [sflag:$0x1] =	stream.indirect.gather [hbm4b:s5+s26], $0x80, s20, s26, $0xb8;
	[tilespmem:$0x1E000] =	vst v63  }
0x1d4: {  	_ =	swait.ge [sflag:s0], $0x1900  }
0x1d5: {  	s21 =	sld [smem:$0x7F2]  }
0x1d6: {  	[sflag:s0] =	ssyncset.done $0x0  }
0x1d7: {  	[sflag:s0] =	ssyncadd.s32 $0xFFFFE700  }
0x1d8: {  	[spmem:s2] =	stream.indirect.scatter.add.f32 [tilespmem:s1], [sflag:$0x7], $0x80, s21, s26, $0xb8;
	[tilespmem:$0x1E000] =	vst v63  }
0x1d9: {  	_ =	swait.ge [sflag:s7], $0x1900  }
0x1da: {  	s10 =	sld [smem:$0x7F4]  }
0x1db: {  	[sflag:s7] =	ssyncset.done $0x0  }
0x1dc: {  	[sflag:s7] =	ssyncadd.s32 $0xFFFFE700  }
0x1dd: {  	[tilespmem:s30], [sflag:$0x2] =	stream.indirect.gather [hbm4b:s5+s26], $0x80, s10, s26, $0xb8;
	[tilespmem:$0x1E000] =	vst v63  }
0x1de: {  	_ =	swait.ge [sflag:s8], $0x1900  }
0x1df: {  	s15 =	sld [smem:$0x7F5]  }
0x1e0: {  	[sflag:s8] =	ssyncset.done $0x0  }
0x1e1: {  	[sflag:s8] =	ssyncadd.s32 $0xFFFFE700  }
0x1e2: {  	[spmem:s2] =	stream.indirect.scatter.add.f32 [tilespmem:s29], [sflag:$0x8], $0x80, s15, s26, $0xb8;
	[tilespmem:$0x1E000] =	vst v63  }
0x1e3: {  	_ =	swait.ge [sflag:s9], $0x1900  }
0x1e4: {  	s16 =	sld [smem:$0x7F7]  }
0x1e5: {  	[sflag:s9] =	ssyncset.done $0x0  }
0x1e6: {  	[sflag:s9] =	ssyncadd.s32 $0xFFFFE700  }
0x1e7: {  	[tilespmem:s1], [sflag:$0x3] =	stream.indirect.gather [hbm4b:s5+s26], $0x80, s16, s26, $0xb8;
	[tilespmem:$0x1E000] =	vst v63  }
0x1e8: {  	_ =	swait.ge [sflag:s11], $0x1900  }
0x1e9: {  	s17 =	sld [smem:$0x7FA]  }
0x1ea: {  	[sflag:s11] =	ssyncset.done $0x0  }
0x1eb: {  	[sflag:s11] =	ssyncadd.s32 $0xFFFFE700  }
0x1ec: {  	[spmem:s2] =	stream.indirect.scatter.add.f32 [tilespmem:s28], [sflag:$0x5], $0x80, s17, s26, $0xb8;
	[tilespmem:$0x1E000] =	vst v63  }
0x1ed: {  	_ =	swait.ge [sflag:s12], $0x1900  }
0x1ee: {  	s18 =	sld [smem:$0x7FB]  }
0x1ef: {  	[sflag:s12] =	ssyncset.done $0x0  }
0x1f0: {  	s10 =	simm.s32 @!p3 $0x9;
	[sflag:s12] =	ssyncadd.s32 $0xFFFFE700  }
0x1f1: {  	[tilespmem:s29], [sflag:$0x4] =	stream.indirect.gather [hbm4b:s5+s26], $0x80, s18, s26, $0xb8;
	[tilespmem:$0x1E000] =	vst v63  }
0x1f2: {  	_ =	swait.ge @!p3 [sflag:s10], $0xA00  }
0x1f3: {  	[sflag:s10] =	ssyncset.done @!p3 $0x0  }
0x1f4: {  	[sflag:s10] =	ssyncadd.s32 @!p3 $0xFFFFF600  }
0x1f5: {  	_ =	swait.ge @!p3 [sflag:s10], $0xA00  }
0x1f6: {  	[sflag:s10] =	ssyncset.done @!p3 $0x0  }
0x1f7: {  	[sflag:s10] =	ssyncadd.s32 @!p3 $0xFFFFF600  }
0x1f8: {  	_ =	swait.ge [sflag:s31], $0x1900  }
0x1f9: {  	s19 =	sld [smem:$0x7FC]  }
0x1fa: {  	p4 =	por $0x0, $0x0;
	[sflag:s31] =	ssyncset.done $0x0  }
0x1fb: {  	s10 =	simm.s32 @p4 $0x3;
	[sflag:s31] =	ssyncadd.s32 $0xFFFFE700  }
0x1fc: {  	[spmem:s2] =	stream.indirect.scatter.add.f32 [tilespmem:s30], [sflag:$0x6], $0x80, s19, s26, $0xb8;
	[tilespmem:$0x1E000] =	vst v63  }
0x1fd: {  	_ =	swait.ge @p4 [sflag:s10], $0x1900  }
0x1fe: {  	s6 =	simm.s32 @p4 $0x6800;
	s15 =	simm.s32 @p4 $0x32;
	[sflag:s10] =	ssyncset.done @p4 $0x0  }
0x1ff: {  	s16 =	simm.s32 @p4 $0x2D00;
	[sflag:s10] =	ssyncadd.s32 @p4 $0xFFFFE700;
	s10 =	simm.s32 @!p4 $0x5  }
0x200: {  	[spmem:s2] =	stream.indirect.scatter.add.f32 @p4 [tilespmem:s6], [sflag:$0x7], $0x80, s16, s15, $0xb8;
	[tilespmem:$0x1E000] =	vst v63  }
0x201: {  	_ =	swait.ge @!p4 [sflag:s10], $0x1900  }
0x202: {  	s21 =	simm.s32 @!p4 $0x32;
	s6 =	simm.s32 @!p4 $0x3000;
	[sflag:s10] =	ssyncset.done @!p4 $0x0  }
0x203: {  	s15 =	simm.s32 @!p4 $0x0;
	s16 =	simm.s32 @!p4 $0x3;
	[sflag:s10] =	ssyncadd.s32 @!p4 $0xFFFFE700  }
0x204: {  	[tilespmem:s6], [sflag:$0x1] =	stream.indirect.gather @!p4 [hbm4b:s5+s21], $0x80, s15, s21, $0xb8;
	[tilespmem:$0x1E000] =	vst v63  }
0x205: {  	_ =	swait.ge @!p4 [sflag:s16], $0x1900  }
0x206: {  	s10 =	simm.s32 @!p4 $0x6800;
	[sflag:s16] =	ssyncset.done @!p4 $0x0  }
0x207: {  	s6 =	simm.s32 @!p4 $0x2D00;
	s15 =	simm.s32 @!p4 $0x6;
	[sflag:s16] =	ssyncadd.s32 @!p4 $0xFFFFE700  }
0x208: {  	[spmem:s2] =	stream.indirect.scatter.add.f32 @!p4 [tilespmem:s10], [sflag:$0x7], $0x80, s6, s21, $0xb8;
	[tilespmem:$0x1E000] =	vst v63  }
0x209: {  	_ =	swait.ge @!p4 [sflag:s15], $0x1900  }
0x20a: {  	[sflag:s15] =	ssyncset.done @!p4 $0x0  }
0x20b: {  	s16 =	simm.s32 @!p4 $0x4C00;
	s6 =	simm.s32 @!p4 $0x80;
	[sflag:s15] =	ssyncadd.s32 @!p4 $0xFFFFE700  }
0x20c: {  	[tilespmem:s16], [sflag:$0x2] =	stream.indirect.gather @!p4 [hbm4b:s5+s21], $0x80, s6, s21, $0xb8;
	[tilespmem:$0x1E000] =	vst v63  }
0x20d: {  	_ =	swait.ge [sflag:s8], $0x1900  }
0x20e: {  	p5 =	por $0x0, $0x0;
	s20 =	sld [smem:$0x7FD]  }
0x20f: {  	s17 =	simm.s32 $0x300;
	s18 =	sadd.s32 $0x1800, s3;
	[sflag:s8] =	ssyncset.done $0x0  }
0x210: {  	s19 =	simm.s32 $0x600;
	s16 =	simm.s32 @!p4 $0x7;
	[sflag:s8] =	ssyncadd.s32 $0xFFFFE700  }
0x211: {  	[spmem:s2] =	stream.indirect.scatter.add.f32 [tilespmem:s29], [sflag:$0x8], $0x80, s20, s26, $0xb8;
	[tilespmem:$0x1E000] =	vst v63  }
0x212: {  	s15 =	simm.s32 $0x3;
	s6 =	simm.s32 @!p4 $0x100;
	_ =	swait.ge @!p4 [sflag:s16], $0x1900  }
.LBB2_2:
0x213: {  	[sflag:s16] =	ssyncset.done @!p4 $0x0  }
0x214: {  	s3 =	simm.s32 @p5 $0x1;
	[sflag:s16] =	ssyncadd.s32 @!p4 $0xFFFFE700  }
0x215: {  	[tilespmem:s10], [sflag:$0x3] =	stream.indirect.gather @!p4 [hbm4b:s5+s21], $0x80, s6, s21, $0xb8;
	[tilespmem:$0x1E000] =	vst v63  }
0x216: {  	s6 =	simm.s32 @p5 $0x1800;
	_ =	swait.ge @p5 [sflag:s3], $0x1900  }
0x217: {  	s10 =	simm.s32 @p5 $0x32;
	[sflag:s3] =	ssyncset.done @p5 $0x0;
	s16 =	rddreg [dreg:$0x5]  }
0x218: {  	s21 =	rddreg [dreg:$0x4];
	[sflag:s3] =	ssyncadd.s32 @p5 $0xFFFFE700;
	s3 =	simm.s32 @p5 $0x3000  }
0x219: {  	[spmem:s2] =	stream.indirect.scatter.add.f32 @p5 [tilespmem:s3], [sflag:$0x5], $0x80, s6, s10, $0xb8;
	[tilespmem:$0x1E000] =	vst v63  }
0x21a: {  	s3 =	sadd.s32 @!p5 s17, s16;
	s6 =	simm.s32 @!p5 $0x0;
	s10 =	simm.s32 @!p5 $0xC00  }
0x21b: {  	[tilespmem:s10], [sflag:$0x9] =	stream.linear.gather @!p5 [hbm4b:s3+s6], $0xA00, $0x38;
	[tilespmem:$0x1E000] =	vst v63  }
0x21c: {  	s16 =	simm.s32 @!p5 $0x1;
	s3 =	sadd.s32 @!p5 s17, s21;
	s10 =	simm.s32 @!p5 $0x2400  }
0x21d: {  	[tilespmem:s10], [sflag:$0x9] =	stream.linear.gather @!p5 [hbm4b:s3+s6], $0xA00, $0x38;
	[tilespmem:$0x1E000] =	vst v63  }
0x21e: {  	_ =	swait.ge @!p5 [sflag:s16], $0x1900  }
0x21f: {  	s21 =	simm.s32 @!p5 $0x1800;
	s3 =	simm.s32 @!p5 $0x3000;
	[sflag:s16] =	ssyncset.done @!p5 $0x0  }
0x220: {  	s6 =	simm.s32 @!p5 $0x8;
	s10 =	simm.s32 @!p5 $0x32;
	[sflag:s16] =	ssyncadd.s32 @!p5 $0xFFFFE700  }
0x221: {  	[spmem:s2] =	stream.indirect.scatter.add.f32 @!p5 [tilespmem:s3], [sflag:$0x5], $0x80, s21, s10, $0xb8;
	[tilespmem:$0x1E000] =	vst v63  }
0x222: {  	_ =	swait.ge @!p5 [sflag:s6], $0x1900  }
0x223: {  	[sflag:s6] =	ssyncset.done @!p5 $0x0  }
0x224: {  	s16 =	simm.s32 @!p5 $0x8400;
	s3 =	simm.s32 @!p5 $0x180;
	[sflag:s6] =	ssyncadd.s32 @!p5 $0xFFFFE700  }
0x225: {  	[tilespmem:s16], [sflag:$0x4] =	stream.indirect.gather @!p5 [hbm4b:s5+s10], $0x80, s3, s10, $0xb8;
	[tilespmem:$0x1E000] =	vst v63  }
0x226: {  	_ =	swait.ge [sflag:s31], $0x1900  }
0x227: {  	[sflag:s31] =	ssyncset.done $0x0  }
0x228: {  	s21 =	rddreg [dreg:$0x6];
	[sflag:s31] =	ssyncadd.s32 $0xFFFFE700  }
0x229: {  	[spmem:s2] =	stream.indirect.scatter.add.f32 [tilespmem:s30], [sflag:$0x6], $0x80, s21, s26, $0xb8;
	[tilespmem:$0x1E000] =	vst v63  }
0x22a: {  	_ =	swait.ge [sflag:s23], $0x1900  }
0x22b: {  	[sflag:s23] =	ssyncset.done $0x0  }
0x22c: {  	s6 =	rddreg [dreg:$0x7];
	[sflag:s23] =	ssyncadd.s32 $0xFFFFE700  }
0x22d: {  	[tilespmem:s28], [sflag:$0x1] =	stream.indirect.gather [hbm4b:s5+s26], $0x80, s6, s26, $0xb8;
	[tilespmem:$0x1E000] =	vst v63  }
0x22e: {  	_ =	swait.ge [sflag:s0], $0x1900  }
0x22f: {  	[sflag:s0] =	ssyncset.done $0x0  }
0x230: {  	s10 =	rddreg [dreg:$0x8];
	[sflag:s0] =	ssyncadd.s32 $0xFFFFE700  }
0x231: {  	[spmem:s2] =	stream.indirect.scatter.add.f32 [tilespmem:s1], [sflag:$0x7], $0x80, s10, s26, $0xb8;
	[tilespmem:$0x1E000] =	vst v63  }
0x232: {  	_ =	swait.ge [sflag:s7], $0x1900  }
0x233: {  	[sflag:s7] =	ssyncset.done $0x0  }
0x234: {  	s16 =	rddreg [dreg:$0x9];
	[sflag:s7] =	ssyncadd.s32 $0xFFFFE700  }
0x235: {  	[tilespmem:s30], [sflag:$0x2] =	stream.indirect.gather [hbm4b:s5+s26], $0x80, s16, s26, $0xb8;
	[tilespmem:$0x1E000] =	vst v63  }
0x236: {  	_ =	swait.ge [sflag:s8], $0x1900  }
0x237: {  	[sflag:s8] =	ssyncset.done $0x0  }
0x238: {  	s21 =	rddreg [dreg:$0xa];
	[sflag:s8] =	ssyncadd.s32 $0xFFFFE700  }
0x239: {  	[spmem:s2] =	stream.indirect.scatter.add.f32 [tilespmem:s29], [sflag:$0x8], $0x80, s21, s26, $0xb8;
	[tilespmem:$0x1E000] =	vst v63  }
0x23a: {  	_ =	swait.ge [sflag:s9], $0x1900  }
0x23b: {  	[sflag:s9] =	ssyncset.done $0x0  }
0x23c: {  	s6 =	rddreg [dreg:$0xb];
	[sflag:s9] =	ssyncadd.s32 $0xFFFFE700  }
0x23d: {  	[tilespmem:s1], [sflag:$0x3] =	stream.indirect.gather [hbm4b:s5+s26], $0x80, s6, s26, $0xb8;
	[tilespmem:$0x1E000] =	vst v63  }
0x23e: {  	_ =	swait.ge [sflag:s11], $0x1900  }
0x23f: {  	[sflag:s11] =	ssyncset.done $0x0  }
0x240: {  	s10 =	rddreg [dreg:$0xc];
	[sflag:s11] =	ssyncadd.s32 $0xFFFFE700  }
0x241: {  	[spmem:s2] =	stream.indirect.scatter.add.f32 [tilespmem:s28], [sflag:$0x5], $0x80, s10, s26, $0xb8;
	[tilespmem:$0x1E000] =	vst v63  }
0x242: {  	_ =	swait.ge [sflag:s12], $0x1900  }
0x243: {  	[sflag:s12] =	ssyncset.done $0x0  }
0x244: {  	s16 =	rddreg [dreg:$0xd];
	[sflag:s12] =	ssyncadd.s32 $0xFFFFE700  }
0x245: {  	[tilespmem:s29], [sflag:$0x4] =	stream.indirect.gather [hbm4b:s5+s26], $0x80, s16, s26, $0xb8;
	[tilespmem:$0x1E000] =	vst v63  }
0x246: {  	_ =	swait.ge [sflag:s31], $0x1900  }
0x247: {  	[sflag:s31] =	ssyncset.done $0x0  }
0x248: {  	s21 =	rddreg [dreg:$0xe];
	[sflag:s31] =	ssyncadd.s32 $0xFFFFE700  }
0x249: {  	[spmem:s2] =	stream.indirect.scatter.add.f32 [tilespmem:s30], [sflag:$0x6], $0x80, s21, s26, $0xb8;
	[tilespmem:$0x1E000] =	vst v63  }
0x24a: {  	_ =	swait.ge [sflag:s23], $0x1900  }
0x24b: {  	[sflag:s23] =	ssyncset.done $0x0  }
0x24c: {  	s6 =	rddreg [dreg:$0xf];
	[sflag:s23] =	ssyncadd.s32 $0xFFFFE700  }
0x24d: {  	[tilespmem:s28], [sflag:$0x1] =	stream.indirect.gather [hbm4b:s5+s26], $0x80, s6, s26, $0xb8;
	[tilespmem:$0x1E000] =	vst v63  }
0x24e: {  	_ =	swait.ge [sflag:s0], $0x1900  }
0x24f: {  	[sflag:s0] =	ssyncset.done $0x0  }
0x250: {  	s10 =	rddreg [dreg:$0x10];
	[sflag:s0] =	ssyncadd.s32 $0xFFFFE700  }
0x251: {  	[spmem:s2] =	stream.indirect.scatter.add.f32 [tilespmem:s1], [sflag:$0x7], $0x80, s10, s26, $0xb8;
	[tilespmem:$0x1E000] =	vst v63  }
0x252: {  	_ =	swait.ge [sflag:s7], $0x1900  }
0x253: {  	[sflag:s7] =	ssyncset.done $0x0  }
0x254: {  	s16 =	rddreg [dreg:$0x11];
	[sflag:s7] =	ssyncadd.s32 $0xFFFFE700  }
0x255: {  	[tilespmem:s30], [sflag:$0x2] =	stream.indirect.gather [hbm4b:s5+s26], $0x80, s16, s26, $0xb8;
	[tilespmem:$0x1E000] =	vst v63  }
0x256: {  	_ =	swait.ge [sflag:s8], $0x1900  }
0x257: {  	[sflag:s8] =	ssyncset.done $0x0  }
0x258: {  	s21 =	rddreg [dreg:$0x12];
	[sflag:s8] =	ssyncadd.s32 $0xFFFFE700  }
0x259: {  	[spmem:s2] =	stream.indirect.scatter.add.f32 [tilespmem:s29], [sflag:$0x8], $0x80, s21, s26, $0xb8;
	[tilespmem:$0x1E000] =	vst v63  }
0x25a: {  	_ =	swait.ge [sflag:s9], $0x1900  }
0x25b: {  	[sflag:s9] =	ssyncset.done $0x0  }
0x25c: {  	s6 =	rddreg [dreg:$0x13];
	[sflag:s9] =	ssyncadd.s32 $0xFFFFE700  }
0x25d: {  	[tilespmem:s1], [sflag:$0x3] =	stream.indirect.gather [hbm4b:s5+s26], $0x80, s6, s26, $0xb8;
	[tilespmem:$0x1E000] =	vst v63  }
0x25e: {  	_ =	swait.ge [sflag:s11], $0x1900  }
0x25f: {  	[sflag:s11] =	ssyncset.done $0x0  }
0x260: {  	s10 =	rddreg [dreg:$0x14];
	[sflag:s11] =	ssyncadd.s32 $0xFFFFE700  }
0x261: {  	[spmem:s2] =	stream.indirect.scatter.add.f32 [tilespmem:s28], [sflag:$0x5], $0x80, s10, s26, $0xb8;
	[tilespmem:$0x1E000] =	vst v63  }
0x262: {  	_ =	swait.ge [sflag:s12], $0x1900  }
0x263: {  	[sflag:s12] =	ssyncset.done $0x0  }
0x264: {  	s16 =	rddreg [dreg:$0x15];
	[sflag:s12] =	ssyncadd.s32 $0xFFFFE700  }
0x265: {  	[tilespmem:s29], [sflag:$0x4] =	stream.indirect.gather [hbm4b:s5+s26], $0x80, s16, s26, $0xb8;
	[tilespmem:$0x1E000] =	vst v63  }
0x266: {  	_ =	swait.ge [sflag:s31], $0x1900  }
0x267: {  	[sflag:s31] =	ssyncset.done $0x0  }
0x268: {  	s21 =	rddreg [dreg:$0x16];
	[sflag:s31] =	ssyncadd.s32 $0xFFFFE700  }
0x269: {  	[spmem:s2] =	stream.indirect.scatter.add.f32 [tilespmem:s30], [sflag:$0x6], $0x80, s21, s26, $0xb8;
	[tilespmem:$0x1E000] =	vst v63  }
0x26a: {  	_ =	swait.ge [sflag:s23], $0x1900  }
0x26b: {  	[sflag:s23] =	ssyncset.done $0x0  }
0x26c: {  	s6 =	rddreg [dreg:$0x17];
	[sflag:s23] =	ssyncadd.s32 $0xFFFFE700  }
0x26d: {  	[tilespmem:s28], [sflag:$0x1] =	stream.indirect.gather [hbm4b:s5+s26], $0x80, s6, s26, $0xb8;
	[tilespmem:$0x1E000] =	vst v63  }
0x26e: {  	_ =	swait.ge [sflag:s0], $0x1900  }
0x26f: {  	[sflag:s0] =	ssyncset.done $0x0  }
0x270: {  	s10 =	rddreg [dreg:$0x18];
	[sflag:s0] =	ssyncadd.s32 $0xFFFFE700  }
0x271: {  	[spmem:s2] =	stream.indirect.scatter.add.f32 [tilespmem:s1], [sflag:$0x7], $0x80, s10, s26, $0xb8;
	[tilespmem:$0x1E000] =	vst v63  }
0x272: {  	_ =	swait.ge [sflag:s7], $0x1900  }
0x273: {  	[sflag:s7] =	ssyncset.done $0x0  }
0x274: {  	s16 =	rddreg [dreg:$0x19];
	[sflag:s7] =	ssyncadd.s32 $0xFFFFE700  }
0x275: {  	[tilespmem:s30], [sflag:$0x2] =	stream.indirect.gather [hbm4b:s5+s26], $0x80, s16, s26, $0xb8;
	[tilespmem:$0x1E000] =	vst v63  }
0x276: {  	_ =	swait.ge [sflag:s8], $0x1900  }
0x277: {  	[sflag:s8] =	ssyncset.done $0x0  }
0x278: {  	s21 =	rddreg [dreg:$0x1a];
	[sflag:s8] =	ssyncadd.s32 $0xFFFFE700  }
0x279: {  	[spmem:s2] =	stream.indirect.scatter.add.f32 [tilespmem:s29], [sflag:$0x8], $0x80, s21, s26, $0xb8;
	[tilespmem:$0x1E000] =	vst v63  }
0x27a: {  	_ =	swait.ge [sflag:s9], $0x1900  }
0x27b: {  	[sflag:s9] =	ssyncset.done $0x0  }
0x27c: {  	s6 =	rddreg [dreg:$0x1b];
	[sflag:s9] =	ssyncadd.s32 $0xFFFFE700  }
0x27d: {  	[tilespmem:s1], [sflag:$0x3] =	stream.indirect.gather [hbm4b:s5+s26], $0x80, s6, s26, $0xb8;
	[tilespmem:$0x1E000] =	vst v63  }
0x27e: {  	_ =	swait.ge [sflag:s11], $0x1900  }
0x27f: {  	[sflag:s11] =	ssyncset.done $0x0  }
0x280: {  	s10 =	rddreg [dreg:$0x1c];
	[sflag:s11] =	ssyncadd.s32 $0xFFFFE700  }
0x281: {  	[spmem:s2] =	stream.indirect.scatter.add.f32 [tilespmem:s28], [sflag:$0x5], $0x80, s10, s26, $0xb8;
	[tilespmem:$0x1E000] =	vst v63  }
0x282: {  	_ =	swait.ge [sflag:s12], $0x1900  }
0x283: {  	[sflag:s12] =	ssyncset.done $0x0  }
0x284: {  	s16 =	rddreg [dreg:$0x1d];
	[sflag:s12] =	ssyncadd.s32 $0xFFFFE700  }
0x285: {  	[tilespmem:s29], [sflag:$0x4] =	stream.indirect.gather [hbm4b:s5+s26], $0x80, s16, s26, $0xb8;
	[tilespmem:$0x1E000] =	vst v63  }
0x286: {  	_ =	swait.ge [sflag:s31], $0x1900  }
0x287: {  	[sflag:s31] =	ssyncset.done $0x0  }
0x288: {  	s21 =	rddreg [dreg:$0x1e];
	[sflag:s31] =	ssyncadd.s32 $0xFFFFE700  }
0x289: {  	[spmem:s2] =	stream.indirect.scatter.add.f32 [tilespmem:s30], [sflag:$0x6], $0x80, s21, s26, $0xb8;
	[tilespmem:$0x1E000] =	vst v63  }
0x28a: {  	_ =	swait.ge [sflag:s23], $0x1900  }
0x28b: {  	[sflag:s23] =	ssyncset.done $0x0  }
0x28c: {  	s6 =	rddreg [dreg:$0x1f];
	[sflag:s23] =	ssyncadd.s32 $0xFFFFE700  }
0x28d: {  	[tilespmem:s28], [sflag:$0x1] =	stream.indirect.gather [hbm4b:s5+s26], $0x80, s6, s26, $0xb8;
	[tilespmem:$0x1E000] =	vst v63  }
0x28e: {  	_ =	swait.ge [sflag:s0], $0x1900  }
0x28f: {  	s10 =	sld [smem:$0x7C0]  }
0x290: {  	[sflag:s0] =	ssyncset.done $0x0  }
0x291: {  	[sflag:s0] =	ssyncadd.s32 $0xFFFFE700  }
0x292: {  	[spmem:s2] =	stream.indirect.scatter.add.f32 [tilespmem:s1], [sflag:$0x7], $0x80, s10, s26, $0xb8;
	[tilespmem:$0x1E000] =	vst v63  }
0x293: {  	_ =	swait.ge [sflag:s7], $0x1900  }
0x294: {  	s16 =	sld [smem:$0x7C1]  }
0x295: {  	[sflag:s7] =	ssyncset.done $0x0  }
0x296: {  	[sflag:s7] =	ssyncadd.s32 $0xFFFFE700  }
0x297: {  	[tilespmem:s30], [sflag:$0x2] =	stream.indirect.gather [hbm4b:s5+s26], $0x80, s16, s26, $0xb8;
	[tilespmem:$0x1E000] =	vst v63  }
0x298: {  	_ =	swait.ge [sflag:s8], $0x1900  }
0x299: {  	s21 =	sld [smem:$0x7C2]  }
0x29a: {  	[sflag:s8] =	ssyncset.done $0x0  }
0x29b: {  	[sflag:s8] =	ssyncadd.s32 $0xFFFFE700  }
0x29c: {  	[spmem:s2] =	stream.indirect.scatter.add.f32 [tilespmem:s29], [sflag:$0x8], $0x80, s21, s26, $0xb8;
	[tilespmem:$0x1E000] =	vst v63  }
0x29d: {  	_ =	swait.ge [sflag:s9], $0x1900  }
0x29e: {  	s6 =	sld [smem:$0x7C3]  }
0x29f: {  	[sflag:s9] =	ssyncset.done $0x0  }
0x2a0: {  	[sflag:s9] =	ssyncadd.s32 $0xFFFFE700  }
0x2a1: {  	[tilespmem:s1], [sflag:$0x3] =	stream.indirect.gather [hbm4b:s5+s26], $0x80, s6, s26, $0xb8;
	[tilespmem:$0x1E000] =	vst v63  }
0x2a2: {  	_ =	swait.ge [sflag:s11], $0x1900  }
0x2a3: {  	s10 =	sld [smem:$0x7C4]  }
0x2a4: {  	[sflag:s11] =	ssyncset.done $0x0  }
0x2a5: {  	[sflag:s11] =	ssyncadd.s32 $0xFFFFE700  }
0x2a6: {  	[spmem:s2] =	stream.indirect.scatter.add.f32 [tilespmem:s28], [sflag:$0x5], $0x80, s10, s26, $0xb8;
	[tilespmem:$0x1E000] =	vst v63  }
0x2a7: {  	_ =	swait.ge [sflag:s12], $0x1900  }
0x2a8: {  	s16 =	sld [smem:$0x7C5]  }
0x2a9: {  	[sflag:s12] =	ssyncset.done $0x0  }
0x2aa: {  	[sflag:s12] =	ssyncadd.s32 $0xFFFFE700  }
0x2ab: {  	[tilespmem:s29], [sflag:$0x4] =	stream.indirect.gather [hbm4b:s5+s26], $0x80, s16, s26, $0xb8;
	[tilespmem:$0x1E000] =	vst v63  }
0x2ac: {  	_ =	swait.ge [sflag:s13], $0xA00  }
0x2ad: {  	[sflag:s13] =	ssyncset.done $0x0  }
0x2ae: {  	[sflag:s13] =	ssyncadd.s32 $0xFFFFF600  }
0x2af: {  	_ =	swait.ge [sflag:s13], $0xA00  }
0x2b0: {  	[sflag:s13] =	ssyncset.done $0x0  }
0x2b1: {  	[sflag:s13] =	ssyncadd.s32 $0xFFFFF600  }
0x2b2: {  	_ =	swait.ge [sflag:s31], $0x1900  }
0x2b3: {  	s21 =	sld [smem:$0x7C6]  }
0x2b4: {  	[sflag:s31] =	ssyncset.done $0x0  }
0x2b5: {  	[sflag:s31] =	ssyncadd.s32 $0xFFFFE700  }
0x2b6: {  	[spmem:s2] =	stream.indirect.scatter.add.f32 [tilespmem:s30], [sflag:$0x6], $0x80, s21, s26, $0xb8;
	[tilespmem:$0x1E000] =	vst v63  }
0x2b7: {  	_ =	swait.ge [sflag:s23], $0x1900  }
0x2b8: {  	[sflag:s23] =	ssyncset.done $0x0  }
0x2b9: {  	[sflag:s23] =	ssyncadd.s32 $0xFFFFE700  }
0x2ba: {  	[tilespmem:s28], [sflag:$0x1] =	stream.indirect.gather [hbm4b:s5+s26], $0x80, s24, s26, $0xb8;
	[tilespmem:$0x1E000] =	vst v63  }
0x2bb: {  	_ =	swait.ge [sflag:s0], $0x1900  }
0x2bc: {  	s6 =	sld [smem:$0x7C7]  }
0x2bd: {  	[sflag:s0] =	ssyncset.done $0x0  }
0x2be: {  	[sflag:s0] =	ssyncadd.s32 $0xFFFFE700  }
0x2bf: {  	[spmem:s2] =	stream.indirect.scatter.add.f32 [tilespmem:s1], [sflag:$0x7], $0x80, s6, s26, $0xb8;
	[tilespmem:$0x1E000] =	vst v63  }
0x2c0: {  	_ =	swait.ge [sflag:s7], $0x1900  }
0x2c1: {  	s10 =	sld [smem:$0x7C8]  }
0x2c2: {  	[sflag:s7] =	ssyncset.done $0x0  }
0x2c3: {  	[sflag:s7] =	ssyncadd.s32 $0xFFFFE700  }
0x2c4: {  	[tilespmem:s30], [sflag:$0x2] =	stream.indirect.gather [hbm4b:s5+s26], $0x80, s10, s26, $0xb8;
	[tilespmem:$0x1E000] =	vst v63  }
0x2c5: {  	_ =	swait.ge [sflag:s8], $0x1900  }
0x2c6: {  	s16 =	sld [smem:$0x7C9]  }
0x2c7: {  	[sflag:s8] =	ssyncset.done $0x0  }
0x2c8: {  	[sflag:s8] =	ssyncadd.s32 $0xFFFFE700  }
0x2c9: {  	[spmem:s2] =	stream.indirect.scatter.add.f32 [tilespmem:s29], [sflag:$0x8], $0x80, s16, s26, $0xb8;
	[tilespmem:$0x1E000] =	vst v63  }
0x2ca: {  	_ =	swait.ge [sflag:s9], $0x1900  }
0x2cb: {  	s21 =	sld [smem:$0x7CA]  }
0x2cc: {  	p4 =	seq.s32 s17, $0xC00;
	[sflag:s9] =	ssyncset.done $0x0  }
0x2cd: {  	s10 =	sshrl.u32 @!p4 s18, $0x3;
	[sflag:s9] =	ssyncadd.s32 $0xFFFFE700  }
0x2ce: {  	[tilespmem:s1], [sflag:$0x3] =	stream.indirect.gather [hbm4b:s5+s26], $0x80, s21, s26, $0xb8;
	[tilespmem:$0x1E000] =	vst v63  }
0x2cf: {  	s3 =	sadd.s32 @!p4 s4, s10;
	s16 =	simm.s32 @!p4 $0x0;
	s6 =	rddreg [dreg:$0x3]  }
0x2d0: {  	[tilespmem:s16], [sflag:$0x9] =	stream.linear.gather @!p4 [hbm4b:s3+s16], $0xA00, $0x38;
	[tilespmem:$0x1E000] =	vst v63  }
0x2d1: {  	s10 =	simm.s32 @!p4 $0x1800;
	s6 =	sadd.s32 @!p4 s17, s6  }
0x2d2: {  	[tilespmem:s10], [sflag:$0x9] =	stream.linear.gather @!p4 [hbm4b:s6+s16], $0xA00, $0x38;
	[tilespmem:$0x1E000] =	vst v63  }
0x2d3: {  	_ =	swait.ge [sflag:s11], $0x1900  }
0x2d4: {  	[sflag:s11] =	ssyncset.done $0x0  }
0x2d5: {  	[sflag:s11] =	ssyncadd.s32 $0xFFFFE700  }
0x2d6: {  	[spmem:s2] =	stream.indirect.scatter.add.f32 [tilespmem:s28], [sflag:$0x5], $0x80, s25, s26, $0xb8;
	[tilespmem:$0x1E000] =	vst v63  }
0x2d7: {  	_ =	swait.ge [sflag:s12], $0x1900  }
0x2d8: {  	s21 =	sld [smem:$0x7CB]  }
0x2d9: {  	[sflag:s12] =	ssyncset.done $0x0  }
0x2da: {  	[sflag:s12] =	ssyncadd.s32 $0xFFFFE700  }
0x2db: {  	[tilespmem:s29], [sflag:$0x4] =	stream.indirect.gather [hbm4b:s5+s26], $0x80, s21, s26, $0xb8;
	[tilespmem:$0x1E000] =	vst v63  }
0x2dc: {  	_ =	swait.ge [sflag:s31], $0x1900  }
0x2dd: {  	s6 =	sld [smem:$0x7CC]  }
0x2de: {  	[sflag:s31] =	ssyncset.done $0x0  }
0x2df: {  	[sflag:s31] =	ssyncadd.s32 $0xFFFFE700  }
0x2e0: {  	[spmem:s2] =	stream.indirect.scatter.add.f32 [tilespmem:s30], [sflag:$0x6], $0x80, s6, s26, $0xb8;
	[tilespmem:$0x1E000] =	vst v63  }
0x2e1: {  	_ =	swait.ge [sflag:s23], $0x1900  }
0x2e2: {  	s10 =	sld [smem:$0x7CD]  }
0x2e3: {  	[sflag:s23] =	ssyncset.done $0x0  }
0x2e4: {  	[sflag:s23] =	ssyncadd.s32 $0xFFFFE700  }
0x2e5: {  	[tilespmem:s28], [sflag:$0x1] =	stream.indirect.gather [hbm4b:s5+s26], $0x80, s10, s26, $0xb8;
	[tilespmem:$0x1E000] =	vst v63  }
0x2e6: {  	_ =	swait.ge [sflag:s0], $0x1900  }
0x2e7: {  	s16 =	sld [smem:$0x7CE]  }
0x2e8: {  	[sflag:s0] =	ssyncset.done $0x0  }
0x2e9: {  	[sflag:s0] =	ssyncadd.s32 $0xFFFFE700  }
0x2ea: {  	[spmem:s2] =	stream.indirect.scatter.add.f32 [tilespmem:s1], [sflag:$0x7], $0x80, s16, s26, $0xb8;
	[tilespmem:$0x1E000] =	vst v63  }
0x2eb: {  	s20 =	smov.u32 s19;
	_ =	swait.ge [sflag:s7], $0x1900  }
0x2ec: {  	s17 =	smov.u32 s20;
	s20 =	sld [smem:$0x7CF]  }
0x2ed: {  	[sflag:s7] =	ssyncset.done $0x0  }
0x2ee: {  	[sflag:s7] =	ssyncadd.s32 $0xFFFFE700  }
0x2ef: {  	[tilespmem:s30], [sflag:$0x2] =	stream.indirect.gather [hbm4b:s5+s26], $0x80, s20, s26, $0xb8;
	[tilespmem:$0x1E000] =	vst v63  }
0x2f0: {  	_ =	swait.ge [sflag:s8], $0x1900  }
0x2f1: {  	s21 =	sld [smem:$0x7D0]  }
0x2f2: {  	[sflag:s8] =	ssyncset.done $0x0  }
0x2f3: {  	[sflag:s8] =	ssyncadd.s32 $0xFFFFE700  }
0x2f4: {  	[spmem:s2] =	stream.indirect.scatter.add.f32 [tilespmem:s29], [sflag:$0x8], $0x80, s21, s26, $0xb8;
	[tilespmem:$0x1E000] =	vst v63  }
0x2f5: {  	_ =	swait.ge [sflag:s9], $0x1900  }
0x2f6: {  	s6 =	sld [smem:$0x7D1]  }
0x2f7: {  	[sflag:s9] =	ssyncset.done $0x0  }
0x2f8: {  	[sflag:s9] =	ssyncadd.s32 $0xFFFFE700  }
0x2f9: {  	[tilespmem:s1], [sflag:$0x3] =	stream.indirect.gather [hbm4b:s5+s26], $0x80, s6, s26, $0xb8;
	[tilespmem:$0x1E000] =	vst v63  }
0x2fa: {  	_ =	swait.ge [sflag:s11], $0x1900  }
0x2fb: {  	s10 =	sld [smem:$0x7D3]  }
0x2fc: {  	[sflag:s11] =	ssyncset.done $0x0  }
0x2fd: {  	[sflag:s11] =	ssyncadd.s32 $0xFFFFE700  }
0x2fe: {  	[spmem:s2] =	stream.indirect.scatter.add.f32 [tilespmem:s28], [sflag:$0x5], $0x80, s10, s26, $0xb8;
	[tilespmem:$0x1E000] =	vst v63  }
0x2ff: {  	_ =	swait.ge [sflag:s12], $0x1900  }
0x300: {  	s16 =	sld [smem:$0x7D4]  }
0x301: {  	[sflag:s12] =	ssyncset.done $0x0  }
0x302: {  	[sflag:s12] =	ssyncadd.s32 $0xFFFFE700  }
0x303: {  	[tilespmem:s29], [sflag:$0x4] =	stream.indirect.gather [hbm4b:s5+s26], $0x80, s16, s26, $0xb8;
	[tilespmem:$0x1E000] =	vst v63  }
0x304: {  	_ =	swait.ge [sflag:s31], $0x1900  }
0x305: {  	s20 =	sld [smem:$0x7D6]  }
0x306: {  	[sflag:s31] =	ssyncset.done $0x0  }
0x307: {  	[sflag:s31] =	ssyncadd.s32 $0xFFFFE700  }
0x308: {  	[spmem:s2] =	stream.indirect.scatter.add.f32 [tilespmem:s30], [sflag:$0x6], $0x80, s20, s26, $0xb8;
	[tilespmem:$0x1E000] =	vst v63  }
0x309: {  	_ =	swait.ge [sflag:s23], $0x1900  }
0x30a: {  	s21 =	sld [smem:$0x7D7]  }
0x30b: {  	[sflag:s23] =	ssyncset.done $0x0  }
0x30c: {  	[sflag:s23] =	ssyncadd.s32 $0xFFFFE700  }
0x30d: {  	[tilespmem:s28], [sflag:$0x1] =	stream.indirect.gather [hbm4b:s5+s26], $0x80, s21, s26, $0xb8;
	[tilespmem:$0x1E000] =	vst v63  }
0x30e: {  	_ =	swait.ge [sflag:s0], $0x1900  }
0x30f: {  	s6 =	sld [smem:$0x7D9]  }
0x310: {  	[sflag:s0] =	ssyncset.done $0x0  }
0x311: {  	[sflag:s0] =	ssyncadd.s32 $0xFFFFE700  }
0x312: {  	[spmem:s2] =	stream.indirect.scatter.add.f32 [tilespmem:s1], [sflag:$0x7], $0x80, s6, s26, $0xb8;
	[tilespmem:$0x1E000] =	vst v63  }
0x313: {  	_ =	swait.ge [sflag:s7], $0x1900  }
0x314: {  	s10 =	sld [smem:$0x7DA]  }
0x315: {  	[sflag:s7] =	ssyncset.done $0x0  }
0x316: {  	[sflag:s7] =	ssyncadd.s32 $0xFFFFE700  }
0x317: {  	[tilespmem:s30], [sflag:$0x2] =	stream.indirect.gather [hbm4b:s5+s26], $0x80, s10, s26, $0xb8;
	[tilespmem:$0x1E000] =	vst v63  }
0x318: {  	_ =	swait.ge [sflag:s8], $0x1900  }
0x319: {  	s16 =	sld [smem:$0x7DB]  }
0x31a: {  	[sflag:s8] =	ssyncset.done $0x0  }
0x31b: {  	[sflag:s8] =	ssyncadd.s32 $0xFFFFE700  }
0x31c: {  	[spmem:s2] =	stream.indirect.scatter.add.f32 [tilespmem:s29], [sflag:$0x8], $0x80, s16, s26, $0xb8;
	[tilespmem:$0x1E000] =	vst v63  }
0x31d: {  	_ =	swait.ge [sflag:s9], $0x1900  }
0x31e: {  	s20 =	sld [smem:$0x7DD]  }
0x31f: {  	[sflag:s9] =	ssyncset.done $0x0  }
0x320: {  	[sflag:s9] =	ssyncadd.s32 $0xFFFFE700  }
0x321: {  	[tilespmem:s1], [sflag:$0x3] =	stream.indirect.gather [hbm4b:s5+s26], $0x80, s20, s26, $0xb8;
	[tilespmem:$0x1E000] =	vst v63  }
0x322: {  	_ =	swait.ge [sflag:s11], $0x1900  }
0x323: {  	s21 =	sld [smem:$0x7DF]  }
0x324: {  	[sflag:s11] =	ssyncset.done $0x0  }
0x325: {  	[sflag:s11] =	ssyncadd.s32 $0xFFFFE700  }
0x326: {  	[spmem:s2] =	stream.indirect.scatter.add.f32 [tilespmem:s28], [sflag:$0x5], $0x80, s21, s26, $0xb8;
	[tilespmem:$0x1E000] =	vst v63  }
0x327: {  	_ =	swait.ge [sflag:s12], $0x1900  }
0x328: {  	s6 =	sld [smem:$0x7E2]  }
0x329: {  	[sflag:s12] =	ssyncset.done $0x0  }
0x32a: {  	[sflag:s12] =	ssyncadd.s32 $0xFFFFE700  }
0x32b: {  	[tilespmem:s29], [sflag:$0x4] =	stream.indirect.gather [hbm4b:s5+s26], $0x80, s6, s26, $0xb8;
	[tilespmem:$0x1E000] =	vst v63  }
0x32c: {  	_ =	swait.ge [sflag:s31], $0x1900  }
0x32d: {  	s10 =	sld [smem:$0x7E4]  }
0x32e: {  	[sflag:s31] =	ssyncset.done $0x0  }
0x32f: {  	[sflag:s31] =	ssyncadd.s32 $0xFFFFE700  }
0x330: {  	[spmem:s2] =	stream.indirect.scatter.add.f32 [tilespmem:s30], [sflag:$0x6], $0x80, s10, s26, $0xb8;
	[tilespmem:$0x1E000] =	vst v63  }
0x331: {  	_ =	swait.ge [sflag:s23], $0x1900  }
0x332: {  	s16 =	sld [smem:$0x7E6]  }
0x333: {  	[sflag:s23] =	ssyncset.done $0x0  }
0x334: {  	[sflag:s23] =	ssyncadd.s32 $0xFFFFE700  }
0x335: {  	[tilespmem:s28], [sflag:$0x1] =	stream.indirect.gather [hbm4b:s5+s26], $0x80, s16, s26, $0xb8;
	[tilespmem:$0x1E000] =	vst v63  }
0x336: {  	_ =	swait.ge [sflag:s0], $0x1900  }
0x337: {  	s20 =	sld [smem:$0x7E8]  }
0x338: {  	[sflag:s0] =	ssyncset.done $0x0  }
0x339: {  	[sflag:s0] =	ssyncadd.s32 $0xFFFFE700  }
0x33a: {  	[spmem:s2] =	stream.indirect.scatter.add.f32 [tilespmem:s1], [sflag:$0x7], $0x80, s20, s26, $0xb8;
	[tilespmem:$0x1E000] =	vst v63  }
0x33b: {  	_ =	swait.ge [sflag:s7], $0x1900  }
0x33c: {  	s21 =	sld [smem:$0x7E9]  }
0x33d: {  	[sflag:s7] =	ssyncset.done $0x0  }
0x33e: {  	[sflag:s7] =	ssyncadd.s32 $0xFFFFE700  }
0x33f: {  	[tilespmem:s30], [sflag:$0x2] =	stream.indirect.gather [hbm4b:s5+s26], $0x80, s21, s26, $0xb8;
	[tilespmem:$0x1E000] =	vst v63  }
0x340: {  	_ =	swait.ge [sflag:s8], $0x1900  }
0x341: {  	s6 =	sld [smem:$0x7EA]  }
0x342: {  	[sflag:s8] =	ssyncset.done $0x0  }
0x343: {  	[sflag:s8] =	ssyncadd.s32 $0xFFFFE700  }
0x344: {  	[spmem:s2] =	stream.indirect.scatter.add.f32 [tilespmem:s29], [sflag:$0x8], $0x80, s6, s26, $0xb8;
	[tilespmem:$0x1E000] =	vst v63  }
0x345: {  	_ =	swait.ge [sflag:s9], $0x1900  }
0x346: {  	s10 =	sld [smem:$0x7EB]  }
0x347: {  	[sflag:s9] =	ssyncset.done $0x0  }
0x348: {  	[sflag:s9] =	ssyncadd.s32 $0xFFFFE700  }
0x349: {  	[tilespmem:s1], [sflag:$0x3] =	stream.indirect.gather [hbm4b:s5+s26], $0x80, s10, s26, $0xb8;
	[tilespmem:$0x1E000] =	vst v63  }
0x34a: {  	_ =	swait.ge [sflag:s11], $0x1900  }
0x34b: {  	s16 =	sld [smem:$0x7EC]  }
0x34c: {  	[sflag:s11] =	ssyncset.done $0x0  }
0x34d: {  	[sflag:s11] =	ssyncadd.s32 $0xFFFFE700  }
0x34e: {  	[spmem:s2] =	stream.indirect.scatter.add.f32 [tilespmem:s28], [sflag:$0x5], $0x80, s16, s26, $0xb8;
	[tilespmem:$0x1E000] =	vst v63  }
0x34f: {  	_ =	swait.ge [sflag:s12], $0x1900  }
0x350: {  	s20 =	sld [smem:$0x7ED]  }
0x351: {  	[sflag:s12] =	ssyncset.done $0x0  }
0x352: {  	[sflag:s12] =	ssyncadd.s32 $0xFFFFE700  }
0x353: {  	[tilespmem:s29], [sflag:$0x4] =	stream.indirect.gather [hbm4b:s5+s26], $0x80, s20, s26, $0xb8;
	[tilespmem:$0x1E000] =	vst v63  }
0x354: {  	_ =	swait.ge [sflag:s31], $0x1900  }
0x355: {  	s21 =	sld [smem:$0x7EF]  }
0x356: {  	[sflag:s31] =	ssyncset.done $0x0  }
0x357: {  	[sflag:s31] =	ssyncadd.s32 $0xFFFFE700  }
0x358: {  	[spmem:s2] =	stream.indirect.scatter.add.f32 [tilespmem:s30], [sflag:$0x6], $0x80, s21, s26, $0xb8;
	[tilespmem:$0x1E000] =	vst v63  }
0x359: {  	_ =	swait.ge [sflag:s23], $0x1900  }
0x35a: {  	s6 =	sld [smem:$0x7F1]  }
0x35b: {  	[sflag:s23] =	ssyncset.done $0x0  }
0x35c: {  	[sflag:s23] =	ssyncadd.s32 $0xFFFFE700  }
0x35d: {  	[tilespmem:s28], [sflag:$0x1] =	stream.indirect.gather [hbm4b:s5+s26], $0x80, s6, s26, $0xb8;
	[tilespmem:$0x1E000] =	vst v63  }
0x35e: {  	_ =	swait.ge [sflag:s0], $0x1900  }
0x35f: {  	s10 =	sld [smem:$0x7F2]  }
0x360: {  	[sflag:s0] =	ssyncset.done $0x0  }
0x361: {  	[sflag:s0] =	ssyncadd.s32 $0xFFFFE700  }
0x362: {  	[spmem:s2] =	stream.indirect.scatter.add.f32 [tilespmem:s1], [sflag:$0x7], $0x80, s10, s26, $0xb8;
	[tilespmem:$0x1E000] =	vst v63  }
0x363: {  	_ =	swait.ge [sflag:s7], $0x1900  }
0x364: {  	s16 =	sld [smem:$0x7F4]  }
0x365: {  	[sflag:s7] =	ssyncset.done $0x0  }
0x366: {  	[sflag:s7] =	ssyncadd.s32 $0xFFFFE700  }
0x367: {  	[tilespmem:s30], [sflag:$0x2] =	stream.indirect.gather [hbm4b:s5+s26], $0x80, s16, s26, $0xb8;
	[tilespmem:$0x1E000] =	vst v63  }
0x368: {  	_ =	swait.ge [sflag:s8], $0x1900  }
0x369: {  	s20 =	sld [smem:$0x7F5]  }
0x36a: {  	[sflag:s8] =	ssyncset.done $0x0  }
0x36b: {  	[sflag:s8] =	ssyncadd.s32 $0xFFFFE700  }
0x36c: {  	[spmem:s2] =	stream.indirect.scatter.add.f32 [tilespmem:s29], [sflag:$0x8], $0x80, s20, s26, $0xb8;
	[tilespmem:$0x1E000] =	vst v63  }
0x36d: {  	_ =	swait.ge [sflag:s9], $0x1900  }
0x36e: {  	s21 =	sld [smem:$0x7F7]  }
0x36f: {  	[sflag:s9] =	ssyncset.done $0x0  }
0x370: {  	[sflag:s9] =	ssyncadd.s32 $0xFFFFE700  }
0x371: {  	[tilespmem:s1], [sflag:$0x3] =	stream.indirect.gather [hbm4b:s5+s26], $0x80, s21, s26, $0xb8;
	[tilespmem:$0x1E000] =	vst v63  }
0x372: {  	_ =	swait.ge [sflag:s11], $0x1900  }
0x373: {  	s6 =	sld [smem:$0x7FA]  }
0x374: {  	[sflag:s11] =	ssyncset.done $0x0  }
0x375: {  	[sflag:s11] =	ssyncadd.s32 $0xFFFFE700  }
0x376: {  	[spmem:s2] =	stream.indirect.scatter.add.f32 [tilespmem:s28], [sflag:$0x5], $0x80, s6, s26, $0xb8;
	[tilespmem:$0x1E000] =	vst v63  }
0x377: {  	_ =	swait.ge [sflag:s12], $0x1900  }
0x378: {  	s10 =	sld [smem:$0x7FB]  }
0x379: {  	[sflag:s12] =	ssyncset.done $0x0  }
0x37a: {  	s6 =	simm.s32 @!p4 $0x9;
	[sflag:s12] =	ssyncadd.s32 $0xFFFFE700  }
0x37b: {  	[tilespmem:s29], [sflag:$0x4] =	stream.indirect.gather [hbm4b:s5+s26], $0x80, s10, s26, $0xb8;
	[tilespmem:$0x1E000] =	vst v63  }
0x37c: {  	_ =	swait.ge @!p4 [sflag:s6], $0xA00  }
0x37d: {  	[sflag:s6] =	ssyncset.done @!p4 $0x0  }
0x37e: {  	[sflag:s6] =	ssyncadd.s32 @!p4 $0xFFFFF600  }
0x37f: {  	_ =	swait.ge @!p4 [sflag:s6], $0xA00  }
0x380: {  	[sflag:s6] =	ssyncset.done @!p4 $0x0  }
0x381: {  	[sflag:s6] =	ssyncadd.s32 @!p4 $0xFFFFF600  }
0x382: {  	_ =	swait.ge [sflag:s31], $0x1900  }
0x383: {  	s16 =	sld [smem:$0x7FC]  }
0x384: {  	p4 =	sgt.u32 s15, $0x8;
	[sflag:s31] =	ssyncset.done $0x0  }
0x385: {  	s10 =	simm.s32 @p4 $0x3;
	[sflag:s31] =	ssyncadd.s32 $0xFFFFE700  }
0x386: {  	[spmem:s2] =	stream.indirect.scatter.add.f32 [tilespmem:s30], [sflag:$0x6], $0x80, s16, s26, $0xb8;
	[tilespmem:$0x1E000] =	vst v63  }
0x387: {  	_ =	swait.ge @p4 [sflag:s10], $0x1900  }
0x388: {  	s3 =	simm.s32 @p4 $0x6800;
	s20 =	simm.s32 @p4 $0x2D00;
	[sflag:s10] =	ssyncset.done @p4 $0x0  }
0x389: {  	s16 =	simm.s32 @p4 $0x32;
	[sflag:s10] =	ssyncadd.s32 @p4 $0xFFFFE700;
	s10 =	simm.s32 @!p4 $0x5  }
0x38a: {  	[spmem:s2] =	stream.indirect.scatter.add.f32 @p4 [tilespmem:s3], [sflag:$0x7], $0x80, s20, s16, $0xb8;
	[tilespmem:$0x1E000] =	vst v63  }
0x38b: {  	_ =	swait.ge @!p4 [sflag:s10], $0x1900  }
0x38c: {  	s21 =	simm.s32 @!p4 $0x32;
	s3 =	simm.s32 @!p4 $0x3000;
	[sflag:s10] =	ssyncset.done @!p4 $0x0  }
0x38d: {  	s16 =	simm.s32 @!p4 $0x0;
	s20 =	simm.s32 @!p4 $0x3;
	[sflag:s10] =	ssyncadd.s32 @!p4 $0xFFFFE700  }
0x38e: {  	[tilespmem:s3], [sflag:$0x1] =	stream.indirect.gather @!p4 [hbm4b:s5+s21], $0x80, s16, s21, $0xb8;
	[tilespmem:$0x1E000] =	vst v63  }
0x38f: {  	_ =	swait.ge @!p4 [sflag:s20], $0x1900  }
0x390: {  	s10 =	simm.s32 @!p4 $0x6800;
	[sflag:s20] =	ssyncset.done @!p4 $0x0  }
0x391: {  	s3 =	simm.s32 @!p4 $0x2D00;
	s16 =	simm.s32 @!p4 $0x6;
	[sflag:s20] =	ssyncadd.s32 @!p4 $0xFFFFE700  }
0x392: {  	[spmem:s2] =	stream.indirect.scatter.add.f32 @!p4 [tilespmem:s10], [sflag:$0x7], $0x80, s3, s21, $0xb8;
	[tilespmem:$0x1E000] =	vst v63  }
0x393: {  	_ =	swait.ge @!p4 [sflag:s16], $0x1900  }
0x394: {  	s19 =	sadd.s32 $0x300, s19;
	[sflag:s16] =	ssyncset.done @!p4 $0x0  }
0x395: {  	s20 =	simm.s32 @!p4 $0x4C00;
	s3 =	simm.s32 @!p4 $0x80;
	[sflag:s16] =	ssyncadd.s32 @!p4 $0xFFFFE700  }
0x396: {  	[tilespmem:s20], [sflag:$0x2] =	stream.indirect.gather @!p4 [hbm4b:s5+s21], $0x80, s3, s21, $0xb8;
	[tilespmem:$0x1E000] =	vst v63  }
0x397: {  	p3 =	sne.s32 s19, $0xF00;
	_ =	swait.ge [sflag:s8], $0x1900  }
.Ltmp0:
0x398: {  	s20 =	sld [smem:$0x7FD];
	(pc) =	sbr.rel @p3 .LBB2_2-.Ltmp0, $4  }
0x399: {  	s18 =	sadd.s32 $0x1800, s18;
	[sflag:s8] =	ssyncset.done $0x0  }
0x39a: {  	p5 =	seq.s32 s17, $0x0;
	s16 =	simm.s32 @!p4 $0x7;
	[sflag:s8] =	ssyncadd.s32 $0xFFFFE700  }
0x39b: {  	[spmem:s2] =	stream.indirect.scatter.add.f32 [tilespmem:s29], [sflag:$0x8], $0x80, s20, s26, $0xb8;
	[tilespmem:$0x1E000] =	vst v63  }
0x39c: {  	s15 =	sadd.s32 $0x2, s15;
	s6 =	simm.s32 @!p4 $0x100;
	_ =	swait.ge @!p4 [sflag:s16], $0x1900  }
0x39d: {  	[sflag:s16] =	ssyncset.done @!p4 $0x0  }
0x39e: {  	s3 =	simm.s32 @p5 $0x1;
	[sflag:s16] =	ssyncadd.s32 @!p4 $0xFFFFE700  }
0x39f: {  	[tilespmem:s10], [sflag:$0x3] =	stream.indirect.gather @!p4 [hbm4b:s5+s21], $0x80, s6, s21, $0xb8;
	[tilespmem:$0x1E000] =	vst v63  }
0x3a0: {  	_ =	swait.ge @p5 [sflag:s3], $0x1900  }
0x3a1: {  	s6 =	simm.s32 @p5 $0x1800;
	s10 =	simm.s32 @p5 $0x32;
	[sflag:s3] =	ssyncset.done @p5 $0x0  }
0x3a2: {  	s16 =	rddreg [dreg:$0x5];
	[sflag:s3] =	ssyncadd.s32 @p5 $0xFFFFE700;
	s3 =	simm.s32 @p5 $0x3000  }
0x3a3: {  	[spmem:s2] =	stream.indirect.scatter.add.f32 @p5 [tilespmem:s3], [sflag:$0x5], $0x80, s6, s10, $0xb8;
	[tilespmem:$0x1E000] =	vst v63  }
0x3a4: {  	s3 =	rddreg [dreg:$0x4]  }
0x3a5: {  	s6 =	sadd.s32 @!p5 s17, s16;
	s10 =	simm.s32 @!p5 $0x0;
	s16 =	simm.s32 @!p5 $0xC00  }
0x3a6: {  	[tilespmem:s16], [sflag:$0x9] =	stream.linear.gather @!p5 [hbm4b:s6+s10], $0xA00, $0x38;
	[tilespmem:$0x1E000] =	vst v63  }
0x3a7: {  	s3 =	sadd.s32 @!p5 s17, s3;
	s6 =	simm.s32 @!p5 $0x2400  }
0x3a8: {  	[tilespmem:s6], [sflag:$0x9] =	stream.linear.gather @!p5 [hbm4b:s3+s10], $0xA00, $0x38;
	[tilespmem:$0x1E000] =	vst v63  }
0x3a9: {  	s3 =	simm.s32 @!p5 $0x1  }
0x3aa: {  	_ =	swait.ge @!p5 [sflag:s3], $0x1900  }
0x3ab: {  	s6 =	simm.s32 @!p5 $0x3000;
	[sflag:s3] =	ssyncset.done @!p5 $0x0  }
0x3ac: {  	s10 =	simm.s32 @!p5 $0x32;
	[sflag:s3] =	ssyncadd.s32 @!p5 $0xFFFFE700;
	s3 =	simm.s32 @!p5 $0x1800  }
0x3ad: {  	[spmem:s2] =	stream.indirect.scatter.add.f32 @!p5 [tilespmem:s6], [sflag:$0x5], $0x80, s3, s10, $0xb8;
	[tilespmem:$0x1E000] =	vst v63  }
0x3ae: {  	s3 =	simm.s32 @!p5 $0x8  }
0x3af: {  	_ =	swait.ge @!p5 [sflag:s3], $0x1900  }
0x3b0: {  	[sflag:s3] =	ssyncset.done @!p5 $0x0  }
0x3b1: {  	s6 =	simm.s32 @!p5 $0x180;
	[sflag:s3] =	ssyncadd.s32 @!p5 $0xFFFFE700;
	s3 =	simm.s32 @!p5 $0x8400  }
0x3b2: {  	[tilespmem:s3], [sflag:$0x4] =	stream.indirect.gather @!p5 [hbm4b:s5+s10], $0x80, s6, s10, $0xb8;
	[tilespmem:$0x1E000] =	vst v63  }
0x3b3: {  	_ =	swait.ge [sflag:s31], $0x1900  }
0x3b4: {  	[sflag:s31] =	ssyncset.done $0x0  }
0x3b5: {  	s21 =	rddreg [dreg:$0x6];
	[sflag:s31] =	ssyncadd.s32 $0xFFFFE700  }
0x3b6: {  	[spmem:s2] =	stream.indirect.scatter.add.f32 [tilespmem:s30], [sflag:$0x6], $0x80, s21, s26, $0xb8;
	[tilespmem:$0x1E000] =	vst v63  }
0x3b7: {  	_ =	swait.ge [sflag:s23], $0x1900  }
0x3b8: {  	[sflag:s23] =	ssyncset.done $0x0  }
0x3b9: {  	s6 =	rddreg [dreg:$0x7];
	[sflag:s23] =	ssyncadd.s32 $0xFFFFE700  }
0x3ba: {  	[tilespmem:s28], [sflag:$0x1] =	stream.indirect.gather [hbm4b:s5+s26], $0x80, s6, s26, $0xb8;
	[tilespmem:$0x1E000] =	vst v63  }
0x3bb: {  	_ =	swait.ge [sflag:s0], $0x1900  }
0x3bc: {  	[sflag:s0] =	ssyncset.done $0x0  }
0x3bd: {  	s10 =	rddreg [dreg:$0x8];
	[sflag:s0] =	ssyncadd.s32 $0xFFFFE700  }
0x3be: {  	[spmem:s2] =	stream.indirect.scatter.add.f32 [tilespmem:s1], [sflag:$0x7], $0x80, s10, s26, $0xb8;
	[tilespmem:$0x1E000] =	vst v63  }
0x3bf: {  	_ =	swait.ge [sflag:s7], $0x1900  }
0x3c0: {  	[sflag:s7] =	ssyncset.done $0x0  }
0x3c1: {  	s16 =	rddreg [dreg:$0x9];
	[sflag:s7] =	ssyncadd.s32 $0xFFFFE700  }
0x3c2: {  	[tilespmem:s30], [sflag:$0x2] =	stream.indirect.gather [hbm4b:s5+s26], $0x80, s16, s26, $0xb8;
	[tilespmem:$0x1E000] =	vst v63  }
0x3c3: {  	_ =	swait.ge [sflag:s8], $0x1900  }
0x3c4: {  	[sflag:s8] =	ssyncset.done $0x0  }
0x3c5: {  	s19 =	rddreg [dreg:$0xa];
	[sflag:s8] =	ssyncadd.s32 $0xFFFFE700  }
0x3c6: {  	[spmem:s2] =	stream.indirect.scatter.add.f32 [tilespmem:s29], [sflag:$0x8], $0x80, s19, s26, $0xb8;
	[tilespmem:$0x1E000] =	vst v63  }
0x3c7: {  	_ =	swait.ge [sflag:s9], $0x1900  }
0x3c8: {  	[sflag:s9] =	ssyncset.done $0x0  }
0x3c9: {  	s20 =	rddreg [dreg:$0xb];
	[sflag:s9] =	ssyncadd.s32 $0xFFFFE700  }
0x3ca: {  	[tilespmem:s1], [sflag:$0x3] =	stream.indirect.gather [hbm4b:s5+s26], $0x80, s20, s26, $0xb8;
	[tilespmem:$0x1E000] =	vst v63  }
0x3cb: {  	_ =	swait.ge [sflag:s11], $0x1900  }
0x3cc: {  	[sflag:s11] =	ssyncset.done $0x0  }
0x3cd: {  	s21 =	rddreg [dreg:$0xc];
	[sflag:s11] =	ssyncadd.s32 $0xFFFFE700  }
0x3ce: {  	[spmem:s2] =	stream.indirect.scatter.add.f32 [tilespmem:s28], [sflag:$0x5], $0x80, s21, s26, $0xb8;
	[tilespmem:$0x1E000] =	vst v63  }
0x3cf: {  	_ =	swait.ge [sflag:s12], $0x1900  }
0x3d0: {  	[sflag:s12] =	ssyncset.done $0x0  }
0x3d1: {  	s6 =	rddreg [dreg:$0xd];
	[sflag:s12] =	ssyncadd.s32 $0xFFFFE700  }
0x3d2: {  	[tilespmem:s29], [sflag:$0x4] =	stream.indirect.gather [hbm4b:s5+s26], $0x80, s6, s26, $0xb8;
	[tilespmem:$0x1E000] =	vst v63  }
0x3d3: {  	_ =	swait.ge [sflag:s31], $0x1900  }
0x3d4: {  	[sflag:s31] =	ssyncset.done $0x0  }
0x3d5: {  	s10 =	rddreg [dreg:$0xe];
	[sflag:s31] =	ssyncadd.s32 $0xFFFFE700  }
0x3d6: {  	[spmem:s2] =	stream.indirect.scatter.add.f32 [tilespmem:s30], [sflag:$0x6], $0x80, s10, s26, $0xb8;
	[tilespmem:$0x1E000] =	vst v63  }
0x3d7: {  	_ =	swait.ge [sflag:s23], $0x1900  }
0x3d8: {  	[sflag:s23] =	ssyncset.done $0x0  }
0x3d9: {  	s16 =	rddreg [dreg:$0xf];
	[sflag:s23] =	ssyncadd.s32 $0xFFFFE700  }
0x3da: {  	[tilespmem:s28], [sflag:$0x1] =	stream.indirect.gather [hbm4b:s5+s26], $0x80, s16, s26, $0xb8;
	[tilespmem:$0x1E000] =	vst v63  }
0x3db: {  	_ =	swait.ge [sflag:s0], $0x1900  }
0x3dc: {  	[sflag:s0] =	ssyncset.done $0x0  }
0x3dd: {  	s19 =	rddreg [dreg:$0x10];
	[sflag:s0] =	ssyncadd.s32 $0xFFFFE700  }
0x3de: {  	[spmem:s2] =	stream.indirect.scatter.add.f32 [tilespmem:s1], [sflag:$0x7], $0x80, s19, s26, $0xb8;
	[tilespmem:$0x1E000] =	vst v63  }
0x3df: {  	_ =	swait.ge [sflag:s7], $0x1900  }
0x3e0: {  	[sflag:s7] =	ssyncset.done $0x0  }
0x3e1: {  	s20 =	rddreg [dreg:$0x11];
	[sflag:s7] =	ssyncadd.s32 $0xFFFFE700  }
0x3e2: {  	[tilespmem:s30], [sflag:$0x2] =	stream.indirect.gather [hbm4b:s5+s26], $0x80, s20, s26, $0xb8;
	[tilespmem:$0x1E000] =	vst v63  }
0x3e3: {  	_ =	swait.ge [sflag:s8], $0x1900  }
0x3e4: {  	[sflag:s8] =	ssyncset.done $0x0  }
0x3e5: {  	s21 =	rddreg [dreg:$0x12];
	[sflag:s8] =	ssyncadd.s32 $0xFFFFE700  }
0x3e6: {  	[spmem:s2] =	stream.indirect.scatter.add.f32 [tilespmem:s29], [sflag:$0x8], $0x80, s21, s26, $0xb8;
	[tilespmem:$0x1E000] =	vst v63  }
0x3e7: {  	_ =	swait.ge [sflag:s9], $0x1900  }
0x3e8: {  	[sflag:s9] =	ssyncset.done $0x0  }
0x3e9: {  	s6 =	rddreg [dreg:$0x13];
	[sflag:s9] =	ssyncadd.s32 $0xFFFFE700  }
0x3ea: {  	[tilespmem:s1], [sflag:$0x3] =	stream.indirect.gather [hbm4b:s5+s26], $0x80, s6, s26, $0xb8;
	[tilespmem:$0x1E000] =	vst v63  }
0x3eb: {  	_ =	swait.ge [sflag:s11], $0x1900  }
0x3ec: {  	[sflag:s11] =	ssyncset.done $0x0  }
0x3ed: {  	s10 =	rddreg [dreg:$0x14];
	[sflag:s11] =	ssyncadd.s32 $0xFFFFE700  }
0x3ee: {  	[spmem:s2] =	stream.indirect.scatter.add.f32 [tilespmem:s28], [sflag:$0x5], $0x80, s10, s26, $0xb8;
	[tilespmem:$0x1E000] =	vst v63  }
0x3ef: {  	_ =	swait.ge [sflag:s12], $0x1900  }
0x3f0: {  	[sflag:s12] =	ssyncset.done $0x0  }
0x3f1: {  	s16 =	rddreg [dreg:$0x15];
	[sflag:s12] =	ssyncadd.s32 $0xFFFFE700  }
0x3f2: {  	[tilespmem:s29], [sflag:$0x4] =	stream.indirect.gather [hbm4b:s5+s26], $0x80, s16, s26, $0xb8;
	[tilespmem:$0x1E000] =	vst v63  }
0x3f3: {  	_ =	swait.ge [sflag:s31], $0x1900  }
0x3f4: {  	[sflag:s31] =	ssyncset.done $0x0  }
0x3f5: {  	s19 =	rddreg [dreg:$0x16];
	[sflag:s31] =	ssyncadd.s32 $0xFFFFE700  }
0x3f6: {  	[spmem:s2] =	stream.indirect.scatter.add.f32 [tilespmem:s30], [sflag:$0x6], $0x80, s19, s26, $0xb8;
	[tilespmem:$0x1E000] =	vst v63  }
0x3f7: {  	_ =	swait.ge [sflag:s23], $0x1900  }
0x3f8: {  	[sflag:s23] =	ssyncset.done $0x0  }
0x3f9: {  	s20 =	rddreg [dreg:$0x17];
	[sflag:s23] =	ssyncadd.s32 $0xFFFFE700  }
0x3fa: {  	[tilespmem:s28], [sflag:$0x1] =	stream.indirect.gather [hbm4b:s5+s26], $0x80, s20, s26, $0xb8;
	[tilespmem:$0x1E000] =	vst v63  }
0x3fb: {  	_ =	swait.ge [sflag:s0], $0x1900  }
0x3fc: {  	[sflag:s0] =	ssyncset.done $0x0  }
0x3fd: {  	s21 =	rddreg [dreg:$0x18];
	[sflag:s0] =	ssyncadd.s32 $0xFFFFE700  }
0x3fe: {  	[spmem:s2] =	stream.indirect.scatter.add.f32 [tilespmem:s1], [sflag:$0x7], $0x80, s21, s26, $0xb8;
	[tilespmem:$0x1E000] =	vst v63  }
0x3ff: {  	_ =	swait.ge [sflag:s7], $0x1900  }
0x400: {  	[sflag:s7] =	ssyncset.done $0x0  }
0x401: {  	s6 =	rddreg [dreg:$0x19];
	[sflag:s7] =	ssyncadd.s32 $0xFFFFE700  }
0x402: {  	[tilespmem:s30], [sflag:$0x2] =	stream.indirect.gather [hbm4b:s5+s26], $0x80, s6, s26, $0xb8;
	[tilespmem:$0x1E000] =	vst v63  }
0x403: {  	_ =	swait.ge [sflag:s8], $0x1900  }
0x404: {  	[sflag:s8] =	ssyncset.done $0x0  }
0x405: {  	s10 =	rddreg [dreg:$0x1a];
	[sflag:s8] =	ssyncadd.s32 $0xFFFFE700  }
0x406: {  	[spmem:s2] =	stream.indirect.scatter.add.f32 [tilespmem:s29], [sflag:$0x8], $0x80, s10, s26, $0xb8;
	[tilespmem:$0x1E000] =	vst v63  }
0x407: {  	_ =	swait.ge [sflag:s9], $0x1900  }
0x408: {  	[sflag:s9] =	ssyncset.done $0x0  }
0x409: {  	s16 =	rddreg [dreg:$0x1b];
	[sflag:s9] =	ssyncadd.s32 $0xFFFFE700  }
0x40a: {  	[tilespmem:s1], [sflag:$0x3] =	stream.indirect.gather [hbm4b:s5+s26], $0x80, s16, s26, $0xb8;
	[tilespmem:$0x1E000] =	vst v63  }
0x40b: {  	_ =	swait.ge [sflag:s11], $0x1900  }
0x40c: {  	[sflag:s11] =	ssyncset.done $0x0  }
0x40d: {  	s19 =	rddreg [dreg:$0x1c];
	[sflag:s11] =	ssyncadd.s32 $0xFFFFE700  }
0x40e: {  	[spmem:s2] =	stream.indirect.scatter.add.f32 [tilespmem:s28], [sflag:$0x5], $0x80, s19, s26, $0xb8;
	[tilespmem:$0x1E000] =	vst v63  }
0x40f: {  	_ =	swait.ge [sflag:s12], $0x1900  }
0x410: {  	[sflag:s12] =	ssyncset.done $0x0  }
0x411: {  	s20 =	rddreg [dreg:$0x1d];
	[sflag:s12] =	ssyncadd.s32 $0xFFFFE700  }
0x412: {  	[tilespmem:s29], [sflag:$0x4] =	stream.indirect.gather [hbm4b:s5+s26], $0x80, s20, s26, $0xb8;
	[tilespmem:$0x1E000] =	vst v63  }
0x413: {  	_ =	swait.ge [sflag:s31], $0x1900  }
0x414: {  	[sflag:s31] =	ssyncset.done $0x0  }
0x415: {  	s21 =	rddreg [dreg:$0x1e];
	[sflag:s31] =	ssyncadd.s32 $0xFFFFE700  }
0x416: {  	[spmem:s2] =	stream.indirect.scatter.add.f32 [tilespmem:s30], [sflag:$0x6], $0x80, s21, s26, $0xb8;
	[tilespmem:$0x1E000] =	vst v63  }
0x417: {  	_ =	swait.ge [sflag:s23], $0x1900  }
0x418: {  	[sflag:s23] =	ssyncset.done $0x0  }
0x419: {  	s6 =	rddreg [dreg:$0x1f];
	[sflag:s23] =	ssyncadd.s32 $0xFFFFE700  }
0x41a: {  	[tilespmem:s28], [sflag:$0x1] =	stream.indirect.gather [hbm4b:s5+s26], $0x80, s6, s26, $0xb8;
	[tilespmem:$0x1E000] =	vst v63  }
0x41b: {  	_ =	swait.ge [sflag:s0], $0x1900  }
0x41c: {  	s10 =	sld [smem:$0x7C0]  }
0x41d: {  	[sflag:s0] =	ssyncset.done $0x0  }
0x41e: {  	[sflag:s0] =	ssyncadd.s32 $0xFFFFE700  }
0x41f: {  	[spmem:s2] =	stream.indirect.scatter.add.f32 [tilespmem:s1], [sflag:$0x7], $0x80, s10, s26, $0xb8;
	[tilespmem:$0x1E000] =	vst v63  }
0x420: {  	_ =	swait.ge [sflag:s7], $0x1900  }
0x421: {  	s16 =	sld [smem:$0x7C1]  }
0x422: {  	[sflag:s7] =	ssyncset.done $0x0  }
0x423: {  	[sflag:s7] =	ssyncadd.s32 $0xFFFFE700  }
0x424: {  	[tilespmem:s30], [sflag:$0x2] =	stream.indirect.gather [hbm4b:s5+s26], $0x80, s16, s26, $0xb8;
	[tilespmem:$0x1E000] =	vst v63  }
0x425: {  	_ =	swait.ge [sflag:s8], $0x1900  }
0x426: {  	s19 =	sld [smem:$0x7C2]  }
0x427: {  	[sflag:s8] =	ssyncset.done $0x0  }
0x428: {  	[sflag:s8] =	ssyncadd.s32 $0xFFFFE700  }
0x429: {  	[spmem:s2] =	stream.indirect.scatter.add.f32 [tilespmem:s29], [sflag:$0x8], $0x80, s19, s26, $0xb8;
	[tilespmem:$0x1E000] =	vst v63  }
0x42a: {  	_ =	swait.ge [sflag:s9], $0x1900  }
0x42b: {  	s20 =	sld [smem:$0x7C3]  }
0x42c: {  	[sflag:s9] =	ssyncset.done $0x0  }
0x42d: {  	[sflag:s9] =	ssyncadd.s32 $0xFFFFE700  }
0x42e: {  	[tilespmem:s1], [sflag:$0x3] =	stream.indirect.gather [hbm4b:s5+s26], $0x80, s20, s26, $0xb8;
	[tilespmem:$0x1E000] =	vst v63  }
0x42f: {  	_ =	swait.ge [sflag:s11], $0x1900  }
0x430: {  	s21 =	sld [smem:$0x7C4]  }
0x431: {  	[sflag:s11] =	ssyncset.done $0x0  }
0x432: {  	[sflag:s11] =	ssyncadd.s32 $0xFFFFE700  }
0x433: {  	[spmem:s2] =	stream.indirect.scatter.add.f32 [tilespmem:s28], [sflag:$0x5], $0x80, s21, s26, $0xb8;
	[tilespmem:$0x1E000] =	vst v63  }
0x434: {  	_ =	swait.ge [sflag:s12], $0x1900  }
0x435: {  	s6 =	sld [smem:$0x7C5]  }
0x436: {  	[sflag:s12] =	ssyncset.done $0x0  }
0x437: {  	[sflag:s12] =	ssyncadd.s32 $0xFFFFE700  }
0x438: {  	[tilespmem:s29], [sflag:$0x4] =	stream.indirect.gather [hbm4b:s5+s26], $0x80, s6, s26, $0xb8;
	[tilespmem:$0x1E000] =	vst v63  }
0x439: {  	_ =	swait.ge [sflag:s13], $0xA00  }
0x43a: {  	[sflag:s13] =	ssyncset.done $0x0  }
0x43b: {  	[sflag:s13] =	ssyncadd.s32 $0xFFFFF600  }
0x43c: {  	_ =	swait.ge [sflag:s13], $0xA00  }
0x43d: {  	[sflag:s13] =	ssyncset.done $0x0  }
0x43e: {  	[sflag:s13] =	ssyncadd.s32 $0xFFFFF600  }
0x43f: {  	_ =	swait.ge [sflag:s31], $0x1900  }
0x440: {  	s10 =	sld [smem:$0x7C6]  }
0x441: {  	[sflag:s31] =	ssyncset.done $0x0  }
0x442: {  	[sflag:s31] =	ssyncadd.s32 $0xFFFFE700  }
0x443: {  	[spmem:s2] =	stream.indirect.scatter.add.f32 [tilespmem:s30], [sflag:$0x6], $0x80, s10, s26, $0xb8;
	[tilespmem:$0x1E000] =	vst v63  }
0x444: {  	_ =	swait.ge [sflag:s23], $0x1900  }
0x445: {  	[sflag:s23] =	ssyncset.done $0x0  }
0x446: {  	[sflag:s23] =	ssyncadd.s32 $0xFFFFE700  }
0x447: {  	[tilespmem:s28], [sflag:$0x1] =	stream.indirect.gather [hbm4b:s5+s26], $0x80, s24, s26, $0xb8;
	[tilespmem:$0x1E000] =	vst v63  }
0x448: {  	_ =	swait.ge [sflag:s0], $0x1900  }
0x449: {  	s16 =	sld [smem:$0x7C7]  }
0x44a: {  	[sflag:s0] =	ssyncset.done $0x0  }
0x44b: {  	[sflag:s0] =	ssyncadd.s32 $0xFFFFE700  }
0x44c: {  	[spmem:s2] =	stream.indirect.scatter.add.f32 [tilespmem:s1], [sflag:$0x7], $0x80, s16, s26, $0xb8;
	[tilespmem:$0x1E000] =	vst v63  }
0x44d: {  	_ =	swait.ge [sflag:s7], $0x1900  }
0x44e: {  	s19 =	sld [smem:$0x7C8]  }
0x44f: {  	[sflag:s7] =	ssyncset.done $0x0  }
0x450: {  	[sflag:s7] =	ssyncadd.s32 $0xFFFFE700  }
0x451: {  	[tilespmem:s30], [sflag:$0x2] =	stream.indirect.gather [hbm4b:s5+s26], $0x80, s19, s26, $0xb8;
	[tilespmem:$0x1E000] =	vst v63  }
0x452: {  	_ =	swait.ge [sflag:s8], $0x1900  }
0x453: {  	s20 =	sld [smem:$0x7C9]  }
0x454: {  	[sflag:s8] =	ssyncset.done $0x0  }
0x455: {  	[sflag:s8] =	ssyncadd.s32 $0xFFFFE700  }
0x456: {  	[spmem:s2] =	stream.indirect.scatter.add.f32 [tilespmem:s29], [sflag:$0x8], $0x80, s20, s26, $0xb8;
	[tilespmem:$0x1E000] =	vst v63  }
0x457: {  	_ =	swait.ge [sflag:s9], $0x1900  }
0x458: {  	s21 =	sld [smem:$0x7CA]  }
0x459: {  	p3 =	seq.s32 s17, $0xC00;
	[sflag:s9] =	ssyncset.done $0x0  }
0x45a: {  	s10 =	sshrl.u32 @!p3 s18, $0x3;
	[sflag:s9] =	ssyncadd.s32 $0xFFFFE700  }
0x45b: {  	[tilespmem:s1], [sflag:$0x3] =	stream.indirect.gather [hbm4b:s5+s26], $0x80, s21, s26, $0xb8;
	[tilespmem:$0x1E000] =	vst v63  }
0x45c: {  	s3 =	simm.s32 @!p3 $0x0;
	s10 =	sadd.s32 @!p3 s4, s10;
	s6 =	rddreg [dreg:$0x3]  }
0x45d: {  	[tilespmem:s3], [sflag:$0x9] =	stream.linear.gather @!p3 [hbm4b:s10+s3], $0xA00, $0x38;
	[tilespmem:$0x1E000] =	vst v63  }
0x45e: {  	s6 =	sadd.s32 @!p3 s17, s6;
	s10 =	simm.s32 @!p3 $0x1800  }
0x45f: {  	[tilespmem:s10], [sflag:$0x9] =	stream.linear.gather @!p3 [hbm4b:s6+s3], $0xA00, $0x38;
	[tilespmem:$0x1E000] =	vst v63  }
0x460: {  	_ =	swait.ge [sflag:s11], $0x1900  }
0x461: {  	[sflag:s11] =	ssyncset.done $0x0  }
0x462: {  	[sflag:s11] =	ssyncadd.s32 $0xFFFFE700  }
0x463: {  	[spmem:s2] =	stream.indirect.scatter.add.f32 [tilespmem:s28], [sflag:$0x5], $0x80, s25, s26, $0xb8;
	[tilespmem:$0x1E000] =	vst v63  }
0x464: {  	_ =	swait.ge [sflag:s12], $0x1900  }
0x465: {  	s10 =	sld [smem:$0x7CB]  }
0x466: {  	[sflag:s12] =	ssyncset.done $0x0  }
0x467: {  	[sflag:s12] =	ssyncadd.s32 $0xFFFFE700  }
0x468: {  	[tilespmem:s29], [sflag:$0x4] =	stream.indirect.gather [hbm4b:s5+s26], $0x80, s10, s26, $0xb8;
	[tilespmem:$0x1E000] =	vst v63  }
0x469: {  	_ =	swait.ge [sflag:s31], $0x1900  }
0x46a: {  	s16 =	sld [smem:$0x7CC]  }
0x46b: {  	[sflag:s31] =	ssyncset.done $0x0  }
0x46c: {  	[sflag:s31] =	ssyncadd.s32 $0xFFFFE700  }
0x46d: {  	[spmem:s2] =	stream.indirect.scatter.add.f32 [tilespmem:s30], [sflag:$0x6], $0x80, s16, s26, $0xb8;
	[tilespmem:$0x1E000] =	vst v63  }
0x46e: {  	_ =	swait.ge [sflag:s23], $0x1900  }
0x46f: {  	s17 =	sld [smem:$0x7CD]  }
0x470: {  	[sflag:s23] =	ssyncset.done $0x0  }
0x471: {  	[sflag:s23] =	ssyncadd.s32 $0xFFFFE700  }
0x472: {  	[tilespmem:s28], [sflag:$0x1] =	stream.indirect.gather [hbm4b:s5+s26], $0x80, s17, s26, $0xb8;
	[tilespmem:$0x1E000] =	vst v63  }
0x473: {  	_ =	swait.ge [sflag:s0], $0x1900  }
0x474: {  	s18 =	sld [smem:$0x7CE]  }
0x475: {  	[sflag:s0] =	ssyncset.done $0x0  }
0x476: {  	[sflag:s0] =	ssyncadd.s32 $0xFFFFE700  }
0x477: {  	[spmem:s2] =	stream.indirect.scatter.add.f32 [tilespmem:s1], [sflag:$0x7], $0x80, s18, s26, $0xb8;
	[tilespmem:$0x1E000] =	vst v63  }
0x478: {  	_ =	swait.ge [sflag:s7], $0x1900  }
0x479: {  	s19 =	sld [smem:$0x7CF]  }
0x47a: {  	[sflag:s7] =	ssyncset.done $0x0  }
0x47b: {  	[sflag:s7] =	ssyncadd.s32 $0xFFFFE700  }
0x47c: {  	[tilespmem:s30], [sflag:$0x2] =	stream.indirect.gather [hbm4b:s5+s26], $0x80, s19, s26, $0xb8;
	[tilespmem:$0x1E000] =	vst v63  }
0x47d: {  	_ =	swait.ge [sflag:s8], $0x1900  }
0x47e: {  	s20 =	sld [smem:$0x7D0]  }
0x47f: {  	[sflag:s8] =	ssyncset.done $0x0  }
0x480: {  	[sflag:s8] =	ssyncadd.s32 $0xFFFFE700  }
0x481: {  	[spmem:s2] =	stream.indirect.scatter.add.f32 [tilespmem:s29], [sflag:$0x8], $0x80, s20, s26, $0xb8;
	[tilespmem:$0x1E000] =	vst v63  }
0x482: {  	_ =	swait.ge [sflag:s9], $0x1900  }
0x483: {  	s21 =	sld [smem:$0x7D1]  }
0x484: {  	[sflag:s9] =	ssyncset.done $0x0  }
0x485: {  	[sflag:s9] =	ssyncadd.s32 $0xFFFFE700  }
0x486: {  	[tilespmem:s1], [sflag:$0x3] =	stream.indirect.gather [hbm4b:s5+s26], $0x80, s21, s26, $0xb8;
	[tilespmem:$0x1E000] =	vst v63  }
0x487: {  	_ =	swait.ge [sflag:s11], $0x1900  }
0x488: {  	s6 =	sld [smem:$0x7D3]  }
0x489: {  	[sflag:s11] =	ssyncset.done $0x0  }
0x48a: {  	[sflag:s11] =	ssyncadd.s32 $0xFFFFE700  }
0x48b: {  	[spmem:s2] =	stream.indirect.scatter.add.f32 [tilespmem:s28], [sflag:$0x5], $0x80, s6, s26, $0xb8;
	[tilespmem:$0x1E000] =	vst v63  }
0x48c: {  	_ =	swait.ge [sflag:s12], $0x1900  }
0x48d: {  	s10 =	sld [smem:$0x7D4]  }
0x48e: {  	[sflag:s12] =	ssyncset.done $0x0  }
0x48f: {  	[sflag:s12] =	ssyncadd.s32 $0xFFFFE700  }
0x490: {  	[tilespmem:s29], [sflag:$0x4] =	stream.indirect.gather [hbm4b:s5+s26], $0x80, s10, s26, $0xb8;
	[tilespmem:$0x1E000] =	vst v63  }
0x491: {  	_ =	swait.ge [sflag:s31], $0x1900  }
0x492: {  	s16 =	sld [smem:$0x7D6]  }
0x493: {  	[sflag:s31] =	ssyncset.done $0x0  }
0x494: {  	[sflag:s31] =	ssyncadd.s32 $0xFFFFE700  }
0x495: {  	[spmem:s2] =	stream.indirect.scatter.add.f32 [tilespmem:s30], [sflag:$0x6], $0x80, s16, s26, $0xb8;
	[tilespmem:$0x1E000] =	vst v63  }
0x496: {  	_ =	swait.ge [sflag:s23], $0x1900  }
0x497: {  	s17 =	sld [smem:$0x7D7]  }
0x498: {  	[sflag:s23] =	ssyncset.done $0x0  }
0x499: {  	[sflag:s23] =	ssyncadd.s32 $0xFFFFE700  }
0x49a: {  	[tilespmem:s28], [sflag:$0x1] =	stream.indirect.gather [hbm4b:s5+s26], $0x80, s17, s26, $0xb8;
	[tilespmem:$0x1E000] =	vst v63  }
0x49b: {  	_ =	swait.ge [sflag:s0], $0x1900  }
0x49c: {  	s18 =	sld [smem:$0x7D9]  }
0x49d: {  	[sflag:s0] =	ssyncset.done $0x0  }
0x49e: {  	[sflag:s0] =	ssyncadd.s32 $0xFFFFE700  }
0x49f: {  	[spmem:s2] =	stream.indirect.scatter.add.f32 [tilespmem:s1], [sflag:$0x7], $0x80, s18, s26, $0xb8;
	[tilespmem:$0x1E000] =	vst v63  }
0x4a0: {  	_ =	swait.ge [sflag:s7], $0x1900  }
0x4a1: {  	s19 =	sld [smem:$0x7DA]  }
0x4a2: {  	[sflag:s7] =	ssyncset.done $0x0  }
0x4a3: {  	[sflag:s7] =	ssyncadd.s32 $0xFFFFE700  }
0x4a4: {  	[tilespmem:s30], [sflag:$0x2] =	stream.indirect.gather [hbm4b:s5+s26], $0x80, s19, s26, $0xb8;
	[tilespmem:$0x1E000] =	vst v63  }
0x4a5: {  	_ =	swait.ge [sflag:s8], $0x1900  }
0x4a6: {  	s20 =	sld [smem:$0x7DB]  }
0x4a7: {  	[sflag:s8] =	ssyncset.done $0x0  }
0x4a8: {  	[sflag:s8] =	ssyncadd.s32 $0xFFFFE700  }
0x4a9: {  	[spmem:s2] =	stream.indirect.scatter.add.f32 [tilespmem:s29], [sflag:$0x8], $0x80, s20, s26, $0xb8;
	[tilespmem:$0x1E000] =	vst v63  }
0x4aa: {  	_ =	swait.ge [sflag:s9], $0x1900  }
0x4ab: {  	s21 =	sld [smem:$0x7DD]  }
0x4ac: {  	[sflag:s9] =	ssyncset.done $0x0  }
0x4ad: {  	[sflag:s9] =	ssyncadd.s32 $0xFFFFE700  }
0x4ae: {  	[tilespmem:s1], [sflag:$0x3] =	stream.indirect.gather [hbm4b:s5+s26], $0x80, s21, s26, $0xb8;
	[tilespmem:$0x1E000] =	vst v63  }
0x4af: {  	_ =	swait.ge [sflag:s11], $0x1900  }
0x4b0: {  	s6 =	sld [smem:$0x7DF]  }
0x4b1: {  	[sflag:s11] =	ssyncset.done $0x0  }
0x4b2: {  	[sflag:s11] =	ssyncadd.s32 $0xFFFFE700  }
0x4b3: {  	[spmem:s2] =	stream.indirect.scatter.add.f32 [tilespmem:s28], [sflag:$0x5], $0x80, s6, s26, $0xb8;
	[tilespmem:$0x1E000] =	vst v63  }
0x4b4: {  	_ =	swait.ge [sflag:s12], $0x1900  }
0x4b5: {  	s10 =	sld [smem:$0x7E2]  }
0x4b6: {  	[sflag:s12] =	ssyncset.done $0x0  }
0x4b7: {  	[sflag:s12] =	ssyncadd.s32 $0xFFFFE700  }
0x4b8: {  	[tilespmem:s29], [sflag:$0x4] =	stream.indirect.gather [hbm4b:s5+s26], $0x80, s10, s26, $0xb8;
	[tilespmem:$0x1E000] =	vst v63  }
0x4b9: {  	_ =	swait.ge [sflag:s31], $0x1900  }
0x4ba: {  	s16 =	sld [smem:$0x7E4]  }
0x4bb: {  	[sflag:s31] =	ssyncset.done $0x0  }
0x4bc: {  	[sflag:s31] =	ssyncadd.s32 $0xFFFFE700  }
0x4bd: {  	[spmem:s2] =	stream.indirect.scatter.add.f32 [tilespmem:s30], [sflag:$0x6], $0x80, s16, s26, $0xb8;
	[tilespmem:$0x1E000] =	vst v63  }
0x4be: {  	_ =	swait.ge [sflag:s23], $0x1900  }
0x4bf: {  	s17 =	sld [smem:$0x7E6]  }
0x4c0: {  	[sflag:s23] =	ssyncset.done $0x0  }
0x4c1: {  	[sflag:s23] =	ssyncadd.s32 $0xFFFFE700  }
0x4c2: {  	[tilespmem:s28], [sflag:$0x1] =	stream.indirect.gather [hbm4b:s5+s26], $0x80, s17, s26, $0xb8;
	[tilespmem:$0x1E000] =	vst v63  }
0x4c3: {  	_ =	swait.ge [sflag:s0], $0x1900  }
0x4c4: {  	s18 =	sld [smem:$0x7E8]  }
0x4c5: {  	[sflag:s0] =	ssyncset.done $0x0  }
0x4c6: {  	[sflag:s0] =	ssyncadd.s32 $0xFFFFE700  }
0x4c7: {  	[spmem:s2] =	stream.indirect.scatter.add.f32 [tilespmem:s1], [sflag:$0x7], $0x80, s18, s26, $0xb8;
	[tilespmem:$0x1E000] =	vst v63  }
0x4c8: {  	_ =	swait.ge [sflag:s7], $0x1900  }
0x4c9: {  	s19 =	sld [smem:$0x7E9]  }
0x4ca: {  	[sflag:s7] =	ssyncset.done $0x0  }
0x4cb: {  	[sflag:s7] =	ssyncadd.s32 $0xFFFFE700  }
0x4cc: {  	[tilespmem:s30], [sflag:$0x2] =	stream.indirect.gather [hbm4b:s5+s26], $0x80, s19, s26, $0xb8;
	[tilespmem:$0x1E000] =	vst v63  }
0x4cd: {  	_ =	swait.ge [sflag:s8], $0x1900  }
0x4ce: {  	s20 =	sld [smem:$0x7EA]  }
0x4cf: {  	[sflag:s8] =	ssyncset.done $0x0  }
0x4d0: {  	[sflag:s8] =	ssyncadd.s32 $0xFFFFE700  }
0x4d1: {  	[spmem:s2] =	stream.indirect.scatter.add.f32 [tilespmem:s29], [sflag:$0x8], $0x80, s20, s26, $0xb8;
	[tilespmem:$0x1E000] =	vst v63  }
0x4d2: {  	_ =	swait.ge [sflag:s9], $0x1900  }
0x4d3: {  	s21 =	sld [smem:$0x7EB]  }
0x4d4: {  	[sflag:s9] =	ssyncset.done $0x0  }
0x4d5: {  	[sflag:s9] =	ssyncadd.s32 $0xFFFFE700  }
0x4d6: {  	[tilespmem:s1], [sflag:$0x3] =	stream.indirect.gather [hbm4b:s5+s26], $0x80, s21, s26, $0xb8;
	[tilespmem:$0x1E000] =	vst v63  }
0x4d7: {  	_ =	swait.ge [sflag:s11], $0x1900  }
0x4d8: {  	s6 =	sld [smem:$0x7EC]  }
0x4d9: {  	[sflag:s11] =	ssyncset.done $0x0  }
0x4da: {  	[sflag:s11] =	ssyncadd.s32 $0xFFFFE700  }
0x4db: {  	[spmem:s2] =	stream.indirect.scatter.add.f32 [tilespmem:s28], [sflag:$0x5], $0x80, s6, s26, $0xb8;
	[tilespmem:$0x1E000] =	vst v63  }
0x4dc: {  	_ =	swait.ge [sflag:s12], $0x1900  }
0x4dd: {  	s10 =	sld [smem:$0x7ED]  }
0x4de: {  	[sflag:s12] =	ssyncset.done $0x0  }
0x4df: {  	[sflag:s12] =	ssyncadd.s32 $0xFFFFE700  }
0x4e0: {  	[tilespmem:s29], [sflag:$0x4] =	stream.indirect.gather [hbm4b:s5+s26], $0x80, s10, s26, $0xb8;
	[tilespmem:$0x1E000] =	vst v63  }
0x4e1: {  	_ =	swait.ge [sflag:s31], $0x1900  }
0x4e2: {  	s16 =	sld [smem:$0x7EF]  }
0x4e3: {  	[sflag:s31] =	ssyncset.done $0x0  }
0x4e4: {  	[sflag:s31] =	ssyncadd.s32 $0xFFFFE700  }
0x4e5: {  	[spmem:s2] =	stream.indirect.scatter.add.f32 [tilespmem:s30], [sflag:$0x6], $0x80, s16, s26, $0xb8;
	[tilespmem:$0x1E000] =	vst v63  }
0x4e6: {  	_ =	swait.ge [sflag:s23], $0x1900  }
0x4e7: {  	s17 =	sld [smem:$0x7F1]  }
0x4e8: {  	[sflag:s23] =	ssyncset.done $0x0  }
0x4e9: {  	[sflag:s23] =	ssyncadd.s32 $0xFFFFE700  }
0x4ea: {  	[tilespmem:s28], [sflag:$0x1] =	stream.indirect.gather [hbm4b:s5+s26], $0x80, s17, s26, $0xb8;
	[tilespmem:$0x1E000] =	vst v63  }
0x4eb: {  	_ =	swait.ge [sflag:s0], $0x1900  }
0x4ec: {  	s18 =	sld [smem:$0x7F2]  }
0x4ed: {  	[sflag:s0] =	ssyncset.done $0x0  }
0x4ee: {  	[sflag:s0] =	ssyncadd.s32 $0xFFFFE700  }
0x4ef: {  	[spmem:s2] =	stream.indirect.scatter.add.f32 [tilespmem:s1], [sflag:$0x7], $0x80, s18, s26, $0xb8;
	[tilespmem:$0x1E000] =	vst v63  }
0x4f0: {  	_ =	swait.ge [sflag:s7], $0x1900  }
0x4f1: {  	s19 =	sld [smem:$0x7F4]  }
0x4f2: {  	[sflag:s7] =	ssyncset.done $0x0  }
0x4f3: {  	[sflag:s7] =	ssyncadd.s32 $0xFFFFE700  }
0x4f4: {  	[tilespmem:s30], [sflag:$0x2] =	stream.indirect.gather [hbm4b:s5+s26], $0x80, s19, s26, $0xb8;
	[tilespmem:$0x1E000] =	vst v63  }
0x4f5: {  	_ =	swait.ge [sflag:s8], $0x1900  }
0x4f6: {  	s20 =	sld [smem:$0x7F5]  }
0x4f7: {  	[sflag:s8] =	ssyncset.done $0x0  }
0x4f8: {  	[sflag:s8] =	ssyncadd.s32 $0xFFFFE700  }
0x4f9: {  	[spmem:s2] =	stream.indirect.scatter.add.f32 [tilespmem:s29], [sflag:$0x8], $0x80, s20, s26, $0xb8;
	[tilespmem:$0x1E000] =	vst v63  }
0x4fa: {  	_ =	swait.ge [sflag:s9], $0x1900  }
0x4fb: {  	s21 =	sld [smem:$0x7F7]  }
0x4fc: {  	[sflag:s9] =	ssyncset.done $0x0  }
0x4fd: {  	[sflag:s9] =	ssyncadd.s32 $0xFFFFE700  }
0x4fe: {  	[tilespmem:s1], [sflag:$0x3] =	stream.indirect.gather [hbm4b:s5+s26], $0x80, s21, s26, $0xb8;
	[tilespmem:$0x1E000] =	vst v63  }
0x4ff: {  	_ =	swait.ge [sflag:s11], $0x1900  }
0x500: {  	s6 =	sld [smem:$0x7FA]  }
0x501: {  	[sflag:s11] =	ssyncset.done $0x0  }
0x502: {  	[sflag:s11] =	ssyncadd.s32 $0xFFFFE700  }
0x503: {  	[spmem:s2] =	stream.indirect.scatter.add.f32 [tilespmem:s28], [sflag:$0x5], $0x80, s6, s26, $0xb8;
	[tilespmem:$0x1E000] =	vst v63  }
0x504: {  	_ =	swait.ge [sflag:s12], $0x1900  }
0x505: {  	s10 =	sld [smem:$0x7FB]  }
0x506: {  	[sflag:s12] =	ssyncset.done $0x0  }
0x507: {  	s6 =	simm.s32 @!p3 $0x9;
	[sflag:s12] =	ssyncadd.s32 $0xFFFFE700  }
0x508: {  	[tilespmem:s29], [sflag:$0x4] =	stream.indirect.gather [hbm4b:s5+s26], $0x80, s10, s26, $0xb8;
	[tilespmem:$0x1E000] =	vst v63  }
0x509: {  	_ =	swait.ge @!p3 [sflag:s6], $0xA00  }
0x50a: {  	[sflag:s6] =	ssyncset.done @!p3 $0x0  }
0x50b: {  	[sflag:s6] =	ssyncadd.s32 @!p3 $0xFFFFF600  }
0x50c: {  	_ =	swait.ge @!p3 [sflag:s6], $0xA00  }
0x50d: {  	[sflag:s6] =	ssyncset.done @!p3 $0x0  }
0x50e: {  	[sflag:s6] =	ssyncadd.s32 @!p3 $0xFFFFF600  }
0x50f: {  	_ =	swait.ge [sflag:s31], $0x1900  }
0x510: {  	s16 =	sld [smem:$0x7FC]  }
0x511: {  	p3 =	sgt.u32 s15, $0x8;
	[sflag:s31] =	ssyncset.done $0x0  }
0x512: {  	s6 =	simm.s32 @p3 $0x3;
	[sflag:s31] =	ssyncadd.s32 $0xFFFFE700  }
0x513: {  	[spmem:s2] =	stream.indirect.scatter.add.f32 [tilespmem:s30], [sflag:$0x6], $0x80, s16, s26, $0xb8;
	[tilespmem:$0x1E000] =	vst v63  }
0x514: {  	_ =	swait.ge @p3 [sflag:s6], $0x1900  }
0x515: {  	s3 =	simm.s32 @p3 $0x6800;
	s10 =	simm.s32 @p3 $0x32;
	[sflag:s6] =	ssyncset.done @p3 $0x0  }
0x516: {  	s15 =	simm.s32 @p3 $0x2D00;
	[sflag:s6] =	ssyncadd.s32 @p3 $0xFFFFE700;
	s6 =	simm.s32 @!p3 $0x5  }
0x517: {  	[spmem:s2] =	stream.indirect.scatter.add.f32 @p3 [tilespmem:s3], [sflag:$0x7], $0x80, s15, s10, $0xb8;
	[tilespmem:$0x1E000] =	vst v63  }
0x518: {  	_ =	swait.ge @!p3 [sflag:s6], $0x1900  }
0x519: {  	s3 =	simm.s32 @!p3 $0x3000;
	s10 =	simm.s32 @!p3 $0x32;
	[sflag:s6] =	ssyncset.done @!p3 $0x0  }
0x51a: {  	s15 =	simm.s32 @!p3 $0x0;
	[sflag:s6] =	ssyncadd.s32 @!p3 $0xFFFFE700;
	s6 =	simm.s32 @!p3 $0x3  }
0x51b: {  	[tilespmem:s3], [sflag:$0x1] =	stream.indirect.gather @!p3 [hbm4b:s5+s10], $0x80, s15, s10, $0xb8;
	[tilespmem:$0x1E000] =	vst v63  }
0x51c: {  	_ =	swait.ge @!p3 [sflag:s6], $0x1900  }
0x51d: {  	s3 =	simm.s32 @!p3 $0x2D00;
	[sflag:s6] =	ssyncset.done @!p3 $0x0  }
0x51e: {  	s15 =	simm.s32 @!p3 $0x6800;
	[sflag:s6] =	ssyncadd.s32 @!p3 $0xFFFFE700;
	s6 =	simm.s32 @!p3 $0x6  }
0x51f: {  	[spmem:s2] =	stream.indirect.scatter.add.f32 @!p3 [tilespmem:s15], [sflag:$0x7], $0x80, s3, s10, $0xb8;
	[tilespmem:$0x1E000] =	vst v63  }
0x520: {  	_ =	swait.ge @!p3 [sflag:s6], $0x1900  }
0x521: {  	[sflag:s6] =	ssyncset.done @!p3 $0x0  }
0x522: {  	s3 =	simm.s32 @!p3 $0x80;
	[sflag:s6] =	ssyncadd.s32 @!p3 $0xFFFFE700;
	s6 =	simm.s32 @!p3 $0x4C00  }
0x523: {  	[tilespmem:s6], [sflag:$0x2] =	stream.indirect.gather @!p3 [hbm4b:s5+s10], $0x80, s3, s10, $0xb8;
	[tilespmem:$0x1E000] =	vst v63  }
0x524: {  	_ =	swait.ge [sflag:s8], $0x1900  }
0x525: {  	s17 =	sld [smem:$0x7FD]  }
0x526: {  	[sflag:s8] =	ssyncset.done $0x0  }
0x527: {  	s3 =	simm.s32 @!p3 $0x7;
	[sflag:s8] =	ssyncadd.s32 $0xFFFFE700  }
0x528: {  	[spmem:s2] =	stream.indirect.scatter.add.f32 [tilespmem:s29], [sflag:$0x8], $0x80, s17, s26, $0xb8;
	[tilespmem:$0x1E000] =	vst v63  }
0x529: {  	_ =	swait.ge @!p3 [sflag:s3], $0x1900  }
0x52a: {  	[sflag:s3] =	ssyncset.done @!p3 $0x0  }
0x52b: {  	[sflag:s3] =	ssyncadd.s32 @!p3 $0xFFFFE700;
	s3 =	simm.s32 @!p3 $0x100  }
0x52c: {  	[tilespmem:s15], [sflag:$0x3] =	stream.indirect.gather @!p3 [hbm4b:s5+s10], $0x80, s3, s10, $0xb8;
	[tilespmem:$0x1E000] =	vst v63  }
0x52d: {  	_ =	swait.ge [sflag:s23], $0x1900  }
0x52e: {  	[sflag:s23] =	ssyncset.done $0x0  }
0x52f: {  	[sflag:s23] =	ssyncadd.s32 $0xFFFFE700  }
0x530: {  	_ =	swait.ge [sflag:s7], $0x1900  }
0x531: {  	[sflag:s7] =	ssyncset.done $0x0  }
0x532: {  	[sflag:s7] =	ssyncadd.s32 $0xFFFFE700  }
0x533: {  	_ =	swait.ge [sflag:s9], $0x1900  }
0x534: {  	[sflag:s9] =	ssyncset.done $0x0  }
0x535: {  	[sflag:s9] =	ssyncadd.s32 $0xFFFFE700  }
0x536: {  	_ =	swait.ge [sflag:s12], $0x1900  }
0x537: {  	[sflag:s12] =	ssyncset.done $0x0  }
0x538: {  	[sflag:s12] =	ssyncadd.s32 $0xFFFFE700  }
0x539: {  	[bflag:$0x0] =	sbarrier.arrive $0xFFFF  }
0x53a: {  	s19 =	sld [smem:$0x7F8]  }
0x53b: {  	s18 =	stileid.u32;
	s20 =	sld [smem:$0x7E3]  }
0x53c: {  	s3 =	sshll.u32 s18, $0x6  }
0x53d: {  	s3 =	sor.u32 $0x1C0A, s3;
	s6 =	sshrl.u32 s19, $0x3  }
0x53e: {  	[hbm:s20], [sflag:s3] =	dma.local [spmem:s6], $0x2800  }
0x53f: {  	_ =	swait.ge [sflag:s22], $0x2800  }
0x540: {  	s21 =	sld [smem:$0x7E5];
	_ =	sdelay $0x1  }
0x541: {  	s14 =	sadd.s32 $0x1, s14  }
0x542: {  	p3 =	sne.s32 s14, s21  }
.Ltmp1:
0x543: {  	_ = 	snop;
	(pc) =	sbr.rel @p3 .LBB2_1-.Ltmp1, $3  }
0x544: {  	_ =	sdelay $0x1  }
0x545: {  	[sflag:s22] =	ssyncset.done $0x0  }
0x546: {  	[sflag:s22] =	ssyncadd.s32 $0xFFFFD800  }
0x547: {  	_ =	sfence.sel $0x180000  }
0x548: {  	[bflag:$0x0] =	sbarrier.arrive $0xFFFF  }
0x549: {  	_ =	strace $0x9000004A  }
0x54a: {  	s0 =	stileid.u32;
	[bflag:$0x2] =	sbarrier.arrive $0xFFFF  }
0x54b: {  	p0 =	sne.s32 s0, $0x0;
	s0 =	rddreg [dreg:$0x2]  }
0x54c: {  	s0 =	sadd.s32 @!p0 $0x100000, s0  }
0x54d: {  	[sflag:s0] =	ssyncadd.tile.s32 @!p0 $0x1;
	_ =	shalt  }
.Lfunc_end2:
_tile_overlayer_lowered:
.L_overlay_start_2:
0x54e: {  	(tag) =	ssettag $0x2  }
0x54f: {  	s0 =	rddreg [dreg:$0x0];
	s2 =	stileid.u32  }
0x550: {  	s1 =	rddreg [dreg:$0x1];
	p0 =	sne.s32 s2, $0x0  }
0x551: {  	s3 =	rddreg [dreg:$0x2];
	[bflag:$0x3] =	sbarrier.arrive $0xFFFF;
	s2 =	simm.s32 @!p0 $0x1C0A  }
0x552: {  	[timem:s3], [sflag:s2] =	dma.local @!p0 [hbm:s0], s1  }
0x553: {  	s0 =	simm.s32 @!p0 $0xA  }
0x554: {  	_ =	swait.ge @!p0 [sflag:s0], s1  }
0x555: {  	s1 =	ssub.s32 @!p0 $0x0, s1;
	[sflag:s0] =	ssyncset.done @!p0 $0x0  }
0x556: {  	[sflag:s0] =	ssyncadd.s32 @!p0 s1  }
0x557: {  	[bflag:$0x3] =	sbarrier.arrive $0xFFFF  }
0x558: {  	_ =	shalt  }

</sc_bundles>
